<compile_context>
chip_gen: v7x
topology: tpu7x:2x2x1
jax: 0.10.2.dev20260603
libtpu: 0.0.44.dev20260713+nightly
codegen_flags: <defaults>
</compile_context>

<pallas_src>
import functools

import jax
import jax.numpy as jnp
from jax import lax
from jax.experimental import pallas as pl
from jax.experimental.pallas import tpu as pltpu
from jax.experimental.pallas import tpu_sc as plsc

N_NODES = 10000
D = 256
HALF = 128
N_GRAPHS = 128
N_CLASSES = 64
E_PAD = 163840
PHASES = 2
CHUNKS = 40
CHUNK = 128
JUNK_ROW = N_NODES
SH_ROWS = 10240
ROW_BLK = 1000
GRID = N_NODES // ROW_BLK


def _sc_agg_body(h_hbm, src_hbm, dst_hbm, out_hbm,
                 src_v, dst_v, buf0, buf1, shared, sem0, sem1):
    c = lax.axis_index("c")
    s = lax.axis_index("s")

    zero16 = jnp.zeros((16,), jnp.float32)

    def _zrow(i, carry):
        for k in range(8):
            buf0[i, pl.ds(k * 16, 16)] = zero16
        return carry

    lax.fori_loop(0, CHUNK, _zrow, 0)
    for k in range(SH_ROWS // 16 // CHUNK):
        pltpu.sync_copy(buf0, shared.at[pl.ds(s * (SH_ROWS // 16) + k * CHUNK, CHUNK)])
    plsc.subcore_barrier()

    hplane = h_hbm.at[c]

    def _gather(j, buf, sem):
        pltpu.async_copy(hplane.at[src_v.at[j, pl.ds(0, 64)]],
                         buf.at[pl.ds(0, 64)], sem)
        pltpu.async_copy(hplane.at[src_v.at[j, pl.ds(64, 64)]],
                         buf.at[pl.ds(64, 64)], sem)

    def _gwait(buf, sem):
        pltpu.make_async_copy(hplane.at[src_v.at[0]], buf, sem).wait()

    def _scatter(j, buf):
        pltpu.sync_copy(buf, shared.at[dst_v.at[j]], add=True)

    for p in range(PHASES):
        pltpu.sync_copy(src_hbm.at[s, p], src_v)
        pltpu.sync_copy(dst_hbm.at[s, p], dst_v)
        _gather(0, buf0, sem0)

        def _pair(t, carry):
            c0 = 2 * t
            _gather(c0 + 1, buf1, sem1)
            _gwait(buf0, sem0)
            _scatter(c0, buf0)

            @pl.when(t < CHUNKS // 2 - 1)
            def _():
                _gather(c0 + 2, buf0, sem0)

            _gwait(buf1, sem1)
            _scatter(c0 + 1, buf1)
            return carry

        lax.fori_loop(0, CHUNKS // 2, _pair, 0)
    plsc.subcore_barrier()

    rows = 624
    pltpu.sync_copy(shared.at[pl.ds(s * rows, rows)],
                    out_hbm.at[c].at[pl.ds(s * rows, rows)])

    @pl.when(s == 15)
    def _():
        pltpu.sync_copy(shared.at[pl.ds(16 * rows, N_NODES - 16 * rows)],
                        out_hbm.at[c].at[pl.ds(16 * rows, N_NODES - 16 * rows)])


def _sc_aggregate(h_split, src_p, dst_p):
    mesh = plsc.VectorSubcoreMesh(core_axis_name="c", subcore_axis_name="s")
    k = functools.partial(
        pl.kernel,
        mesh=mesh,
        out_type=jax.ShapeDtypeStruct((2, N_NODES, HALF), jnp.float32),
        scratch_types=[
            pltpu.VMEM((CHUNKS, CHUNK), jnp.int32),
            pltpu.VMEM((CHUNKS, CHUNK), jnp.int32),
            pltpu.VMEM((CHUNK, HALF), jnp.float32),
            pltpu.VMEM((CHUNK, HALF), jnp.float32),
            pltpu.VMEM_SHARED((SH_ROWS, HALF), jnp.float32),
            pltpu.SemaphoreType.DMA,
            pltpu.SemaphoreType.DMA,
        ],
    )(_sc_agg_body)
    return k(h_split, src_p, dst_p)


def _tc_mlp_body(h_ref, agg_ref, wa_ref, ba_ref, wb_ref, bb_ref, eps_ref,
                 z_ref, sums_ref, acc):
    j = pl.program_id(0)

    @pl.when(j == 0)
    def _():
        acc[...] = jnp.zeros_like(acc)

    e = 1.0 + eps_ref[0, 0]
    m0 = e * h_ref[0] + agg_ref[0]
    m1 = e * h_ref[1] + agg_ref[1]
    z1 = jnp.dot(m0, wa_ref[0:HALF, :], preferred_element_type=jnp.float32)
    z1 = z1 + jnp.dot(m1, wa_ref[HALF:D, :], preferred_element_type=jnp.float32)
    z1 = jnp.maximum(z1 + ba_ref[...], 0.0)
    z2 = jnp.dot(z1, wb_ref[...], preferred_element_type=jnp.float32)
    z2 = jnp.maximum(z2 + bb_ref[...], 0.0)
    z_ref[...] = z2
    acc[0:1, :] += jnp.sum(z2, axis=0, keepdims=True)
    acc[1:2, :] += jnp.sum(z2 * z2, axis=0, keepdims=True)

    @pl.when(j == GRID - 1)
    def _():
        sums_ref[...] = acc[...]


def _tc_mlp(h_split, agg, wa, ba2, wb, bb2, eps2):
    return pl.pallas_call(
        _tc_mlp_body,
        grid=(GRID,),
        in_specs=[
            pl.BlockSpec((2, ROW_BLK, HALF), lambda j: (0, j, 0)),
            pl.BlockSpec((2, ROW_BLK, HALF), lambda j: (0, j, 0)),
            pl.BlockSpec((D, D), lambda j: (0, 0)),
            pl.BlockSpec((1, D), lambda j: (0, 0)),
            pl.BlockSpec((D, D), lambda j: (0, 0)),
            pl.BlockSpec((1, D), lambda j: (0, 0)),
            pl.BlockSpec((1, 1), lambda j: (0, 0)),
        ],
        out_specs=[
            pl.BlockSpec((ROW_BLK, D), lambda j: (j, 0)),
            pl.BlockSpec((2, D), lambda j: (0, 0)),
        ],
        out_shape=[
            jax.ShapeDtypeStruct((N_NODES, D), jnp.float32),
            jax.ShapeDtypeStruct((2, D), jnp.float32),
        ],
        scratch_shapes=[pltpu.VMEM((2, D), jnp.float32)],
    )(h_split, agg, wa, ba2, wb, bb2, eps2)


def _tc_bn_body(z_ref, sums_ref, g_ref, b_ref, out_ref):
    inv_n = 1.0 / N_NODES
    mu = sums_ref[0:1, :] * inv_n
    var = sums_ref[1:2, :] * inv_n - mu * mu
    scale = lax.rsqrt(var + 1e-5) * g_ref[...]
    hn = (z_ref[...] - mu) * scale + b_ref[...]
    out_ref[0] = hn[:, 0:HALF]
    out_ref[1] = hn[:, HALF:D]


def _tc_bn(z, sums, g2, b2):
    return pl.pallas_call(
        _tc_bn_body,
        grid=(GRID,),
        in_specs=[
            pl.BlockSpec((ROW_BLK, D), lambda j: (j, 0)),
            pl.BlockSpec((2, D), lambda j: (0, 0)),
            pl.BlockSpec((1, D), lambda j: (0, 0)),
            pl.BlockSpec((1, D), lambda j: (0, 0)),
        ],
        out_specs=pl.BlockSpec((2, ROW_BLK, HALF), lambda j: (0, j, 0)),
        out_shape=jax.ShapeDtypeStruct((2, N_NODES, HALF), jnp.float32),
    )(z, sums, g2, b2)


def _tc_head_body(z_ref, sums_ref, g_ref, b_ref, batch_ref,
                  w1_ref, b1_ref, w2_ref, b2_ref, out_ref, pacc, cacc):
    j = pl.program_id(0)

    @pl.when(j == 0)
    def _():
        pacc[...] = jnp.zeros_like(pacc)
        cacc[...] = jnp.zeros_like(cacc)

    inv_n = 1.0 / N_NODES
    mu = sums_ref[0:1, :] * inv_n
    var = sums_ref[1:2, :] * inv_n - mu * mu
    scale = lax.rsqrt(var + 1e-5) * g_ref[...]
    hn = (z_ref[...] - mu) * scale + b_ref[...]

    g = batch_ref[0, 0, :]
    oh = (g[:, None] == lax.broadcasted_iota(jnp.int32, (ROW_BLK, N_GRAPHS), 1))
    ohf = oh.astype(jnp.float32)
    dn = (((0,), (0,)), ((), ()))
    pacc[...] += lax.dot_general(ohf, hn, dn, preferred_element_type=jnp.float32)
    cacc[...] += lax.dot_general(ohf, jnp.ones((ROW_BLK, 8), jnp.float32), dn,
                                 preferred_element_type=jnp.float32)

    @pl.when(j == GRID - 1)
    def _():
        cnt = jnp.maximum(cacc[:, 0:1], 1.0)
        pooled = pacc[...] / cnt
        h1 = jnp.dot(pooled, w1_ref[...], preferred_element_type=jnp.float32)
        h1 = jnp.maximum(h1 + b1_ref[...], 0.0)
        logits = jnp.dot(h1, w2_ref[...], preferred_element_type=jnp.float32)
        logits = logits + b2_ref[...]
        mx = jnp.max(logits, axis=1, keepdims=True)
        lse = jnp.log(jnp.sum(jnp.exp(logits - mx), axis=1, keepdims=True)) + mx
        out_ref[...] = logits - lse


def _tc_head(z, sums, g2, b2, batch3, w1, b12, w2, b22):
    return pl.pallas_call(
        _tc_head_body,
        grid=(GRID,),
        in_specs=[
            pl.BlockSpec((ROW_BLK, D), lambda j: (j, 0)),
            pl.BlockSpec((2, D), lambda j: (0, 0)),
            pl.BlockSpec((1, D), lambda j: (0, 0)),
            pl.BlockSpec((1, D), lambda j: (0, 0)),
            pl.BlockSpec((1, 1, ROW_BLK), lambda j: (j, 0, 0)),
            pl.BlockSpec((D, D), lambda j: (0, 0)),
            pl.BlockSpec((1, D), lambda j: (0, 0)),
            pl.BlockSpec((D, N_CLASSES), lambda j: (0, 0)),
            pl.BlockSpec((1, N_CLASSES), lambda j: (0, 0)),
        ],
        out_specs=pl.BlockSpec((N_GRAPHS, N_CLASSES), lambda j: (0, 0)),
        out_shape=jax.ShapeDtypeStruct((N_GRAPHS, N_CLASSES), jnp.float32),
        scratch_shapes=[
            pltpu.VMEM((N_GRAPHS, D), jnp.float32),
            pltpu.VMEM((N_GRAPHS, 8), jnp.float32),
        ],
    )(z, sums, g2, b2, batch3, w1, b12, w2, b22)


def kernel(x, edge_index, batch, Wa, ba, Wb, bb, gamma, beta, eps, W1, b1, W2, b2):
    h = x.reshape(N_NODES, 2, HALF).transpose(1, 0, 2)
    src = edge_index[0].astype(jnp.int32)
    dst = edge_index[1].astype(jnp.int32)
    pad = E_PAD - src.shape[0]
    src_p = jnp.concatenate([src, jnp.zeros((pad,), jnp.int32)])
    dst_p = jnp.concatenate([dst, jnp.full((pad,), JUNK_ROW, jnp.int32)])
    src_p = src_p.reshape(16, PHASES, CHUNKS, CHUNK)
    dst_p = dst_p.reshape(16, PHASES, CHUNKS, CHUNK)
    batch3 = batch.astype(jnp.int32).reshape(GRID, 1, ROW_BLK)
    ba2 = ba.reshape(-1, 1, D)
    bb2 = bb.reshape(-1, 1, D)
    g2 = gamma.reshape(-1, 1, D)
    be2 = beta.reshape(-1, 1, D)
    eps2 = eps.reshape(-1, 1, 1).astype(jnp.float32)
    b12 = b1.reshape(1, D)
    b22 = b2.reshape(1, N_CLASSES)

    out = None
    n_layers = Wa.shape[0]
    for l in range(n_layers):
        agg = _sc_aggregate(h, src_p, dst_p)
        z, sums = _tc_mlp(h, agg, Wa[l], ba2[l], Wb[l], bb2[l], eps2[l])
        if l < n_layers - 1:
            h = _tc_bn(z, sums, g2[l], be2[l])
        else:
            out = _tc_head(z, sums, g2[l], be2[l], batch3, W1, b12, W2, b22)
    return out

# --- scband reference (transcript-rebuilt; emitter-appended) ---
"""Pipeline reference for scband-gin-57836029607997 (READ-ONLY COPY).

The authoritative reference and input builder live on the scoring server;
editing this copy changes nothing except your own understanding.
"""

import jax, jax.numpy as jnp
import numpy as np

N_NODES = 10000
N_EDGES = 160000
D_FEAT = 256
HIDDEN = 256
N_CLASSES = 64
N_GRAPHS = 128
N_LAYERS = 3


def setup_inputs(seed: int = 0) -> dict:
    key = jax.random.key(seed)
    ks = jax.random.split(key, 16)
    x = jax.random.normal(ks[0], (N_NODES, D_FEAT), dtype=jnp.float32)
    edge_index = jax.random.randint(ks[1], (2, N_EDGES), 0, N_NODES, dtype=jnp.int64 if jax.config.jax_enable_x64 else jnp.int32).astype(jnp.int32)
    batch = jnp.sort(jax.random.randint(ks[2], (N_NODES,), 0, N_GRAPHS)).astype(jnp.int32)
    s = 1.0 / np.sqrt(HIDDEN)
    Wa = jax.random.uniform(ks[3], (N_LAYERS, HIDDEN, HIDDEN), minval=-s, maxval=s, dtype=jnp.float32)
    ba = jax.random.uniform(ks[4], (N_LAYERS, HIDDEN), minval=-s, maxval=s, dtype=jnp.float32)
    Wb = jax.random.uniform(ks[5], (N_LAYERS, HIDDEN, HIDDEN), minval=-s, maxval=s, dtype=jnp.float32)
    bb = jax.random.uniform(ks[6], (N_LAYERS, HIDDEN), minval=-s, maxval=s, dtype=jnp.float32)
    gamma = jnp.ones((N_LAYERS, HIDDEN), dtype=jnp.float32)
    beta = jnp.zeros((N_LAYERS, HIDDEN), dtype=jnp.float32)
    eps = jnp.zeros((N_LAYERS,), dtype=jnp.float32)
    W1 = jax.random.uniform(ks[7], (HIDDEN, HIDDEN), minval=-s, maxval=s, dtype=jnp.float32)
    b1 = jax.random.uniform(ks[8], (HIDDEN,), minval=-s, maxval=s, dtype=jnp.float32)
    W2 = jax.random.uniform(ks[9], (HIDDEN, N_CLASSES), minval=-s, maxval=s, dtype=jnp.float32)
    b2 = jax.random.uniform(ks[10], (N_CLASSES,), minval=-s, maxval=s, dtype=jnp.float32)
    return {"x": x, "edge_index": edge_index, "batch": batch, "Wa": Wa, "ba": ba, "Wb": Wb, "bb": bb, "gamma": gamma, "beta": beta, "eps": eps, "W1": W1, "b1": b1, "W2": W2, "b2": b2}


def _gin_conv(x, edge_index, Wa, ba, Wb, bb, gamma, beta, eps):
    src = edge_index[0]
    dst = edge_index[1]
    # sum aggregation of neighbor messages (GINConv, quantizers act as identity at full precision)
    agg = jax.ops.segment_sum(x[src], dst, num_segments=x.shape[0])
    h = (1.0 + eps) * x + agg
    # ResettableSequential: Linear -> ReLU -> Linear -> ReLU -> BatchNorm1d (training stats)
    h = jax.nn.relu(h @ Wa + ba)
    h = jax.nn.relu(h @ Wb + bb)
    mu = jnp.mean(h, axis=0)
    var = jnp.var(h, axis=0)
    h = (h - mu) / jnp.sqrt(var + 1e-5) * gamma + beta
    return h


def reference(x, edge_index, batch, Wa, ba, Wb, bb, gamma, beta, eps, W1, b1, W2, b2):
    h = x
    for l in range(N_LAYERS):
        h = _gin_conv(h, edge_index, Wa[l], ba[l], Wb[l], bb[l], gamma[l], beta[l], eps[l])
    # global_mean_pool over batch assignment
    sums = jax.ops.segment_sum(h, batch, num_segments=N_GRAPHS)
    counts = jax.ops.segment_sum(jnp.ones((h.shape[0],), dtype=h.dtype), batch, num_segments=N_GRAPHS)
    pooled = sums / jnp.clip(counts, 1.0, None)[:, None]
    h = jax.nn.relu(pooled @ W1 + b1)
    # dropout is identity in eval / deterministic mode
    logits = h @ W2 + b2
    return jax.nn.log_softmax(logits, axis=-1)

if __name__ == "__main__":
    import jax
    _d = setup_inputs()
    print(jax.jit(kernel)(*tuple(_d.values())))

</pallas_src>

<mosaic_0001>
#map = affine_map<(d0, d1) -> (0, 0, 0)>
#map1 = affine_map<(d0, d1) -> (0, 0, 0, 0)>
module attributes {stable_mosaic.version = 14 : i64} {
  func.func @_sc_agg_body(%arg0: i32, %arg1: i32, %arg2: memref<2x10000x128xf32, #tpu.memory_space<hbm>>, %arg3: memref<16x2x40x128xi32, #tpu.memory_space<hbm>>, %arg4: memref<16x2x40x128xi32, #tpu.memory_space<hbm>>, %arg5: memref<2x10000x128xf32, #tpu.memory_space<hbm>>, %arg6: memref<40x128xi32, #tpu.memory_space<vmem>>, %arg7: memref<40x128xi32, #tpu.memory_space<vmem>>, %arg8: memref<128x128xf32, #tpu.memory_space<vmem>>, %arg9: memref<128x128xf32, #tpu.memory_space<vmem>>, %arg10: memref<10240x128xf32, #tpu.memory_space<vmem_shared>>, %arg11: memref<!tpu.dma_semaphore, #tpu.memory_space<semaphore_mem>>, %arg12: memref<!tpu.dma_semaphore, #tpu.memory_space<semaphore_mem>>) attributes {dimension_semantics = [#tpu.dimension_semantics<core_parallel>, #tpu.dimension_semantics<subcore_parallel>], iteration_bounds = array<i64: 2, 16>, scalar_prefetch = 0 : i64, scratch_operands = 7 : i64, tpu.core_type = #tpu.core_type<sc_vector_subcore>, window_params = [{transform_indices = #map}, {transform_indices = #map1}, {transform_indices = #map1}, {transform_indices = #map}]} {
    %broadcast_in_dim3A = arith.constant 0.000000e+00 : f32
    %broadcast_in_dim3A_0 = vector.broadcast %broadcast_in_dim3A : f32 to vector<16xf32>
    %scan3A = arith.constant 0 : i32
    %scan3A_1 = arith.constant 0 : i32
    %scan3A_2 = arith.constant 128 : i32
    %scan3A_3 = arith.addi %scan3A_1, %scan3A_2 : i32
    %scan3A_4 = arith.constant 1 : i32
    scf.for %scan3A_101 = %scan3A_1 to %scan3A_3 step %scan3A_4  : i32 {
      %swap3A = arith.index_cast %scan3A_101 : i32 to index
      %swap3A_102 = arith.constant 0 : index
      %swap3A_103 = tpu.vector_load %arg8[%swap3A, %swap3A_102] {strides = array<i32>} : memref<128x128xf32, #tpu.memory_space<vmem>>, vector<1x16xf32>,
      %swap3A_104 = vector.shape_cast %swap3A_103 : vector<1x16xf32> to vector<16xf32>
      %swap3A_105 = vector.shape_cast %broadcast_in_dim3A_0 : vector<16xf32> to vector<1x16xf32>
      tpu.vector_store %arg8[%swap3A, %swap3A_102], %swap3A_105 {strides = array<i32>} : memref<128x128xf32, #tpu.memory_space<vmem>>, vector<1x16xf32>,
      %swap3A_106 = arith.index_cast %scan3A_101 : i32 to index
      %swap3A_107 = arith.constant 16 : index
      %swap3A_108 = tpu.vector_load %arg8[%swap3A_106, %swap3A_107] {strides = array<i32>} : memref<128x128xf32, #tpu.memory_space<vmem>>, vector<1x16xf32>,
      %swap3A_109 = vector.shape_cast %swap3A_108 : vector<1x16xf32> to vector<16xf32>
      %swap3A_110 = vector.shape_cast %broadcast_in_dim3A_0 : vector<16xf32> to vector<1x16xf32>
      tpu.vector_store %arg8[%swap3A_106, %swap3A_107], %swap3A_110 {strides = array<i32>} : memref<128x128xf32, #tpu.memory_space<vmem>>, vector<1x16xf32>,
      %swap3A_111 = arith.index_cast %scan3A_101 : i32 to index
      %swap3A_112 = arith.constant 32 : index
      %swap3A_113 = tpu.vector_load %arg8[%swap3A_111, %swap3A_112] {strides = array<i32>} : memref<128x128xf32, #tpu.memory_space<vmem>>, vector<1x16xf32>,
      %swap3A_114 = vector.shape_cast %swap3A_113 : vector<1x16xf32> to vector<16xf32>
      %swap3A_115 = vector.shape_cast %broadcast_in_dim3A_0 : vector<16xf32> to vector<1x16xf32>
      tpu.vector_store %arg8[%swap3A_111, %swap3A_112], %swap3A_115 {strides = array<i32>} : memref<128x128xf32, #tpu.memory_space<vmem>>, vector<1x16xf32>,
      %swap3A_116 = arith.index_cast %scan3A_101 : i32 to index
      %swap3A_117 = arith.constant 48 : index
      %swap3A_118 = tpu.vector_load %arg8[%swap3A_116, %swap3A_117] {strides = array<i32>} : memref<128x128xf32, #tpu.memory_space<vmem>>, vector<1x16xf32>,
      %swap3A_119 = vector.shape_cast %swap3A_118 : vector<1x16xf32> to vector<16xf32>
      %swap3A_120 = vector.shape_cast %broadcast_in_dim3A_0 : vector<16xf32> to vector<1x16xf32>
      tpu.vector_store %arg8[%swap3A_116, %swap3A_117], %swap3A_120 {strides = array<i32>} : memref<128x128xf32, #tpu.memory_space<vmem>>, vector<1x16xf32>,
      %swap3A_121 = arith.index_cast %scan3A_101 : i32 to index
      %swap3A_122 = arith.constant 64 : index
      %swap3A_123 = tpu.vector_load %arg8[%swap3A_121, %swap3A_122] {strides = array<i32>} : memref<128x128xf32, #tpu.memory_space<vmem>>, vector<1x16xf32>,
      %swap3A_124 = vector.shape_cast %swap3A_123 : vector<1x16xf32> to vector<16xf32>
      %swap3A_125 = vector.shape_cast %broadcast_in_dim3A_0 : vector<16xf32> to vector<1x16xf32>
      tpu.vector_store %arg8[%swap3A_121, %swap3A_122], %swap3A_125 {strides = array<i32>} : memref<128x128xf32, #tpu.memory_space<vmem>>, vector<1x16xf32>,
      %swap3A_126 = arith.index_cast %scan3A_101 : i32 to index
      %swap3A_127 = arith.constant 80 : index
      %swap3A_128 = tpu.vector_load %arg8[%swap3A_126, %swap3A_127] {strides = array<i32>} : memref<128x128xf32, #tpu.memory_space<vmem>>, vector<1x16xf32>,
      %swap3A_129 = vector.shape_cast %swap3A_128 : vector<1x16xf32> to vector<16xf32>
      %swap3A_130 = vector.shape_cast %broadcast_in_dim3A_0 : vector<16xf32> to vector<1x16xf32>
      tpu.vector_store %arg8[%swap3A_126, %swap3A_127], %swap3A_130 {strides = array<i32>} : memref<128x128xf32, #tpu.memory_space<vmem>>, vector<1x16xf32>,
      %swap3A_131 = arith.index_cast %scan3A_101 : i32 to index
      %swap3A_132 = arith.constant 96 : index
      %swap3A_133 = tpu.vector_load %arg8[%swap3A_131, %swap3A_132] {strides = array<i32>} : memref<128x128xf32, #tpu.memory_space<vmem>>, vector<1x16xf32>,
      %swap3A_134 = vector.shape_cast %swap3A_133 : vector<1x16xf32> to vector<16xf32>
      %swap3A_135 = vector.shape_cast %broadcast_in_dim3A_0 : vector<16xf32> to vector<1x16xf32>
      tpu.vector_store %arg8[%swap3A_131, %swap3A_132], %swap3A_135 {strides = array<i32>} : memref<128x128xf32, #tpu.memory_space<vmem>>, vector<1x16xf32>,
      %swap3A_136 = arith.index_cast %scan3A_101 : i32 to index
      %swap3A_137 = arith.constant 112 : index
      %swap3A_138 = tpu.vector_load %arg8[%swap3A_136, %swap3A_137] {strides = array<i32>} : memref<128x128xf32, #tpu.memory_space<vmem>>, vector<1x16xf32>,
      %swap3A_139 = vector.shape_cast %swap3A_138 : vector<1x16xf32> to vector<16xf32>
      %swap3A_140 = vector.shape_cast %broadcast_in_dim3A_0 : vector<16xf32> to vector<1x16xf32>
      tpu.vector_store %arg8[%swap3A_136, %swap3A_137], %swap3A_140 {strides = array<i32>} : memref<128x128xf32, #tpu.memory_space<vmem>>, vector<1x16xf32>,
    }
    %scan3A_5 = arith.constant 128 : i32
    %mul3A = arith.constant 640 : i32
    %mul3A_6 = arith.muli %arg1, %mul3A : i32
    %add3A = arith.constant 0 : i32
    %add3A_7 = arith.addi %mul3A_6, %add3A : i32
    "tpu.region"() ({
      %run_scoped3A_101 = tpu.sem_alloc : memref<!tpu.dma_semaphore, #tpu.memory_space<semaphore_mem>>
      %dma_start3A_102 = arith.constant 0 : i32
      %dma_start3A_103 = tpu.memref_slice %arg10[%add3A_7, %dma_start3A_102] : memref<10240x128xf32, #tpu.memory_space<vmem_shared>> -> memref<128x128xf32, #tpu.memory_space<vmem_shared>>
      %dma_start3A_104 = arith.constant 0 : i32
      %dma_start3A_105 = tpu.memref_slice %arg10[%add3A_7, %dma_start3A_104] : memref<10240x128xf32, #tpu.memory_space<vmem_shared>> -> memref<128x128xf32, #tpu.memory_space<vmem_shared>>
      tpu.enqueue_dma source(%arg8 : memref<128x128xf32, #tpu.memory_space<vmem>>) target(%dma_start3A_105 : memref<128x128xf32, #tpu.memory_space<vmem_shared>>) target_semaphore(%run_scoped3A_101 : memref<!tpu.dma_semaphore, #tpu.memory_space<semaphore_mem>>)
      %dma_wait3A = arith.constant 0 : i32
      %dma_wait3A_106 = tpu.memref_slice %arg10[%add3A_7, %dma_wait3A] : memref<10240x128xf32, #tpu.memory_space<vmem_shared>> -> memref<128x128xf32, #tpu.memory_space<vmem_shared>>
      %dma_wait3A_107 = arith.constant 0 : i32
      %dma_wait3A_108 = tpu.memref_slice %arg10[%add3A_7, %dma_wait3A_107] : memref<10240x128xf32, #tpu.memory_space<vmem_shared>> -> memref<128x128xf32, #tpu.memory_space<vmem_shared>>
      tpu.wait_dma2 semaphore(%run_scoped3A_101 : memref<!tpu.dma_semaphore, #tpu.memory_space<semaphore_mem>>) src(%arg8 : memref<128x128xf32, #tpu.memory_space<vmem>>) dst(%dma_wait3A_108 : memref<128x128xf32, #tpu.memory_space<vmem_shared>>)
      tpu.yield
    }) : () -> ()
    %mul3A_8 = arith.constant 640 : i32
    %mul3A_9 = arith.muli %arg1, %mul3A_8 : i32
    %add3A_10 = arith.constant 128 : i32
    %add3A_11 = arith.addi %mul3A_9, %add3A_10 : i32
    "tpu.region"() ({
      %run_scoped3A_101 = tpu.sem_alloc : memref<!tpu.dma_semaphore, #tpu.memory_space<semaphore_mem>>
      %dma_start3A_102 = arith.constant 0 : i32
      %dma_start3A_103 = tpu.memref_slice %arg10[%add3A_11, %dma_start3A_102] : memref<10240x128xf32, #tpu.memory_space<vmem_shared>> -> memref<128x128xf32, #tpu.memory_space<vmem_shared>>
      %dma_start3A_104 = arith.constant 0 : i32
      %dma_start3A_105 = tpu.memref_slice %arg10[%add3A_11, %dma_start3A_104] : memref<10240x128xf32, #tpu.memory_space<vmem_shared>> -> memref<128x128xf32, #tpu.memory_space<vmem_shared>>
      tpu.enqueue_dma source(%arg8 : memref<128x128xf32, #tpu.memory_space<vmem>>) target(%dma_start3A_105 : memref<128x128xf32, #tpu.memory_space<vmem_shared>>) target_semaphore(%run_scoped3A_101 : memref<!tpu.dma_semaphore, #tpu.memory_space<semaphore_mem>>)
      %dma_wait3A = arith.constant 0 : i32
      %dma_wait3A_106 = tpu.memref_slice %arg10[%add3A_11, %dma_wait3A] : memref<10240x128xf32, #tpu.memory_space<vmem_shared>> -> memref<128x128xf32, #tpu.memory_space<vmem_shared>>
      %dma_wait3A_107 = arith.constant 0 : i32
      %dma_wait3A_108 = tpu.memref_slice %arg10[%add3A_11, %dma_wait3A_107] : memref<10240x128xf32, #tpu.memory_space<vmem_shared>> -> memref<128x128xf32, #tpu.memory_space<vmem_shared>>
      tpu.wait_dma2 semaphore(%run_scoped3A_101 : memref<!tpu.dma_semaphore, #tpu.memory_space<semaphore_mem>>) src(%arg8 : memref<128x128xf32, #tpu.memory_space<vmem>>) dst(%dma_wait3A_108 : memref<128x128xf32, #tpu.memory_space<vmem_shared>>)
      tpu.yield
    }) : () -> ()
    %mul3A_12 = arith.constant 640 : i32
    %mul3A_13 = arith.muli %arg1, %mul3A_12 : i32
    %add3A_14 = arith.constant 256 : i32
    %add3A_15 = arith.addi %mul3A_13, %add3A_14 : i32
    "tpu.region"() ({
      %run_scoped3A_101 = tpu.sem_alloc : memref<!tpu.dma_semaphore, #tpu.memory_space<semaphore_mem>>
      %dma_start3A_102 = arith.constant 0 : i32
      %dma_start3A_103 = tpu.memref_slice %arg10[%add3A_15, %dma_start3A_102] : memref<10240x128xf32, #tpu.memory_space<vmem_shared>> -> memref<128x128xf32, #tpu.memory_space<vmem_shared>>
      %dma_start3A_104 = arith.constant 0 : i32
      %dma_start3A_105 = tpu.memref_slice %arg10[%add3A_15, %dma_start3A_104] : memref<10240x128xf32, #tpu.memory_space<vmem_shared>> -> memref<128x128xf32, #tpu.memory_space<vmem_shared>>
      tpu.enqueue_dma source(%arg8 : memref<128x128xf32, #tpu.memory_space<vmem>>) target(%dma_start3A_105 : memref<128x128xf32, #tpu.memory_space<vmem_shared>>) target_semaphore(%run_scoped3A_101 : memref<!tpu.dma_semaphore, #tpu.memory_space<semaphore_mem>>)
      %dma_wait3A = arith.constant 0 : i32
      %dma_wait3A_106 = tpu.memref_slice %arg10[%add3A_15, %dma_wait3A] : memref<10240x128xf32, #tpu.memory_space<vmem_shared>> -> memref<128x128xf32, #tpu.memory_space<vmem_shared>>
      %dma_wait3A_107 = arith.constant 0 : i32
      %dma_wait3A_108 = tpu.memref_slice %arg10[%add3A_15, %dma_wait3A_107] : memref<10240x128xf32, #tpu.memory_space<vmem_shared>> -> memref<128x128xf32, #tpu.memory_space<vmem_shared>>
      tpu.wait_dma2 semaphore(%run_scoped3A_101 : memref<!tpu.dma_semaphore, #tpu.memory_space<semaphore_mem>>) src(%arg8 : memref<128x128xf32, #tpu.memory_space<vmem>>) dst(%dma_wait3A_108 : memref<128x128xf32, #tpu.memory_space<vmem_shared>>)
      tpu.yield
    }) : () -> ()
    %mul3A_16 = arith.constant 640 : i32
    %mul3A_17 = arith.muli %arg1, %mul3A_16 : i32
    %add3A_18 = arith.constant 384 : i32
    %add3A_19 = arith.addi %mul3A_17, %add3A_18 : i32
    "tpu.region"() ({
      %run_scoped3A_101 = tpu.sem_alloc : memref<!tpu.dma_semaphore, #tpu.memory_space<semaphore_mem>>
      %dma_start3A_102 = arith.constant 0 : i32
      %dma_start3A_103 = tpu.memref_slice %arg10[%add3A_19, %dma_start3A_102] : memref<10240x128xf32, #tpu.memory_space<vmem_shared>> -> memref<128x128xf32, #tpu.memory_space<vmem_shared>>
      %dma_start3A_104 = arith.constant 0 : i32
      %dma_start3A_105 = tpu.memref_slice %arg10[%add3A_19, %dma_start3A_104] : memref<10240x128xf32, #tpu.memory_space<vmem_shared>> -> memref<128x128xf32, #tpu.memory_space<vmem_shared>>
      tpu.enqueue_dma source(%arg8 : memref<128x128xf32, #tpu.memory_space<vmem>>) target(%dma_start3A_105 : memref<128x128xf32, #tpu.memory_space<vmem_shared>>) target_semaphore(%run_scoped3A_101 : memref<!tpu.dma_semaphore, #tpu.memory_space<semaphore_mem>>)
      %dma_wait3A = arith.constant 0 : i32
      %dma_wait3A_106 = tpu.memref_slice %arg10[%add3A_19, %dma_wait3A] : memref<10240x128xf32, #tpu.memory_space<vmem_shared>> -> memref<128x128xf32, #tpu.memory_space<vmem_shared>>
      %dma_wait3A_107 = arith.constant 0 : i32
      %dma_wait3A_108 = tpu.memref_slice %arg10[%add3A_19, %dma_wait3A_107] : memref<10240x128xf32, #tpu.memory_space<vmem_shared>> -> memref<128x128xf32, #tpu.memory_space<vmem_shared>>
      tpu.wait_dma2 semaphore(%run_scoped3A_101 : memref<!tpu.dma_semaphore, #tpu.memory_space<semaphore_mem>>) src(%arg8 : memref<128x128xf32, #tpu.memory_space<vmem>>) dst(%dma_wait3A_108 : memref<128x128xf32, #tpu.memory_space<vmem_shared>>)
      tpu.yield
    }) : () -> ()
    %mul3A_20 = arith.constant 640 : i32
    %mul3A_21 = arith.muli %arg1, %mul3A_20 : i32
    %add3A_22 = arith.constant 512 : i32
    %add3A_23 = arith.addi %mul3A_21, %add3A_22 : i32
    "tpu.region"() ({
      %run_scoped3A_101 = tpu.sem_alloc : memref<!tpu.dma_semaphore, #tpu.memory_space<semaphore_mem>>
      %dma_start3A_102 = arith.constant 0 : i32
      %dma_start3A_103 = tpu.memref_slice %arg10[%add3A_23, %dma_start3A_102] : memref<10240x128xf32, #tpu.memory_space<vmem_shared>> -> memref<128x128xf32, #tpu.memory_space<vmem_shared>>
      %dma_start3A_104 = arith.constant 0 : i32
      %dma_start3A_105 = tpu.memref_slice %arg10[%add3A_23, %dma_start3A_104] : memref<10240x128xf32, #tpu.memory_space<vmem_shared>> -> memref<128x128xf32, #tpu.memory_space<vmem_shared>>
      tpu.enqueue_dma source(%arg8 : memref<128x128xf32, #tpu.memory_space<vmem>>) target(%dma_start3A_105 : memref<128x128xf32, #tpu.memory_space<vmem_shared>>) target_semaphore(%run_scoped3A_101 : memref<!tpu.dma_semaphore, #tpu.memory_space<semaphore_mem>>)
      %dma_wait3A = arith.constant 0 : i32
      %dma_wait3A_106 = tpu.memref_slice %arg10[%add3A_23, %dma_wait3A] : memref<10240x128xf32, #tpu.memory_space<vmem_shared>> -> memref<128x128xf32, #tpu.memory_space<vmem_shared>>
      %dma_wait3A_107 = arith.constant 0 : i32
      %dma_wait3A_108 = tpu.memref_slice %arg10[%add3A_23, %dma_wait3A_107] : memref<10240x128xf32, #tpu.memory_space<vmem_shared>> -> memref<128x128xf32, #tpu.memory_space<vmem_shared>>
      tpu.wait_dma2 semaphore(%run_scoped3A_101 : memref<!tpu.dma_semaphore, #tpu.memory_space<semaphore_mem>>) src(%arg8 : memref<128x128xf32, #tpu.memory_space<vmem>>) dst(%dma_wait3A_108 : memref<128x128xf32, #tpu.memory_space<vmem_shared>>)
      tpu.yield
    }) : () -> ()
    %barrier3A = arith.constant 0 : index
    tpu.barrier barrier_id(%barrier3A)
    %run_scoped3A = arith.constant 0 : i32
    "tpu.region"() ({
      %run_scoped3A_101 = tpu.sem_alloc : memref<!tpu.dma_semaphore, #tpu.memory_space<semaphore_mem>>
      %dma_start3A_102 = arith.constant 0 : i32
      %dma_start3A_103 = arith.constant 0 : i32
      %dma_start3A_104 = tpu.memref_slice %arg3[%arg1, %run_scoped3A, %dma_start3A_102, %dma_start3A_103] : memref<16x2x40x128xi32, #tpu.memory_space<hbm>> -> memref<1x1x40x128xi32, #tpu.memory_space<hbm>>
      %dma_start3A_105 = tpu.memref_squeeze %dma_start3A_104 : memref<1x1x40x128xi32, #tpu.memory_space<hbm>> -> memref<40x128xi32, #tpu.memory_space<hbm>>
      %dma_start3A_106 = arith.constant 0 : i32
      %dma_start3A_107 = arith.constant 0 : i32
      %dma_start3A_108 = tpu.memref_slice %arg3[%arg1, %run_scoped3A, %dma_start3A_106, %dma_start3A_107] : memref<16x2x40x128xi32, #tpu.memory_space<hbm>> -> memref<1x1x40x128xi32, #tpu.memory_space<hbm>>
      %dma_start3A_109 = tpu.memref_squeeze %dma_start3A_108 : memref<1x1x40x128xi32, #tpu.memory_space<hbm>> -> memref<40x128xi32, #tpu.memory_space<hbm>>
      tpu.enqueue_dma source(%dma_start3A_109 : memref<40x128xi32, #tpu.memory_space<hbm>>) target(%arg6 : memref<40x128xi32, #tpu.memory_space<vmem>>) target_semaphore(%run_scoped3A_101 : memref<!tpu.dma_semaphore, #tpu.memory_space<semaphore_mem>>)
      %dma_wait3A = arith.constant 0 : i32
      %dma_wait3A_110 = arith.constant 0 : i32
      %dma_wait3A_111 = tpu.memref_slice %arg3[%arg1, %run_scoped3A, %dma_wait3A, %dma_wait3A_110] : memref<16x2x40x128xi32, #tpu.memory_space<hbm>> -> memref<1x1x40x128xi32, #tpu.memory_space<hbm>>
      %dma_wait3A_112 = tpu.memref_squeeze %dma_wait3A_111 : memref<1x1x40x128xi32, #tpu.memory_space<hbm>> -> memref<40x128xi32, #tpu.memory_space<hbm>>
      %dma_wait3A_113 = arith.constant 0 : i32
      %dma_wait3A_114 = arith.constant 0 : i32
      %dma_wait3A_115 = tpu.memref_slice %arg3[%arg1, %run_scoped3A, %dma_wait3A_113, %dma_wait3A_114] : memref<16x2x40x128xi32, #tpu.memory_space<hbm>> -> memref<1x1x40x128xi32, #tpu.memory_space<hbm>>
      %dma_wait3A_116 = tpu.memref_squeeze %dma_wait3A_115 : memref<1x1x40x128xi32, #tpu.memory_space<hbm>> -> memref<40x128xi32, #tpu.memory_space<hbm>>
      tpu.wait_dma2 semaphore(%run_scoped3A_101 : memref<!tpu.dma_semaphore, #tpu.memory_space<semaphore_mem>>) src(%dma_wait3A_116 : memref<40x128xi32, #tpu.memory_space<hbm>>) dst(%arg6 : memref<40x128xi32, #tpu.memory_space<vmem>>)
      tpu.yield
    }) : () -> ()
    %run_scoped3A_24 = arith.constant 0 : i32
    "tpu.region"() ({
      %run_scoped3A_101 = tpu.sem_alloc : memref<!tpu.dma_semaphore, #tpu.memory_space<semaphore_mem>>
      %dma_start3A_102 = arith.constant 0 : i32
      %dma_start3A_103 = arith.constant 0 : i32
      %dma_start3A_104 = tpu.memref_slice %arg4[%arg1, %run_scoped3A_24, %dma_start3A_102, %dma_start3A_103] : memref<16x2x40x128xi32, #tpu.memory_space<hbm>> -> memref<1x1x40x128xi32, #tpu.memory_space<hbm>>
      %dma_start3A_105 = tpu.memref_squeeze %dma_start3A_104 : memref<1x1x40x128xi32, #tpu.memory_space<hbm>> -> memref<40x128xi32, #tpu.memory_space<hbm>>
      %dma_start3A_106 = arith.constant 0 : i32
      %dma_start3A_107 = arith.constant 0 : i32
      %dma_start3A_108 = tpu.memref_slice %arg4[%arg1, %run_scoped3A_24, %dma_start3A_106, %dma_start3A_107] : memref<16x2x40x128xi32, #tpu.memory_space<hbm>> -> memref<1x1x40x128xi32, #tpu.memory_space<hbm>>
      %dma_start3A_109 = tpu.memref_squeeze %dma_start3A_108 : memref<1x1x40x128xi32, #tpu.memory_space<hbm>> -> memref<40x128xi32, #tpu.memory_space<hbm>>
      tpu.enqueue_dma source(%dma_start3A_109 : memref<40x128xi32, #tpu.memory_space<hbm>>) target(%arg7 : memref<40x128xi32, #tpu.memory_space<vmem>>) target_semaphore(%run_scoped3A_101 : memref<!tpu.dma_semaphore, #tpu.memory_space<semaphore_mem>>)
      %dma_wait3A = arith.constant 0 : i32
      %dma_wait3A_110 = arith.constant 0 : i32
      %dma_wait3A_111 = tpu.memref_slice %arg4[%arg1, %run_scoped3A_24, %dma_wait3A, %dma_wait3A_110] : memref<16x2x40x128xi32, #tpu.memory_space<hbm>> -> memref<1x1x40x128xi32, #tpu.memory_space<hbm>>
      %dma_wait3A_112 = tpu.memref_squeeze %dma_wait3A_111 : memref<1x1x40x128xi32, #tpu.memory_space<hbm>> -> memref<40x128xi32, #tpu.memory_space<hbm>>
      %dma_wait3A_113 = arith.constant 0 : i32
      %dma_wait3A_114 = arith.constant 0 : i32
      %dma_wait3A_115 = tpu.memref_slice %arg4[%arg1, %run_scoped3A_24, %dma_wait3A_113, %dma_wait3A_114] : memref<16x2x40x128xi32, #tpu.memory_space<hbm>> -> memref<1x1x40x128xi32, #tpu.memory_space<hbm>>
      %dma_wait3A_116 = tpu.memref_squeeze %dma_wait3A_115 : memref<1x1x40x128xi32, #tpu.memory_space<hbm>> -> memref<40x128xi32, #tpu.memory_space<hbm>>
      tpu.wait_dma2 semaphore(%run_scoped3A_101 : memref<!tpu.dma_semaphore, #tpu.memory_space<semaphore_mem>>) src(%dma_wait3A_116 : memref<40x128xi32, #tpu.memory_space<hbm>>) dst(%arg7 : memref<40x128xi32, #tpu.memory_space<vmem>>)
      tpu.yield
    }) : () -> ()
    %dma_start3A = arith.constant 0 : i32
    %dma_start3A_25 = arith.constant 0 : i32
    %dma_start3A_26 = arith.constant 0 : i32
    %dma_start3A_27 = tpu.memref_slice %arg8[%dma_start3A_25, %dma_start3A_26] : memref<128x128xf32, #tpu.memory_space<vmem>> -> memref<64x128xf32, #tpu.memory_space<vmem>>
    %dma_start3A_28 = arith.constant 0 : i32
    %dma_start3A_29 = tpu.memref_slice %arg6[%dma_start3A, %dma_start3A_28] : memref<40x128xi32, #tpu.memory_space<vmem>> -> memref<1x64xi32, #tpu.memory_space<vmem>>
    %dma_start3A_30 = tpu.memref_squeeze %dma_start3A_29 : memref<1x64xi32, #tpu.memory_space<vmem>> -> memref<64xi32, #tpu.memory_space<vmem>>
    %dma_start3A_31 = arith.constant 0 : i32
    %dma_start3A_32 = arith.constant 0 : i32
    %dma_start3A_33 = tpu.memref_slice %arg2[%arg0, %dma_start3A_31, %dma_start3A_32] : memref<2x10000x128xf32, #tpu.memory_space<hbm>> -> memref<1x10000x128xf32, #tpu.memory_space<hbm>>
    %dma_start3A_34 = tpu.memref_squeeze %dma_start3A_33 : memref<1x10000x128xf32, #tpu.memory_space<hbm>> -> memref<10000x128xf32, #tpu.memory_space<hbm>>
    %dma_start3A_35 = arith.constant 0 : i32
    %dma_start3A_36 = arith.constant 0 : i32
    %dma_start3A_37 = tpu.memref_slice %dma_start3A_34[%dma_start3A_35, %dma_start3A_36] : memref<10000x128xf32, #tpu.memory_space<hbm>> -> memref<10000x128xf32, #tpu.memory_space<hbm>>
    tpu.enqueue_indirect_dma source(%dma_start3A_37 : memref<10000x128xf32, #tpu.memory_space<hbm>>) target(%dma_start3A_27 : memref<64x128xf32, #tpu.memory_space<vmem>>) offsets(%dma_start3A_30 : memref<64xi32, #tpu.memory_space<vmem>>) semaphore(%arg11 : memref<!tpu.dma_semaphore, #tpu.memory_space<semaphore_mem>>)
    %dma_start3A_38 = arith.constant 0 : i32
    %dma_start3A_39 = arith.constant 64 : i32
    %dma_start3A_40 = arith.constant 0 : i32
    %dma_start3A_41 = tpu.memref_slice %arg8[%dma_start3A_39, %dma_start3A_40] : memref<128x128xf32, #tpu.memory_space<vmem>> -> memref<64x128xf32, #tpu.memory_space<vmem>>
    %dma_start3A_42 = arith.constant 64 : i32
    %dma_start3A_43 = tpu.memref_slice %arg6[%dma_start3A_38, %dma_start3A_42] : memref<40x128xi32, #tpu.memory_space<vmem>> -> memref<1x64xi32, #tpu.memory_space<vmem>>
    %dma_start3A_44 = tpu.memref_squeeze %dma_start3A_43 : memref<1x64xi32, #tpu.memory_space<vmem>> -> memref<64xi32, #tpu.memory_space<vmem>>
    %dma_start3A_45 = arith.constant 0 : i32
    %dma_start3A_46 = arith.constant 0 : i32
    %dma_start3A_47 = tpu.memref_slice %arg2[%arg0, %dma_start3A_45, %dma_start3A_46] : memref<2x10000x128xf32, #tpu.memory_space<hbm>> -> memref<1x10000x128xf32, #tpu.memory_space<hbm>>
    %dma_start3A_48 = tpu.memref_squeeze %dma_start3A_47 : memref<1x10000x128xf32, #tpu.memory_space<hbm>> -> memref<10000x128xf32, #tpu.memory_space<hbm>>
    %dma_start3A_49 = arith.constant 0 : i32
    %dma_start3A_50 = arith.constant 0 : i32
    %dma_start3A_51 = tpu.memref_slice %dma_start3A_48[%dma_start3A_49, %dma_start3A_50] : memref<10000x128xf32, #tpu.memory_space<hbm>> -> memref<10000x128xf32, #tpu.memory_space<hbm>>
    tpu.enqueue_indirect_dma source(%dma_start3A_51 : memref<10000x128xf32, #tpu.memory_space<hbm>>) target(%dma_start3A_41 : memref<64x128xf32, #tpu.memory_space<vmem>>) offsets(%dma_start3A_44 : memref<64xi32, #tpu.memory_space<vmem>>) semaphore(%arg11 : memref<!tpu.dma_semaphore, #tpu.memory_space<semaphore_mem>>)
    %scan3A_52 = arith.constant 0 : i32
    %scan3A_53 = arith.constant 0 : i32
    %scan3A_54 = arith.constant 20 : i32
    %scan3A_55 = arith.addi %scan3A_53, %scan3A_54 : i32
    %scan3A_56 = arith.constant 1 : i32
    scf.for %scan3A_101 = %scan3A_53 to %scan3A_55 step %scan3A_56  : i32 {
      %mul3A_102 = arith.constant 2 : i32
      %mul3A_103 = arith.muli %mul3A_102, %scan3A_101 : i32
      %add3A_104 = arith.constant 1 : i32
      %add3A_105 = arith.addi %mul3A_103, %add3A_104 : i32
      %dma_start3A_106 = arith.constant 0 : i32
      %dma_start3A_107 = arith.constant 0 : i32
      %dma_start3A_108 = tpu.memref_slice %arg9[%dma_start3A_106, %dma_start3A_107] : memref<128x128xf32, #tpu.memory_space<vmem>> -> memref<64x128xf32, #tpu.memory_space<vmem>>
      %dma_start3A_109 = arith.constant 0 : i32
      %dma_start3A_110 = tpu.memref_slice %arg6[%add3A_105, %dma_start3A_109] : memref<40x128xi32, #tpu.memory_space<vmem>> -> memref<1x64xi32, #tpu.memory_space<vmem>>
      %dma_start3A_111 = tpu.memref_squeeze %dma_start3A_110 : memref<1x64xi32, #tpu.memory_space<vmem>> -> memref<64xi32, #tpu.memory_space<vmem>>
      %dma_start3A_112 = arith.constant 0 : i32
      %dma_start3A_113 = arith.constant 0 : i32
      %dma_start3A_114 = tpu.memref_slice %arg2[%arg0, %dma_start3A_112, %dma_start3A_113] : memref<2x10000x128xf32, #tpu.memory_space<hbm>> -> memref<1x10000x128xf32, #tpu.memory_space<hbm>>
      %dma_start3A_115 = tpu.memref_squeeze %dma_start3A_114 : memref<1x10000x128xf32, #tpu.memory_space<hbm>> -> memref<10000x128xf32, #tpu.memory_space<hbm>>
      %dma_start3A_116 = arith.constant 0 : i32
      %dma_start3A_117 = arith.constant 0 : i32
      %dma_start3A_118 = tpu.memref_slice %dma_start3A_115[%dma_start3A_116, %dma_start3A_117] : memref<10000x128xf32, #tpu.memory_space<hbm>> -> memref<10000x128xf32, #tpu.memory_space<hbm>>
      tpu.enqueue_indirect_dma source(%dma_start3A_118 : memref<10000x128xf32, #tpu.memory_space<hbm>>) target(%dma_start3A_108 : memref<64x128xf32, #tpu.memory_space<vmem>>) offsets(%dma_start3A_111 : memref<64xi32, #tpu.memory_space<vmem>>) semaphore(%arg12 : memref<!tpu.dma_semaphore, #tpu.memory_space<semaphore_mem>>)
      %dma_start3A_119 = arith.constant 64 : i32
      %dma_start3A_120 = arith.constant 0 : i32
      %dma_start3A_121 = tpu.memref_slice %arg9[%dma_start3A_119, %dma_start3A_120] : memref<128x128xf32, #tpu.memory_space<vmem>> -> memref<64x128xf32, #tpu.memory_space<vmem>>
      %dma_start3A_122 = arith.constant 64 : i32
      %dma_start3A_123 = tpu.memref_slice %arg6[%add3A_105, %dma_start3A_122] : memref<40x128xi32, #tpu.memory_space<vmem>> -> memref<1x64xi32, #tpu.memory_space<vmem>>
      %dma_start3A_124 = tpu.memref_squeeze %dma_start3A_123 : memref<1x64xi32, #tpu.memory_space<vmem>> -> memref<64xi32, #tpu.memory_space<vmem>>
      %dma_start3A_125 = arith.constant 0 : i32
      %dma_start3A_126 = arith.constant 0 : i32
      %dma_start3A_127 = tpu.memref_slice %arg2[%arg0, %dma_start3A_125, %dma_start3A_126] : memref<2x10000x128xf32, #tpu.memory_space<hbm>> -> memref<1x10000x128xf32, #tpu.memory_space<hbm>>
      %dma_start3A_128 = tpu.memref_squeeze %dma_start3A_127 : memref<1x10000x128xf32, #tpu.memory_space<hbm>> -> memref<10000x128xf32, #tpu.memory_space<hbm>>
      %dma_start3A_129 = arith.constant 0 : i32
      %dma_start3A_130 = arith.constant 0 : i32
      %dma_start3A_131 = tpu.memref_slice %dma_start3A_128[%dma_start3A_129, %dma_start3A_130] : memref<10000x128xf32, #tpu.memory_space<hbm>> -> memref<10000x128xf32, #tpu.memory_space<hbm>>
      tpu.enqueue_indirect_dma source(%dma_start3A_131 : memref<10000x128xf32, #tpu.memory_space<hbm>>) target(%dma_start3A_121 : memref<64x128xf32, #tpu.memory_space<vmem>>) offsets(%dma_start3A_124 : memref<64xi32, #tpu.memory_space<vmem>>) semaphore(%arg12 : memref<!tpu.dma_semaphore, #tpu.memory_space<semaphore_mem>>)
      %dma_wait3A = arith.constant 0 : i32
      %dma_wait3A_132 = arith.constant 0 : i32
      %dma_wait3A_133 = tpu.memref_slice %arg6[%dma_wait3A, %dma_wait3A_132] : memref<40x128xi32, #tpu.memory_space<vmem>> -> memref<1x128xi32, #tpu.memory_space<vmem>>
      %dma_wait3A_134 = tpu.memref_squeeze %dma_wait3A_133 : memref<1x128xi32, #tpu.memory_space<vmem>> -> memref<128xi32, #tpu.memory_space<vmem>>
      %dma_wait3A_135 = arith.constant 0 : i32
      %dma_wait3A_136 = arith.constant 0 : i32
      %dma_wait3A_137 = tpu.memref_slice %arg2[%arg0, %dma_wait3A_135, %dma_wait3A_136] : memref<2x10000x128xf32, #tpu.memory_space<hbm>> -> memref<1x10000x128xf32, #tpu.memory_space<hbm>>
      %dma_wait3A_138 = tpu.memref_squeeze %dma_wait3A_137 : memref<1x10000x128xf32, #tpu.memory_space<hbm>> -> memref<10000x128xf32, #tpu.memory_space<hbm>>
      %dma_wait3A_139 = arith.constant 0 : i32
      %dma_wait3A_140 = arith.constant 0 : i32
      %dma_wait3A_141 = tpu.memref_slice %dma_wait3A_138[%dma_wait3A_139, %dma_wait3A_140] : memref<10000x128xf32, #tpu.memory_space<hbm>> -> memref<10000x128xf32, #tpu.memory_space<hbm>>
      tpu.wait_indirect_dma semaphore(%arg11 : memref<!tpu.dma_semaphore, #tpu.memory_space<semaphore_mem>>) src(%dma_wait3A_141 : memref<10000x128xf32, #tpu.memory_space<hbm>>) dst(%arg8 : memref<128x128xf32, #tpu.memory_space<vmem>>)
      "tpu.region"() ({
        %run_scoped3A_159 = tpu.sem_alloc : memref<!tpu.dma_semaphore, #tpu.memory_space<semaphore_mem>>
        %dma_start3A_160 = arith.constant 0 : i32
        %dma_start3A_161 = tpu.memref_slice %arg7[%mul3A_103, %dma_start3A_160] : memref<40x128xi32, #tpu.memory_space<vmem>> -> memref<1x128xi32, #tpu.memory_space<vmem>>
        %dma_start3A_162 = tpu.memref_squeeze %dma_start3A_161 : memref<1x128xi32, #tpu.memory_space<vmem>> -> memref<128xi32, #tpu.memory_space<vmem>>
        %dma_start3A_163 = arith.constant 0 : i32
        %dma_start3A_164 = arith.constant 0 : i32
        %dma_start3A_165 = tpu.memref_slice %arg10[%dma_start3A_163, %dma_start3A_164] : memref<10240x128xf32, #tpu.memory_space<vmem_shared>> -> memref<10240x128xf32, #tpu.memory_space<vmem_shared>>
        tpu.enqueue_indirect_dma source(%arg8 : memref<128x128xf32, #tpu.memory_space<vmem>>) target(%dma_start3A_165 : memref<10240x128xf32, #tpu.memory_space<vmem_shared>>) offsets(%dma_start3A_162 : memref<128xi32, #tpu.memory_space<vmem>>) semaphore(%run_scoped3A_159 : memref<!tpu.dma_semaphore, #tpu.memory_space<semaphore_mem>>) {add = true}
        %dma_wait3A_166 = arith.constant 0 : i32
        %dma_wait3A_167 = tpu.memref_slice %arg7[%mul3A_103, %dma_wait3A_166] : memref<40x128xi32, #tpu.memory_space<vmem>> -> memref<1x128xi32, #tpu.memory_space<vmem>>
        %dma_wait3A_168 = tpu.memref_squeeze %dma_wait3A_167 : memref<1x128xi32, #tpu.memory_space<vmem>> -> memref<128xi32, #tpu.memory_space<vmem>>
        %dma_wait3A_169 = arith.constant 0 : i32
        %dma_wait3A_170 = arith.constant 0 : i32
        %dma_wait3A_171 = tpu.memref_slice %arg10[%dma_wait3A_169, %dma_wait3A_170] : memref<10240x128xf32, #tpu.memory_space<vmem_shared>> -> memref<10240x128xf32, #tpu.memory_space<vmem_shared>>
        tpu.wait_indirect_dma semaphore(%run_scoped3A_159 : memref<!tpu.dma_semaphore, #tpu.memory_space<semaphore_mem>>) src(%arg8 : memref<128x128xf32, #tpu.memory_space<vmem>>) dst(%dma_wait3A_171 : memref<10240x128xf32, #tpu.memory_space<vmem_shared>>)
        tpu.yield
      }) : () -> ()
      %lt3A = arith.constant 19 : i32
      %lt3A_142 = arith.cmpi slt, %scan3A_101, %lt3A : i32
      %convert_element_type3A_143 = arith.extui %lt3A_142 : i1 to i32
      %cond3A_144 = arith.constant 0 : i32
      %cond3A_145 = arith.cmpi ne, %convert_element_type3A_143, %cond3A_144 : i32
      scf.if %cond3A_145 {
        %add3A_159 = arith.constant 2 : i32
        %add3A_160 = arith.addi %mul3A_103, %add3A_159 : i32
        %dma_start3A_161 = arith.constant 0 : i32
        %dma_start3A_162 = arith.constant 0 : i32
        %dma_start3A_163 = tpu.memref_slice %arg8[%dma_start3A_161, %dma_start3A_162] : memref<128x128xf32, #tpu.memory_space<vmem>> -> memref<64x128xf32, #tpu.memory_space<vmem>>
        %dma_start3A_164 = arith.constant 0 : i32
        %dma_start3A_165 = tpu.memref_slice %arg6[%add3A_160, %dma_start3A_164] : memref<40x128xi32, #tpu.memory_space<vmem>> -> memref<1x64xi32, #tpu.memory_space<vmem>>
        %dma_start3A_166 = tpu.memref_squeeze %dma_start3A_165 : memref<1x64xi32, #tpu.memory_space<vmem>> -> memref<64xi32, #tpu.memory_space<vmem>>
        %dma_start3A_167 = arith.constant 0 : i32
        %dma_start3A_168 = arith.constant 0 : i32
        %dma_start3A_169 = tpu.memref_slice %arg2[%arg0, %dma_start3A_167, %dma_start3A_168] : memref<2x10000x128xf32, #tpu.memory_space<hbm>> -> memref<1x10000x128xf32, #tpu.memory_space<hbm>>
        %dma_start3A_170 = tpu.memref_squeeze %dma_start3A_169 : memref<1x10000x128xf32, #tpu.memory_space<hbm>> -> memref<10000x128xf32, #tpu.memory_space<hbm>>
        %dma_start3A_171 = arith.constant 0 : i32
        %dma_start3A_172 = arith.constant 0 : i32
        %dma_start3A_173 = tpu.memref_slice %dma_start3A_170[%dma_start3A_171, %dma_start3A_172] : memref<10000x128xf32, #tpu.memory_space<hbm>> -> memref<10000x128xf32, #tpu.memory_space<hbm>>
        tpu.enqueue_indirect_dma source(%dma_start3A_173 : memref<10000x128xf32, #tpu.memory_space<hbm>>) target(%dma_start3A_163 : memref<64x128xf32, #tpu.memory_space<vmem>>) offsets(%dma_start3A_166 : memref<64xi32, #tpu.memory_space<vmem>>) semaphore(%arg11 : memref<!tpu.dma_semaphore, #tpu.memory_space<semaphore_mem>>)
        %dma_start3A_174 = arith.constant 64 : i32
        %dma_start3A_175 = arith.constant 0 : i32
        %dma_start3A_176 = tpu.memref_slice %arg8[%dma_start3A_174, %dma_start3A_175] : memref<128x128xf32, #tpu.memory_space<vmem>> -> memref<64x128xf32, #tpu.memory_space<vmem>>
        %dma_start3A_177 = arith.constant 64 : i32
        %dma_start3A_178 = tpu.memref_slice %arg6[%add3A_160, %dma_start3A_177] : memref<40x128xi32, #tpu.memory_space<vmem>> -> memref<1x64xi32, #tpu.memory_space<vmem>>
        %dma_start3A_179 = tpu.memref_squeeze %dma_start3A_178 : memref<1x64xi32, #tpu.memory_space<vmem>> -> memref<64xi32, #tpu.memory_space<vmem>>
        %dma_start3A_180 = arith.constant 0 : i32
        %dma_start3A_181 = arith.constant 0 : i32
        %dma_start3A_182 = tpu.memref_slice %arg2[%arg0, %dma_start3A_180, %dma_start3A_181] : memref<2x10000x128xf32, #tpu.memory_space<hbm>> -> memref<1x10000x128xf32, #tpu.memory_space<hbm>>
        %dma_start3A_183 = tpu.memref_squeeze %dma_start3A_182 : memref<1x10000x128xf32, #tpu.memory_space<hbm>> -> memref<10000x128xf32, #tpu.memory_space<hbm>>
        %dma_start3A_184 = arith.constant 0 : i32
        %dma_start3A_185 = arith.constant 0 : i32
        %dma_start3A_186 = tpu.memref_slice %dma_start3A_183[%dma_start3A_184, %dma_start3A_185] : memref<10000x128xf32, #tpu.memory_space<hbm>> -> memref<10000x128xf32, #tpu.memory_space<hbm>>
        tpu.enqueue_indirect_dma source(%dma_start3A_186 : memref<10000x128xf32, #tpu.memory_space<hbm>>) target(%dma_start3A_176 : memref<64x128xf32, #tpu.memory_space<vmem>>) offsets(%dma_start3A_179 : memref<64xi32, #tpu.memory_space<vmem>>) semaphore(%arg11 : memref<!tpu.dma_semaphore, #tpu.memory_space<semaphore_mem>>)
      } else {
      }
      %dma_wait3A_146 = arith.constant 0 : i32
      %dma_wait3A_147 = arith.constant 0 : i32
      %dma_wait3A_148 = tpu.memref_slice %arg6[%dma_wait3A_146, %dma_wait3A_147] : memref<40x128xi32, #tpu.memory_space<vmem>> -> memref<1x128xi32, #tpu.memory_space<vmem>>
      %dma_wait3A_149 = tpu.memref_squeeze %dma_wait3A_148 : memref<1x128xi32, #tpu.memory_space<vmem>> -> memref<128xi32, #tpu.memory_space<vmem>>
      %dma_wait3A_150 = arith.constant 0 : i32
      %dma_wait3A_151 = arith.constant 0 : i32
      %dma_wait3A_152 = tpu.memref_slice %arg2[%arg0, %dma_wait3A_150, %dma_wait3A_151] : memref<2x10000x128xf32, #tpu.memory_space<hbm>> -> memref<1x10000x128xf32, #tpu.memory_space<hbm>>
      %dma_wait3A_153 = tpu.memref_squeeze %dma_wait3A_152 : memref<1x10000x128xf32, #tpu.memory_space<hbm>> -> memref<10000x128xf32, #tpu.memory_space<hbm>>
      %dma_wait3A_154 = arith.constant 0 : i32
      %dma_wait3A_155 = arith.constant 0 : i32
      %dma_wait3A_156 = tpu.memref_slice %dma_wait3A_153[%dma_wait3A_154, %dma_wait3A_155] : memref<10000x128xf32, #tpu.memory_space<hbm>> -> memref<10000x128xf32, #tpu.memory_space<hbm>>
      tpu.wait_indirect_dma semaphore(%arg12 : memref<!tpu.dma_semaphore, #tpu.memory_space<semaphore_mem>>) src(%dma_wait3A_156 : memref<10000x128xf32, #tpu.memory_space<hbm>>) dst(%arg9 : memref<128x128xf32, #tpu.memory_space<vmem>>)
      %add3A_157 = arith.constant 1 : i32
      %add3A_158 = arith.addi %mul3A_103, %add3A_157 : i32
      "tpu.region"() ({
        %run_scoped3A_159 = tpu.sem_alloc : memref<!tpu.dma_semaphore, #tpu.memory_space<semaphore_mem>>
        %dma_start3A_160 = arith.constant 0 : i32
        %dma_start3A_161 = tpu.memref_slice %arg7[%add3A_158, %dma_start3A_160] : memref<40x128xi32, #tpu.memory_space<vmem>> -> memref<1x128xi32, #tpu.memory_space<vmem>>
        %dma_start3A_162 = tpu.memref_squeeze %dma_start3A_161 : memref<1x128xi32, #tpu.memory_space<vmem>> -> memref<128xi32, #tpu.memory_space<vmem>>
        %dma_start3A_163 = arith.constant 0 : i32
        %dma_start3A_164 = arith.constant 0 : i32
        %dma_start3A_165 = tpu.memref_slice %arg10[%dma_start3A_163, %dma_start3A_164] : memref<10240x128xf32, #tpu.memory_space<vmem_shared>> -> memref<10240x128xf32, #tpu.memory_space<vmem_shared>>
        tpu.enqueue_indirect_dma source(%arg9 : memref<128x128xf32, #tpu.memory_space<vmem>>) target(%dma_start3A_165 : memref<10240x128xf32, #tpu.memory_space<vmem_shared>>) offsets(%dma_start3A_162 : memref<128xi32, #tpu.memory_space<vmem>>) semaphore(%run_scoped3A_159 : memref<!tpu.dma_semaphore, #tpu.memory_space<semaphore_mem>>) {add = true}
        %dma_wait3A_166 = arith.constant 0 : i32
        %dma_wait3A_167 = tpu.memref_slice %arg7[%add3A_158, %dma_wait3A_166] : memref<40x128xi32, #tpu.memory_space<vmem>> -> memref<1x128xi32, #tpu.memory_space<vmem>>
        %dma_wait3A_168 = tpu.memref_squeeze %dma_wait3A_167 : memref<1x128xi32, #tpu.memory_space<vmem>> -> memref<128xi32, #tpu.memory_space<vmem>>
        %dma_wait3A_169 = arith.constant 0 : i32
        %dma_wait3A_170 = arith.constant 0 : i32
        %dma_wait3A_171 = tpu.memref_slice %arg10[%dma_wait3A_169, %dma_wait3A_170] : memref<10240x128xf32, #tpu.memory_space<vmem_shared>> -> memref<10240x128xf32, #tpu.memory_space<vmem_shared>>
        tpu.wait_indirect_dma semaphore(%run_scoped3A_159 : memref<!tpu.dma_semaphore, #tpu.memory_space<semaphore_mem>>) src(%arg9 : memref<128x128xf32, #tpu.memory_space<vmem>>) dst(%dma_wait3A_171 : memref<10240x128xf32, #tpu.memory_space<vmem_shared>>)
        tpu.yield
      }) : () -> ()
    }
    %scan3A_57 = arith.constant 20 : i32
    %run_scoped3A_58 = arith.constant 1 : i32
    "tpu.region"() ({
      %run_scoped3A_101 = tpu.sem_alloc : memref<!tpu.dma_semaphore, #tpu.memory_space<semaphore_mem>>
      %dma_start3A_102 = arith.constant 0 : i32
      %dma_start3A_103 = arith.constant 0 : i32
      %dma_start3A_104 = tpu.memref_slice %arg3[%arg1, %run_scoped3A_58, %dma_start3A_102, %dma_start3A_103] : memref<16x2x40x128xi32, #tpu.memory_space<hbm>> -> memref<1x1x40x128xi32, #tpu.memory_space<hbm>>
      %dma_start3A_105 = tpu.memref_squeeze %dma_start3A_104 : memref<1x1x40x128xi32, #tpu.memory_space<hbm>> -> memref<40x128xi32, #tpu.memory_space<hbm>>
      %dma_start3A_106 = arith.constant 0 : i32
      %dma_start3A_107 = arith.constant 0 : i32
      %dma_start3A_108 = tpu.memref_slice %arg3[%arg1, %run_scoped3A_58, %dma_start3A_106, %dma_start3A_107] : memref<16x2x40x128xi32, #tpu.memory_space<hbm>> -> memref<1x1x40x128xi32, #tpu.memory_space<hbm>>
      %dma_start3A_109 = tpu.memref_squeeze %dma_start3A_108 : memref<1x1x40x128xi32, #tpu.memory_space<hbm>> -> memref<40x128xi32, #tpu.memory_space<hbm>>
      tpu.enqueue_dma source(%dma_start3A_109 : memref<40x128xi32, #tpu.memory_space<hbm>>) target(%arg6 : memref<40x128xi32, #tpu.memory_space<vmem>>) target_semaphore(%run_scoped3A_101 : memref<!tpu.dma_semaphore, #tpu.memory_space<semaphore_mem>>)
      %dma_wait3A = arith.constant 0 : i32
      %dma_wait3A_110 = arith.constant 0 : i32
      %dma_wait3A_111 = tpu.memref_slice %arg3[%arg1, %run_scoped3A_58, %dma_wait3A, %dma_wait3A_110] : memref<16x2x40x128xi32, #tpu.memory_space<hbm>> -> memref<1x1x40x128xi32, #tpu.memory_space<hbm>>
      %dma_wait3A_112 = tpu.memref_squeeze %dma_wait3A_111 : memref<1x1x40x128xi32, #tpu.memory_space<hbm>> -> memref<40x128xi32, #tpu.memory_space<hbm>>
      %dma_wait3A_113 = arith.constant 0 : i32
      %dma_wait3A_114 = arith.constant 0 : i32
      %dma_wait3A_115 = tpu.memref_slice %arg3[%arg1, %run_scoped3A_58, %dma_wait3A_113, %dma_wait3A_114] : memref<16x2x40x128xi32, #tpu.memory_space<hbm>> -> memref<1x1x40x128xi32, #tpu.memory_space<hbm>>
      %dma_wait3A_116 = tpu.memref_squeeze %dma_wait3A_115 : memref<1x1x40x128xi32, #tpu.memory_space<hbm>> -> memref<40x128xi32, #tpu.memory_space<hbm>>
      tpu.wait_dma2 semaphore(%run_scoped3A_101 : memref<!tpu.dma_semaphore, #tpu.memory_space<semaphore_mem>>) src(%dma_wait3A_116 : memref<40x128xi32, #tpu.memory_space<hbm>>) dst(%arg6 : memref<40x128xi32, #tpu.memory_space<vmem>>)
      tpu.yield
    }) : () -> ()
    %run_scoped3A_59 = arith.constant 1 : i32
    "tpu.region"() ({
      %run_scoped3A_101 = tpu.sem_alloc : memref<!tpu.dma_semaphore, #tpu.memory_space<semaphore_mem>>
      %dma_start3A_102 = arith.constant 0 : i32
      %dma_start3A_103 = arith.constant 0 : i32
      %dma_start3A_104 = tpu.memref_slice %arg4[%arg1, %run_scoped3A_59, %dma_start3A_102, %dma_start3A_103] : memref<16x2x40x128xi32, #tpu.memory_space<hbm>> -> memref<1x1x40x128xi32, #tpu.memory_space<hbm>>
      %dma_start3A_105 = tpu.memref_squeeze %dma_start3A_104 : memref<1x1x40x128xi32, #tpu.memory_space<hbm>> -> memref<40x128xi32, #tpu.memory_space<hbm>>
      %dma_start3A_106 = arith.constant 0 : i32
      %dma_start3A_107 = arith.constant 0 : i32
      %dma_start3A_108 = tpu.memref_slice %arg4[%arg1, %run_scoped3A_59, %dma_start3A_106, %dma_start3A_107] : memref<16x2x40x128xi32, #tpu.memory_space<hbm>> -> memref<1x1x40x128xi32, #tpu.memory_space<hbm>>
      %dma_start3A_109 = tpu.memref_squeeze %dma_start3A_108 : memref<1x1x40x128xi32, #tpu.memory_space<hbm>> -> memref<40x128xi32, #tpu.memory_space<hbm>>
      tpu.enqueue_dma source(%dma_start3A_109 : memref<40x128xi32, #tpu.memory_space<hbm>>) target(%arg7 : memref<40x128xi32, #tpu.memory_space<vmem>>) target_semaphore(%run_scoped3A_101 : memref<!tpu.dma_semaphore, #tpu.memory_space<semaphore_mem>>)
      %dma_wait3A = arith.constant 0 : i32
      %dma_wait3A_110 = arith.constant 0 : i32
      %dma_wait3A_111 = tpu.memref_slice %arg4[%arg1, %run_scoped3A_59, %dma_wait3A, %dma_wait3A_110] : memref<16x2x40x128xi32, #tpu.memory_space<hbm>> -> memref<1x1x40x128xi32, #tpu.memory_space<hbm>>
      %dma_wait3A_112 = tpu.memref_squeeze %dma_wait3A_111 : memref<1x1x40x128xi32, #tpu.memory_space<hbm>> -> memref<40x128xi32, #tpu.memory_space<hbm>>
      %dma_wait3A_113 = arith.constant 0 : i32
      %dma_wait3A_114 = arith.constant 0 : i32
      %dma_wait3A_115 = tpu.memref_slice %arg4[%arg1, %run_scoped3A_59, %dma_wait3A_113, %dma_wait3A_114] : memref<16x2x40x128xi32, #tpu.memory_space<hbm>> -> memref<1x1x40x128xi32, #tpu.memory_space<hbm>>
      %dma_wait3A_116 = tpu.memref_squeeze %dma_wait3A_115 : memref<1x1x40x128xi32, #tpu.memory_space<hbm>> -> memref<40x128xi32, #tpu.memory_space<hbm>>
      tpu.wait_dma2 semaphore(%run_scoped3A_101 : memref<!tpu.dma_semaphore, #tpu.memory_space<semaphore_mem>>) src(%dma_wait3A_116 : memref<40x128xi32, #tpu.memory_space<hbm>>) dst(%arg7 : memref<40x128xi32, #tpu.memory_space<vmem>>)
      tpu.yield
    }) : () -> ()
    %dma_start3A_60 = arith.constant 0 : i32
    %dma_start3A_61 = arith.constant 0 : i32
    %dma_start3A_62 = arith.constant 0 : i32
    %dma_start3A_63 = tpu.memref_slice %arg8[%dma_start3A_61, %dma_start3A_62] : memref<128x128xf32, #tpu.memory_space<vmem>> -> memref<64x128xf32, #tpu.memory_space<vmem>>
    %dma_start3A_64 = arith.constant 0 : i32
    %dma_start3A_65 = tpu.memref_slice %arg6[%dma_start3A_60, %dma_start3A_64] : memref<40x128xi32, #tpu.memory_space<vmem>> -> memref<1x64xi32, #tpu.memory_space<vmem>>
    %dma_start3A_66 = tpu.memref_squeeze %dma_start3A_65 : memref<1x64xi32, #tpu.memory_space<vmem>> -> memref<64xi32, #tpu.memory_space<vmem>>
    %dma_start3A_67 = arith.constant 0 : i32
    %dma_start3A_68 = arith.constant 0 : i32
    %dma_start3A_69 = tpu.memref_slice %arg2[%arg0, %dma_start3A_67, %dma_start3A_68] : memref<2x10000x128xf32, #tpu.memory_space<hbm>> -> memref<1x10000x128xf32, #tpu.memory_space<hbm>>
    %dma_start3A_70 = tpu.memref_squeeze %dma_start3A_69 : memref<1x10000x128xf32, #tpu.memory_space<hbm>> -> memref<10000x128xf32, #tpu.memory_space<hbm>>
    %dma_start3A_71 = arith.constant 0 : i32
    %dma_start3A_72 = arith.constant 0 : i32
    %dma_start3A_73 = tpu.memref_slice %dma_start3A_70[%dma_start3A_71, %dma_start3A_72] : memref<10000x128xf32, #tpu.memory_space<hbm>> -> memref<10000x128xf32, #tpu.memory_space<hbm>>
    tpu.enqueue_indirect_dma source(%dma_start3A_73 : memref<10000x128xf32, #tpu.memory_space<hbm>>) target(%dma_start3A_63 : memref<64x128xf32, #tpu.memory_space<vmem>>) offsets(%dma_start3A_66 : memref<64xi32, #tpu.memory_space<vmem>>) semaphore(%arg11 : memref<!tpu.dma_semaphore, #tpu.memory_space<semaphore_mem>>)
    %dma_start3A_74 = arith.constant 0 : i32
    %dma_start3A_75 = arith.constant 64 : i32
    %dma_start3A_76 = arith.constant 0 : i32
    %dma_start3A_77 = tpu.memref_slice %arg8[%dma_start3A_75, %dma_start3A_76] : memref<128x128xf32, #tpu.memory_space<vmem>> -> memref<64x128xf32, #tpu.memory_space<vmem>>
    %dma_start3A_78 = arith.constant 64 : i32
    %dma_start3A_79 = tpu.memref_slice %arg6[%dma_start3A_74, %dma_start3A_78] : memref<40x128xi32, #tpu.memory_space<vmem>> -> memref<1x64xi32, #tpu.memory_space<vmem>>
    %dma_start3A_80 = tpu.memref_squeeze %dma_start3A_79 : memref<1x64xi32, #tpu.memory_space<vmem>> -> memref<64xi32, #tpu.memory_space<vmem>>
    %dma_start3A_81 = arith.constant 0 : i32
    %dma_start3A_82 = arith.constant 0 : i32
    %dma_start3A_83 = tpu.memref_slice %arg2[%arg0, %dma_start3A_81, %dma_start3A_82] : memref<2x10000x128xf32, #tpu.memory_space<hbm>> -> memref<1x10000x128xf32, #tpu.memory_space<hbm>>
    %dma_start3A_84 = tpu.memref_squeeze %dma_start3A_83 : memref<1x10000x128xf32, #tpu.memory_space<hbm>> -> memref<10000x128xf32, #tpu.memory_space<hbm>>
    %dma_start3A_85 = arith.constant 0 : i32
    %dma_start3A_86 = arith.constant 0 : i32
    %dma_start3A_87 = tpu.memref_slice %dma_start3A_84[%dma_start3A_85, %dma_start3A_86] : memref<10000x128xf32, #tpu.memory_space<hbm>> -> memref<10000x128xf32, #tpu.memory_space<hbm>>
    tpu.enqueue_indirect_dma source(%dma_start3A_87 : memref<10000x128xf32, #tpu.memory_space<hbm>>) target(%dma_start3A_77 : memref<64x128xf32, #tpu.memory_space<vmem>>) offsets(%dma_start3A_80 : memref<64xi32, #tpu.memory_space<vmem>>) semaphore(%arg11 : memref<!tpu.dma_semaphore, #tpu.memory_space<semaphore_mem>>)
    %scan3A_88 = arith.constant 0 : i32
    %scan3A_89 = arith.constant 0 : i32
    %scan3A_90 = arith.constant 20 : i32
    %scan3A_91 = arith.addi %scan3A_89, %scan3A_90 : i32
    %scan3A_92 = arith.constant 1 : i32
    scf.for %scan3A_101 = %scan3A_89 to %scan3A_91 step %scan3A_92  : i32 {
      %mul3A_102 = arith.constant 2 : i32
      %mul3A_103 = arith.muli %mul3A_102, %scan3A_101 : i32
      %add3A_104 = arith.constant 1 : i32
      %add3A_105 = arith.addi %mul3A_103, %add3A_104 : i32
      %dma_start3A_106 = arith.constant 0 : i32
      %dma_start3A_107 = arith.constant 0 : i32
      %dma_start3A_108 = tpu.memref_slice %arg9[%dma_start3A_106, %dma_start3A_107] : memref<128x128xf32, #tpu.memory_space<vmem>> -> memref<64x128xf32, #tpu.memory_space<vmem>>
      %dma_start3A_109 = arith.constant 0 : i32
      %dma_start3A_110 = tpu.memref_slice %arg6[%add3A_105, %dma_start3A_109] : memref<40x128xi32, #tpu.memory_space<vmem>> -> memref<1x64xi32, #tpu.memory_space<vmem>>
      %dma_start3A_111 = tpu.memref_squeeze %dma_start3A_110 : memref<1x64xi32, #tpu.memory_space<vmem>> -> memref<64xi32, #tpu.memory_space<vmem>>
      %dma_start3A_112 = arith.constant 0 : i32
      %dma_start3A_113 = arith.constant 0 : i32
      %dma_start3A_114 = tpu.memref_slice %arg2[%arg0, %dma_start3A_112, %dma_start3A_113] : memref<2x10000x128xf32, #tpu.memory_space<hbm>> -> memref<1x10000x128xf32, #tpu.memory_space<hbm>>
      %dma_start3A_115 = tpu.memref_squeeze %dma_start3A_114 : memref<1x10000x128xf32, #tpu.memory_space<hbm>> -> memref<10000x128xf32, #tpu.memory_space<hbm>>
      %dma_start3A_116 = arith.constant 0 : i32
      %dma_start3A_117 = arith.constant 0 : i32
      %dma_start3A_118 = tpu.memref_slice %dma_start3A_115[%dma_start3A_116, %dma_start3A_117] : memref<10000x128xf32, #tpu.memory_space<hbm>> -> memref<10000x128xf32, #tpu.memory_space<hbm>>
      tpu.enqueue_indirect_dma source(%dma_start3A_118 : memref<10000x128xf32, #tpu.memory_space<hbm>>) target(%dma_start3A_108 : memref<64x128xf32, #tpu.memory_space<vmem>>) offsets(%dma_start3A_111 : memref<64xi32, #tpu.memory_space<vmem>>) semaphore(%arg12 : memref<!tpu.dma_semaphore, #tpu.memory_space<semaphore_mem>>)
      %dma_start3A_119 = arith.constant 64 : i32
      %dma_start3A_120 = arith.constant 0 : i32
      %dma_start3A_121 = tpu.memref_slice %arg9[%dma_start3A_119, %dma_start3A_120] : memref<128x128xf32, #tpu.memory_space<vmem>> -> memref<64x128xf32, #tpu.memory_space<vmem>>
      %dma_start3A_122 = arith.constant 64 : i32
      %dma_start3A_123 = tpu.memref_slice %arg6[%add3A_105, %dma_start3A_122] : memref<40x128xi32, #tpu.memory_space<vmem>> -> memref<1x64xi32, #tpu.memory_space<vmem>>
      %dma_start3A_124 = tpu.memref_squeeze %dma_start3A_123 : memref<1x64xi32, #tpu.memory_space<vmem>> -> memref<64xi32, #tpu.memory_space<vmem>>
      %dma_start3A_125 = arith.constant 0 : i32
      %dma_start3A_126 = arith.constant 0 : i32
      %dma_start3A_127 = tpu.memref_slice %arg2[%arg0, %dma_start3A_125, %dma_start3A_126] : memref<2x10000x128xf32, #tpu.memory_space<hbm>> -> memref<1x10000x128xf32, #tpu.memory_space<hbm>>
      %dma_start3A_128 = tpu.memref_squeeze %dma_start3A_127 : memref<1x10000x128xf32, #tpu.memory_space<hbm>> -> memref<10000x128xf32, #tpu.memory_space<hbm>>
      %dma_start3A_129 = arith.constant 0 : i32
      %dma_start3A_130 = arith.constant 0 : i32
      %dma_start3A_131 = tpu.memref_slice %dma_start3A_128[%dma_start3A_129, %dma_start3A_130] : memref<10000x128xf32, #tpu.memory_space<hbm>> -> memref<10000x128xf32, #tpu.memory_space<hbm>>
      tpu.enqueue_indirect_dma source(%dma_start3A_131 : memref<10000x128xf32, #tpu.memory_space<hbm>>) target(%dma_start3A_121 : memref<64x128xf32, #tpu.memory_space<vmem>>) offsets(%dma_start3A_124 : memref<64xi32, #tpu.memory_space<vmem>>) semaphore(%arg12 : memref<!tpu.dma_semaphore, #tpu.memory_space<semaphore_mem>>)
      %dma_wait3A = arith.constant 0 : i32
      %dma_wait3A_132 = arith.constant 0 : i32
      %dma_wait3A_133 = tpu.memref_slice %arg6[%dma_wait3A, %dma_wait3A_132] : memref<40x128xi32, #tpu.memory_space<vmem>> -> memref<1x128xi32, #tpu.memory_space<vmem>>
      %dma_wait3A_134 = tpu.memref_squeeze %dma_wait3A_133 : memref<1x128xi32, #tpu.memory_space<vmem>> -> memref<128xi32, #tpu.memory_space<vmem>>
      %dma_wait3A_135 = arith.constant 0 : i32
      %dma_wait3A_136 = arith.constant 0 : i32
      %dma_wait3A_137 = tpu.memref_slice %arg2[%arg0, %dma_wait3A_135, %dma_wait3A_136] : memref<2x10000x128xf32, #tpu.memory_space<hbm>> -> memref<1x10000x128xf32, #tpu.memory_space<hbm>>
      %dma_wait3A_138 = tpu.memref_squeeze %dma_wait3A_137 : memref<1x10000x128xf32, #tpu.memory_space<hbm>> -> memref<10000x128xf32, #tpu.memory_space<hbm>>
      %dma_wait3A_139 = arith.constant 0 : i32
      %dma_wait3A_140 = arith.constant 0 : i32
      %dma_wait3A_141 = tpu.memref_slice %dma_wait3A_138[%dma_wait3A_139, %dma_wait3A_140] : memref<10000x128xf32, #tpu.memory_space<hbm>> -> memref<10000x128xf32, #tpu.memory_space<hbm>>
      tpu.wait_indirect_dma semaphore(%arg11 : memref<!tpu.dma_semaphore, #tpu.memory_space<semaphore_mem>>) src(%dma_wait3A_141 : memref<10000x128xf32, #tpu.memory_space<hbm>>) dst(%arg8 : memref<128x128xf32, #tpu.memory_space<vmem>>)
      "tpu.region"() ({
        %run_scoped3A_159 = tpu.sem_alloc : memref<!tpu.dma_semaphore, #tpu.memory_space<semaphore_mem>>
        %dma_start3A_160 = arith.constant 0 : i32
        %dma_start3A_161 = tpu.memref_slice %arg7[%mul3A_103, %dma_start3A_160] : memref<40x128xi32, #tpu.memory_space<vmem>> -> memref<1x128xi32, #tpu.memory_space<vmem>>
        %dma_start3A_162 = tpu.memref_squeeze %dma_start3A_161 : memref<1x128xi32, #tpu.memory_space<vmem>> -> memref<128xi32, #tpu.memory_space<vmem>>
        %dma_start3A_163 = arith.constant 0 : i32
        %dma_start3A_164 = arith.constant 0 : i32
        %dma_start3A_165 = tpu.memref_slice %arg10[%dma_start3A_163, %dma_start3A_164] : memref<10240x128xf32, #tpu.memory_space<vmem_shared>> -> memref<10240x128xf32, #tpu.memory_space<vmem_shared>>
        tpu.enqueue_indirect_dma source(%arg8 : memref<128x128xf32, #tpu.memory_space<vmem>>) target(%dma_start3A_165 : memref<10240x128xf32, #tpu.memory_space<vmem_shared>>) offsets(%dma_start3A_162 : memref<128xi32, #tpu.memory_space<vmem>>) semaphore(%run_scoped3A_159 : memref<!tpu.dma_semaphore, #tpu.memory_space<semaphore_mem>>) {add = true}
        %dma_wait3A_166 = arith.constant 0 : i32
        %dma_wait3A_167 = tpu.memref_slice %arg7[%mul3A_103, %dma_wait3A_166] : memref<40x128xi32, #tpu.memory_space<vmem>> -> memref<1x128xi32, #tpu.memory_space<vmem>>
        %dma_wait3A_168 = tpu.memref_squeeze %dma_wait3A_167 : memref<1x128xi32, #tpu.memory_space<vmem>> -> memref<128xi32, #tpu.memory_space<vmem>>
        %dma_wait3A_169 = arith.constant 0 : i32
        %dma_wait3A_170 = arith.constant 0 : i32
        %dma_wait3A_171 = tpu.memref_slice %arg10[%dma_wait3A_169, %dma_wait3A_170] : memref<10240x128xf32, #tpu.memory_space<vmem_shared>> -> memref<10240x128xf32, #tpu.memory_space<vmem_shared>>
        tpu.wait_indirect_dma semaphore(%run_scoped3A_159 : memref<!tpu.dma_semaphore, #tpu.memory_space<semaphore_mem>>) src(%arg8 : memref<128x128xf32, #tpu.memory_space<vmem>>) dst(%dma_wait3A_171 : memref<10240x128xf32, #tpu.memory_space<vmem_shared>>)
        tpu.yield
      }) : () -> ()
      %lt3A = arith.constant 19 : i32
      %lt3A_142 = arith.cmpi slt, %scan3A_101, %lt3A : i32
      %convert_element_type3A_143 = arith.extui %lt3A_142 : i1 to i32
      %cond3A_144 = arith.constant 0 : i32
      %cond3A_145 = arith.cmpi ne, %convert_element_type3A_143, %cond3A_144 : i32
      scf.if %cond3A_145 {
        %add3A_159 = arith.constant 2 : i32
        %add3A_160 = arith.addi %mul3A_103, %add3A_159 : i32
        %dma_start3A_161 = arith.constant 0 : i32
        %dma_start3A_162 = arith.constant 0 : i32
        %dma_start3A_163 = tpu.memref_slice %arg8[%dma_start3A_161, %dma_start3A_162] : memref<128x128xf32, #tpu.memory_space<vmem>> -> memref<64x128xf32, #tpu.memory_space<vmem>>
        %dma_start3A_164 = arith.constant 0 : i32
        %dma_start3A_165 = tpu.memref_slice %arg6[%add3A_160, %dma_start3A_164] : memref<40x128xi32, #tpu.memory_space<vmem>> -> memref<1x64xi32, #tpu.memory_space<vmem>>
        %dma_start3A_166 = tpu.memref_squeeze %dma_start3A_165 : memref<1x64xi32, #tpu.memory_space<vmem>> -> memref<64xi32, #tpu.memory_space<vmem>>
        %dma_start3A_167 = arith.constant 0 : i32
        %dma_start3A_168 = arith.constant 0 : i32
        %dma_start3A_169 = tpu.memref_slice %arg2[%arg0, %dma_start3A_167, %dma_start3A_168] : memref<2x10000x128xf32, #tpu.memory_space<hbm>> -> memref<1x10000x128xf32, #tpu.memory_space<hbm>>
        %dma_start3A_170 = tpu.memref_squeeze %dma_start3A_169 : memref<1x10000x128xf32, #tpu.memory_space<hbm>> -> memref<10000x128xf32, #tpu.memory_space<hbm>>
        %dma_start3A_171 = arith.constant 0 : i32
        %dma_start3A_172 = arith.constant 0 : i32
        %dma_start3A_173 = tpu.memref_slice %dma_start3A_170[%dma_start3A_171, %dma_start3A_172] : memref<10000x128xf32, #tpu.memory_space<hbm>> -> memref<10000x128xf32, #tpu.memory_space<hbm>>
        tpu.enqueue_indirect_dma source(%dma_start3A_173 : memref<10000x128xf32, #tpu.memory_space<hbm>>) target(%dma_start3A_163 : memref<64x128xf32, #tpu.memory_space<vmem>>) offsets(%dma_start3A_166 : memref<64xi32, #tpu.memory_space<vmem>>) semaphore(%arg11 : memref<!tpu.dma_semaphore, #tpu.memory_space<semaphore_mem>>)
        %dma_start3A_174 = arith.constant 64 : i32
        %dma_start3A_175 = arith.constant 0 : i32
        %dma_start3A_176 = tpu.memref_slice %arg8[%dma_start3A_174, %dma_start3A_175] : memref<128x128xf32, #tpu.memory_space<vmem>> -> memref<64x128xf32, #tpu.memory_space<vmem>>
        %dma_start3A_177 = arith.constant 64 : i32
        %dma_start3A_178 = tpu.memref_slice %arg6[%add3A_160, %dma_start3A_177] : memref<40x128xi32, #tpu.memory_space<vmem>> -> memref<1x64xi32, #tpu.memory_space<vmem>>
        %dma_start3A_179 = tpu.memref_squeeze %dma_start3A_178 : memref<1x64xi32, #tpu.memory_space<vmem>> -> memref<64xi32, #tpu.memory_space<vmem>>
        %dma_start3A_180 = arith.constant 0 : i32
        %dma_start3A_181 = arith.constant 0 : i32
        %dma_start3A_182 = tpu.memref_slice %arg2[%arg0, %dma_start3A_180, %dma_start3A_181] : memref<2x10000x128xf32, #tpu.memory_space<hbm>> -> memref<1x10000x128xf32, #tpu.memory_space<hbm>>
        %dma_start3A_183 = tpu.memref_squeeze %dma_start3A_182 : memref<1x10000x128xf32, #tpu.memory_space<hbm>> -> memref<10000x128xf32, #tpu.memory_space<hbm>>
        %dma_start3A_184 = arith.constant 0 : i32
        %dma_start3A_185 = arith.constant 0 : i32
        %dma_start3A_186 = tpu.memref_slice %dma_start3A_183[%dma_start3A_184, %dma_start3A_185] : memref<10000x128xf32, #tpu.memory_space<hbm>> -> memref<10000x128xf32, #tpu.memory_space<hbm>>
        tpu.enqueue_indirect_dma source(%dma_start3A_186 : memref<10000x128xf32, #tpu.memory_space<hbm>>) target(%dma_start3A_176 : memref<64x128xf32, #tpu.memory_space<vmem>>) offsets(%dma_start3A_179 : memref<64xi32, #tpu.memory_space<vmem>>) semaphore(%arg11 : memref<!tpu.dma_semaphore, #tpu.memory_space<semaphore_mem>>)
      } else {
      }
      %dma_wait3A_146 = arith.constant 0 : i32
      %dma_wait3A_147 = arith.constant 0 : i32
      %dma_wait3A_148 = tpu.memref_slice %arg6[%dma_wait3A_146, %dma_wait3A_147] : memref<40x128xi32, #tpu.memory_space<vmem>> -> memref<1x128xi32, #tpu.memory_space<vmem>>
      %dma_wait3A_149 = tpu.memref_squeeze %dma_wait3A_148 : memref<1x128xi32, #tpu.memory_space<vmem>> -> memref<128xi32, #tpu.memory_space<vmem>>
      %dma_wait3A_150 = arith.constant 0 : i32
      %dma_wait3A_151 = arith.constant 0 : i32
      %dma_wait3A_152 = tpu.memref_slice %arg2[%arg0, %dma_wait3A_150, %dma_wait3A_151] : memref<2x10000x128xf32, #tpu.memory_space<hbm>> -> memref<1x10000x128xf32, #tpu.memory_space<hbm>>
      %dma_wait3A_153 = tpu.memref_squeeze %dma_wait3A_152 : memref<1x10000x128xf32, #tpu.memory_space<hbm>> -> memref<10000x128xf32, #tpu.memory_space<hbm>>
      %dma_wait3A_154 = arith.constant 0 : i32
      %dma_wait3A_155 = arith.constant 0 : i32
      %dma_wait3A_156 = tpu.memref_slice %dma_wait3A_153[%dma_wait3A_154, %dma_wait3A_155] : memref<10000x128xf32, #tpu.memory_space<hbm>> -> memref<10000x128xf32, #tpu.memory_space<hbm>>
      tpu.wait_indirect_dma semaphore(%arg12 : memref<!tpu.dma_semaphore, #tpu.memory_space<semaphore_mem>>) src(%dma_wait3A_156 : memref<10000x128xf32, #tpu.memory_space<hbm>>) dst(%arg9 : memref<128x128xf32, #tpu.memory_space<vmem>>)
      %add3A_157 = arith.constant 1 : i32
      %add3A_158 = arith.addi %mul3A_103, %add3A_157 : i32
      "tpu.region"() ({
        %run_scoped3A_159 = tpu.sem_alloc : memref<!tpu.dma_semaphore, #tpu.memory_space<semaphore_mem>>
        %dma_start3A_160 = arith.constant 0 : i32
        %dma_start3A_161 = tpu.memref_slice %arg7[%add3A_158, %dma_start3A_160] : memref<40x128xi32, #tpu.memory_space<vmem>> -> memref<1x128xi32, #tpu.memory_space<vmem>>
        %dma_start3A_162 = tpu.memref_squeeze %dma_start3A_161 : memref<1x128xi32, #tpu.memory_space<vmem>> -> memref<128xi32, #tpu.memory_space<vmem>>
        %dma_start3A_163 = arith.constant 0 : i32
        %dma_start3A_164 = arith.constant 0 : i32
        %dma_start3A_165 = tpu.memref_slice %arg10[%dma_start3A_163, %dma_start3A_164] : memref<10240x128xf32, #tpu.memory_space<vmem_shared>> -> memref<10240x128xf32, #tpu.memory_space<vmem_shared>>
        tpu.enqueue_indirect_dma source(%arg9 : memref<128x128xf32, #tpu.memory_space<vmem>>) target(%dma_start3A_165 : memref<10240x128xf32, #tpu.memory_space<vmem_shared>>) offsets(%dma_start3A_162 : memref<128xi32, #tpu.memory_space<vmem>>) semaphore(%run_scoped3A_159 : memref<!tpu.dma_semaphore, #tpu.memory_space<semaphore_mem>>) {add = true}
        %dma_wait3A_166 = arith.constant 0 : i32
        %dma_wait3A_167 = tpu.memref_slice %arg7[%add3A_158, %dma_wait3A_166] : memref<40x128xi32, #tpu.memory_space<vmem>> -> memref<1x128xi32, #tpu.memory_space<vmem>>
        %dma_wait3A_168 = tpu.memref_squeeze %dma_wait3A_167 : memref<1x128xi32, #tpu.memory_space<vmem>> -> memref<128xi32, #tpu.memory_space<vmem>>
        %dma_wait3A_169 = arith.constant 0 : i32
        %dma_wait3A_170 = arith.constant 0 : i32
        %dma_wait3A_171 = tpu.memref_slice %arg10[%dma_wait3A_169, %dma_wait3A_170] : memref<10240x128xf32, #tpu.memory_space<vmem_shared>> -> memref<10240x128xf32, #tpu.memory_space<vmem_shared>>
        tpu.wait_indirect_dma semaphore(%run_scoped3A_159 : memref<!tpu.dma_semaphore, #tpu.memory_space<semaphore_mem>>) src(%arg9 : memref<128x128xf32, #tpu.memory_space<vmem>>) dst(%dma_wait3A_171 : memref<10240x128xf32, #tpu.memory_space<vmem_shared>>)
        tpu.yield
      }) : () -> ()
    }
    %scan3A_93 = arith.constant 20 : i32
    %barrier3A_94 = arith.constant 0 : index
    tpu.barrier barrier_id(%barrier3A_94)
    %mul3A_95 = arith.constant 624 : i32
    %mul3A_96 = arith.muli %arg1, %mul3A_95 : i32
    %mul3A_97 = arith.constant 624 : i32
    %mul3A_98 = arith.muli %arg1, %mul3A_97 : i32
    "tpu.region"() ({
      %run_scoped3A_101 = tpu.sem_alloc : memref<!tpu.dma_semaphore, #tpu.memory_space<semaphore_mem>>
      %dma_start3A_102 = arith.constant 0 : i32
      %dma_start3A_103 = arith.constant 0 : i32
      %dma_start3A_104 = tpu.memref_slice %arg5[%arg0, %dma_start3A_102, %dma_start3A_103] : memref<2x10000x128xf32, #tpu.memory_space<hbm>> -> memref<1x10000x128xf32, #tpu.memory_space<hbm>>
      %dma_start3A_105 = tpu.memref_squeeze %dma_start3A_104 : memref<1x10000x128xf32, #tpu.memory_space<hbm>> -> memref<10000x128xf32, #tpu.memory_space<hbm>>
      %dma_start3A_106 = arith.constant 0 : i32
      %dma_start3A_107 = tpu.memref_slice %dma_start3A_105[%mul3A_98, %dma_start3A_106] : memref<10000x128xf32, #tpu.memory_space<hbm>> -> memref<624x128xf32, #tpu.memory_space<hbm>>
      %dma_start3A_108 = arith.constant 0 : i32
      %dma_start3A_109 = tpu.memref_slice %arg10[%mul3A_96, %dma_start3A_108] : memref<10240x128xf32, #tpu.memory_space<vmem_shared>> -> memref<624x128xf32, #tpu.memory_space<vmem_shared>>
      tpu.enqueue_dma source(%dma_start3A_109 : memref<624x128xf32, #tpu.memory_space<vmem_shared>>) target(%dma_start3A_107 : memref<624x128xf32, #tpu.memory_space<hbm>>) target_semaphore(%run_scoped3A_101 : memref<!tpu.dma_semaphore, #tpu.memory_space<semaphore_mem>>)
      %dma_wait3A = arith.constant 0 : i32
      %dma_wait3A_110 = arith.constant 0 : i32
      %dma_wait3A_111 = tpu.memref_slice %arg5[%arg0, %dma_wait3A, %dma_wait3A_110] : memref<2x10000x128xf32, #tpu.memory_space<hbm>> -> memref<1x10000x128xf32, #tpu.memory_space<hbm>>
      %dma_wait3A_112 = tpu.memref_squeeze %dma_wait3A_111 : memref<1x10000x128xf32, #tpu.memory_space<hbm>> -> memref<10000x128xf32, #tpu.memory_space<hbm>>
      %dma_wait3A_113 = arith.constant 0 : i32
      %dma_wait3A_114 = tpu.memref_slice %dma_wait3A_112[%mul3A_98, %dma_wait3A_113] : memref<10000x128xf32, #tpu.memory_space<hbm>> -> memref<624x128xf32, #tpu.memory_space<hbm>>
      %dma_wait3A_115 = arith.constant 0 : i32
      %dma_wait3A_116 = tpu.memref_slice %arg10[%mul3A_96, %dma_wait3A_115] : memref<10240x128xf32, #tpu.memory_space<vmem_shared>> -> memref<624x128xf32, #tpu.memory_space<vmem_shared>>
      tpu.wait_dma2 semaphore(%run_scoped3A_101 : memref<!tpu.dma_semaphore, #tpu.memory_space<semaphore_mem>>) src(%dma_wait3A_116 : memref<624x128xf32, #tpu.memory_space<vmem_shared>>) dst(%dma_wait3A_114 : memref<624x128xf32, #tpu.memory_space<hbm>>)
      tpu.yield
    }) : () -> ()
    %eq3A = arith.constant 15 : i32
    %eq3A_99 = arith.cmpi eq, %arg1, %eq3A : i32
    %convert_element_type3A = arith.extui %eq3A_99 : i1 to i32
    %cond3A = arith.constant 0 : i32
    %cond3A_100 = arith.cmpi ne, %convert_element_type3A, %cond3A : i32
    scf.if %cond3A_100 {
      "tpu.region"() ({
        %run_scoped3A_101 = tpu.sem_alloc : memref<!tpu.dma_semaphore, #tpu.memory_space<semaphore_mem>>
        %dma_start3A_102 = arith.constant 0 : i32
        %dma_start3A_103 = arith.constant 0 : i32
        %dma_start3A_104 = tpu.memref_slice %arg5[%arg0, %dma_start3A_102, %dma_start3A_103] : memref<2x10000x128xf32, #tpu.memory_space<hbm>> -> memref<1x10000x128xf32, #tpu.memory_space<hbm>>
        %dma_start3A_105 = tpu.memref_squeeze %dma_start3A_104 : memref<1x10000x128xf32, #tpu.memory_space<hbm>> -> memref<10000x128xf32, #tpu.memory_space<hbm>>
        %dma_start3A_106 = arith.constant 9984 : i32
        %dma_start3A_107 = arith.constant 0 : i32
        %dma_start3A_108 = tpu.memref_slice %dma_start3A_105[%dma_start3A_106, %dma_start3A_107] : memref<10000x128xf32, #tpu.memory_space<hbm>> -> memref<16x128xf32, #tpu.memory_space<hbm>>
        %dma_start3A_109 = arith.constant 9984 : i32
        %dma_start3A_110 = arith.constant 0 : i32
        %dma_start3A_111 = tpu.memref_slice %arg10[%dma_start3A_109, %dma_start3A_110] : memref<10240x128xf32, #tpu.memory_space<vmem_shared>> -> memref<16x128xf32, #tpu.memory_space<vmem_shared>>
        tpu.enqueue_dma source(%dma_start3A_111 : memref<16x128xf32, #tpu.memory_space<vmem_shared>>) target(%dma_start3A_108 : memref<16x128xf32, #tpu.memory_space<hbm>>) target_semaphore(%run_scoped3A_101 : memref<!tpu.dma_semaphore, #tpu.memory_space<semaphore_mem>>)
        %dma_wait3A = arith.constant 0 : i32
        %dma_wait3A_112 = arith.constant 0 : i32
        %dma_wait3A_113 = tpu.memref_slice %arg5[%arg0, %dma_wait3A, %dma_wait3A_112] : memref<2x10000x128xf32, #tpu.memory_space<hbm>> -> memref<1x10000x128xf32, #tpu.memory_space<hbm>>
        %dma_wait3A_114 = tpu.memref_squeeze %dma_wait3A_113 : memref<1x10000x128xf32, #tpu.memory_space<hbm>> -> memref<10000x128xf32, #tpu.memory_space<hbm>>
        %dma_wait3A_115 = arith.constant 9984 : i32
        %dma_wait3A_116 = arith.constant 0 : i32
        %dma_wait3A_117 = tpu.memref_slice %dma_wait3A_114[%dma_wait3A_115, %dma_wait3A_116] : memref<10000x128xf32, #tpu.memory_space<hbm>> -> memref<16x128xf32, #tpu.memory_space<hbm>>
        %dma_wait3A_118 = arith.constant 9984 : i32
        %dma_wait3A_119 = arith.constant 0 : i32
        %dma_wait3A_120 = tpu.memref_slice %arg10[%dma_wait3A_118, %dma_wait3A_119] : memref<10240x128xf32, #tpu.memory_space<vmem_shared>> -> memref<16x128xf32, #tpu.memory_space<vmem_shared>>
        tpu.wait_dma2 semaphore(%run_scoped3A_101 : memref<!tpu.dma_semaphore, #tpu.memory_space<semaphore_mem>>) src(%dma_wait3A_120 : memref<16x128xf32, #tpu.memory_space<vmem_shared>>) dst(%dma_wait3A_117 : memref<16x128xf32, #tpu.memory_space<hbm>>)
        tpu.yield
      }) : () -> ()
    } else {
    }
    return
  }
}

#map = affine_map<(d0, d1) -> (0, 0, 0)>
#map1 = affine_map<(d0, d1) -> (0, 0, 0, 0)>
module attributes {stable_mosaic.version = 14 : i64} {
  func.func @_sc_agg_body(%arg0: i32, %arg1: i32, %arg2: memref<2x10000x128xf32, #tpu.memory_space<hbm>>, %arg3: memref<16x2x40x128xi32, #tpu.memory_space<hbm>>, %arg4: memref<16x2x40x128xi32, #tpu.memory_space<hbm>>, %arg5: memref<2x10000x128xf32, #tpu.memory_space<hbm>>, %arg6: memref<40x128xi32, #tpu.memory_space<vmem>>, %arg7: memref<40x128xi32, #tpu.memory_space<vmem>>, %arg8: memref<128x128xf32, #tpu.memory_space<vmem>>, %arg9: memref<128x128xf32, #tpu.memory_space<vmem>>, %arg10: memref<10240x128xf32, #tpu.memory_space<vmem_shared>>, %arg11: memref<!tpu.dma_semaphore, #tpu.memory_space<semaphore_mem>>, %arg12: memref<!tpu.dma_semaphore, #tpu.memory_space<semaphore_mem>>) attributes {dimension_semantics = [#tpu.dimension_semantics<core_parallel>, #tpu.dimension_semantics<subcore_parallel>], iteration_bounds = array<i64: 2, 16>, scalar_prefetch = 0 : i64, scratch_operands = 7 : i64, tpu.core_type = #tpu.core_type<sc_vector_subcore>, window_params = [{transform_indices = #map}, {transform_indices = #map1}, {transform_indices = #map1}, {transform_indices = #map}]} {
    %broadcast_in_dim3A = arith.constant 0.000000e+00 : f32
    %broadcast_in_dim3A_0 = vector.broadcast %broadcast_in_dim3A : f32 to vector<16xf32>
    %scan3A = arith.constant 0 : i32
    %scan3A_1 = arith.constant 0 : i32
    %scan3A_2 = arith.constant 128 : i32
    %scan3A_3 = arith.addi %scan3A_1, %scan3A_2 : i32
    %scan3A_4 = arith.constant 1 : i32
    scf.for %scan3A_101 = %scan3A_1 to %scan3A_3 step %scan3A_4  : i32 {
      %swap3A = arith.index_cast %scan3A_101 : i32 to index
      %swap3A_102 = arith.constant 0 : index
      %swap3A_103 = tpu.vector_load %arg8[%swap3A, %swap3A_102] {strides = array<i32>} : memref<128x128xf32, #tpu.memory_space<vmem>>, vector<1x16xf32>,
      %swap3A_104 = vector.shape_cast %swap3A_103 : vector<1x16xf32> to vector<16xf32>
      %swap3A_105 = vector.shape_cast %broadcast_in_dim3A_0 : vector<16xf32> to vector<1x16xf32>
      tpu.vector_store %arg8[%swap3A, %swap3A_102], %swap3A_105 {strides = array<i32>} : memref<128x128xf32, #tpu.memory_space<vmem>>, vector<1x16xf32>,
      %swap3A_106 = arith.index_cast %scan3A_101 : i32 to index
      %swap3A_107 = arith.constant 16 : index
      %swap3A_108 = tpu.vector_load %arg8[%swap3A_106, %swap3A_107] {strides = array<i32>} : memref<128x128xf32, #tpu.memory_space<vmem>>, vector<1x16xf32>,
      %swap3A_109 = vector.shape_cast %swap3A_108 : vector<1x16xf32> to vector<16xf32>
      %swap3A_110 = vector.shape_cast %broadcast_in_dim3A_0 : vector<16xf32> to vector<1x16xf32>
      tpu.vector_store %arg8[%swap3A_106, %swap3A_107], %swap3A_110 {strides = array<i32>} : memref<128x128xf32, #tpu.memory_space<vmem>>, vector<1x16xf32>,
      %swap3A_111 = arith.index_cast %scan3A_101 : i32 to index
      %swap3A_112 = arith.constant 32 : index
      %swap3A_113 = tpu.vector_load %arg8[%swap3A_111, %swap3A_112] {strides = array<i32>} : memref<128x128xf32, #tpu.memory_space<vmem>>, vector<1x16xf32>,
      %swap3A_114 = vector.shape_cast %swap3A_113 : vector<1x16xf32> to vector<16xf32>
      %swap3A_115 = vector.shape_cast %broadcast_in_dim3A_0 : vector<16xf32> to vector<1x16xf32>
      tpu.vector_store %arg8[%swap3A_111, %swap3A_112], %swap3A_115 {strides = array<i32>} : memref<128x128xf32, #tpu.memory_space<vmem>>, vector<1x16xf32>,
      %swap3A_116 = arith.index_cast %scan3A_101 : i32 to index
      %swap3A_117 = arith.constant 48 : index
      %swap3A_118 = tpu.vector_load %arg8[%swap3A_116, %swap3A_117] {strides = array<i32>} : memref<128x128xf32, #tpu.memory_space<vmem>>, vector<1x16xf32>,
      %swap3A_119 = vector.shape_cast %swap3A_118 : vector<1x16xf32> to vector<16xf32>
      %swap3A_120 = vector.shape_cast %broadcast_in_dim3A_0 : vector<16xf32> to vector<1x16xf32>
      tpu.vector_store %arg8[%swap3A_116, %swap3A_117], %swap3A_120 {strides = array<i32>} : memref<128x128xf32, #tpu.memory_space<vmem>>, vector<1x16xf32>,
      %swap3A_121 = arith.index_cast %scan3A_101 : i32 to index
      %swap3A_122 = arith.constant 64 : index
      %swap3A_123 = tpu.vector_load %arg8[%swap3A_121, %swap3A_122] {strides = array<i32>} : memref<128x128xf32, #tpu.memory_space<vmem>>, vector<1x16xf32>,
      %swap3A_124 = vector.shape_cast %swap3A_123 : vector<1x16xf32> to vector<16xf32>
      %swap3A_125 = vector.shape_cast %broadcast_in_dim3A_0 : vector<16xf32> to vector<1x16xf32>
      tpu.vector_store %arg8[%swap3A_121, %swap3A_122], %swap3A_125 {strides = array<i32>} : memref<128x128xf32, #tpu.memory_space<vmem>>, vector<1x16xf32>,
      %swap3A_126 = arith.index_cast %scan3A_101 : i32 to index
      %swap3A_127 = arith.constant 80 : index
      %swap3A_128 = tpu.vector_load %arg8[%swap3A_126, %swap3A_127] {strides = array<i32>} : memref<128x128xf32, #tpu.memory_space<vmem>>, vector<1x16xf32>,
      %swap3A_129 = vector.shape_cast %swap3A_128 : vector<1x16xf32> to vector<16xf32>
      %swap3A_130 = vector.shape_cast %broadcast_in_dim3A_0 : vector<16xf32> to vector<1x16xf32>
      tpu.vector_store %arg8[%swap3A_126, %swap3A_127], %swap3A_130 {strides = array<i32>} : memref<128x128xf32, #tpu.memory_space<vmem>>, vector<1x16xf32>,
      %swap3A_131 = arith.index_cast %scan3A_101 : i32 to index
      %swap3A_132 = arith.constant 96 : index
      %swap3A_133 = tpu.vector_load %arg8[%swap3A_131, %swap3A_132] {strides = array<i32>} : memref<128x128xf32, #tpu.memory_space<vmem>>, vector<1x16xf32>,
      %swap3A_134 = vector.shape_cast %swap3A_133 : vector<1x16xf32> to vector<16xf32>
      %swap3A_135 = vector.shape_cast %broadcast_in_dim3A_0 : vector<16xf32> to vector<1x16xf32>
      tpu.vector_store %arg8[%swap3A_131, %swap3A_132], %swap3A_135 {strides = array<i32>} : memref<128x128xf32, #tpu.memory_space<vmem>>, vector<1x16xf32>,
      %swap3A_136 = arith.index_cast %scan3A_101 : i32 to index
      %swap3A_137 = arith.constant 112 : index
      %swap3A_138 = tpu.vector_load %arg8[%swap3A_136, %swap3A_137] {strides = array<i32>} : memref<128x128xf32, #tpu.memory_space<vmem>>, vector<1x16xf32>,
      %swap3A_139 = vector.shape_cast %swap3A_138 : vector<1x16xf32> to vector<16xf32>
      %swap3A_140 = vector.shape_cast %broadcast_in_dim3A_0 : vector<16xf32> to vector<1x16xf32>
      tpu.vector_store %arg8[%swap3A_136, %swap3A_137], %swap3A_140 {strides = array<i32>} : memref<128x128xf32, #tpu.memory_space<vmem>>, vector<1x16xf32>,
    }
    %scan3A_5 = arith.constant 128 : i32
    %mul3A = arith.constant 640 : i32
    %mul3A_6 = arith.muli %arg1, %mul3A : i32
    %add3A = arith.constant 0 : i32
    %add3A_7 = arith.addi %mul3A_6, %add3A : i32
    "tpu.region"() ({
      %run_scoped3A_101 = tpu.sem_alloc : memref<!tpu.dma_semaphore, #tpu.memory_space<semaphore_mem>>
      %dma_start3A_102 = arith.constant 0 : i32
      %dma_start3A_103 = tpu.memref_slice %arg10[%add3A_7, %dma_start3A_102] : memref<10240x128xf32, #tpu.memory_space<vmem_shared>> -> memref<128x128xf32, #tpu.memory_space<vmem_shared>>
      %dma_start3A_104 = arith.constant 0 : i32
      %dma_start3A_105 = tpu.memref_slice %arg10[%add3A_7, %dma_start3A_104] : memref<10240x128xf32, #tpu.memory_space<vmem_shared>> -> memref<128x128xf32, #tpu.memory_space<vmem_shared>>
      tpu.enqueue_dma source(%arg8 : memref<128x128xf32, #tpu.memory_space<vmem>>) target(%dma_start3A_105 : memref<128x128xf32, #tpu.memory_space<vmem_shared>>) target_semaphore(%run_scoped3A_101 : memref<!tpu.dma_semaphore, #tpu.memory_space<semaphore_mem>>)
      %dma_wait3A = arith.constant 0 : i32
      %dma_wait3A_106 = tpu.memref_slice %arg10[%add3A_7, %dma_wait3A] : memref<10240x128xf32, #tpu.memory_space<vmem_shared>> -> memref<128x128xf32, #tpu.memory_space<vmem_shared>>
      %dma_wait3A_107 = arith.constant 0 : i32
      %dma_wait3A_108 = tpu.memref_slice %arg10[%add3A_7, %dma_wait3A_107] : memref<10240x128xf32, #tpu.memory_space<vmem_shared>> -> memref<128x128xf32, #tpu.memory_space<vmem_shared>>
      tpu.wait_dma2 semaphore(%run_scoped3A_101 : memref<!tpu.dma_semaphore, #tpu.memory_space<semaphore_mem>>) src(%arg8 : memref<128x128xf32, #tpu.memory_space<vmem>>) dst(%dma_wait3A_108 : memref<128x128xf32, #tpu.memory_space<vmem_shared>>)
      tpu.yield
    }) : () -> ()
    %mul3A_8 = arith.constant 640 : i32
    %mul3A_9 = arith.muli %arg1, %mul3A_8 : i32
    %add3A_10 = arith.constant 128 : i32
    %add3A_11 = arith.addi %mul3A_9, %add3A_10 : i32
    "tpu.region"() ({
      %run_scoped3A_101 = tpu.sem_alloc : memref<!tpu.dma_semaphore, #tpu.memory_space<semaphore_mem>>
      %dma_start3A_102 = arith.constant 0 : i32
      %dma_start3A_103 = tpu.memref_slice %arg10[%add3A_11, %dma_start3A_102] : memref<10240x128xf32, #tpu.memory_space<vmem_shared>> -> memref<128x128xf32, #tpu.memory_space<vmem_shared>>
      %dma_start3A_104 = arith.constant 0 : i32
      %dma_start3A_105 = tpu.memref_slice %arg10[%add3A_11, %dma_start3A_104] : memref<10240x128xf32, #tpu.memory_space<vmem_shared>> -> memref<128x128xf32, #tpu.memory_space<vmem_shared>>
      tpu.enqueue_dma source(%arg8 : memref<128x128xf32, #tpu.memory_space<vmem>>) target(%dma_start3A_105 : memref<128x128xf32, #tpu.memory_space<vmem_shared>>) target_semaphore(%run_scoped3A_101 : memref<!tpu.dma_semaphore, #tpu.memory_space<semaphore_mem>>)
      %dma_wait3A = arith.constant 0 : i32
      %dma_wait3A_106 = tpu.memref_slice %arg10[%add3A_11, %dma_wait3A] : memref<10240x128xf32, #tpu.memory_space<vmem_shared>> -> memref<128x128xf32, #tpu.memory_space<vmem_shared>>
      %dma_wait3A_107 = arith.constant 0 : i32
      %dma_wait3A_108 = tpu.memref_slice %arg10[%add3A_11, %dma_wait3A_107] : memref<10240x128xf32, #tpu.memory_space<vmem_shared>> -> memref<128x128xf32, #tpu.memory_space<vmem_shared>>
      tpu.wait_dma2 semaphore(%run_scoped3A_101 : memref<!tpu.dma_semaphore, #tpu.memory_space<semaphore_mem>>) src(%arg8 : memref<128x128xf32, #tpu.memory_space<vmem>>) dst(%dma_wait3A_108 : memref<128x128xf32, #tpu.memory_space<vmem_shared>>)
      tpu.yield
    }) : () -> ()
    %mul3A_12 = arith.constant 640 : i32
    %mul3A_13 = arith.muli %arg1, %mul3A_12 : i32
    %add3A_14 = arith.constant 256 : i32
    %add3A_15 = arith.addi %mul3A_13, %add3A_14 : i32
    "tpu.region"() ({
      %run_scoped3A_101 = tpu.sem_alloc : memref<!tpu.dma_semaphore, #tpu.memory_space<semaphore_mem>>
      %dma_start3A_102 = arith.constant 0 : i32
      %dma_start3A_103 = tpu.memref_slice %arg10[%add3A_15, %dma_start3A_102] : memref<10240x128xf32, #tpu.memory_space<vmem_shared>> -> memref<128x128xf32, #tpu.memory_space<vmem_shared>>
      %dma_start3A_104 = arith.constant 0 : i32
      %dma_start3A_105 = tpu.memref_slice %arg10[%add3A_15, %dma_start3A_104] : memref<10240x128xf32, #tpu.memory_space<vmem_shared>> -> memref<128x128xf32, #tpu.memory_space<vmem_shared>>
      tpu.enqueue_dma source(%arg8 : memref<128x128xf32, #tpu.memory_space<vmem>>) target(%dma_start3A_105 : memref<128x128xf32, #tpu.memory_space<vmem_shared>>) target_semaphore(%run_scoped3A_101 : memref<!tpu.dma_semaphore, #tpu.memory_space<semaphore_mem>>)
      %dma_wait3A = arith.constant 0 : i32
      %dma_wait3A_106 = tpu.memref_slice %arg10[%add3A_15, %dma_wait3A] : memref<10240x128xf32, #tpu.memory_space<vmem_shared>> -> memref<128x128xf32, #tpu.memory_space<vmem_shared>>
      %dma_wait3A_107 = arith.constant 0 : i32
      %dma_wait3A_108 = tpu.memref_slice %arg10[%add3A_15, %dma_wait3A_107] : memref<10240x128xf32, #tpu.memory_space<vmem_shared>> -> memref<128x128xf32, #tpu.memory_space<vmem_shared>>
      tpu.wait_dma2 semaphore(%run_scoped3A_101 : memref<!tpu.dma_semaphore, #tpu.memory_space<semaphore_mem>>) src(%arg8 : memref<128x128xf32, #tpu.memory_space<vmem>>) dst(%dma_wait3A_108 : memref<128x128xf32, #tpu.memory_space<vmem_shared>>)
      tpu.yield
    }) : () -> ()
    %mul3A_16 = arith.constant 640 : i32
    %mul3A_17 = arith.muli %arg1, %mul3A_16 : i32
    %add3A_18 = arith.constant 384 : i32
    %add3A_19 = arith.addi %mul3A_17, %add3A_18 : i32
    "tpu.region"() ({
      %run_scoped3A_101 = tpu.sem_alloc : memref<!tpu.dma_semaphore, #tpu.memory_space<semaphore_mem>>
      %dma_start3A_102 = arith.constant 0 : i32
      %dma_start3A_103 = tpu.memref_slice %arg10[%add3A_19, %dma_start3A_102] : memref<10240x128xf32, #tpu.memory_space<vmem_shared>> -> memref<128x128xf32, #tpu.memory_space<vmem_shared>>
      %dma_start3A_104 = arith.constant 0 : i32
      %dma_start3A_105 = tpu.memref_slice %arg10[%add3A_19, %dma_start3A_104] : memref<10240x128xf32, #tpu.memory_space<vmem_shared>> -> memref<128x128xf32, #tpu.memory_space<vmem_shared>>
      tpu.enqueue_dma source(%arg8 : memref<128x128xf32, #tpu.memory_space<vmem>>) target(%dma_start3A_105 : memref<128x128xf32, #tpu.memory_space<vmem_shared>>) target_semaphore(%run_scoped3A_101 : memref<!tpu.dma_semaphore, #tpu.memory_space<semaphore_mem>>)
      %dma_wait3A = arith.constant 0 : i32
      %dma_wait3A_106 = tpu.memref_slice %arg10[%add3A_19, %dma_wait3A] : memref<10240x128xf32, #tpu.memory_space<vmem_shared>> -> memref<128x128xf32, #tpu.memory_space<vmem_shared>>
      %dma_wait3A_107 = arith.constant 0 : i32
      %dma_wait3A_108 = tpu.memref_slice %arg10[%add3A_19, %dma_wait3A_107] : memref<10240x128xf32, #tpu.memory_space<vmem_shared>> -> memref<128x128xf32, #tpu.memory_space<vmem_shared>>
      tpu.wait_dma2 semaphore(%run_scoped3A_101 : memref<!tpu.dma_semaphore, #tpu.memory_space<semaphore_mem>>) src(%arg8 : memref<128x128xf32, #tpu.memory_space<vmem>>) dst(%dma_wait3A_108 : memref<128x128xf32, #tpu.memory_space<vmem_shared>>)
      tpu.yield
    }) : () -> ()
    %mul3A_20 = arith.constant 640 : i32
    %mul3A_21 = arith.muli %arg1, %mul3A_20 : i32
    %add3A_22 = arith.constant 512 : i32
    %add3A_23 = arith.addi %mul3A_21, %add3A_22 : i32
    "tpu.region"() ({
      %run_scoped3A_101 = tpu.sem_alloc : memref<!tpu.dma_semaphore, #tpu.memory_space<semaphore_mem>>
      %dma_start3A_102 = arith.constant 0 : i32
      %dma_start3A_103 = tpu.memref_slice %arg10[%add3A_23, %dma_start3A_102] : memref<10240x128xf32, #tpu.memory_space<vmem_shared>> -> memref<128x128xf32, #tpu.memory_space<vmem_shared>>
      %dma_start3A_104 = arith.constant 0 : i32
      %dma_start3A_105 = tpu.memref_slice %arg10[%add3A_23, %dma_start3A_104] : memref<10240x128xf32, #tpu.memory_space<vmem_shared>> -> memref<128x128xf32, #tpu.memory_space<vmem_shared>>
      tpu.enqueue_dma source(%arg8 : memref<128x128xf32, #tpu.memory_space<vmem>>) target(%dma_start3A_105 : memref<128x128xf32, #tpu.memory_space<vmem_shared>>) target_semaphore(%run_scoped3A_101 : memref<!tpu.dma_semaphore, #tpu.memory_space<semaphore_mem>>)
      %dma_wait3A = arith.constant 0 : i32
      %dma_wait3A_106 = tpu.memref_slice %arg10[%add3A_23, %dma_wait3A] : memref<10240x128xf32, #tpu.memory_space<vmem_shared>> -> memref<128x128xf32, #tpu.memory_space<vmem_shared>>
      %dma_wait3A_107 = arith.constant 0 : i32
      %dma_wait3A_108 = tpu.memref_slice %arg10[%add3A_23, %dma_wait3A_107] : memref<10240x128xf32, #tpu.memory_space<vmem_shared>> -> memref<128x128xf32, #tpu.memory_space<vmem_shared>>
      tpu.wait_dma2 semaphore(%run_scoped3A_101 : memref<!tpu.dma_semaphore, #tpu.memory_space<semaphore_mem>>) src(%arg8 : memref<128x128xf32, #tpu.memory_space<vmem>>) dst(%dma_wait3A_108 : memref<128x128xf32, #tpu.memory_space<vmem_shared>>)
      tpu.yield
    }) : () -> ()
    %barrier3A = arith.constant 0 : index
    tpu.barrier barrier_id(%barrier3A)
    %run_scoped3A = arith.constant 0 : i32
    "tpu.region"() ({
      %run_scoped3A_101 = tpu.sem_alloc : memref<!tpu.dma_semaphore, #tpu.memory_space<semaphore_mem>>
      %dma_start3A_102 = arith.constant 0 : i32
      %dma_start3A_103 = arith.constant 0 : i32
      %dma_start3A_104 = tpu.memref_slice %arg3[%arg1, %run_scoped3A, %dma_start3A_102, %dma_start3A_103] : memref<16x2x40x128xi32, #tpu.memory_space<hbm>> -> memref<1x1x40x128xi32, #tpu.memory_space<hbm>>
      %dma_start3A_105 = tpu.memref_squeeze %dma_start3A_104 : memref<1x1x40x128xi32, #tpu.memory_space<hbm>> -> memref<40x128xi32, #tpu.memory_space<hbm>>
      %dma_start3A_106 = arith.constant 0 : i32
      %dma_start3A_107 = arith.constant 0 : i32
      %dma_start3A_108 = tpu.memref_slice %arg3[%arg1, %run_scoped3A, %dma_start3A_106, %dma_start3A_107] : memref<16x2x40x128xi32, #tpu.memory_space<hbm>> -> memref<1x1x40x128xi32, #tpu.memory_space<hbm>>
      %dma_start3A_109 = tpu.memref_squeeze %dma_start3A_108 : memref<1x1x40x128xi32, #tpu.memory_space<hbm>> -> memref<40x128xi32, #tpu.memory_space<hbm>>
      tpu.enqueue_dma source(%dma_start3A_109 : memref<40x128xi32, #tpu.memory_space<hbm>>) target(%arg6 : memref<40x128xi32, #tpu.memory_space<vmem>>) target_semaphore(%run_scoped3A_101 : memref<!tpu.dma_semaphore, #tpu.memory_space<semaphore_mem>>)
      %dma_wait3A = arith.constant 0 : i32
      %dma_wait3A_110 = arith.constant 0 : i32
      %dma_wait3A_111 = tpu.memref_slice %arg3[%arg1, %run_scoped3A, %dma_wait3A, %dma_wait3A_110] : memref<16x2x40x128xi32, #tpu.memory_space<hbm>> -> memref<1x1x40x128xi32, #tpu.memory_space<hbm>>
      %dma_wait3A_112 = tpu.memref_squeeze %dma_wait3A_111 : memref<1x1x40x128xi32, #tpu.memory_space<hbm>> -> memref<40x128xi32, #tpu.memory_space<hbm>>
      %dma_wait3A_113 = arith.constant 0 : i32
      %dma_wait3A_114 = arith.constant 0 : i32
      %dma_wait3A_115 = tpu.memref_slice %arg3[%arg1, %run_scoped3A, %dma_wait3A_113, %dma_wait3A_114] : memref<16x2x40x128xi32, #tpu.memory_space<hbm>> -> memref<1x1x40x128xi32, #tpu.memory_space<hbm>>
      %dma_wait3A_116 = tpu.memref_squeeze %dma_wait3A_115 : memref<1x1x40x128xi32, #tpu.memory_space<hbm>> -> memref<40x128xi32, #tpu.memory_space<hbm>>
      tpu.wait_dma2 semaphore(%run_scoped3A_101 : memref<!tpu.dma_semaphore, #tpu.memory_space<semaphore_mem>>) src(%dma_wait3A_116 : memref<40x128xi32, #tpu.memory_space<hbm>>) dst(%arg6 : memref<40x128xi32, #tpu.memory_space<vmem>>)
      tpu.yield
    }) : () -> ()
    %run_scoped3A_24 = arith.constant 0 : i32
    "tpu.region"() ({
      %run_scoped3A_101 = tpu.sem_alloc : memref<!tpu.dma_semaphore, #tpu.memory_space<semaphore_mem>>
      %dma_start3A_102 = arith.constant 0 : i32
      %dma_start3A_103 = arith.constant 0 : i32
      %dma_start3A_104 = tpu.memref_slice %arg4[%arg1, %run_scoped3A_24, %dma_start3A_102, %dma_start3A_103] : memref<16x2x40x128xi32, #tpu.memory_space<hbm>> -> memref<1x1x40x128xi32, #tpu.memory_space<hbm>>
      %dma_start3A_105 = tpu.memref_squeeze %dma_start3A_104 : memref<1x1x40x128xi32, #tpu.memory_space<hbm>> -> memref<40x128xi32, #tpu.memory_space<hbm>>
      %dma_start3A_106 = arith.constant 0 : i32
      %dma_start3A_107 = arith.constant 0 : i32
      %dma_start3A_108 = tpu.memref_slice %arg4[%arg1, %run_scoped3A_24, %dma_start3A_106, %dma_start3A_107] : memref<16x2x40x128xi32, #tpu.memory_space<hbm>> -> memref<1x1x40x128xi32, #tpu.memory_space<hbm>>
      %dma_start3A_109 = tpu.memref_squeeze %dma_start3A_108 : memref<1x1x40x128xi32, #tpu.memory_space<hbm>> -> memref<40x128xi32, #tpu.memory_space<hbm>>
      tpu.enqueue_dma source(%dma_start3A_109 : memref<40x128xi32, #tpu.memory_space<hbm>>) target(%arg7 : memref<40x128xi32, #tpu.memory_space<vmem>>) target_semaphore(%run_scoped3A_101 : memref<!tpu.dma_semaphore, #tpu.memory_space<semaphore_mem>>)
      %dma_wait3A = arith.constant 0 : i32
      %dma_wait3A_110 = arith.constant 0 : i32
      %dma_wait3A_111 = tpu.memref_slice %arg4[%arg1, %run_scoped3A_24, %dma_wait3A, %dma_wait3A_110] : memref<16x2x40x128xi32, #tpu.memory_space<hbm>> -> memref<1x1x40x128xi32, #tpu.memory_space<hbm>>
      %dma_wait3A_112 = tpu.memref_squeeze %dma_wait3A_111 : memref<1x1x40x128xi32, #tpu.memory_space<hbm>> -> memref<40x128xi32, #tpu.memory_space<hbm>>
      %dma_wait3A_113 = arith.constant 0 : i32
      %dma_wait3A_114 = arith.constant 0 : i32
      %dma_wait3A_115 = tpu.memref_slice %arg4[%arg1, %run_scoped3A_24, %dma_wait3A_113, %dma_wait3A_114] : memref<16x2x40x128xi32, #tpu.memory_space<hbm>> -> memref<1x1x40x128xi32, #tpu.memory_space<hbm>>
      %dma_wait3A_116 = tpu.memref_squeeze %dma_wait3A_115 : memref<1x1x40x128xi32, #tpu.memory_space<hbm>> -> memref<40x128xi32, #tpu.memory_space<hbm>>
      tpu.wait_dma2 semaphore(%run_scoped3A_101 : memref<!tpu.dma_semaphore, #tpu.memory_space<semaphore_mem>>) src(%dma_wait3A_116 : memref<40x128xi32, #tpu.memory_space<hbm>>) dst(%arg7 : memref<40x128xi32, #tpu.memory_space<vmem>>)
      tpu.yield
    }) : () -> ()
    %dma_start3A = arith.constant 0 : i32
    %dma_start3A_25 = arith.constant 0 : i32
    %dma_start3A_26 = arith.constant 0 : i32
    %dma_start3A_27 = tpu.memref_slice %arg8[%dma_start3A_25, %dma_start3A_26] : memref<128x128xf32, #tpu.memory_space<vmem>> -> memref<64x128xf32, #tpu.memory_space<vmem>>
    %dma_start3A_28 = arith.constant 0 : i32
    %dma_start3A_29 = tpu.memref_slice %arg6[%dma_start3A, %dma_start3A_28] : memref<40x128xi32, #tpu.memory_space<vmem>> -> memref<1x64xi32, #tpu.memory_space<vmem>>
    %dma_start3A_30 = tpu.memref_squeeze %dma_start3A_29 : memref<1x64xi32, #tpu.memory_space<vmem>> -> memref<64xi32, #tpu.memory_space<vmem>>
    %dma_start3A_31 = arith.constant 0 : i32
    %dma_start3A_32 = arith.constant 0 : i32
    %dma_start3A_33 = tpu.memref_slice %arg2[%arg0, %dma_start3A_31, %dma_start3A_32] : memref<2x10000x128xf32, #tpu.memory_space<hbm>> -> memref<1x10000x128xf32, #tpu.memory_space<hbm>>
    %dma_start3A_34 = tpu.memref_squeeze %dma_start3A_33 : memref<1x10000x128xf32, #tpu.memory_space<hbm>> -> memref<10000x128xf32, #tpu.memory_space<hbm>>
    %dma_start3A_35 = arith.constant 0 : i32
    %dma_start3A_36 = arith.constant 0 : i32
    %dma_start3A_37 = tpu.memref_slice %dma_start3A_34[%dma_start3A_35, %dma_start3A_36] : memref<10000x128xf32, #tpu.memory_space<hbm>> -> memref<10000x128xf32, #tpu.memory_space<hbm>>
    tpu.enqueue_indirect_dma source(%dma_start3A_37 : memref<10000x128xf32, #tpu.memory_space<hbm>>) target(%dma_start3A_27 : memref<64x128xf32, #tpu.memory_space<vmem>>) offsets(%dma_start3A_30 : memref<64xi32, #tpu.memory_space<vmem>>) semaphore(%arg11 : memref<!tpu.dma_semaphore, #tpu.memory_space<semaphore_mem>>)
    %dma_start3A_38 = arith.constant 0 : i32
    %dma_start3A_39 = arith.constant 64 : i32
    %dma_start3A_40 = arith.constant 0 : i32
    %dma_start3A_41 = tpu.memref_slice %arg8[%dma_start3A_39, %dma_start3A_40] : memref<128x128xf32, #tpu.memory_space<vmem>> -> memref<64x128xf32, #tpu.memory_space<vmem>>
    %dma_start3A_42 = arith.constant 64 : i32
    %dma_start3A_43 = tpu.memref_slice %arg6[%dma_start3A_38, %dma_start3A_42] : memref<40x128xi32, #tpu.memory_space<vmem>> -> memref<1x64xi32, #tpu.memory_space<vmem>>
    %dma_start3A_44 = tpu.memref_squeeze %dma_start3A_43 : memref<1x64xi32, #tpu.memory_space<vmem>> -> memref<64xi32, #tpu.memory_space<vmem>>
    %dma_start3A_45 = arith.constant 0 : i32
    %dma_start3A_46 = arith.constant 0 : i32
    %dma_start3A_47 = tpu.memref_slice %arg2[%arg0, %dma_start3A_45, %dma_start3A_46] : memref<2x10000x128xf32, #tpu.memory_space<hbm>> -> memref<1x10000x128xf32, #tpu.memory_space<hbm>>
    %dma_start3A_48 = tpu.memref_squeeze %dma_start3A_47 : memref<1x10000x128xf32, #tpu.memory_space<hbm>> -> memref<10000x128xf32, #tpu.memory_space<hbm>>
    %dma_start3A_49 = arith.constant 0 : i32
    %dma_start3A_50 = arith.constant 0 : i32
    %dma_start3A_51 = tpu.memref_slice %dma_start3A_48[%dma_start3A_49, %dma_start3A_50] : memref<10000x128xf32, #tpu.memory_space<hbm>> -> memref<10000x128xf32, #tpu.memory_space<hbm>>
    tpu.enqueue_indirect_dma source(%dma_start3A_51 : memref<10000x128xf32, #tpu.memory_space<hbm>>) target(%dma_start3A_41 : memref<64x128xf32, #tpu.memory_space<vmem>>) offsets(%dma_start3A_44 : memref<64xi32, #tpu.memory_space<vmem>>) semaphore(%arg11 : memref<!tpu.dma_semaphore, #tpu.memory_space<semaphore_mem>>)
    %scan3A_52 = arith.constant 0 : i32
    %scan3A_53 = arith.constant 0 : i32
    %scan3A_54 = arith.constant 20 : i32
    %scan3A_55 = arith.addi %scan3A_53, %scan3A_54 : i32
    %scan3A_56 = arith.constant 1 : i32
    scf.for %scan3A_101 = %scan3A_53 to %scan3A_55 step %scan3A_56  : i32 {
      %mul3A_102 = arith.constant 2 : i32
      %mul3A_103 = arith.muli %mul3A_102, %scan3A_101 : i32
      %add3A_104 = arith.constant 1 : i32
      %add3A_105 = arith.addi %mul3A_103, %add3A_104 : i32
      %dma_start3A_106 = arith.constant 0 : i32
      %dma_start3A_107 = arith.constant 0 : i32
      %dma_start3A_108 = tpu.memref_slice %arg9[%dma_start3A_106, %dma_start3A_107] : memref<128x128xf32, #tpu.memory_space<vmem>> -> memref<64x128xf32, #tpu.memory_space<vmem>>
      %dma_start3A_109 = arith.constant 0 : i32
      %dma_start3A_110 = tpu.memref_slice %arg6[%add3A_105, %dma_start3A_109] : memref<40x128xi32, #tpu.memory_space<vmem>> -> memref<1x64xi32, #tpu.memory_space<vmem>>
      %dma_start3A_111 = tpu.memref_squeeze %dma_start3A_110 : memref<1x64xi32, #tpu.memory_space<vmem>> -> memref<64xi32, #tpu.memory_space<vmem>>
      %dma_start3A_112 = arith.constant 0 : i32
      %dma_start3A_113 = arith.constant 0 : i32
      %dma_start3A_114 = tpu.memref_slice %arg2[%arg0, %dma_start3A_112, %dma_start3A_113] : memref<2x10000x128xf32, #tpu.memory_space<hbm>> -> memref<1x10000x128xf32, #tpu.memory_space<hbm>>
      %dma_start3A_115 = tpu.memref_squeeze %dma_start3A_114 : memref<1x10000x128xf32, #tpu.memory_space<hbm>> -> memref<10000x128xf32, #tpu.memory_space<hbm>>
      %dma_start3A_116 = arith.constant 0 : i32
      %dma_start3A_117 = arith.constant 0 : i32
      %dma_start3A_118 = tpu.memref_slice %dma_start3A_115[%dma_start3A_116, %dma_start3A_117] : memref<10000x128xf32, #tpu.memory_space<hbm>> -> memref<10000x128xf32, #tpu.memory_space<hbm>>
      tpu.enqueue_indirect_dma source(%dma_start3A_118 : memref<10000x128xf32, #tpu.memory_space<hbm>>) target(%dma_start3A_108 : memref<64x128xf32, #tpu.memory_space<vmem>>) offsets(%dma_start3A_111 : memref<64xi32, #tpu.memory_space<vmem>>) semaphore(%arg12 : memref<!tpu.dma_semaphore, #tpu.memory_space<semaphore_mem>>)
      %dma_start3A_119 = arith.constant 64 : i32
      %dma_start3A_120 = arith.constant 0 : i32
      %dma_start3A_121 = tpu.memref_slice %arg9[%dma_start3A_119, %dma_start3A_120] : memref<128x128xf32, #tpu.memory_space<vmem>> -> memref<64x128xf32, #tpu.memory_space<vmem>>
      %dma_start3A_122 = arith.constant 64 : i32
      %dma_start3A_123 = tpu.memref_slice %arg6[%add3A_105, %dma_start3A_122] : memref<40x128xi32, #tpu.memory_space<vmem>> -> memref<1x64xi32, #tpu.memory_space<vmem>>
      %dma_start3A_124 = tpu.memref_squeeze %dma_start3A_123 : memref<1x64xi32, #tpu.memory_space<vmem>> -> memref<64xi32, #tpu.memory_space<vmem>>
      %dma_start3A_125 = arith.constant 0 : i32
      %dma_start3A_126 = arith.constant 0 : i32
      %dma_start3A_127 = tpu.memref_slice %arg2[%arg0, %dma_start3A_125, %dma_start3A_126] : memref<2x10000x128xf32, #tpu.memory_space<hbm>> -> memref<1x10000x128xf32, #tpu.memory_space<hbm>>
      %dma_start3A_128 = tpu.memref_squeeze %dma_start3A_127 : memref<1x10000x128xf32, #tpu.memory_space<hbm>> -> memref<10000x128xf32, #tpu.memory_space<hbm>>
      %dma_start3A_129 = arith.constant 0 : i32
      %dma_start3A_130 = arith.constant 0 : i32
      %dma_start3A_131 = tpu.memref_slice %dma_start3A_128[%dma_start3A_129, %dma_start3A_130] : memref<10000x128xf32, #tpu.memory_space<hbm>> -> memref<10000x128xf32, #tpu.memory_space<hbm>>
      tpu.enqueue_indirect_dma source(%dma_start3A_131 : memref<10000x128xf32, #tpu.memory_space<hbm>>) target(%dma_start3A_121 : memref<64x128xf32, #tpu.memory_space<vmem>>) offsets(%dma_start3A_124 : memref<64xi32, #tpu.memory_space<vmem>>) semaphore(%arg12 : memref<!tpu.dma_semaphore, #tpu.memory_space<semaphore_mem>>)
      %dma_wait3A = arith.constant 0 : i32
      %dma_wait3A_132 = arith.constant 0 : i32
      %dma_wait3A_133 = tpu.memref_slice %arg6[%dma_wait3A, %dma_wait3A_132] : memref<40x128xi32, #tpu.memory_space<vmem>> -> memref<1x128xi32, #tpu.memory_space<vmem>>
      %dma_wait3A_134 = tpu.memref_squeeze %dma_wait3A_133 : memref<1x128xi32, #tpu.memory_space<vmem>> -> memref<128xi32, #tpu.memory_space<vmem>>
      %dma_wait3A_135 = arith.constant 0 : i32
      %dma_wait3A_136 = arith.constant 0 : i32
      %dma_wait3A_137 = tpu.memref_slice %arg2[%arg0, %dma_wait3A_135, %dma_wait3A_136] : memref<2x10000x128xf32, #tpu.memory_space<hbm>> -> memref<1x10000x128xf32, #tpu.memory_space<hbm>>
      %dma_wait3A_138 = tpu.memref_squeeze %dma_wait3A_137 : memref<1x10000x128xf32, #tpu.memory_space<hbm>> -> memref<10000x128xf32, #tpu.memory_space<hbm>>
      %dma_wait3A_139 = arith.constant 0 : i32
      %dma_wait3A_140 = arith.constant 0 : i32
      %dma_wait3A_141 = tpu.memref_slice %dma_wait3A_138[%dma_wait3A_139, %dma_wait3A_140] : memref<10000x128xf32, #tpu.memory_space<hbm>> -> memref<10000x128xf32, #tpu.memory_space<hbm>>
      tpu.wait_indirect_dma semaphore(%arg11 : memref<!tpu.dma_semaphore, #tpu.memory_space<semaphore_mem>>) src(%dma_wait3A_141 : memref<10000x128xf32, #tpu.memory_space<hbm>>) dst(%arg8 : memref<128x128xf32, #tpu.memory_space<vmem>>)
      "tpu.region"() ({
        %run_scoped3A_159 = tpu.sem_alloc : memref<!tpu.dma_semaphore, #tpu.memory_space<semaphore_mem>>
        %dma_start3A_160 = arith.constant 0 : i32
        %dma_start3A_161 = tpu.memref_slice %arg7[%mul3A_103, %dma_start3A_160] : memref<40x128xi32, #tpu.memory_space<vmem>> -> memref<1x128xi32, #tpu.memory_space<vmem>>
        %dma_start3A_162 = tpu.memref_squeeze %dma_start3A_161 : memref<1x128xi32, #tpu.memory_space<vmem>> -> memref<128xi32, #tpu.memory_space<vmem>>
        %dma_start3A_163 = arith.constant 0 : i32
        %dma_start3A_164 = arith.constant 0 : i32
        %dma_start3A_165 = tpu.memref_slice %arg10[%dma_start3A_163, %dma_start3A_164] : memref<10240x128xf32, #tpu.memory_space<vmem_shared>> -> memref<10240x128xf32, #tpu.memory_space<vmem_shared>>
        tpu.enqueue_indirect_dma source(%arg8 : memref<128x128xf32, #tpu.memory_space<vmem>>) target(%dma_start3A_165 : memref<10240x128xf32, #tpu.memory_space<vmem_shared>>) offsets(%dma_start3A_162 : memref<128xi32, #tpu.memory_space<vmem>>) semaphore(%run_scoped3A_159 : memref<!tpu.dma_semaphore, #tpu.memory_space<semaphore_mem>>) {add = true}
        %dma_wait3A_166 = arith.constant 0 : i32
        %dma_wait3A_167 = tpu.memref_slice %arg7[%mul3A_103, %dma_wait3A_166] : memref<40x128xi32, #tpu.memory_space<vmem>> -> memref<1x128xi32, #tpu.memory_space<vmem>>
        %dma_wait3A_168 = tpu.memref_squeeze %dma_wait3A_167 : memref<1x128xi32, #tpu.memory_space<vmem>> -> memref<128xi32, #tpu.memory_space<vmem>>
        %dma_wait3A_169 = arith.constant 0 : i32
        %dma_wait3A_170 = arith.constant 0 : i32
        %dma_wait3A_171 = tpu.memref_slice %arg10[%dma_wait3A_169, %dma_wait3A_170] : memref<10240x128xf32, #tpu.memory_space<vmem_shared>> -> memref<10240x128xf32, #tpu.memory_space<vmem_shared>>
        tpu.wait_indirect_dma semaphore(%run_scoped3A_159 : memref<!tpu.dma_semaphore, #tpu.memory_space<semaphore_mem>>) src(%arg8 : memref<128x128xf32, #tpu.memory_space<vmem>>) dst(%dma_wait3A_171 : memref<10240x128xf32, #tpu.memory_space<vmem_shared>>)
        tpu.yield
      }) : () -> ()
      %lt3A = arith.constant 19 : i32
      %lt3A_142 = arith.cmpi slt, %scan3A_101, %lt3A : i32
      %convert_element_type3A_143 = arith.extui %lt3A_142 : i1 to i32
      %cond3A_144 = arith.constant 0 : i32
      %cond3A_145 = arith.cmpi ne, %convert_element_type3A_143, %cond3A_144 : i32
      scf.if %cond3A_145 {
        %add3A_159 = arith.constant 2 : i32
        %add3A_160 = arith.addi %mul3A_103, %add3A_159 : i32
        %dma_start3A_161 = arith.constant 0 : i32
        %dma_start3A_162 = arith.constant 0 : i32
        %dma_start3A_163 = tpu.memref_slice %arg8[%dma_start3A_161, %dma_start3A_162] : memref<128x128xf32, #tpu.memory_space<vmem>> -> memref<64x128xf32, #tpu.memory_space<vmem>>
        %dma_start3A_164 = arith.constant 0 : i32
        %dma_start3A_165 = tpu.memref_slice %arg6[%add3A_160, %dma_start3A_164] : memref<40x128xi32, #tpu.memory_space<vmem>> -> memref<1x64xi32, #tpu.memory_space<vmem>>
        %dma_start3A_166 = tpu.memref_squeeze %dma_start3A_165 : memref<1x64xi32, #tpu.memory_space<vmem>> -> memref<64xi32, #tpu.memory_space<vmem>>
        %dma_start3A_167 = arith.constant 0 : i32
        %dma_start3A_168 = arith.constant 0 : i32
        %dma_start3A_169 = tpu.memref_slice %arg2[%arg0, %dma_start3A_167, %dma_start3A_168] : memref<2x10000x128xf32, #tpu.memory_space<hbm>> -> memref<1x10000x128xf32, #tpu.memory_space<hbm>>
        %dma_start3A_170 = tpu.memref_squeeze %dma_start3A_169 : memref<1x10000x128xf32, #tpu.memory_space<hbm>> -> memref<10000x128xf32, #tpu.memory_space<hbm>>
        %dma_start3A_171 = arith.constant 0 : i32
        %dma_start3A_172 = arith.constant 0 : i32
        %dma_start3A_173 = tpu.memref_slice %dma_start3A_170[%dma_start3A_171, %dma_start3A_172] : memref<10000x128xf32, #tpu.memory_space<hbm>> -> memref<10000x128xf32, #tpu.memory_space<hbm>>
        tpu.enqueue_indirect_dma source(%dma_start3A_173 : memref<10000x128xf32, #tpu.memory_space<hbm>>) target(%dma_start3A_163 : memref<64x128xf32, #tpu.memory_space<vmem>>) offsets(%dma_start3A_166 : memref<64xi32, #tpu.memory_space<vmem>>) semaphore(%arg11 : memref<!tpu.dma_semaphore, #tpu.memory_space<semaphore_mem>>)
        %dma_start3A_174 = arith.constant 64 : i32
        %dma_start3A_175 = arith.constant 0 : i32
        %dma_start3A_176 = tpu.memref_slice %arg8[%dma_start3A_174, %dma_start3A_175] : memref<128x128xf32, #tpu.memory_space<vmem>> -> memref<64x128xf32, #tpu.memory_space<vmem>>
        %dma_start3A_177 = arith.constant 64 : i32
        %dma_start3A_178 = tpu.memref_slice %arg6[%add3A_160, %dma_start3A_177] : memref<40x128xi32, #tpu.memory_space<vmem>> -> memref<1x64xi32, #tpu.memory_space<vmem>>
        %dma_start3A_179 = tpu.memref_squeeze %dma_start3A_178 : memref<1x64xi32, #tpu.memory_space<vmem>> -> memref<64xi32, #tpu.memory_space<vmem>>
        %dma_start3A_180 = arith.constant 0 : i32
        %dma_start3A_181 = arith.constant 0 : i32
        %dma_start3A_182 = tpu.memref_slice %arg2[%arg0, %dma_start3A_180, %dma_start3A_181] : memref<2x10000x128xf32, #tpu.memory_space<hbm>> -> memref<1x10000x128xf32, #tpu.memory_space<hbm>>
        %dma_start3A_183 = tpu.memref_squeeze %dma_start3A_182 : memref<1x10000x128xf32, #tpu.memory_space<hbm>> -> memref<10000x128xf32, #tpu.memory_space<hbm>>
        %dma_start3A_184 = arith.constant 0 : i32
        %dma_start3A_185 = arith.constant 0 : i32
        %dma_start3A_186 = tpu.memref_slice %dma_start3A_183[%dma_start3A_184, %dma_start3A_185] : memref<10000x128xf32, #tpu.memory_space<hbm>> -> memref<10000x128xf32, #tpu.memory_space<hbm>>
        tpu.enqueue_indirect_dma source(%dma_start3A_186 : memref<10000x128xf32, #tpu.memory_space<hbm>>) target(%dma_start3A_176 : memref<64x128xf32, #tpu.memory_space<vmem>>) offsets(%dma_start3A_179 : memref<64xi32, #tpu.memory_space<vmem>>) semaphore(%arg11 : memref<!tpu.dma_semaphore, #tpu.memory_space<semaphore_mem>>)
      } else {
      }
      %dma_wait3A_146 = arith.constant 0 : i32
      %dma_wait3A_147 = arith.constant 0 : i32
      %dma_wait3A_148 = tpu.memref_slice %arg6[%dma_wait3A_146, %dma_wait3A_147] : memref<40x128xi32, #tpu.memory_space<vmem>> -> memref<1x128xi32, #tpu.memory_space<vmem>>
      %dma_wait3A_149 = tpu.memref_squeeze %dma_wait3A_148 : memref<1x128xi32, #tpu.memory_space<vmem>> -> memref<128xi32, #tpu.memory_space<vmem>>
      %dma_wait3A_150 = arith.constant 0 : i32
      %dma_wait3A_151 = arith.constant 0 : i32
      %dma_wait3A_152 = tpu.memref_slice %arg2[%arg0, %dma_wait3A_150, %dma_wait3A_151] : memref<2x10000x128xf32, #tpu.memory_space<hbm>> -> memref<1x10000x128xf32, #tpu.memory_space<hbm>>
      %dma_wait3A_153 = tpu.memref_squeeze %dma_wait3A_152 : memref<1x10000x128xf32, #tpu.memory_space<hbm>> -> memref<10000x128xf32, #tpu.memory_space<hbm>>
      %dma_wait3A_154 = arith.constant 0 : i32
      %dma_wait3A_155 = arith.constant 0 : i32
      %dma_wait3A_156 = tpu.memref_slice %dma_wait3A_153[%dma_wait3A_154, %dma_wait3A_155] : memref<10000x128xf32, #tpu.memory_space<hbm>> -> memref<10000x128xf32, #tpu.memory_space<hbm>>
      tpu.wait_indirect_dma semaphore(%arg12 : memref<!tpu.dma_semaphore, #tpu.memory_space<semaphore_mem>>) src(%dma_wait3A_156 : memref<10000x128xf32, #tpu.memory_space<hbm>>) dst(%arg9 : memref<128x128xf32, #tpu.memory_space<vmem>>)
      %add3A_157 = arith.constant 1 : i32
      %add3A_158 = arith.addi %mul3A_103, %add3A_157 : i32
      "tpu.region"() ({
        %run_scoped3A_159 = tpu.sem_alloc : memref<!tpu.dma_semaphore, #tpu.memory_space<semaphore_mem>>
        %dma_start3A_160 = arith.constant 0 : i32
        %dma_start3A_161 = tpu.memref_slice %arg7[%add3A_158, %dma_start3A_160] : memref<40x128xi32, #tpu.memory_space<vmem>> -> memref<1x128xi32, #tpu.memory_space<vmem>>
        %dma_start3A_162 = tpu.memref_squeeze %dma_start3A_161 : memref<1x128xi32, #tpu.memory_space<vmem>> -> memref<128xi32, #tpu.memory_space<vmem>>
        %dma_start3A_163 = arith.constant 0 : i32
        %dma_start3A_164 = arith.constant 0 : i32
        %dma_start3A_165 = tpu.memref_slice %arg10[%dma_start3A_163, %dma_start3A_164] : memref<10240x128xf32, #tpu.memory_space<vmem_shared>> -> memref<10240x128xf32, #tpu.memory_space<vmem_shared>>
        tpu.enqueue_indirect_dma source(%arg9 : memref<128x128xf32, #tpu.memory_space<vmem>>) target(%dma_start3A_165 : memref<10240x128xf32, #tpu.memory_space<vmem_shared>>) offsets(%dma_start3A_162 : memref<128xi32, #tpu.memory_space<vmem>>) semaphore(%run_scoped3A_159 : memref<!tpu.dma_semaphore, #tpu.memory_space<semaphore_mem>>) {add = true}
        %dma_wait3A_166 = arith.constant 0 : i32
        %dma_wait3A_167 = tpu.memref_slice %arg7[%add3A_158, %dma_wait3A_166] : memref<40x128xi32, #tpu.memory_space<vmem>> -> memref<1x128xi32, #tpu.memory_space<vmem>>
        %dma_wait3A_168 = tpu.memref_squeeze %dma_wait3A_167 : memref<1x128xi32, #tpu.memory_space<vmem>> -> memref<128xi32, #tpu.memory_space<vmem>>
        %dma_wait3A_169 = arith.constant 0 : i32
        %dma_wait3A_170 = arith.constant 0 : i32
        %dma_wait3A_171 = tpu.memref_slice %arg10[%dma_wait3A_169, %dma_wait3A_170] : memref<10240x128xf32, #tpu.memory_space<vmem_shared>> -> memref<10240x128xf32, #tpu.memory_space<vmem_shared>>
        tpu.wait_indirect_dma semaphore(%run_scoped3A_159 : memref<!tpu.dma_semaphore, #tpu.memory_space<semaphore_mem>>) src(%arg9 : memref<128x128xf32, #tpu.memory_space<vmem>>) dst(%dma_wait3A_171 : memref<10240x128xf32, #tpu.memory_space<vmem_shared>>)
        tpu.yield
      }) : () -> ()
    }
    %scan3A_57 = arith.constant 20 : i32
    %run_scoped3A_58 = arith.constant 1 : i32
    "tpu.region"() ({
      %run_scoped3A_101 = tpu.sem_alloc : memref<!tpu.dma_semaphore, #tpu.memory_space<semaphore_mem>>
      %dma_start3A_102 = arith.constant 0 : i32
      %dma_start3A_103 = arith.constant 0 : i32
      %dma_start3A_104 = tpu.memref_slice %arg3[%arg1, %run_scoped3A_58, %dma_start3A_102, %dma_start3A_103] : memref<16x2x40x128xi32, #tpu.memory_space<hbm>> -> memref<1x1x40x128xi32, #tpu.memory_space<hbm>>
      %dma_start3A_105 = tpu.memref_squeeze %dma_start3A_104 : memref<1x1x40x128xi32, #tpu.memory_space<hbm>> -> memref<40x128xi32, #tpu.memory_space<hbm>>
      %dma_start3A_106 = arith.constant 0 : i32
      %dma_start3A_107 = arith.constant 0 : i32
      %dma_start3A_108 = tpu.memref_slice %arg3[%arg1, %run_scoped3A_58, %dma_start3A_106, %dma_start3A_107] : memref<16x2x40x128xi32, #tpu.memory_space<hbm>> -> memref<1x1x40x128xi32, #tpu.memory_space<hbm>>
      %dma_start3A_109 = tpu.memref_squeeze %dma_start3A_108 : memref<1x1x40x128xi32, #tpu.memory_space<hbm>> -> memref<40x128xi32, #tpu.memory_space<hbm>>
      tpu.enqueue_dma source(%dma_start3A_109 : memref<40x128xi32, #tpu.memory_space<hbm>>) target(%arg6 : memref<40x128xi32, #tpu.memory_space<vmem>>) target_semaphore(%run_scoped3A_101 : memref<!tpu.dma_semaphore, #tpu.memory_space<semaphore_mem>>)
      %dma_wait3A = arith.constant 0 : i32
      %dma_wait3A_110 = arith.constant 0 : i32
      %dma_wait3A_111 = tpu.memref_slice %arg3[%arg1, %run_scoped3A_58, %dma_wait3A, %dma_wait3A_110] : memref<16x2x40x128xi32, #tpu.memory_space<hbm>> -> memref<1x1x40x128xi32, #tpu.memory_space<hbm>>
      %dma_wait3A_112 = tpu.memref_squeeze %dma_wait3A_111 : memref<1x1x40x128xi32, #tpu.memory_space<hbm>> -> memref<40x128xi32, #tpu.memory_space<hbm>>
      %dma_wait3A_113 = arith.constant 0 : i32
      %dma_wait3A_114 = arith.constant 0 : i32
      %dma_wait3A_115 = tpu.memref_slice %arg3[%arg1, %run_scoped3A_58, %dma_wait3A_113, %dma_wait3A_114] : memref<16x2x40x128xi32, #tpu.memory_space<hbm>> -> memref<1x1x40x128xi32, #tpu.memory_space<hbm>>
      %dma_wait3A_116 = tpu.memref_squeeze %dma_wait3A_115 : memref<1x1x40x128xi32, #tpu.memory_space<hbm>> -> memref<40x128xi32, #tpu.memory_space<hbm>>
      tpu.wait_dma2 semaphore(%run_scoped3A_101 : memref<!tpu.dma_semaphore, #tpu.memory_space<semaphore_mem>>) src(%dma_wait3A_116 : memref<40x128xi32, #tpu.memory_space<hbm>>) dst(%arg6 : memref<40x128xi32, #tpu.memory_space<vmem>>)
      tpu.yield
    }) : () -> ()
    %run_scoped3A_59 = arith.constant 1 : i32
    "tpu.region"() ({
      %run_scoped3A_101 = tpu.sem_alloc : memref<!tpu.dma_semaphore, #tpu.memory_space<semaphore_mem>>
      %dma_start3A_102 = arith.constant 0 : i32
      %dma_start3A_103 = arith.constant 0 : i32
      %dma_start3A_104 = tpu.memref_slice %arg4[%arg1, %run_scoped3A_59, %dma_start3A_102, %dma_start3A_103] : memref<16x2x40x128xi32, #tpu.memory_space<hbm>> -> memref<1x1x40x128xi32, #tpu.memory_space<hbm>>
      %dma_start3A_105 = tpu.memref_squeeze %dma_start3A_104 : memref<1x1x40x128xi32, #tpu.memory_space<hbm>> -> memref<40x128xi32, #tpu.memory_space<hbm>>
      %dma_start3A_106 = arith.constant 0 : i32
      %dma_start3A_107 = arith.constant 0 : i32
      %dma_start3A_108 = tpu.memref_slice %arg4[%arg1, %run_scoped3A_59, %dma_start3A_106, %dma_start3A_107] : memref<16x2x40x128xi32, #tpu.memory_space<hbm>> -> memref<1x1x40x128xi32, #tpu.memory_space<hbm>>
      %dma_start3A_109 = tpu.memref_squeeze %dma_start3A_108 : memref<1x1x40x128xi32, #tpu.memory_space<hbm>> -> memref<40x128xi32, #tpu.memory_space<hbm>>
      tpu.enqueue_dma source(%dma_start3A_109 : memref<40x128xi32, #tpu.memory_space<hbm>>) target(%arg7 : memref<40x128xi32, #tpu.memory_space<vmem>>) target_semaphore(%run_scoped3A_101 : memref<!tpu.dma_semaphore, #tpu.memory_space<semaphore_mem>>)
      %dma_wait3A = arith.constant 0 : i32
      %dma_wait3A_110 = arith.constant 0 : i32
      %dma_wait3A_111 = tpu.memref_slice %arg4[%arg1, %run_scoped3A_59, %dma_wait3A, %dma_wait3A_110] : memref<16x2x40x128xi32, #tpu.memory_space<hbm>> -> memref<1x1x40x128xi32, #tpu.memory_space<hbm>>
      %dma_wait3A_112 = tpu.memref_squeeze %dma_wait3A_111 : memref<1x1x40x128xi32, #tpu.memory_space<hbm>> -> memref<40x128xi32, #tpu.memory_space<hbm>>
      %dma_wait3A_113 = arith.constant 0 : i32
      %dma_wait3A_114 = arith.constant 0 : i32
      %dma_wait3A_115 = tpu.memref_slice %arg4[%arg1, %run_scoped3A_59, %dma_wait3A_113, %dma_wait3A_114] : memref<16x2x40x128xi32, #tpu.memory_space<hbm>> -> memref<1x1x40x128xi32, #tpu.memory_space<hbm>>
      %dma_wait3A_116 = tpu.memref_squeeze %dma_wait3A_115 : memref<1x1x40x128xi32, #tpu.memory_space<hbm>> -> memref<40x128xi32, #tpu.memory_space<hbm>>
      tpu.wait_dma2 semaphore(%run_scoped3A_101 : memref<!tpu.dma_semaphore, #tpu.memory_space<semaphore_mem>>) src(%dma_wait3A_116 : memref<40x128xi32, #tpu.memory_space<hbm>>) dst(%arg7 : memref<40x128xi32, #tpu.memory_space<vmem>>)
      tpu.yield
    }) : () -> ()
    %dma_start3A_60 = arith.constant 0 : i32
    %dma_start3A_61 = arith.constant 0 : i32
    %dma_start3A_62 = arith.constant 0 : i32
    %dma_start3A_63 = tpu.memref_slice %arg8[%dma_start3A_61, %dma_start3A_62] : memref<128x128xf32, #tpu.memory_space<vmem>> -> memref<64x128xf32, #tpu.memory_space<vmem>>
    %dma_start3A_64 = arith.constant 0 : i32
    %dma_start3A_65 = tpu.memref_slice %arg6[%dma_start3A_60, %dma_start3A_64] : memref<40x128xi32, #tpu.memory_space<vmem>> -> memref<1x64xi32, #tpu.memory_space<vmem>>
    %dma_start3A_66 = tpu.memref_squeeze %dma_start3A_65 : memref<1x64xi32, #tpu.memory_space<vmem>> -> memref<64xi32, #tpu.memory_space<vmem>>
    %dma_start3A_67 = arith.constant 0 : i32
    %dma_start3A_68 = arith.constant 0 : i32
    %dma_start3A_69 = tpu.memref_slice %arg2[%arg0, %dma_start3A_67, %dma_start3A_68] : memref<2x10000x128xf32, #tpu.memory_space<hbm>> -> memref<1x10000x128xf32, #tpu.memory_space<hbm>>
    %dma_start3A_70 = tpu.memref_squeeze %dma_start3A_69 : memref<1x10000x128xf32, #tpu.memory_space<hbm>> -> memref<10000x128xf32, #tpu.memory_space<hbm>>
    %dma_start3A_71 = arith.constant 0 : i32
    %dma_start3A_72 = arith.constant 0 : i32
    %dma_start3A_73 = tpu.memref_slice %dma_start3A_70[%dma_start3A_71, %dma_start3A_72] : memref<10000x128xf32, #tpu.memory_space<hbm>> -> memref<10000x128xf32, #tpu.memory_space<hbm>>
    tpu.enqueue_indirect_dma source(%dma_start3A_73 : memref<10000x128xf32, #tpu.memory_space<hbm>>) target(%dma_start3A_63 : memref<64x128xf32, #tpu.memory_space<vmem>>) offsets(%dma_start3A_66 : memref<64xi32, #tpu.memory_space<vmem>>) semaphore(%arg11 : memref<!tpu.dma_semaphore, #tpu.memory_space<semaphore_mem>>)
    %dma_start3A_74 = arith.constant 0 : i32
    %dma_start3A_75 = arith.constant 64 : i32
    %dma_start3A_76 = arith.constant 0 : i32
    %dma_start3A_77 = tpu.memref_slice %arg8[%dma_start3A_75, %dma_start3A_76] : memref<128x128xf32, #tpu.memory_space<vmem>> -> memref<64x128xf32, #tpu.memory_space<vmem>>
    %dma_start3A_78 = arith.constant 64 : i32
    %dma_start3A_79 = tpu.memref_slice %arg6[%dma_start3A_74, %dma_start3A_78] : memref<40x128xi32, #tpu.memory_space<vmem>> -> memref<1x64xi32, #tpu.memory_space<vmem>>
    %dma_start3A_80 = tpu.memref_squeeze %dma_start3A_79 : memref<1x64xi32, #tpu.memory_space<vmem>> -> memref<64xi32, #tpu.memory_space<vmem>>
    %dma_start3A_81 = arith.constant 0 : i32
    %dma_start3A_82 = arith.constant 0 : i32
    %dma_start3A_83 = tpu.memref_slice %arg2[%arg0, %dma_start3A_81, %dma_start3A_82] : memref<2x10000x128xf32, #tpu.memory_space<hbm>> -> memref<1x10000x128xf32, #tpu.memory_space<hbm>>
    %dma_start3A_84 = tpu.memref_squeeze %dma_start3A_83 : memref<1x10000x128xf32, #tpu.memory_space<hbm>> -> memref<10000x128xf32, #tpu.memory_space<hbm>>
    %dma_start3A_85 = arith.constant 0 : i32
    %dma_start3A_86 = arith.constant 0 : i32
    %dma_start3A_87 = tpu.memref_slice %dma_start3A_84[%dma_start3A_85, %dma_start3A_86] : memref<10000x128xf32, #tpu.memory_space<hbm>> -> memref<10000x128xf32, #tpu.memory_space<hbm>>
    tpu.enqueue_indirect_dma source(%dma_start3A_87 : memref<10000x128xf32, #tpu.memory_space<hbm>>) target(%dma_start3A_77 : memref<64x128xf32, #tpu.memory_space<vmem>>) offsets(%dma_start3A_80 : memref<64xi32, #tpu.memory_space<vmem>>) semaphore(%arg11 : memref<!tpu.dma_semaphore, #tpu.memory_space<semaphore_mem>>)
    %scan3A_88 = arith.constant 0 : i32
    %scan3A_89 = arith.constant 0 : i32
    %scan3A_90 = arith.constant 20 : i32
    %scan3A_91 = arith.addi %scan3A_89, %scan3A_90 : i32
    %scan3A_92 = arith.constant 1 : i32
    scf.for %scan3A_101 = %scan3A_89 to %scan3A_91 step %scan3A_92  : i32 {
      %mul3A_102 = arith.constant 2 : i32
      %mul3A_103 = arith.muli %mul3A_102, %scan3A_101 : i32
      %add3A_104 = arith.constant 1 : i32
      %add3A_105 = arith.addi %mul3A_103, %add3A_104 : i32
      %dma_start3A_106 = arith.constant 0 : i32
      %dma_start3A_107 = arith.constant 0 : i32
      %dma_start3A_108 = tpu.memref_slice %arg9[%dma_start3A_106, %dma_start3A_107] : memref<128x128xf32, #tpu.memory_space<vmem>> -> memref<64x128xf32, #tpu.memory_space<vmem>>
      %dma_start3A_109 = arith.constant 0 : i32
      %dma_start3A_110 = tpu.memref_slice %arg6[%add3A_105, %dma_start3A_109] : memref<40x128xi32, #tpu.memory_space<vmem>> -> memref<1x64xi32, #tpu.memory_space<vmem>>
      %dma_start3A_111 = tpu.memref_squeeze %dma_start3A_110 : memref<1x64xi32, #tpu.memory_space<vmem>> -> memref<64xi32, #tpu.memory_space<vmem>>
      %dma_start3A_112 = arith.constant 0 : i32
      %dma_start3A_113 = arith.constant 0 : i32
      %dma_start3A_114 = tpu.memref_slice %arg2[%arg0, %dma_start3A_112, %dma_start3A_113] : memref<2x10000x128xf32, #tpu.memory_space<hbm>> -> memref<1x10000x128xf32, #tpu.memory_space<hbm>>
      %dma_start3A_115 = tpu.memref_squeeze %dma_start3A_114 : memref<1x10000x128xf32, #tpu.memory_space<hbm>> -> memref<10000x128xf32, #tpu.memory_space<hbm>>
      %dma_start3A_116 = arith.constant 0 : i32
      %dma_start3A_117 = arith.constant 0 : i32
      %dma_start3A_118 = tpu.memref_slice %dma_start3A_115[%dma_start3A_116, %dma_start3A_117] : memref<10000x128xf32, #tpu.memory_space<hbm>> -> memref<10000x128xf32, #tpu.memory_space<hbm>>
      tpu.enqueue_indirect_dma source(%dma_start3A_118 : memref<10000x128xf32, #tpu.memory_space<hbm>>) target(%dma_start3A_108 : memref<64x128xf32, #tpu.memory_space<vmem>>) offsets(%dma_start3A_111 : memref<64xi32, #tpu.memory_space<vmem>>) semaphore(%arg12 : memref<!tpu.dma_semaphore, #tpu.memory_space<semaphore_mem>>)
      %dma_start3A_119 = arith.constant 64 : i32
      %dma_start3A_120 = arith.constant 0 : i32
      %dma_start3A_121 = tpu.memref_slice %arg9[%dma_start3A_119, %dma_start3A_120] : memref<128x128xf32, #tpu.memory_space<vmem>> -> memref<64x128xf32, #tpu.memory_space<vmem>>
      %dma_start3A_122 = arith.constant 64 : i32
      %dma_start3A_123 = tpu.memref_slice %arg6[%add3A_105, %dma_start3A_122] : memref<40x128xi32, #tpu.memory_space<vmem>> -> memref<1x64xi32, #tpu.memory_space<vmem>>
      %dma_start3A_124 = tpu.memref_squeeze %dma_start3A_123 : memref<1x64xi32, #tpu.memory_space<vmem>> -> memref<64xi32, #tpu.memory_space<vmem>>
      %dma_start3A_125 = arith.constant 0 : i32
      %dma_start3A_126 = arith.constant 0 : i32
      %dma_start3A_127 = tpu.memref_slice %arg2[%arg0, %dma_start3A_125, %dma_start3A_126] : memref<2x10000x128xf32, #tpu.memory_space<hbm>> -> memref<1x10000x128xf32, #tpu.memory_space<hbm>>
      %dma_start3A_128 = tpu.memref_squeeze %dma_start3A_127 : memref<1x10000x128xf32, #tpu.memory_space<hbm>> -> memref<10000x128xf32, #tpu.memory_space<hbm>>
      %dma_start3A_129 = arith.constant 0 : i32
      %dma_start3A_130 = arith.constant 0 : i32
      %dma_start3A_131 = tpu.memref_slice %dma_start3A_128[%dma_start3A_129, %dma_start3A_130] : memref<10000x128xf32, #tpu.memory_space<hbm>> -> memref<10000x128xf32, #tpu.memory_space<hbm>>
      tpu.enqueue_indirect_dma source(%dma_start3A_131 : memref<10000x128xf32, #tpu.memory_space<hbm>>) target(%dma_start3A_121 : memref<64x128xf32, #tpu.memory_space<vmem>>) offsets(%dma_start3A_124 : memref<64xi32, #tpu.memory_space<vmem>>) semaphore(%arg12 : memref<!tpu.dma_semaphore, #tpu.memory_space<semaphore_mem>>)
      %dma_wait3A = arith.constant 0 : i32
      %dma_wait3A_132 = arith.constant 0 : i32
      %dma_wait3A_133 = tpu.memref_slice %arg6[%dma_wait3A, %dma_wait3A_132] : memref<40x128xi32, #tpu.memory_space<vmem>> -> memref<1x128xi32, #tpu.memory_space<vmem>>
      %dma_wait3A_134 = tpu.memref_squeeze %dma_wait3A_133 : memref<1x128xi32, #tpu.memory_space<vmem>> -> memref<128xi32, #tpu.memory_space<vmem>>
      %dma_wait3A_135 = arith.constant 0 : i32
      %dma_wait3A_136 = arith.constant 0 : i32
      %dma_wait3A_137 = tpu.memref_slice %arg2[%arg0, %dma_wait3A_135, %dma_wait3A_136] : memref<2x10000x128xf32, #tpu.memory_space<hbm>> -> memref<1x10000x128xf32, #tpu.memory_space<hbm>>
      %dma_wait3A_138 = tpu.memref_squeeze %dma_wait3A_137 : memref<1x10000x128xf32, #tpu.memory_space<hbm>> -> memref<10000x128xf32, #tpu.memory_space<hbm>>
      %dma_wait3A_139 = arith.constant 0 : i32
      %dma_wait3A_140 = arith.constant 0 : i32
      %dma_wait3A_141 = tpu.memref_slice %dma_wait3A_138[%dma_wait3A_139, %dma_wait3A_140] : memref<10000x128xf32, #tpu.memory_space<hbm>> -> memref<10000x128xf32, #tpu.memory_space<hbm>>
      tpu.wait_indirect_dma semaphore(%arg11 : memref<!tpu.dma_semaphore, #tpu.memory_space<semaphore_mem>>) src(%dma_wait3A_141 : memref<10000x128xf32, #tpu.memory_space<hbm>>) dst(%arg8 : memref<128x128xf32, #tpu.memory_space<vmem>>)
      "tpu.region"() ({
        %run_scoped3A_159 = tpu.sem_alloc : memref<!tpu.dma_semaphore, #tpu.memory_space<semaphore_mem>>
        %dma_start3A_160 = arith.constant 0 : i32
        %dma_start3A_161 = tpu.memref_slice %arg7[%mul3A_103, %dma_start3A_160] : memref<40x128xi32, #tpu.memory_space<vmem>> -> memref<1x128xi32, #tpu.memory_space<vmem>>
        %dma_start3A_162 = tpu.memref_squeeze %dma_start3A_161 : memref<1x128xi32, #tpu.memory_space<vmem>> -> memref<128xi32, #tpu.memory_space<vmem>>
        %dma_start3A_163 = arith.constant 0 : i32
        %dma_start3A_164 = arith.constant 0 : i32
        %dma_start3A_165 = tpu.memref_slice %arg10[%dma_start3A_163, %dma_start3A_164] : memref<10240x128xf32, #tpu.memory_space<vmem_shared>> -> memref<10240x128xf32, #tpu.memory_space<vmem_shared>>
        tpu.enqueue_indirect_dma source(%arg8 : memref<128x128xf32, #tpu.memory_space<vmem>>) target(%dma_start3A_165 : memref<10240x128xf32, #tpu.memory_space<vmem_shared>>) offsets(%dma_start3A_162 : memref<128xi32, #tpu.memory_space<vmem>>) semaphore(%run_scoped3A_159 : memref<!tpu.dma_semaphore, #tpu.memory_space<semaphore_mem>>) {add = true}
        %dma_wait3A_166 = arith.constant 0 : i32
        %dma_wait3A_167 = tpu.memref_slice %arg7[%mul3A_103, %dma_wait3A_166] : memref<40x128xi32, #tpu.memory_space<vmem>> -> memref<1x128xi32, #tpu.memory_space<vmem>>
        %dma_wait3A_168 = tpu.memref_squeeze %dma_wait3A_167 : memref<1x128xi32, #tpu.memory_space<vmem>> -> memref<128xi32, #tpu.memory_space<vmem>>
        %dma_wait3A_169 = arith.constant 0 : i32
        %dma_wait3A_170 = arith.constant 0 : i32
        %dma_wait3A_171 = tpu.memref_slice %arg10[%dma_wait3A_169, %dma_wait3A_170] : memref<10240x128xf32, #tpu.memory_space<vmem_shared>> -> memref<10240x128xf32, #tpu.memory_space<vmem_shared>>
        tpu.wait_indirect_dma semaphore(%run_scoped3A_159 : memref<!tpu.dma_semaphore, #tpu.memory_space<semaphore_mem>>) src(%arg8 : memref<128x128xf32, #tpu.memory_space<vmem>>) dst(%dma_wait3A_171 : memref<10240x128xf32, #tpu.memory_space<vmem_shared>>)
        tpu.yield
      }) : () -> ()
      %lt3A = arith.constant 19 : i32
      %lt3A_142 = arith.cmpi slt, %scan3A_101, %lt3A : i32
      %convert_element_type3A_143 = arith.extui %lt3A_142 : i1 to i32
      %cond3A_144 = arith.constant 0 : i32
      %cond3A_145 = arith.cmpi ne, %convert_element_type3A_143, %cond3A_144 : i32
      scf.if %cond3A_145 {
        %add3A_159 = arith.constant 2 : i32
        %add3A_160 = arith.addi %mul3A_103, %add3A_159 : i32
        %dma_start3A_161 = arith.constant 0 : i32
        %dma_start3A_162 = arith.constant 0 : i32
        %dma_start3A_163 = tpu.memref_slice %arg8[%dma_start3A_161, %dma_start3A_162] : memref<128x128xf32, #tpu.memory_space<vmem>> -> memref<64x128xf32, #tpu.memory_space<vmem>>
        %dma_start3A_164 = arith.constant 0 : i32
        %dma_start3A_165 = tpu.memref_slice %arg6[%add3A_160, %dma_start3A_164] : memref<40x128xi32, #tpu.memory_space<vmem>> -> memref<1x64xi32, #tpu.memory_space<vmem>>
        %dma_start3A_166 = tpu.memref_squeeze %dma_start3A_165 : memref<1x64xi32, #tpu.memory_space<vmem>> -> memref<64xi32, #tpu.memory_space<vmem>>
        %dma_start3A_167 = arith.constant 0 : i32
        %dma_start3A_168 = arith.constant 0 : i32
        %dma_start3A_169 = tpu.memref_slice %arg2[%arg0, %dma_start3A_167, %dma_start3A_168] : memref<2x10000x128xf32, #tpu.memory_space<hbm>> -> memref<1x10000x128xf32, #tpu.memory_space<hbm>>
        %dma_start3A_170 = tpu.memref_squeeze %dma_start3A_169 : memref<1x10000x128xf32, #tpu.memory_space<hbm>> -> memref<10000x128xf32, #tpu.memory_space<hbm>>
        %dma_start3A_171 = arith.constant 0 : i32
        %dma_start3A_172 = arith.constant 0 : i32
        %dma_start3A_173 = tpu.memref_slice %dma_start3A_170[%dma_start3A_171, %dma_start3A_172] : memref<10000x128xf32, #tpu.memory_space<hbm>> -> memref<10000x128xf32, #tpu.memory_space<hbm>>
        tpu.enqueue_indirect_dma source(%dma_start3A_173 : memref<10000x128xf32, #tpu.memory_space<hbm>>) target(%dma_start3A_163 : memref<64x128xf32, #tpu.memory_space<vmem>>) offsets(%dma_start3A_166 : memref<64xi32, #tpu.memory_space<vmem>>) semaphore(%arg11 : memref<!tpu.dma_semaphore, #tpu.memory_space<semaphore_mem>>)
        %dma_start3A_174 = arith.constant 64 : i32
        %dma_start3A_175 = arith.constant 0 : i32
        %dma_start3A_176 = tpu.memref_slice %arg8[%dma_start3A_174, %dma_start3A_175] : memref<128x128xf32, #tpu.memory_space<vmem>> -> memref<64x128xf32, #tpu.memory_space<vmem>>
        %dma_start3A_177 = arith.constant 64 : i32
        %dma_start3A_178 = tpu.memref_slice %arg6[%add3A_160, %dma_start3A_177] : memref<40x128xi32, #tpu.memory_space<vmem>> -> memref<1x64xi32, #tpu.memory_space<vmem>>
        %dma_start3A_179 = tpu.memref_squeeze %dma_start3A_178 : memref<1x64xi32, #tpu.memory_space<vmem>> -> memref<64xi32, #tpu.memory_space<vmem>>
        %dma_start3A_180 = arith.constant 0 : i32
        %dma_start3A_181 = arith.constant 0 : i32
        %dma_start3A_182 = tpu.memref_slice %arg2[%arg0, %dma_start3A_180, %dma_start3A_181] : memref<2x10000x128xf32, #tpu.memory_space<hbm>> -> memref<1x10000x128xf32, #tpu.memory_space<hbm>>
        %dma_start3A_183 = tpu.memref_squeeze %dma_start3A_182 : memref<1x10000x128xf32, #tpu.memory_space<hbm>> -> memref<10000x128xf32, #tpu.memory_space<hbm>>
        %dma_start3A_184 = arith.constant 0 : i32
        %dma_start3A_185 = arith.constant 0 : i32
        %dma_start3A_186 = tpu.memref_slice %dma_start3A_183[%dma_start3A_184, %dma_start3A_185] : memref<10000x128xf32, #tpu.memory_space<hbm>> -> memref<10000x128xf32, #tpu.memory_space<hbm>>
        tpu.enqueue_indirect_dma source(%dma_start3A_186 : memref<10000x128xf32, #tpu.memory_space<hbm>>) target(%dma_start3A_176 : memref<64x128xf32, #tpu.memory_space<vmem>>) offsets(%dma_start3A_179 : memref<64xi32, #tpu.memory_space<vmem>>) semaphore(%arg11 : memref<!tpu.dma_semaphore, #tpu.memory_space<semaphore_mem>>)
      } else {
      }
      %dma_wait3A_146 = arith.constant 0 : i32
      %dma_wait3A_147 = arith.constant 0 : i32
      %dma_wait3A_148 = tpu.memref_slice %arg6[%dma_wait3A_146, %dma_wait3A_147] : memref<40x128xi32, #tpu.memory_space<vmem>> -> memref<1x128xi32, #tpu.memory_space<vmem>>
      %dma_wait3A_149 = tpu.memref_squeeze %dma_wait3A_148 : memref<1x128xi32, #tpu.memory_space<vmem>> -> memref<128xi32, #tpu.memory_space<vmem>>
      %dma_wait3A_150 = arith.constant 0 : i32
      %dma_wait3A_151 = arith.constant 0 : i32
      %dma_wait3A_152 = tpu.memref_slice %arg2[%arg0, %dma_wait3A_150, %dma_wait3A_151] : memref<2x10000x128xf32, #tpu.memory_space<hbm>> -> memref<1x10000x128xf32, #tpu.memory_space<hbm>>
      %dma_wait3A_153 = tpu.memref_squeeze %dma_wait3A_152 : memref<1x10000x128xf32, #tpu.memory_space<hbm>> -> memref<10000x128xf32, #tpu.memory_space<hbm>>
      %dma_wait3A_154 = arith.constant 0 : i32
      %dma_wait3A_155 = arith.constant 0 : i32
      %dma_wait3A_156 = tpu.memref_slice %dma_wait3A_153[%dma_wait3A_154, %dma_wait3A_155] : memref<10000x128xf32, #tpu.memory_space<hbm>> -> memref<10000x128xf32, #tpu.memory_space<hbm>>
      tpu.wait_indirect_dma semaphore(%arg12 : memref<!tpu.dma_semaphore, #tpu.memory_space<semaphore_mem>>) src(%dma_wait3A_156 : memref<10000x128xf32, #tpu.memory_space<hbm>>) dst(%arg9 : memref<128x128xf32, #tpu.memory_space<vmem>>)
      %add3A_157 = arith.constant 1 : i32
      %add3A_158 = arith.addi %mul3A_103, %add3A_157 : i32
      "tpu.region"() ({
        %run_scoped3A_159 = tpu.sem_alloc : memref<!tpu.dma_semaphore, #tpu.memory_space<semaphore_mem>>
        %dma_start3A_160 = arith.constant 0 : i32
        %dma_start3A_161 = tpu.memref_slice %arg7[%add3A_158, %dma_start3A_160] : memref<40x128xi32, #tpu.memory_space<vmem>> -> memref<1x128xi32, #tpu.memory_space<vmem>>
        %dma_start3A_162 = tpu.memref_squeeze %dma_start3A_161 : memref<1x128xi32, #tpu.memory_space<vmem>> -> memref<128xi32, #tpu.memory_space<vmem>>
        %dma_start3A_163 = arith.constant 0 : i32
        %dma_start3A_164 = arith.constant 0 : i32
        %dma_start3A_165 = tpu.memref_slice %arg10[%dma_start3A_163, %dma_start3A_164] : memref<10240x128xf32, #tpu.memory_space<vmem_shared>> -> memref<10240x128xf32, #tpu.memory_space<vmem_shared>>
        tpu.enqueue_indirect_dma source(%arg9 : memref<128x128xf32, #tpu.memory_space<vmem>>) target(%dma_start3A_165 : memref<10240x128xf32, #tpu.memory_space<vmem_shared>>) offsets(%dma_start3A_162 : memref<128xi32, #tpu.memory_space<vmem>>) semaphore(%run_scoped3A_159 : memref<!tpu.dma_semaphore, #tpu.memory_space<semaphore_mem>>) {add = true}
        %dma_wait3A_166 = arith.constant 0 : i32
        %dma_wait3A_167 = tpu.memref_slice %arg7[%add3A_158, %dma_wait3A_166] : memref<40x128xi32, #tpu.memory_space<vmem>> -> memref<1x128xi32, #tpu.memory_space<vmem>>
        %dma_wait3A_168 = tpu.memref_squeeze %dma_wait3A_167 : memref<1x128xi32, #tpu.memory_space<vmem>> -> memref<128xi32, #tpu.memory_space<vmem>>
        %dma_wait3A_169 = arith.constant 0 : i32
        %dma_wait3A_170 = arith.constant 0 : i32
        %dma_wait3A_171 = tpu.memref_slice %arg10[%dma_wait3A_169, %dma_wait3A_170] : memref<10240x128xf32, #tpu.memory_space<vmem_shared>> -> memref<10240x128xf32, #tpu.memory_space<vmem_shared>>
        tpu.wait_indirect_dma semaphore(%run_scoped3A_159 : memref<!tpu.dma_semaphore, #tpu.memory_space<semaphore_mem>>) src(%arg9 : memref<128x128xf32, #tpu.memory_space<vmem>>) dst(%dma_wait3A_171 : memref<10240x128xf32, #tpu.memory_space<vmem_shared>>)
        tpu.yield
      }) : () -> ()
    }
    %scan3A_93 = arith.constant 20 : i32
    %barrier3A_94 = arith.constant 0 : index
    tpu.barrier barrier_id(%barrier3A_94)
    %mul3A_95 = arith.constant 624 : i32
    %mul3A_96 = arith.muli %arg1, %mul3A_95 : i32
    %mul3A_97 = arith.constant 624 : i32
    %mul3A_98 = arith.muli %arg1, %mul3A_97 : i32
    "tpu.region"() ({
      %run_scoped3A_101 = tpu.sem_alloc : memref<!tpu.dma_semaphore, #tpu.memory_space<semaphore_mem>>
      %dma_start3A_102 = arith.constant 0 : i32
      %dma_start3A_103 = arith.constant 0 : i32
      %dma_start3A_104 = tpu.memref_slice %arg5[%arg0, %dma_start3A_102, %dma_start3A_103] : memref<2x10000x128xf32, #tpu.memory_space<hbm>> -> memref<1x10000x128xf32, #tpu.memory_space<hbm>>
      %dma_start3A_105 = tpu.memref_squeeze %dma_start3A_104 : memref<1x10000x128xf32, #tpu.memory_space<hbm>> -> memref<10000x128xf32, #tpu.memory_space<hbm>>
      %dma_start3A_106 = arith.constant 0 : i32
      %dma_start3A_107 = tpu.memref_slice %dma_start3A_105[%mul3A_98, %dma_start3A_106] : memref<10000x128xf32, #tpu.memory_space<hbm>> -> memref<624x128xf32, #tpu.memory_space<hbm>>
      %dma_start3A_108 = arith.constant 0 : i32
      %dma_start3A_109 = tpu.memref_slice %arg10[%mul3A_96, %dma_start3A_108] : memref<10240x128xf32, #tpu.memory_space<vmem_shared>> -> memref<624x128xf32, #tpu.memory_space<vmem_shared>>
      tpu.enqueue_dma source(%dma_start3A_109 : memref<624x128xf32, #tpu.memory_space<vmem_shared>>) target(%dma_start3A_107 : memref<624x128xf32, #tpu.memory_space<hbm>>) target_semaphore(%run_scoped3A_101 : memref<!tpu.dma_semaphore, #tpu.memory_space<semaphore_mem>>)
      %dma_wait3A = arith.constant 0 : i32
      %dma_wait3A_110 = arith.constant 0 : i32
      %dma_wait3A_111 = tpu.memref_slice %arg5[%arg0, %dma_wait3A, %dma_wait3A_110] : memref<2x10000x128xf32, #tpu.memory_space<hbm>> -> memref<1x10000x128xf32, #tpu.memory_space<hbm>>
      %dma_wait3A_112 = tpu.memref_squeeze %dma_wait3A_111 : memref<1x10000x128xf32, #tpu.memory_space<hbm>> -> memref<10000x128xf32, #tpu.memory_space<hbm>>
      %dma_wait3A_113 = arith.constant 0 : i32
      %dma_wait3A_114 = tpu.memref_slice %dma_wait3A_112[%mul3A_98, %dma_wait3A_113] : memref<10000x128xf32, #tpu.memory_space<hbm>> -> memref<624x128xf32, #tpu.memory_space<hbm>>
      %dma_wait3A_115 = arith.constant 0 : i32
      %dma_wait3A_116 = tpu.memref_slice %arg10[%mul3A_96, %dma_wait3A_115] : memref<10240x128xf32, #tpu.memory_space<vmem_shared>> -> memref<624x128xf32, #tpu.memory_space<vmem_shared>>
      tpu.wait_dma2 semaphore(%run_scoped3A_101 : memref<!tpu.dma_semaphore, #tpu.memory_space<semaphore_mem>>) src(%dma_wait3A_116 : memref<624x128xf32, #tpu.memory_space<vmem_shared>>) dst(%dma_wait3A_114 : memref<624x128xf32, #tpu.memory_space<hbm>>)
      tpu.yield
    }) : () -> ()
    %eq3A = arith.constant 15 : i32
    %eq3A_99 = arith.cmpi eq, %arg1, %eq3A : i32
    %convert_element_type3A = arith.extui %eq3A_99 : i1 to i32
    %cond3A = arith.constant 0 : i32
    %cond3A_100 = arith.cmpi ne, %convert_element_type3A, %cond3A : i32
    scf.if %cond3A_100 {
      "tpu.region"() ({
        %run_scoped3A_101 = tpu.sem_alloc : memref<!tpu.dma_semaphore, #tpu.memory_space<semaphore_mem>>
        %dma_start3A_102 = arith.constant 0 : i32
        %dma_start3A_103 = arith.constant 0 : i32
        %dma_start3A_104 = tpu.memref_slice %arg5[%arg0, %dma_start3A_102, %dma_start3A_103] : memref<2x10000x128xf32, #tpu.memory_space<hbm>> -> memref<1x10000x128xf32, #tpu.memory_space<hbm>>
        %dma_start3A_105 = tpu.memref_squeeze %dma_start3A_104 : memref<1x10000x128xf32, #tpu.memory_space<hbm>> -> memref<10000x128xf32, #tpu.memory_space<hbm>>
        %dma_start3A_106 = arith.constant 9984 : i32
        %dma_start3A_107 = arith.constant 0 : i32
        %dma_start3A_108 = tpu.memref_slice %dma_start3A_105[%dma_start3A_106, %dma_start3A_107] : memref<10000x128xf32, #tpu.memory_space<hbm>> -> memref<16x128xf32, #tpu.memory_space<hbm>>
        %dma_start3A_109 = arith.constant 9984 : i32
        %dma_start3A_110 = arith.constant 0 : i32
        %dma_start3A_111 = tpu.memref_slice %arg10[%dma_start3A_109, %dma_start3A_110] : memref<10240x128xf32, #tpu.memory_space<vmem_shared>> -> memref<16x128xf32, #tpu.memory_space<vmem_shared>>
        tpu.enqueue_dma source(%dma_start3A_111 : memref<16x128xf32, #tpu.memory_space<vmem_shared>>) target(%dma_start3A_108 : memref<16x128xf32, #tpu.memory_space<hbm>>) target_semaphore(%run_scoped3A_101 : memref<!tpu.dma_semaphore, #tpu.memory_space<semaphore_mem>>)
        %dma_wait3A = arith.constant 0 : i32
        %dma_wait3A_112 = arith.constant 0 : i32
        %dma_wait3A_113 = tpu.memref_slice %arg5[%arg0, %dma_wait3A, %dma_wait3A_112] : memref<2x10000x128xf32, #tpu.memory_space<hbm>> -> memref<1x10000x128xf32, #tpu.memory_space<hbm>>
        %dma_wait3A_114 = tpu.memref_squeeze %dma_wait3A_113 : memref<1x10000x128xf32, #tpu.memory_space<hbm>> -> memref<10000x128xf32, #tpu.memory_space<hbm>>
        %dma_wait3A_115 = arith.constant 9984 : i32
        %dma_wait3A_116 = arith.constant 0 : i32
        %dma_wait3A_117 = tpu.memref_slice %dma_wait3A_114[%dma_wait3A_115, %dma_wait3A_116] : memref<10000x128xf32, #tpu.memory_space<hbm>> -> memref<16x128xf32, #tpu.memory_space<hbm>>
        %dma_wait3A_118 = arith.constant 9984 : i32
        %dma_wait3A_119 = arith.constant 0 : i32
        %dma_wait3A_120 = tpu.memref_slice %arg10[%dma_wait3A_118, %dma_wait3A_119] : memref<10240x128xf32, #tpu.memory_space<vmem_shared>> -> memref<16x128xf32, #tpu.memory_space<vmem_shared>>
        tpu.wait_dma2 semaphore(%run_scoped3A_101 : memref<!tpu.dma_semaphore, #tpu.memory_space<semaphore_mem>>) src(%dma_wait3A_120 : memref<16x128xf32, #tpu.memory_space<vmem_shared>>) dst(%dma_wait3A_117 : memref<16x128xf32, #tpu.memory_space<hbm>>)
        tpu.yield
      }) : () -> ()
    } else {
    }
    return
  }
}

#map = affine_map<(d0, d1) -> (0, 0, 0)>
#map1 = affine_map<(d0, d1) -> (0, 0, 0, 0)>
module attributes {stable_mosaic.version = 14 : i64} {
  func.func @_sc_agg_body(%arg0: i32, %arg1: i32, %arg2: memref<2x10000x128xf32, #tpu.memory_space<hbm>>, %arg3: memref<16x2x40x128xi32, #tpu.memory_space<hbm>>, %arg4: memref<16x2x40x128xi32, #tpu.memory_space<hbm>>, %arg5: memref<2x10000x128xf32, #tpu.memory_space<hbm>>, %arg6: memref<40x128xi32, #tpu.memory_space<vmem>>, %arg7: memref<40x128xi32, #tpu.memory_space<vmem>>, %arg8: memref<128x128xf32, #tpu.memory_space<vmem>>, %arg9: memref<128x128xf32, #tpu.memory_space<vmem>>, %arg10: memref<10240x128xf32, #tpu.memory_space<vmem_shared>>, %arg11: memref<!tpu.dma_semaphore, #tpu.memory_space<semaphore_mem>>, %arg12: memref<!tpu.dma_semaphore, #tpu.memory_space<semaphore_mem>>) attributes {dimension_semantics = [#tpu.dimension_semantics<core_parallel>, #tpu.dimension_semantics<subcore_parallel>], iteration_bounds = array<i64: 2, 16>, scalar_prefetch = 0 : i64, scratch_operands = 7 : i64, tpu.core_type = #tpu.core_type<sc_vector_subcore>, window_params = [{transform_indices = #map}, {transform_indices = #map1}, {transform_indices = #map1}, {transform_indices = #map}]} {
    %broadcast_in_dim3A = arith.constant 0.000000e+00 : f32
    %broadcast_in_dim3A_0 = vector.broadcast %broadcast_in_dim3A : f32 to vector<16xf32>
    %scan3A = arith.constant 0 : i32
    %scan3A_1 = arith.constant 0 : i32
    %scan3A_2 = arith.constant 128 : i32
    %scan3A_3 = arith.addi %scan3A_1, %scan3A_2 : i32
    %scan3A_4 = arith.constant 1 : i32
    scf.for %scan3A_101 = %scan3A_1 to %scan3A_3 step %scan3A_4  : i32 {
      %swap3A = arith.index_cast %scan3A_101 : i32 to index
      %swap3A_102 = arith.constant 0 : index
      %swap3A_103 = tpu.vector_load %arg8[%swap3A, %swap3A_102] {strides = array<i32>} : memref<128x128xf32, #tpu.memory_space<vmem>>, vector<1x16xf32>,
      %swap3A_104 = vector.shape_cast %swap3A_103 : vector<1x16xf32> to vector<16xf32>
      %swap3A_105 = vector.shape_cast %broadcast_in_dim3A_0 : vector<16xf32> to vector<1x16xf32>
      tpu.vector_store %arg8[%swap3A, %swap3A_102], %swap3A_105 {strides = array<i32>} : memref<128x128xf32, #tpu.memory_space<vmem>>, vector<1x16xf32>,
      %swap3A_106 = arith.index_cast %scan3A_101 : i32 to index
      %swap3A_107 = arith.constant 16 : index
      %swap3A_108 = tpu.vector_load %arg8[%swap3A_106, %swap3A_107] {strides = array<i32>} : memref<128x128xf32, #tpu.memory_space<vmem>>, vector<1x16xf32>,
      %swap3A_109 = vector.shape_cast %swap3A_108 : vector<1x16xf32> to vector<16xf32>
      %swap3A_110 = vector.shape_cast %broadcast_in_dim3A_0 : vector<16xf32> to vector<1x16xf32>
      tpu.vector_store %arg8[%swap3A_106, %swap3A_107], %swap3A_110 {strides = array<i32>} : memref<128x128xf32, #tpu.memory_space<vmem>>, vector<1x16xf32>,
      %swap3A_111 = arith.index_cast %scan3A_101 : i32 to index
      %swap3A_112 = arith.constant 32 : index
      %swap3A_113 = tpu.vector_load %arg8[%swap3A_111, %swap3A_112] {strides = array<i32>} : memref<128x128xf32, #tpu.memory_space<vmem>>, vector<1x16xf32>,
      %swap3A_114 = vector.shape_cast %swap3A_113 : vector<1x16xf32> to vector<16xf32>
      %swap3A_115 = vector.shape_cast %broadcast_in_dim3A_0 : vector<16xf32> to vector<1x16xf32>
      tpu.vector_store %arg8[%swap3A_111, %swap3A_112], %swap3A_115 {strides = array<i32>} : memref<128x128xf32, #tpu.memory_space<vmem>>, vector<1x16xf32>,
      %swap3A_116 = arith.index_cast %scan3A_101 : i32 to index
      %swap3A_117 = arith.constant 48 : index
      %swap3A_118 = tpu.vector_load %arg8[%swap3A_116, %swap3A_117] {strides = array<i32>} : memref<128x128xf32, #tpu.memory_space<vmem>>, vector<1x16xf32>,
      %swap3A_119 = vector.shape_cast %swap3A_118 : vector<1x16xf32> to vector<16xf32>
      %swap3A_120 = vector.shape_cast %broadcast_in_dim3A_0 : vector<16xf32> to vector<1x16xf32>
      tpu.vector_store %arg8[%swap3A_116, %swap3A_117], %swap3A_120 {strides = array<i32>} : memref<128x128xf32, #tpu.memory_space<vmem>>, vector<1x16xf32>,
      %swap3A_121 = arith.index_cast %scan3A_101 : i32 to index
      %swap3A_122 = arith.constant 64 : index
      %swap3A_123 = tpu.vector_load %arg8[%swap3A_121, %swap3A_122] {strides = array<i32>} : memref<128x128xf32, #tpu.memory_space<vmem>>, vector<1x16xf32>,
      %swap3A_124 = vector.shape_cast %swap3A_123 : vector<1x16xf32> to vector<16xf32>
      %swap3A_125 = vector.shape_cast %broadcast_in_dim3A_0 : vector<16xf32> to vector<1x16xf32>
      tpu.vector_store %arg8[%swap3A_121, %swap3A_122], %swap3A_125 {strides = array<i32>} : memref<128x128xf32, #tpu.memory_space<vmem>>, vector<1x16xf32>,
      %swap3A_126 = arith.index_cast %scan3A_101 : i32 to index
      %swap3A_127 = arith.constant 80 : index
      %swap3A_128 = tpu.vector_load %arg8[%swap3A_126, %swap3A_127] {strides = array<i32>} : memref<128x128xf32, #tpu.memory_space<vmem>>, vector<1x16xf32>,
      %swap3A_129 = vector.shape_cast %swap3A_128 : vector<1x16xf32> to vector<16xf32>
      %swap3A_130 = vector.shape_cast %broadcast_in_dim3A_0 : vector<16xf32> to vector<1x16xf32>
      tpu.vector_store %arg8[%swap3A_126, %swap3A_127], %swap3A_130 {strides = array<i32>} : memref<128x128xf32, #tpu.memory_space<vmem>>, vector<1x16xf32>,
      %swap3A_131 = arith.index_cast %scan3A_101 : i32 to index
      %swap3A_132 = arith.constant 96 : index
      %swap3A_133 = tpu.vector_load %arg8[%swap3A_131, %swap3A_132] {strides = array<i32>} : memref<128x128xf32, #tpu.memory_space<vmem>>, vector<1x16xf32>,
      %swap3A_134 = vector.shape_cast %swap3A_133 : vector<1x16xf32> to vector<16xf32>
      %swap3A_135 = vector.shape_cast %broadcast_in_dim3A_0 : vector<16xf32> to vector<1x16xf32>
      tpu.vector_store %arg8[%swap3A_131, %swap3A_132], %swap3A_135 {strides = array<i32>} : memref<128x128xf32, #tpu.memory_space<vmem>>, vector<1x16xf32>,
      %swap3A_136 = arith.index_cast %scan3A_101 : i32 to index
      %swap3A_137 = arith.constant 112 : index
      %swap3A_138 = tpu.vector_load %arg8[%swap3A_136, %swap3A_137] {strides = array<i32>} : memref<128x128xf32, #tpu.memory_space<vmem>>, vector<1x16xf32>,
      %swap3A_139 = vector.shape_cast %swap3A_138 : vector<1x16xf32> to vector<16xf32>
      %swap3A_140 = vector.shape_cast %broadcast_in_dim3A_0 : vector<16xf32> to vector<1x16xf32>
      tpu.vector_store %arg8[%swap3A_136, %swap3A_137], %swap3A_140 {strides = array<i32>} : memref<128x128xf32, #tpu.memory_space<vmem>>, vector<1x16xf32>,
    }
    %scan3A_5 = arith.constant 128 : i32
    %mul3A = arith.constant 640 : i32
    %mul3A_6 = arith.muli %arg1, %mul3A : i32
    %add3A = arith.constant 0 : i32
    %add3A_7 = arith.addi %mul3A_6, %add3A : i32
    "tpu.region"() ({
      %run_scoped3A_101 = tpu.sem_alloc : memref<!tpu.dma_semaphore, #tpu.memory_space<semaphore_mem>>
      %dma_start3A_102 = arith.constant 0 : i32
      %dma_start3A_103 = tpu.memref_slice %arg10[%add3A_7, %dma_start3A_102] : memref<10240x128xf32, #tpu.memory_space<vmem_shared>> -> memref<128x128xf32, #tpu.memory_space<vmem_shared>>
      %dma_start3A_104 = arith.constant 0 : i32
      %dma_start3A_105 = tpu.memref_slice %arg10[%add3A_7, %dma_start3A_104] : memref<10240x128xf32, #tpu.memory_space<vmem_shared>> -> memref<128x128xf32, #tpu.memory_space<vmem_shared>>
      tpu.enqueue_dma source(%arg8 : memref<128x128xf32, #tpu.memory_space<vmem>>) target(%dma_start3A_105 : memref<128x128xf32, #tpu.memory_space<vmem_shared>>) target_semaphore(%run_scoped3A_101 : memref<!tpu.dma_semaphore, #tpu.memory_space<semaphore_mem>>)
      %dma_wait3A = arith.constant 0 : i32
      %dma_wait3A_106 = tpu.memref_slice %arg10[%add3A_7, %dma_wait3A] : memref<10240x128xf32, #tpu.memory_space<vmem_shared>> -> memref<128x128xf32, #tpu.memory_space<vmem_shared>>
      %dma_wait3A_107 = arith.constant 0 : i32
      %dma_wait3A_108 = tpu.memref_slice %arg10[%add3A_7, %dma_wait3A_107] : memref<10240x128xf32, #tpu.memory_space<vmem_shared>> -> memref<128x128xf32, #tpu.memory_space<vmem_shared>>
      tpu.wait_dma2 semaphore(%run_scoped3A_101 : memref<!tpu.dma_semaphore, #tpu.memory_space<semaphore_mem>>) src(%arg8 : memref<128x128xf32, #tpu.memory_space<vmem>>) dst(%dma_wait3A_108 : memref<128x128xf32, #tpu.memory_space<vmem_shared>>)
      tpu.yield
    }) : () -> ()
    %mul3A_8 = arith.constant 640 : i32
    %mul3A_9 = arith.muli %arg1, %mul3A_8 : i32
    %add3A_10 = arith.constant 128 : i32
    %add3A_11 = arith.addi %mul3A_9, %add3A_10 : i32
    "tpu.region"() ({
      %run_scoped3A_101 = tpu.sem_alloc : memref<!tpu.dma_semaphore, #tpu.memory_space<semaphore_mem>>
      %dma_start3A_102 = arith.constant 0 : i32
      %dma_start3A_103 = tpu.memref_slice %arg10[%add3A_11, %dma_start3A_102] : memref<10240x128xf32, #tpu.memory_space<vmem_shared>> -> memref<128x128xf32, #tpu.memory_space<vmem_shared>>
      %dma_start3A_104 = arith.constant 0 : i32
      %dma_start3A_105 = tpu.memref_slice %arg10[%add3A_11, %dma_start3A_104] : memref<10240x128xf32, #tpu.memory_space<vmem_shared>> -> memref<128x128xf32, #tpu.memory_space<vmem_shared>>
      tpu.enqueue_dma source(%arg8 : memref<128x128xf32, #tpu.memory_space<vmem>>) target(%dma_start3A_105 : memref<128x128xf32, #tpu.memory_space<vmem_shared>>) target_semaphore(%run_scoped3A_101 : memref<!tpu.dma_semaphore, #tpu.memory_space<semaphore_mem>>)
      %dma_wait3A = arith.constant 0 : i32
      %dma_wait3A_106 = tpu.memref_slice %arg10[%add3A_11, %dma_wait3A] : memref<10240x128xf32, #tpu.memory_space<vmem_shared>> -> memref<128x128xf32, #tpu.memory_space<vmem_shared>>
      %dma_wait3A_107 = arith.constant 0 : i32
      %dma_wait3A_108 = tpu.memref_slice %arg10[%add3A_11, %dma_wait3A_107] : memref<10240x128xf32, #tpu.memory_space<vmem_shared>> -> memref<128x128xf32, #tpu.memory_space<vmem_shared>>
      tpu.wait_dma2 semaphore(%run_scoped3A_101 : memref<!tpu.dma_semaphore, #tpu.memory_space<semaphore_mem>>) src(%arg8 : memref<128x128xf32, #tpu.memory_space<vmem>>) dst(%dma_wait3A_108 : memref<128x128xf32, #tpu.memory_space<vmem_shared>>)
      tpu.yield
    }) : () -> ()
    %mul3A_12 = arith.constant 640 : i32
    %mul3A_13 = arith.muli %arg1, %mul3A_12 : i32
    %add3A_14 = arith.constant 256 : i32
    %add3A_15 = arith.addi %mul3A_13, %add3A_14 : i32
    "tpu.region"() ({
      %run_scoped3A_101 = tpu.sem_alloc : memref<!tpu.dma_semaphore, #tpu.memory_space<semaphore_mem>>
      %dma_start3A_102 = arith.constant 0 : i32
      %dma_start3A_103 = tpu.memref_slice %arg10[%add3A_15, %dma_start3A_102] : memref<10240x128xf32, #tpu.memory_space<vmem_shared>> -> memref<128x128xf32, #tpu.memory_space<vmem_shared>>
      %dma_start3A_104 = arith.constant 0 : i32
      %dma_start3A_105 = tpu.memref_slice %arg10[%add3A_15, %dma_start3A_104] : memref<10240x128xf32, #tpu.memory_space<vmem_shared>> -> memref<128x128xf32, #tpu.memory_space<vmem_shared>>
      tpu.enqueue_dma source(%arg8 : memref<128x128xf32, #tpu.memory_space<vmem>>) target(%dma_start3A_105 : memref<128x128xf32, #tpu.memory_space<vmem_shared>>) target_semaphore(%run_scoped3A_101 : memref<!tpu.dma_semaphore, #tpu.memory_space<semaphore_mem>>)
      %dma_wait3A = arith.constant 0 : i32
      %dma_wait3A_106 = tpu.memref_slice %arg10[%add3A_15, %dma_wait3A] : memref<10240x128xf32, #tpu.memory_space<vmem_shared>> -> memref<128x128xf32, #tpu.memory_space<vmem_shared>>
      %dma_wait3A_107 = arith.constant 0 : i32
      %dma_wait3A_108 = tpu.memref_slice %arg10[%add3A_15, %dma_wait3A_107] : memref<10240x128xf32, #tpu.memory_space<vmem_shared>> -> memref<128x128xf32, #tpu.memory_space<vmem_shared>>
      tpu.wait_dma2 semaphore(%run_scoped3A_101 : memref<!tpu.dma_semaphore, #tpu.memory_space<semaphore_mem>>) src(%arg8 : memref<128x128xf32, #tpu.memory_space<vmem>>) dst(%dma_wait3A_108 : memref<128x128xf32, #tpu.memory_space<vmem_shared>>)
      tpu.yield
    }) : () -> ()
    %mul3A_16 = arith.constant 640 : i32
    %mul3A_17 = arith.muli %arg1, %mul3A_16 : i32
    %add3A_18 = arith.constant 384 : i32
    %add3A_19 = arith.addi %mul3A_17, %add3A_18 : i32
    "tpu.region"() ({
      %run_scoped3A_101 = tpu.sem_alloc : memref<!tpu.dma_semaphore, #tpu.memory_space<semaphore_mem>>
      %dma_start3A_102 = arith.constant 0 : i32
      %dma_start3A_103 = tpu.memref_slice %arg10[%add3A_19, %dma_start3A_102] : memref<10240x128xf32, #tpu.memory_space<vmem_shared>> -> memref<128x128xf32, #tpu.memory_space<vmem_shared>>
      %dma_start3A_104 = arith.constant 0 : i32
      %dma_start3A_105 = tpu.memref_slice %arg10[%add3A_19, %dma_start3A_104] : memref<10240x128xf32, #tpu.memory_space<vmem_shared>> -> memref<128x128xf32, #tpu.memory_space<vmem_shared>>
      tpu.enqueue_dma source(%arg8 : memref<128x128xf32, #tpu.memory_space<vmem>>) target(%dma_start3A_105 : memref<128x128xf32, #tpu.memory_space<vmem_shared>>) target_semaphore(%run_scoped3A_101 : memref<!tpu.dma_semaphore, #tpu.memory_space<semaphore_mem>>)
      %dma_wait3A = arith.constant 0 : i32
      %dma_wait3A_106 = tpu.memref_slice %arg10[%add3A_19, %dma_wait3A] : memref<10240x128xf32, #tpu.memory_space<vmem_shared>> -> memref<128x128xf32, #tpu.memory_space<vmem_shared>>
      %dma_wait3A_107 = arith.constant 0 : i32
      %dma_wait3A_108 = tpu.memref_slice %arg10[%add3A_19, %dma_wait3A_107] : memref<10240x128xf32, #tpu.memory_space<vmem_shared>> -> memref<128x128xf32, #tpu.memory_space<vmem_shared>>
      tpu.wait_dma2 semaphore(%run_scoped3A_101 : memref<!tpu.dma_semaphore, #tpu.memory_space<semaphore_mem>>) src(%arg8 : memref<128x128xf32, #tpu.memory_space<vmem>>) dst(%dma_wait3A_108 : memref<128x128xf32, #tpu.memory_space<vmem_shared>>)
      tpu.yield
    }) : () -> ()
    %mul3A_20 = arith.constant 640 : i32
    %mul3A_21 = arith.muli %arg1, %mul3A_20 : i32
    %add3A_22 = arith.constant 512 : i32
    %add3A_23 = arith.addi %mul3A_21, %add3A_22 : i32
    "tpu.region"() ({
      %run_scoped3A_101 = tpu.sem_alloc : memref<!tpu.dma_semaphore, #tpu.memory_space<semaphore_mem>>
      %dma_start3A_102 = arith.constant 0 : i32
      %dma_start3A_103 = tpu.memref_slice %arg10[%add3A_23, %dma_start3A_102] : memref<10240x128xf32, #tpu.memory_space<vmem_shared>> -> memref<128x128xf32, #tpu.memory_space<vmem_shared>>
      %dma_start3A_104 = arith.constant 0 : i32
      %dma_start3A_105 = tpu.memref_slice %arg10[%add3A_23, %dma_start3A_104] : memref<10240x128xf32, #tpu.memory_space<vmem_shared>> -> memref<128x128xf32, #tpu.memory_space<vmem_shared>>
      tpu.enqueue_dma source(%arg8 : memref<128x128xf32, #tpu.memory_space<vmem>>) target(%dma_start3A_105 : memref<128x128xf32, #tpu.memory_space<vmem_shared>>) target_semaphore(%run_scoped3A_101 : memref<!tpu.dma_semaphore, #tpu.memory_space<semaphore_mem>>)
      %dma_wait3A = arith.constant 0 : i32
      %dma_wait3A_106 = tpu.memref_slice %arg10[%add3A_23, %dma_wait3A] : memref<10240x128xf32, #tpu.memory_space<vmem_shared>> -> memref<128x128xf32, #tpu.memory_space<vmem_shared>>
      %dma_wait3A_107 = arith.constant 0 : i32
      %dma_wait3A_108 = tpu.memref_slice %arg10[%add3A_23, %dma_wait3A_107] : memref<10240x128xf32, #tpu.memory_space<vmem_shared>> -> memref<128x128xf32, #tpu.memory_space<vmem_shared>>
      tpu.wait_dma2 semaphore(%run_scoped3A_101 : memref<!tpu.dma_semaphore, #tpu.memory_space<semaphore_mem>>) src(%arg8 : memref<128x128xf32, #tpu.memory_space<vmem>>) dst(%dma_wait3A_108 : memref<128x128xf32, #tpu.memory_space<vmem_shared>>)
      tpu.yield
    }) : () -> ()
    %barrier3A = arith.constant 0 : index
    tpu.barrier barrier_id(%barrier3A)
    %run_scoped3A = arith.constant 0 : i32
    "tpu.region"() ({
      %run_scoped3A_101 = tpu.sem_alloc : memref<!tpu.dma_semaphore, #tpu.memory_space<semaphore_mem>>
      %dma_start3A_102 = arith.constant 0 : i32
      %dma_start3A_103 = arith.constant 0 : i32
      %dma_start3A_104 = tpu.memref_slice %arg3[%arg1, %run_scoped3A, %dma_start3A_102, %dma_start3A_103] : memref<16x2x40x128xi32, #tpu.memory_space<hbm>> -> memref<1x1x40x128xi32, #tpu.memory_space<hbm>>
      %dma_start3A_105 = tpu.memref_squeeze %dma_start3A_104 : memref<1x1x40x128xi32, #tpu.memory_space<hbm>> -> memref<40x128xi32, #tpu.memory_space<hbm>>
      %dma_start3A_106 = arith.constant 0 : i32
      %dma_start3A_107 = arith.constant 0 : i32
      %dma_start3A_108 = tpu.memref_slice %arg3[%arg1, %run_scoped3A, %dma_start3A_106, %dma_start3A_107] : memref<16x2x40x128xi32, #tpu.memory_space<hbm>> -> memref<1x1x40x128xi32, #tpu.memory_space<hbm>>
      %dma_start3A_109 = tpu.memref_squeeze %dma_start3A_108 : memref<1x1x40x128xi32, #tpu.memory_space<hbm>> -> memref<40x128xi32, #tpu.memory_space<hbm>>
      tpu.enqueue_dma source(%dma_start3A_109 : memref<40x128xi32, #tpu.memory_space<hbm>>) target(%arg6 : memref<40x128xi32, #tpu.memory_space<vmem>>) target_semaphore(%run_scoped3A_101 : memref<!tpu.dma_semaphore, #tpu.memory_space<semaphore_mem>>)
      %dma_wait3A = arith.constant 0 : i32
      %dma_wait3A_110 = arith.constant 0 : i32
      %dma_wait3A_111 = tpu.memref_slice %arg3[%arg1, %run_scoped3A, %dma_wait3A, %dma_wait3A_110] : memref<16x2x40x128xi32, #tpu.memory_space<hbm>> -> memref<1x1x40x128xi32, #tpu.memory_space<hbm>>
      %dma_wait3A_112 = tpu.memref_squeeze %dma_wait3A_111 : memref<1x1x40x128xi32, #tpu.memory_space<hbm>> -> memref<40x128xi32, #tpu.memory_space<hbm>>
      %dma_wait3A_113 = arith.constant 0 : i32
      %dma_wait3A_114 = arith.constant 0 : i32
      %dma_wait3A_115 = tpu.memref_slice %arg3[%arg1, %run_scoped3A, %dma_wait3A_113, %dma_wait3A_114] : memref<16x2x40x128xi32, #tpu.memory_space<hbm>> -> memref<1x1x40x128xi32, #tpu.memory_space<hbm>>
      %dma_wait3A_116 = tpu.memref_squeeze %dma_wait3A_115 : memref<1x1x40x128xi32, #tpu.memory_space<hbm>> -> memref<40x128xi32, #tpu.memory_space<hbm>>
      tpu.wait_dma2 semaphore(%run_scoped3A_101 : memref<!tpu.dma_semaphore, #tpu.memory_space<semaphore_mem>>) src(%dma_wait3A_116 : memref<40x128xi32, #tpu.memory_space<hbm>>) dst(%arg6 : memref<40x128xi32, #tpu.memory_space<vmem>>)
      tpu.yield
    }) : () -> ()
    %run_scoped3A_24 = arith.constant 0 : i32
    "tpu.region"() ({
      %run_scoped3A_101 = tpu.sem_alloc : memref<!tpu.dma_semaphore, #tpu.memory_space<semaphore_mem>>
      %dma_start3A_102 = arith.constant 0 : i32
      %dma_start3A_103 = arith.constant 0 : i32
      %dma_start3A_104 = tpu.memref_slice %arg4[%arg1, %run_scoped3A_24, %dma_start3A_102, %dma_start3A_103] : memref<16x2x40x128xi32, #tpu.memory_space<hbm>> -> memref<1x1x40x128xi32, #tpu.memory_space<hbm>>
      %dma_start3A_105 = tpu.memref_squeeze %dma_start3A_104 : memref<1x1x40x128xi32, #tpu.memory_space<hbm>> -> memref<40x128xi32, #tpu.memory_space<hbm>>
      %dma_start3A_106 = arith.constant 0 : i32
      %dma_start3A_107 = arith.constant 0 : i32
      %dma_start3A_108 = tpu.memref_slice %arg4[%arg1, %run_scoped3A_24, %dma_start3A_106, %dma_start3A_107] : memref<16x2x40x128xi32, #tpu.memory_space<hbm>> -> memref<1x1x40x128xi32, #tpu.memory_space<hbm>>
      %dma_start3A_109 = tpu.memref_squeeze %dma_start3A_108 : memref<1x1x40x128xi32, #tpu.memory_space<hbm>> -> memref<40x128xi32, #tpu.memory_space<hbm>>
      tpu.enqueue_dma source(%dma_start3A_109 : memref<40x128xi32, #tpu.memory_space<hbm>>) target(%arg7 : memref<40x128xi32, #tpu.memory_space<vmem>>) target_semaphore(%run_scoped3A_101 : memref<!tpu.dma_semaphore, #tpu.memory_space<semaphore_mem>>)
      %dma_wait3A = arith.constant 0 : i32
      %dma_wait3A_110 = arith.constant 0 : i32
      %dma_wait3A_111 = tpu.memref_slice %arg4[%arg1, %run_scoped3A_24, %dma_wait3A, %dma_wait3A_110] : memref<16x2x40x128xi32, #tpu.memory_space<hbm>> -> memref<1x1x40x128xi32, #tpu.memory_space<hbm>>
      %dma_wait3A_112 = tpu.memref_squeeze %dma_wait3A_111 : memref<1x1x40x128xi32, #tpu.memory_space<hbm>> -> memref<40x128xi32, #tpu.memory_space<hbm>>
      %dma_wait3A_113 = arith.constant 0 : i32
      %dma_wait3A_114 = arith.constant 0 : i32
      %dma_wait3A_115 = tpu.memref_slice %arg4[%arg1, %run_scoped3A_24, %dma_wait3A_113, %dma_wait3A_114] : memref<16x2x40x128xi32, #tpu.memory_space<hbm>> -> memref<1x1x40x128xi32, #tpu.memory_space<hbm>>
      %dma_wait3A_116 = tpu.memref_squeeze %dma_wait3A_115 : memref<1x1x40x128xi32, #tpu.memory_space<hbm>> -> memref<40x128xi32, #tpu.memory_space<hbm>>
      tpu.wait_dma2 semaphore(%run_scoped3A_101 : memref<!tpu.dma_semaphore, #tpu.memory_space<semaphore_mem>>) src(%dma_wait3A_116 : memref<40x128xi32, #tpu.memory_space<hbm>>) dst(%arg7 : memref<40x128xi32, #tpu.memory_space<vmem>>)
      tpu.yield
    }) : () -> ()
    %dma_start3A = arith.constant 0 : i32
    %dma_start3A_25 = arith.constant 0 : i32
    %dma_start3A_26 = arith.constant 0 : i32
    %dma_start3A_27 = tpu.memref_slice %arg8[%dma_start3A_25, %dma_start3A_26] : memref<128x128xf32, #tpu.memory_space<vmem>> -> memref<64x128xf32, #tpu.memory_space<vmem>>
    %dma_start3A_28 = arith.constant 0 : i32
    %dma_start3A_29 = tpu.memref_slice %arg6[%dma_start3A, %dma_start3A_28] : memref<40x128xi32, #tpu.memory_space<vmem>> -> memref<1x64xi32, #tpu.memory_space<vmem>>
    %dma_start3A_30 = tpu.memref_squeeze %dma_start3A_29 : memref<1x64xi32, #tpu.memory_space<vmem>> -> memref<64xi32, #tpu.memory_space<vmem>>
    %dma_start3A_31 = arith.constant 0 : i32
    %dma_start3A_32 = arith.constant 0 : i32
    %dma_start3A_33 = tpu.memref_slice %arg2[%arg0, %dma_start3A_31, %dma_start3A_32] : memref<2x10000x128xf32, #tpu.memory_space<hbm>> -> memref<1x10000x128xf32, #tpu.memory_space<hbm>>
    %dma_start3A_34 = tpu.memref_squeeze %dma_start3A_33 : memref<1x10000x128xf32, #tpu.memory_space<hbm>> -> memref<10000x128xf32, #tpu.memory_space<hbm>>
    %dma_start3A_35 = arith.constant 0 : i32
    %dma_start3A_36 = arith.constant 0 : i32
    %dma_start3A_37 = tpu.memref_slice %dma_start3A_34[%dma_start3A_35, %dma_start3A_36] : memref<10000x128xf32, #tpu.memory_space<hbm>> -> memref<10000x128xf32, #tpu.memory_space<hbm>>
    tpu.enqueue_indirect_dma source(%dma_start3A_37 : memref<10000x128xf32, #tpu.memory_space<hbm>>) target(%dma_start3A_27 : memref<64x128xf32, #tpu.memory_space<vmem>>) offsets(%dma_start3A_30 : memref<64xi32, #tpu.memory_space<vmem>>) semaphore(%arg11 : memref<!tpu.dma_semaphore, #tpu.memory_space<semaphore_mem>>)
    %dma_start3A_38 = arith.constant 0 : i32
    %dma_start3A_39 = arith.constant 64 : i32
    %dma_start3A_40 = arith.constant 0 : i32
    %dma_start3A_41 = tpu.memref_slice %arg8[%dma_start3A_39, %dma_start3A_40] : memref<128x128xf32, #tpu.memory_space<vmem>> -> memref<64x128xf32, #tpu.memory_space<vmem>>
    %dma_start3A_42 = arith.constant 64 : i32
    %dma_start3A_43 = tpu.memref_slice %arg6[%dma_start3A_38, %dma_start3A_42] : memref<40x128xi32, #tpu.memory_space<vmem>> -> memref<1x64xi32, #tpu.memory_space<vmem>>
    %dma_start3A_44 = tpu.memref_squeeze %dma_start3A_43 : memref<1x64xi32, #tpu.memory_space<vmem>> -> memref<64xi32, #tpu.memory_space<vmem>>
    %dma_start3A_45 = arith.constant 0 : i32
    %dma_start3A_46 = arith.constant 0 : i32
    %dma_start3A_47 = tpu.memref_slice %arg2[%arg0, %dma_start3A_45, %dma_start3A_46] : memref<2x10000x128xf32, #tpu.memory_space<hbm>> -> memref<1x10000x128xf32, #tpu.memory_space<hbm>>
    %dma_start3A_48 = tpu.memref_squeeze %dma_start3A_47 : memref<1x10000x128xf32, #tpu.memory_space<hbm>> -> memref<10000x128xf32, #tpu.memory_space<hbm>>
    %dma_start3A_49 = arith.constant 0 : i32
    %dma_start3A_50 = arith.constant 0 : i32
    %dma_start3A_51 = tpu.memref_slice %dma_start3A_48[%dma_start3A_49, %dma_start3A_50] : memref<10000x128xf32, #tpu.memory_space<hbm>> -> memref<10000x128xf32, #tpu.memory_space<hbm>>
    tpu.enqueue_indirect_dma source(%dma_start3A_51 : memref<10000x128xf32, #tpu.memory_space<hbm>>) target(%dma_start3A_41 : memref<64x128xf32, #tpu.memory_space<vmem>>) offsets(%dma_start3A_44 : memref<64xi32, #tpu.memory_space<vmem>>) semaphore(%arg11 : memref<!tpu.dma_semaphore, #tpu.memory_space<semaphore_mem>>)
    %scan3A_52 = arith.constant 0 : i32
    %scan3A_53 = arith.constant 0 : i32
    %scan3A_54 = arith.constant 20 : i32
    %scan3A_55 = arith.addi %scan3A_53, %scan3A_54 : i32
    %scan3A_56 = arith.constant 1 : i32
    scf.for %scan3A_101 = %scan3A_53 to %scan3A_55 step %scan3A_56  : i32 {
      %mul3A_102 = arith.constant 2 : i32
      %mul3A_103 = arith.muli %mul3A_102, %scan3A_101 : i32
      %add3A_104 = arith.constant 1 : i32
      %add3A_105 = arith.addi %mul3A_103, %add3A_104 : i32
      %dma_start3A_106 = arith.constant 0 : i32
      %dma_start3A_107 = arith.constant 0 : i32
      %dma_start3A_108 = tpu.memref_slice %arg9[%dma_start3A_106, %dma_start3A_107] : memref<128x128xf32, #tpu.memory_space<vmem>> -> memref<64x128xf32, #tpu.memory_space<vmem>>
      %dma_start3A_109 = arith.constant 0 : i32
      %dma_start3A_110 = tpu.memref_slice %arg6[%add3A_105, %dma_start3A_109] : memref<40x128xi32, #tpu.memory_space<vmem>> -> memref<1x64xi32, #tpu.memory_space<vmem>>
      %dma_start3A_111 = tpu.memref_squeeze %dma_start3A_110 : memref<1x64xi32, #tpu.memory_space<vmem>> -> memref<64xi32, #tpu.memory_space<vmem>>
      %dma_start3A_112 = arith.constant 0 : i32
      %dma_start3A_113 = arith.constant 0 : i32
      %dma_start3A_114 = tpu.memref_slice %arg2[%arg0, %dma_start3A_112, %dma_start3A_113] : memref<2x10000x128xf32, #tpu.memory_space<hbm>> -> memref<1x10000x128xf32, #tpu.memory_space<hbm>>
      %dma_start3A_115 = tpu.memref_squeeze %dma_start3A_114 : memref<1x10000x128xf32, #tpu.memory_space<hbm>> -> memref<10000x128xf32, #tpu.memory_space<hbm>>
      %dma_start3A_116 = arith.constant 0 : i32
      %dma_start3A_117 = arith.constant 0 : i32
      %dma_start3A_118 = tpu.memref_slice %dma_start3A_115[%dma_start3A_116, %dma_start3A_117] : memref<10000x128xf32, #tpu.memory_space<hbm>> -> memref<10000x128xf32, #tpu.memory_space<hbm>>
      tpu.enqueue_indirect_dma source(%dma_start3A_118 : memref<10000x128xf32, #tpu.memory_space<hbm>>) target(%dma_start3A_108 : memref<64x128xf32, #tpu.memory_space<vmem>>) offsets(%dma_start3A_111 : memref<64xi32, #tpu.memory_space<vmem>>) semaphore(%arg12 : memref<!tpu.dma_semaphore, #tpu.memory_space<semaphore_mem>>)
      %dma_start3A_119 = arith.constant 64 : i32
      %dma_start3A_120 = arith.constant 0 : i32
      %dma_start3A_121 = tpu.memref_slice %arg9[%dma_start3A_119, %dma_start3A_120] : memref<128x128xf32, #tpu.memory_space<vmem>> -> memref<64x128xf32, #tpu.memory_space<vmem>>
      %dma_start3A_122 = arith.constant 64 : i32
      %dma_start3A_123 = tpu.memref_slice %arg6[%add3A_105, %dma_start3A_122] : memref<40x128xi32, #tpu.memory_space<vmem>> -> memref<1x64xi32, #tpu.memory_space<vmem>>
      %dma_start3A_124 = tpu.memref_squeeze %dma_start3A_123 : memref<1x64xi32, #tpu.memory_space<vmem>> -> memref<64xi32, #tpu.memory_space<vmem>>
      %dma_start3A_125 = arith.constant 0 : i32
      %dma_start3A_126 = arith.constant 0 : i32
      %dma_start3A_127 = tpu.memref_slice %arg2[%arg0, %dma_start3A_125, %dma_start3A_126] : memref<2x10000x128xf32, #tpu.memory_space<hbm>> -> memref<1x10000x128xf32, #tpu.memory_space<hbm>>
      %dma_start3A_128 = tpu.memref_squeeze %dma_start3A_127 : memref<1x10000x128xf32, #tpu.memory_space<hbm>> -> memref<10000x128xf32, #tpu.memory_space<hbm>>
      %dma_start3A_129 = arith.constant 0 : i32
      %dma_start3A_130 = arith.constant 0 : i32
      %dma_start3A_131 = tpu.memref_slice %dma_start3A_128[%dma_start3A_129, %dma_start3A_130] : memref<10000x128xf32, #tpu.memory_space<hbm>> -> memref<10000x128xf32, #tpu.memory_space<hbm>>
      tpu.enqueue_indirect_dma source(%dma_start3A_131 : memref<10000x128xf32, #tpu.memory_space<hbm>>) target(%dma_start3A_121 : memref<64x128xf32, #tpu.memory_space<vmem>>) offsets(%dma_start3A_124 : memref<64xi32, #tpu.memory_space<vmem>>) semaphore(%arg12 : memref<!tpu.dma_semaphore, #tpu.memory_space<semaphore_mem>>)
      %dma_wait3A = arith.constant 0 : i32
      %dma_wait3A_132 = arith.constant 0 : i32
      %dma_wait3A_133 = tpu.memref_slice %arg6[%dma_wait3A, %dma_wait3A_132] : memref<40x128xi32, #tpu.memory_space<vmem>> -> memref<1x128xi32, #tpu.memory_space<vmem>>
      %dma_wait3A_134 = tpu.memref_squeeze %dma_wait3A_133 : memref<1x128xi32, #tpu.memory_space<vmem>> -> memref<128xi32, #tpu.memory_space<vmem>>
      %dma_wait3A_135 = arith.constant 0 : i32
      %dma_wait3A_136 = arith.constant 0 : i32
      %dma_wait3A_137 = tpu.memref_slice %arg2[%arg0, %dma_wait3A_135, %dma_wait3A_136] : memref<2x10000x128xf32, #tpu.memory_space<hbm>> -> memref<1x10000x128xf32, #tpu.memory_space<hbm>>
      %dma_wait3A_138 = tpu.memref_squeeze %dma_wait3A_137 : memref<1x10000x128xf32, #tpu.memory_space<hbm>> -> memref<10000x128xf32, #tpu.memory_space<hbm>>
      %dma_wait3A_139 = arith.constant 0 : i32
      %dma_wait3A_140 = arith.constant 0 : i32
      %dma_wait3A_141 = tpu.memref_slice %dma_wait3A_138[%dma_wait3A_139, %dma_wait3A_140] : memref<10000x128xf32, #tpu.memory_space<hbm>> -> memref<10000x128xf32, #tpu.memory_space<hbm>>
      tpu.wait_indirect_dma semaphore(%arg11 : memref<!tpu.dma_semaphore, #tpu.memory_space<semaphore_mem>>) src(%dma_wait3A_141 : memref<10000x128xf32, #tpu.memory_space<hbm>>) dst(%arg8 : memref<128x128xf32, #tpu.memory_space<vmem>>)
      "tpu.region"() ({
        %run_scoped3A_159 = tpu.sem_alloc : memref<!tpu.dma_semaphore, #tpu.memory_space<semaphore_mem>>
        %dma_start3A_160 = arith.constant 0 : i32
        %dma_start3A_161 = tpu.memref_slice %arg7[%mul3A_103, %dma_start3A_160] : memref<40x128xi32, #tpu.memory_space<vmem>> -> memref<1x128xi32, #tpu.memory_space<vmem>>
        %dma_start3A_162 = tpu.memref_squeeze %dma_start3A_161 : memref<1x128xi32, #tpu.memory_space<vmem>> -> memref<128xi32, #tpu.memory_space<vmem>>
        %dma_start3A_163 = arith.constant 0 : i32
        %dma_start3A_164 = arith.constant 0 : i32
        %dma_start3A_165 = tpu.memref_slice %arg10[%dma_start3A_163, %dma_start3A_164] : memref<10240x128xf32, #tpu.memory_space<vmem_shared>> -> memref<10240x128xf32, #tpu.memory_space<vmem_shared>>
        tpu.enqueue_indirect_dma source(%arg8 : memref<128x128xf32, #tpu.memory_space<vmem>>) target(%dma_start3A_165 : memref<10240x128xf32, #tpu.memory_space<vmem_shared>>) offsets(%dma_start3A_162 : memref<128xi32, #tpu.memory_space<vmem>>) semaphore(%run_scoped3A_159 : memref<!tpu.dma_semaphore, #tpu.memory_space<semaphore_mem>>) {add = true}
        %dma_wait3A_166 = arith.constant 0 : i32
        %dma_wait3A_167 = tpu.memref_slice %arg7[%mul3A_103, %dma_wait3A_166] : memref<40x128xi32, #tpu.memory_space<vmem>> -> memref<1x128xi32, #tpu.memory_space<vmem>>
        %dma_wait3A_168 = tpu.memref_squeeze %dma_wait3A_167 : memref<1x128xi32, #tpu.memory_space<vmem>> -> memref<128xi32, #tpu.memory_space<vmem>>
        %dma_wait3A_169 = arith.constant 0 : i32
        %dma_wait3A_170 = arith.constant 0 : i32
        %dma_wait3A_171 = tpu.memref_slice %arg10[%dma_wait3A_169, %dma_wait3A_170] : memref<10240x128xf32, #tpu.memory_space<vmem_shared>> -> memref<10240x128xf32, #tpu.memory_space<vmem_shared>>
        tpu.wait_indirect_dma semaphore(%run_scoped3A_159 : memref<!tpu.dma_semaphore, #tpu.memory_space<semaphore_mem>>) src(%arg8 : memref<128x128xf32, #tpu.memory_space<vmem>>) dst(%dma_wait3A_171 : memref<10240x128xf32, #tpu.memory_space<vmem_shared>>)
        tpu.yield
      }) : () -> ()
      %lt3A = arith.constant 19 : i32
      %lt3A_142 = arith.cmpi slt, %scan3A_101, %lt3A : i32
      %convert_element_type3A_143 = arith.extui %lt3A_142 : i1 to i32
      %cond3A_144 = arith.constant 0 : i32
      %cond3A_145 = arith.cmpi ne, %convert_element_type3A_143, %cond3A_144 : i32
      scf.if %cond3A_145 {
        %add3A_159 = arith.constant 2 : i32
        %add3A_160 = arith.addi %mul3A_103, %add3A_159 : i32
        %dma_start3A_161 = arith.constant 0 : i32
        %dma_start3A_162 = arith.constant 0 : i32
        %dma_start3A_163 = tpu.memref_slice %arg8[%dma_start3A_161, %dma_start3A_162] : memref<128x128xf32, #tpu.memory_space<vmem>> -> memref<64x128xf32, #tpu.memory_space<vmem>>
        %dma_start3A_164 = arith.constant 0 : i32
        %dma_start3A_165 = tpu.memref_slice %arg6[%add3A_160, %dma_start3A_164] : memref<40x128xi32, #tpu.memory_space<vmem>> -> memref<1x64xi32, #tpu.memory_space<vmem>>
        %dma_start3A_166 = tpu.memref_squeeze %dma_start3A_165 : memref<1x64xi32, #tpu.memory_space<vmem>> -> memref<64xi32, #tpu.memory_space<vmem>>
        %dma_start3A_167 = arith.constant 0 : i32
        %dma_start3A_168 = arith.constant 0 : i32
        %dma_start3A_169 = tpu.memref_slice %arg2[%arg0, %dma_start3A_167, %dma_start3A_168] : memref<2x10000x128xf32, #tpu.memory_space<hbm>> -> memref<1x10000x128xf32, #tpu.memory_space<hbm>>
        %dma_start3A_170 = tpu.memref_squeeze %dma_start3A_169 : memref<1x10000x128xf32, #tpu.memory_space<hbm>> -> memref<10000x128xf32, #tpu.memory_space<hbm>>
        %dma_start3A_171 = arith.constant 0 : i32
        %dma_start3A_172 = arith.constant 0 : i32
        %dma_start3A_173 = tpu.memref_slice %dma_start3A_170[%dma_start3A_171, %dma_start3A_172] : memref<10000x128xf32, #tpu.memory_space<hbm>> -> memref<10000x128xf32, #tpu.memory_space<hbm>>
        tpu.enqueue_indirect_dma source(%dma_start3A_173 : memref<10000x128xf32, #tpu.memory_space<hbm>>) target(%dma_start3A_163 : memref<64x128xf32, #tpu.memory_space<vmem>>) offsets(%dma_start3A_166 : memref<64xi32, #tpu.memory_space<vmem>>) semaphore(%arg11 : memref<!tpu.dma_semaphore, #tpu.memory_space<semaphore_mem>>)
        %dma_start3A_174 = arith.constant 64 : i32
        %dma_start3A_175 = arith.constant 0 : i32
        %dma_start3A_176 = tpu.memref_slice %arg8[%dma_start3A_174, %dma_start3A_175] : memref<128x128xf32, #tpu.memory_space<vmem>> -> memref<64x128xf32, #tpu.memory_space<vmem>>
        %dma_start3A_177 = arith.constant 64 : i32
        %dma_start3A_178 = tpu.memref_slice %arg6[%add3A_160, %dma_start3A_177] : memref<40x128xi32, #tpu.memory_space<vmem>> -> memref<1x64xi32, #tpu.memory_space<vmem>>
        %dma_start3A_179 = tpu.memref_squeeze %dma_start3A_178 : memref<1x64xi32, #tpu.memory_space<vmem>> -> memref<64xi32, #tpu.memory_space<vmem>>
        %dma_start3A_180 = arith.constant 0 : i32
        %dma_start3A_181 = arith.constant 0 : i32
        %dma_start3A_182 = tpu.memref_slice %arg2[%arg0, %dma_start3A_180, %dma_start3A_181] : memref<2x10000x128xf32, #tpu.memory_space<hbm>> -> memref<1x10000x128xf32, #tpu.memory_space<hbm>>
        %dma_start3A_183 = tpu.memref_squeeze %dma_start3A_182 : memref<1x10000x128xf32, #tpu.memory_space<hbm>> -> memref<10000x128xf32, #tpu.memory_space<hbm>>
        %dma_start3A_184 = arith.constant 0 : i32
        %dma_start3A_185 = arith.constant 0 : i32
        %dma_start3A_186 = tpu.memref_slice %dma_start3A_183[%dma_start3A_184, %dma_start3A_185] : memref<10000x128xf32, #tpu.memory_space<hbm>> -> memref<10000x128xf32, #tpu.memory_space<hbm>>
        tpu.enqueue_indirect_dma source(%dma_start3A_186 : memref<10000x128xf32, #tpu.memory_space<hbm>>) target(%dma_start3A_176 : memref<64x128xf32, #tpu.memory_space<vmem>>) offsets(%dma_start3A_179 : memref<64xi32, #tpu.memory_space<vmem>>) semaphore(%arg11 : memref<!tpu.dma_semaphore, #tpu.memory_space<semaphore_mem>>)
      } else {
      }
      %dma_wait3A_146 = arith.constant 0 : i32
      %dma_wait3A_147 = arith.constant 0 : i32
      %dma_wait3A_148 = tpu.memref_slice %arg6[%dma_wait3A_146, %dma_wait3A_147] : memref<40x128xi32, #tpu.memory_space<vmem>> -> memref<1x128xi32, #tpu.memory_space<vmem>>
      %dma_wait3A_149 = tpu.memref_squeeze %dma_wait3A_148 : memref<1x128xi32, #tpu.memory_space<vmem>> -> memref<128xi32, #tpu.memory_space<vmem>>
      %dma_wait3A_150 = arith.constant 0 : i32
      %dma_wait3A_151 = arith.constant 0 : i32
      %dma_wait3A_152 = tpu.memref_slice %arg2[%arg0, %dma_wait3A_150, %dma_wait3A_151] : memref<2x10000x128xf32, #tpu.memory_space<hbm>> -> memref<1x10000x128xf32, #tpu.memory_space<hbm>>
      %dma_wait3A_153 = tpu.memref_squeeze %dma_wait3A_152 : memref<1x10000x128xf32, #tpu.memory_space<hbm>> -> memref<10000x128xf32, #tpu.memory_space<hbm>>
      %dma_wait3A_154 = arith.constant 0 : i32
      %dma_wait3A_155 = arith.constant 0 : i32
      %dma_wait3A_156 = tpu.memref_slice %dma_wait3A_153[%dma_wait3A_154, %dma_wait3A_155] : memref<10000x128xf32, #tpu.memory_space<hbm>> -> memref<10000x128xf32, #tpu.memory_space<hbm>>
      tpu.wait_indirect_dma semaphore(%arg12 : memref<!tpu.dma_semaphore, #tpu.memory_space<semaphore_mem>>) src(%dma_wait3A_156 : memref<10000x128xf32, #tpu.memory_space<hbm>>) dst(%arg9 : memref<128x128xf32, #tpu.memory_space<vmem>>)
      %add3A_157 = arith.constant 1 : i32
      %add3A_158 = arith.addi %mul3A_103, %add3A_157 : i32
      "tpu.region"() ({
        %run_scoped3A_159 = tpu.sem_alloc : memref<!tpu.dma_semaphore, #tpu.memory_space<semaphore_mem>>
        %dma_start3A_160 = arith.constant 0 : i32
        %dma_start3A_161 = tpu.memref_slice %arg7[%add3A_158, %dma_start3A_160] : memref<40x128xi32, #tpu.memory_space<vmem>> -> memref<1x128xi32, #tpu.memory_space<vmem>>
        %dma_start3A_162 = tpu.memref_squeeze %dma_start3A_161 : memref<1x128xi32, #tpu.memory_space<vmem>> -> memref<128xi32, #tpu.memory_space<vmem>>
        %dma_start3A_163 = arith.constant 0 : i32
        %dma_start3A_164 = arith.constant 0 : i32
        %dma_start3A_165 = tpu.memref_slice %arg10[%dma_start3A_163, %dma_start3A_164] : memref<10240x128xf32, #tpu.memory_space<vmem_shared>> -> memref<10240x128xf32, #tpu.memory_space<vmem_shared>>
        tpu.enqueue_indirect_dma source(%arg9 : memref<128x128xf32, #tpu.memory_space<vmem>>) target(%dma_start3A_165 : memref<10240x128xf32, #tpu.memory_space<vmem_shared>>) offsets(%dma_start3A_162 : memref<128xi32, #tpu.memory_space<vmem>>) semaphore(%run_scoped3A_159 : memref<!tpu.dma_semaphore, #tpu.memory_space<semaphore_mem>>) {add = true}
        %dma_wait3A_166 = arith.constant 0 : i32
        %dma_wait3A_167 = tpu.memref_slice %arg7[%add3A_158, %dma_wait3A_166] : memref<40x128xi32, #tpu.memory_space<vmem>> -> memref<1x128xi32, #tpu.memory_space<vmem>>
        %dma_wait3A_168 = tpu.memref_squeeze %dma_wait3A_167 : memref<1x128xi32, #tpu.memory_space<vmem>> -> memref<128xi32, #tpu.memory_space<vmem>>
        %dma_wait3A_169 = arith.constant 0 : i32
        %dma_wait3A_170 = arith.constant 0 : i32
        %dma_wait3A_171 = tpu.memref_slice %arg10[%dma_wait3A_169, %dma_wait3A_170] : memref<10240x128xf32, #tpu.memory_space<vmem_shared>> -> memref<10240x128xf32, #tpu.memory_space<vmem_shared>>
        tpu.wait_indirect_dma semaphore(%run_scoped3A_159 : memref<!tpu.dma_semaphore, #tpu.memory_space<semaphore_mem>>) src(%arg9 : memref<128x128xf32, #tpu.memory_space<vmem>>) dst(%dma_wait3A_171 : memref<10240x128xf32, #tpu.memory_space<vmem_shared>>)
        tpu.yield
      }) : () -> ()
    }
    %scan3A_57 = arith.constant 20 : i32
    %run_scoped3A_58 = arith.constant 1 : i32
    "tpu.region"() ({
      %run_scoped3A_101 = tpu.sem_alloc : memref<!tpu.dma_semaphore, #tpu.memory_space<semaphore_mem>>
      %dma_start3A_102 = arith.constant 0 : i32
      %dma_start3A_103 = arith.constant 0 : i32
      %dma_start3A_104 = tpu.memref_slice %arg3[%arg1, %run_scoped3A_58, %dma_start3A_102, %dma_start3A_103] : memref<16x2x40x128xi32, #tpu.memory_space<hbm>> -> memref<1x1x40x128xi32, #tpu.memory_space<hbm>>
      %dma_start3A_105 = tpu.memref_squeeze %dma_start3A_104 : memref<1x1x40x128xi32, #tpu.memory_space<hbm>> -> memref<40x128xi32, #tpu.memory_space<hbm>>
      %dma_start3A_106 = arith.constant 0 : i32
      %dma_start3A_107 = arith.constant 0 : i32
      %dma_start3A_108 = tpu.memref_slice %arg3[%arg1, %run_scoped3A_58, %dma_start3A_106, %dma_start3A_107] : memref<16x2x40x128xi32, #tpu.memory_space<hbm>> -> memref<1x1x40x128xi32, #tpu.memory_space<hbm>>
      %dma_start3A_109 = tpu.memref_squeeze %dma_start3A_108 : memref<1x1x40x128xi32, #tpu.memory_space<hbm>> -> memref<40x128xi32, #tpu.memory_space<hbm>>
      tpu.enqueue_dma source(%dma_start3A_109 : memref<40x128xi32, #tpu.memory_space<hbm>>) target(%arg6 : memref<40x128xi32, #tpu.memory_space<vmem>>) target_semaphore(%run_scoped3A_101 : memref<!tpu.dma_semaphore, #tpu.memory_space<semaphore_mem>>)
      %dma_wait3A = arith.constant 0 : i32
      %dma_wait3A_110 = arith.constant 0 : i32
      %dma_wait3A_111 = tpu.memref_slice %arg3[%arg1, %run_scoped3A_58, %dma_wait3A, %dma_wait3A_110] : memref<16x2x40x128xi32, #tpu.memory_space<hbm>> -> memref<1x1x40x128xi32, #tpu.memory_space<hbm>>
      %dma_wait3A_112 = tpu.memref_squeeze %dma_wait3A_111 : memref<1x1x40x128xi32, #tpu.memory_space<hbm>> -> memref<40x128xi32, #tpu.memory_space<hbm>>
      %dma_wait3A_113 = arith.constant 0 : i32
      %dma_wait3A_114 = arith.constant 0 : i32
      %dma_wait3A_115 = tpu.memref_slice %arg3[%arg1, %run_scoped3A_58, %dma_wait3A_113, %dma_wait3A_114] : memref<16x2x40x128xi32, #tpu.memory_space<hbm>> -> memref<1x1x40x128xi32, #tpu.memory_space<hbm>>
      %dma_wait3A_116 = tpu.memref_squeeze %dma_wait3A_115 : memref<1x1x40x128xi32, #tpu.memory_space<hbm>> -> memref<40x128xi32, #tpu.memory_space<hbm>>
      tpu.wait_dma2 semaphore(%run_scoped3A_101 : memref<!tpu.dma_semaphore, #tpu.memory_space<semaphore_mem>>) src(%dma_wait3A_116 : memref<40x128xi32, #tpu.memory_space<hbm>>) dst(%arg6 : memref<40x128xi32, #tpu.memory_space<vmem>>)
      tpu.yield
    }) : () -> ()
    %run_scoped3A_59 = arith.constant 1 : i32
    "tpu.region"() ({
      %run_scoped3A_101 = tpu.sem_alloc : memref<!tpu.dma_semaphore, #tpu.memory_space<semaphore_mem>>
      %dma_start3A_102 = arith.constant 0 : i32
      %dma_start3A_103 = arith.constant 0 : i32
      %dma_start3A_104 = tpu.memref_slice %arg4[%arg1, %run_scoped3A_59, %dma_start3A_102, %dma_start3A_103] : memref<16x2x40x128xi32, #tpu.memory_space<hbm>> -> memref<1x1x40x128xi32, #tpu.memory_space<hbm>>
      %dma_start3A_105 = tpu.memref_squeeze %dma_start3A_104 : memref<1x1x40x128xi32, #tpu.memory_space<hbm>> -> memref<40x128xi32, #tpu.memory_space<hbm>>
      %dma_start3A_106 = arith.constant 0 : i32
      %dma_start3A_107 = arith.constant 0 : i32
      %dma_start3A_108 = tpu.memref_slice %arg4[%arg1, %run_scoped3A_59, %dma_start3A_106, %dma_start3A_107] : memref<16x2x40x128xi32, #tpu.memory_space<hbm>> -> memref<1x1x40x128xi32, #tpu.memory_space<hbm>>
      %dma_start3A_109 = tpu.memref_squeeze %dma_start3A_108 : memref<1x1x40x128xi32, #tpu.memory_space<hbm>> -> memref<40x128xi32, #tpu.memory_space<hbm>>
      tpu.enqueue_dma source(%dma_start3A_109 : memref<40x128xi32, #tpu.memory_space<hbm>>) target(%arg7 : memref<40x128xi32, #tpu.memory_space<vmem>>) target_semaphore(%run_scoped3A_101 : memref<!tpu.dma_semaphore, #tpu.memory_space<semaphore_mem>>)
      %dma_wait3A = arith.constant 0 : i32
      %dma_wait3A_110 = arith.constant 0 : i32
      %dma_wait3A_111 = tpu.memref_slice %arg4[%arg1, %run_scoped3A_59, %dma_wait3A, %dma_wait3A_110] : memref<16x2x40x128xi32, #tpu.memory_space<hbm>> -> memref<1x1x40x128xi32, #tpu.memory_space<hbm>>
      %dma_wait3A_112 = tpu.memref_squeeze %dma_wait3A_111 : memref<1x1x40x128xi32, #tpu.memory_space<hbm>> -> memref<40x128xi32, #tpu.memory_space<hbm>>
      %dma_wait3A_113 = arith.constant 0 : i32
      %dma_wait3A_114 = arith.constant 0 : i32
      %dma_wait3A_115 = tpu.memref_slice %arg4[%arg1, %run_scoped3A_59, %dma_wait3A_113, %dma_wait3A_114] : memref<16x2x40x128xi32, #tpu.memory_space<hbm>> -> memref<1x1x40x128xi32, #tpu.memory_space<hbm>>
      %dma_wait3A_116 = tpu.memref_squeeze %dma_wait3A_115 : memref<1x1x40x128xi32, #tpu.memory_space<hbm>> -> memref<40x128xi32, #tpu.memory_space<hbm>>
      tpu.wait_dma2 semaphore(%run_scoped3A_101 : memref<!tpu.dma_semaphore, #tpu.memory_space<semaphore_mem>>) src(%dma_wait3A_116 : memref<40x128xi32, #tpu.memory_space<hbm>>) dst(%arg7 : memref<40x128xi32, #tpu.memory_space<vmem>>)
      tpu.yield
    }) : () -> ()
    %dma_start3A_60 = arith.constant 0 : i32
    %dma_start3A_61 = arith.constant 0 : i32
    %dma_start3A_62 = arith.constant 0 : i32
    %dma_start3A_63 = tpu.memref_slice %arg8[%dma_start3A_61, %dma_start3A_62] : memref<128x128xf32, #tpu.memory_space<vmem>> -> memref<64x128xf32, #tpu.memory_space<vmem>>
    %dma_start3A_64 = arith.constant 0 : i32
    %dma_start3A_65 = tpu.memref_slice %arg6[%dma_start3A_60, %dma_start3A_64] : memref<40x128xi32, #tpu.memory_space<vmem>> -> memref<1x64xi32, #tpu.memory_space<vmem>>
    %dma_start3A_66 = tpu.memref_squeeze %dma_start3A_65 : memref<1x64xi32, #tpu.memory_space<vmem>> -> memref<64xi32, #tpu.memory_space<vmem>>
    %dma_start3A_67 = arith.constant 0 : i32
    %dma_start3A_68 = arith.constant 0 : i32
    %dma_start3A_69 = tpu.memref_slice %arg2[%arg0, %dma_start3A_67, %dma_start3A_68] : memref<2x10000x128xf32, #tpu.memory_space<hbm>> -> memref<1x10000x128xf32, #tpu.memory_space<hbm>>
    %dma_start3A_70 = tpu.memref_squeeze %dma_start3A_69 : memref<1x10000x128xf32, #tpu.memory_space<hbm>> -> memref<10000x128xf32, #tpu.memory_space<hbm>>
    %dma_start3A_71 = arith.constant 0 : i32
    %dma_start3A_72 = arith.constant 0 : i32
    %dma_start3A_73 = tpu.memref_slice %dma_start3A_70[%dma_start3A_71, %dma_start3A_72] : memref<10000x128xf32, #tpu.memory_space<hbm>> -> memref<10000x128xf32, #tpu.memory_space<hbm>>
    tpu.enqueue_indirect_dma source(%dma_start3A_73 : memref<10000x128xf32, #tpu.memory_space<hbm>>) target(%dma_start3A_63 : memref<64x128xf32, #tpu.memory_space<vmem>>) offsets(%dma_start3A_66 : memref<64xi32, #tpu.memory_space<vmem>>) semaphore(%arg11 : memref<!tpu.dma_semaphore, #tpu.memory_space<semaphore_mem>>)
    %dma_start3A_74 = arith.constant 0 : i32
    %dma_start3A_75 = arith.constant 64 : i32
    %dma_start3A_76 = arith.constant 0 : i32
    %dma_start3A_77 = tpu.memref_slice %arg8[%dma_start3A_75, %dma_start3A_76] : memref<128x128xf32, #tpu.memory_space<vmem>> -> memref<64x128xf32, #tpu.memory_space<vmem>>
    %dma_start3A_78 = arith.constant 64 : i32
    %dma_start3A_79 = tpu.memref_slice %arg6[%dma_start3A_74, %dma_start3A_78] : memref<40x128xi32, #tpu.memory_space<vmem>> -> memref<1x64xi32, #tpu.memory_space<vmem>>
    %dma_start3A_80 = tpu.memref_squeeze %dma_start3A_79 : memref<1x64xi32, #tpu.memory_space<vmem>> -> memref<64xi32, #tpu.memory_space<vmem>>
    %dma_start3A_81 = arith.constant 0 : i32
    %dma_start3A_82 = arith.constant 0 : i32
    %dma_start3A_83 = tpu.memref_slice %arg2[%arg0, %dma_start3A_81, %dma_start3A_82] : memref<2x10000x128xf32, #tpu.memory_space<hbm>> -> memref<1x10000x128xf32, #tpu.memory_space<hbm>>
    %dma_start3A_84 = tpu.memref_squeeze %dma_start3A_83 : memref<1x10000x128xf32, #tpu.memory_space<hbm>> -> memref<10000x128xf32, #tpu.memory_space<hbm>>
    %dma_start3A_85 = arith.constant 0 : i32
    %dma_start3A_86 = arith.constant 0 : i32
    %dma_start3A_87 = tpu.memref_slice %dma_start3A_84[%dma_start3A_85, %dma_start3A_86] : memref<10000x128xf32, #tpu.memory_space<hbm>> -> memref<10000x128xf32, #tpu.memory_space<hbm>>
    tpu.enqueue_indirect_dma source(%dma_start3A_87 : memref<10000x128xf32, #tpu.memory_space<hbm>>) target(%dma_start3A_77 : memref<64x128xf32, #tpu.memory_space<vmem>>) offsets(%dma_start3A_80 : memref<64xi32, #tpu.memory_space<vmem>>) semaphore(%arg11 : memref<!tpu.dma_semaphore, #tpu.memory_space<semaphore_mem>>)
    %scan3A_88 = arith.constant 0 : i32
    %scan3A_89 = arith.constant 0 : i32
    %scan3A_90 = arith.constant 20 : i32
    %scan3A_91 = arith.addi %scan3A_89, %scan3A_90 : i32
    %scan3A_92 = arith.constant 1 : i32
    scf.for %scan3A_101 = %scan3A_89 to %scan3A_91 step %scan3A_92  : i32 {
      %mul3A_102 = arith.constant 2 : i32
      %mul3A_103 = arith.muli %mul3A_102, %scan3A_101 : i32
      %add3A_104 = arith.constant 1 : i32
      %add3A_105 = arith.addi %mul3A_103, %add3A_104 : i32
      %dma_start3A_106 = arith.constant 0 : i32
      %dma_start3A_107 = arith.constant 0 : i32
      %dma_start3A_108 = tpu.memref_slice %arg9[%dma_start3A_106, %dma_start3A_107] : memref<128x128xf32, #tpu.memory_space<vmem>> -> memref<64x128xf32, #tpu.memory_space<vmem>>
      %dma_start3A_109 = arith.constant 0 : i32
      %dma_start3A_110 = tpu.memref_slice %arg6[%add3A_105, %dma_start3A_109] : memref<40x128xi32, #tpu.memory_space<vmem>> -> memref<1x64xi32, #tpu.memory_space<vmem>>
      %dma_start3A_111 = tpu.memref_squeeze %dma_start3A_110 : memref<1x64xi32, #tpu.memory_space<vmem>> -> memref<64xi32, #tpu.memory_space<vmem>>
      %dma_start3A_112 = arith.constant 0 : i32
      %dma_start3A_113 = arith.constant 0 : i32
      %dma_start3A_114 = tpu.memref_slice %arg2[%arg0, %dma_start3A_112, %dma_start3A_113] : memref<2x10000x128xf32, #tpu.memory_space<hbm>> -> memref<1x10000x128xf32, #tpu.memory_space<hbm>>
      %dma_start3A_115 = tpu.memref_squeeze %dma_start3A_114 : memref<1x10000x128xf32, #tpu.memory_space<hbm>> -> memref<10000x128xf32, #tpu.memory_space<hbm>>
      %dma_start3A_116 = arith.constant 0 : i32
      %dma_start3A_117 = arith.constant 0 : i32
      %dma_start3A_118 = tpu.memref_slice %dma_start3A_115[%dma_start3A_116, %dma_start3A_117] : memref<10000x128xf32, #tpu.memory_space<hbm>> -> memref<10000x128xf32, #tpu.memory_space<hbm>>
      tpu.enqueue_indirect_dma source(%dma_start3A_118 : memref<10000x128xf32, #tpu.memory_space<hbm>>) target(%dma_start3A_108 : memref<64x128xf32, #tpu.memory_space<vmem>>) offsets(%dma_start3A_111 : memref<64xi32, #tpu.memory_space<vmem>>) semaphore(%arg12 : memref<!tpu.dma_semaphore, #tpu.memory_space<semaphore_mem>>)
      %dma_start3A_119 = arith.constant 64 : i32
      %dma_start3A_120 = arith.constant 0 : i32
      %dma_start3A_121 = tpu.memref_slice %arg9[%dma_start3A_119, %dma_start3A_120] : memref<128x128xf32, #tpu.memory_space<vmem>> -> memref<64x128xf32, #tpu.memory_space<vmem>>
      %dma_start3A_122 = arith.constant 64 : i32
      %dma_start3A_123 = tpu.memref_slice %arg6[%add3A_105, %dma_start3A_122] : memref<40x128xi32, #tpu.memory_space<vmem>> -> memref<1x64xi32, #tpu.memory_space<vmem>>
      %dma_start3A_124 = tpu.memref_squeeze %dma_start3A_123 : memref<1x64xi32, #tpu.memory_space<vmem>> -> memref<64xi32, #tpu.memory_space<vmem>>
      %dma_start3A_125 = arith.constant 0 : i32
      %dma_start3A_126 = arith.constant 0 : i32
      %dma_start3A_127 = tpu.memref_slice %arg2[%arg0, %dma_start3A_125, %dma_start3A_126] : memref<2x10000x128xf32, #tpu.memory_space<hbm>> -> memref<1x10000x128xf32, #tpu.memory_space<hbm>>
      %dma_start3A_128 = tpu.memref_squeeze %dma_start3A_127 : memref<1x10000x128xf32, #tpu.memory_space<hbm>> -> memref<10000x128xf32, #tpu.memory_space<hbm>>
      %dma_start3A_129 = arith.constant 0 : i32
      %dma_start3A_130 = arith.constant 0 : i32
      %dma_start3A_131 = tpu.memref_slice %dma_start3A_128[%dma_start3A_129, %dma_start3A_130] : memref<10000x128xf32, #tpu.memory_space<hbm>> -> memref<10000x128xf32, #tpu.memory_space<hbm>>
      tpu.enqueue_indirect_dma source(%dma_start3A_131 : memref<10000x128xf32, #tpu.memory_space<hbm>>) target(%dma_start3A_121 : memref<64x128xf32, #tpu.memory_space<vmem>>) offsets(%dma_start3A_124 : memref<64xi32, #tpu.memory_space<vmem>>) semaphore(%arg12 : memref<!tpu.dma_semaphore, #tpu.memory_space<semaphore_mem>>)
      %dma_wait3A = arith.constant 0 : i32
      %dma_wait3A_132 = arith.constant 0 : i32
      %dma_wait3A_133 = tpu.memref_slice %arg6[%dma_wait3A, %dma_wait3A_132] : memref<40x128xi32, #tpu.memory_space<vmem>> -> memref<1x128xi32, #tpu.memory_space<vmem>>
      %dma_wait3A_134 = tpu.memref_squeeze %dma_wait3A_133 : memref<1x128xi32, #tpu.memory_space<vmem>> -> memref<128xi32, #tpu.memory_space<vmem>>
      %dma_wait3A_135 = arith.constant 0 : i32
      %dma_wait3A_136 = arith.constant 0 : i32
      %dma_wait3A_137 = tpu.memref_slice %arg2[%arg0, %dma_wait3A_135, %dma_wait3A_136] : memref<2x10000x128xf32, #tpu.memory_space<hbm>> -> memref<1x10000x128xf32, #tpu.memory_space<hbm>>
      %dma_wait3A_138 = tpu.memref_squeeze %dma_wait3A_137 : memref<1x10000x128xf32, #tpu.memory_space<hbm>> -> memref<10000x128xf32, #tpu.memory_space<hbm>>
      %dma_wait3A_139 = arith.constant 0 : i32
      %dma_wait3A_140 = arith.constant 0 : i32
      %dma_wait3A_141 = tpu.memref_slice %dma_wait3A_138[%dma_wait3A_139, %dma_wait3A_140] : memref<10000x128xf32, #tpu.memory_space<hbm>> -> memref<10000x128xf32, #tpu.memory_space<hbm>>
      tpu.wait_indirect_dma semaphore(%arg11 : memref<!tpu.dma_semaphore, #tpu.memory_space<semaphore_mem>>) src(%dma_wait3A_141 : memref<10000x128xf32, #tpu.memory_space<hbm>>) dst(%arg8 : memref<128x128xf32, #tpu.memory_space<vmem>>)
      "tpu.region"() ({
        %run_scoped3A_159 = tpu.sem_alloc : memref<!tpu.dma_semaphore, #tpu.memory_space<semaphore_mem>>
        %dma_start3A_160 = arith.constant 0 : i32
        %dma_start3A_161 = tpu.memref_slice %arg7[%mul3A_103, %dma_start3A_160] : memref<40x128xi32, #tpu.memory_space<vmem>> -> memref<1x128xi32, #tpu.memory_space<vmem>>
        %dma_start3A_162 = tpu.memref_squeeze %dma_start3A_161 : memref<1x128xi32, #tpu.memory_space<vmem>> -> memref<128xi32, #tpu.memory_space<vmem>>
        %dma_start3A_163 = arith.constant 0 : i32
        %dma_start3A_164 = arith.constant 0 : i32
        %dma_start3A_165 = tpu.memref_slice %arg10[%dma_start3A_163, %dma_start3A_164] : memref<10240x128xf32, #tpu.memory_space<vmem_shared>> -> memref<10240x128xf32, #tpu.memory_space<vmem_shared>>
        tpu.enqueue_indirect_dma source(%arg8 : memref<128x128xf32, #tpu.memory_space<vmem>>) target(%dma_start3A_165 : memref<10240x128xf32, #tpu.memory_space<vmem_shared>>) offsets(%dma_start3A_162 : memref<128xi32, #tpu.memory_space<vmem>>) semaphore(%run_scoped3A_159 : memref<!tpu.dma_semaphore, #tpu.memory_space<semaphore_mem>>) {add = true}
        %dma_wait3A_166 = arith.constant 0 : i32
        %dma_wait3A_167 = tpu.memref_slice %arg7[%mul3A_103, %dma_wait3A_166] : memref<40x128xi32, #tpu.memory_space<vmem>> -> memref<1x128xi32, #tpu.memory_space<vmem>>
        %dma_wait3A_168 = tpu.memref_squeeze %dma_wait3A_167 : memref<1x128xi32, #tpu.memory_space<vmem>> -> memref<128xi32, #tpu.memory_space<vmem>>
        %dma_wait3A_169 = arith.constant 0 : i32
        %dma_wait3A_170 = arith.constant 0 : i32
        %dma_wait3A_171 = tpu.memref_slice %arg10[%dma_wait3A_169, %dma_wait3A_170] : memref<10240x128xf32, #tpu.memory_space<vmem_shared>> -> memref<10240x128xf32, #tpu.memory_space<vmem_shared>>
        tpu.wait_indirect_dma semaphore(%run_scoped3A_159 : memref<!tpu.dma_semaphore, #tpu.memory_space<semaphore_mem>>) src(%arg8 : memref<128x128xf32, #tpu.memory_space<vmem>>) dst(%dma_wait3A_171 : memref<10240x128xf32, #tpu.memory_space<vmem_shared>>)
        tpu.yield
      }) : () -> ()
      %lt3A = arith.constant 19 : i32
      %lt3A_142 = arith.cmpi slt, %scan3A_101, %lt3A : i32
      %convert_element_type3A_143 = arith.extui %lt3A_142 : i1 to i32
      %cond3A_144 = arith.constant 0 : i32
      %cond3A_145 = arith.cmpi ne, %convert_element_type3A_143, %cond3A_144 : i32
      scf.if %cond3A_145 {
        %add3A_159 = arith.constant 2 : i32
        %add3A_160 = arith.addi %mul3A_103, %add3A_159 : i32
        %dma_start3A_161 = arith.constant 0 : i32
        %dma_start3A_162 = arith.constant 0 : i32
        %dma_start3A_163 = tpu.memref_slice %arg8[%dma_start3A_161, %dma_start3A_162] : memref<128x128xf32, #tpu.memory_space<vmem>> -> memref<64x128xf32, #tpu.memory_space<vmem>>
        %dma_start3A_164 = arith.constant 0 : i32
        %dma_start3A_165 = tpu.memref_slice %arg6[%add3A_160, %dma_start3A_164] : memref<40x128xi32, #tpu.memory_space<vmem>> -> memref<1x64xi32, #tpu.memory_space<vmem>>
        %dma_start3A_166 = tpu.memref_squeeze %dma_start3A_165 : memref<1x64xi32, #tpu.memory_space<vmem>> -> memref<64xi32, #tpu.memory_space<vmem>>
        %dma_start3A_167 = arith.constant 0 : i32
        %dma_start3A_168 = arith.constant 0 : i32
        %dma_start3A_169 = tpu.memref_slice %arg2[%arg0, %dma_start3A_167, %dma_start3A_168] : memref<2x10000x128xf32, #tpu.memory_space<hbm>> -> memref<1x10000x128xf32, #tpu.memory_space<hbm>>
        %dma_start3A_170 = tpu.memref_squeeze %dma_start3A_169 : memref<1x10000x128xf32, #tpu.memory_space<hbm>> -> memref<10000x128xf32, #tpu.memory_space<hbm>>
        %dma_start3A_171 = arith.constant 0 : i32
        %dma_start3A_172 = arith.constant 0 : i32
        %dma_start3A_173 = tpu.memref_slice %dma_start3A_170[%dma_start3A_171, %dma_start3A_172] : memref<10000x128xf32, #tpu.memory_space<hbm>> -> memref<10000x128xf32, #tpu.memory_space<hbm>>
        tpu.enqueue_indirect_dma source(%dma_start3A_173 : memref<10000x128xf32, #tpu.memory_space<hbm>>) target(%dma_start3A_163 : memref<64x128xf32, #tpu.memory_space<vmem>>) offsets(%dma_start3A_166 : memref<64xi32, #tpu.memory_space<vmem>>) semaphore(%arg11 : memref<!tpu.dma_semaphore, #tpu.memory_space<semaphore_mem>>)
        %dma_start3A_174 = arith.constant 64 : i32
        %dma_start3A_175 = arith.constant 0 : i32
        %dma_start3A_176 = tpu.memref_slice %arg8[%dma_start3A_174, %dma_start3A_175] : memref<128x128xf32, #tpu.memory_space<vmem>> -> memref<64x128xf32, #tpu.memory_space<vmem>>
        %dma_start3A_177 = arith.constant 64 : i32
        %dma_start3A_178 = tpu.memref_slice %arg6[%add3A_160, %dma_start3A_177] : memref<40x128xi32, #tpu.memory_space<vmem>> -> memref<1x64xi32, #tpu.memory_space<vmem>>
        %dma_start3A_179 = tpu.memref_squeeze %dma_start3A_178 : memref<1x64xi32, #tpu.memory_space<vmem>> -> memref<64xi32, #tpu.memory_space<vmem>>
        %dma_start3A_180 = arith.constant 0 : i32
        %dma_start3A_181 = arith.constant 0 : i32
        %dma_start3A_182 = tpu.memref_slice %arg2[%arg0, %dma_start3A_180, %dma_start3A_181] : memref<2x10000x128xf32, #tpu.memory_space<hbm>> -> memref<1x10000x128xf32, #tpu.memory_space<hbm>>
        %dma_start3A_183 = tpu.memref_squeeze %dma_start3A_182 : memref<1x10000x128xf32, #tpu.memory_space<hbm>> -> memref<10000x128xf32, #tpu.memory_space<hbm>>
        %dma_start3A_184 = arith.constant 0 : i32
        %dma_start3A_185 = arith.constant 0 : i32
        %dma_start3A_186 = tpu.memref_slice %dma_start3A_183[%dma_start3A_184, %dma_start3A_185] : memref<10000x128xf32, #tpu.memory_space<hbm>> -> memref<10000x128xf32, #tpu.memory_space<hbm>>
        tpu.enqueue_indirect_dma source(%dma_start3A_186 : memref<10000x128xf32, #tpu.memory_space<hbm>>) target(%dma_start3A_176 : memref<64x128xf32, #tpu.memory_space<vmem>>) offsets(%dma_start3A_179 : memref<64xi32, #tpu.memory_space<vmem>>) semaphore(%arg11 : memref<!tpu.dma_semaphore, #tpu.memory_space<semaphore_mem>>)
      } else {
      }
      %dma_wait3A_146 = arith.constant 0 : i32
      %dma_wait3A_147 = arith.constant 0 : i32
      %dma_wait3A_148 = tpu.memref_slice %arg6[%dma_wait3A_146, %dma_wait3A_147] : memref<40x128xi32, #tpu.memory_space<vmem>> -> memref<1x128xi32, #tpu.memory_space<vmem>>
      %dma_wait3A_149 = tpu.memref_squeeze %dma_wait3A_148 : memref<1x128xi32, #tpu.memory_space<vmem>> -> memref<128xi32, #tpu.memory_space<vmem>>
      %dma_wait3A_150 = arith.constant 0 : i32
      %dma_wait3A_151 = arith.constant 0 : i32
      %dma_wait3A_152 = tpu.memref_slice %arg2[%arg0, %dma_wait3A_150, %dma_wait3A_151] : memref<2x10000x128xf32, #tpu.memory_space<hbm>> -> memref<1x10000x128xf32, #tpu.memory_space<hbm>>
      %dma_wait3A_153 = tpu.memref_squeeze %dma_wait3A_152 : memref<1x10000x128xf32, #tpu.memory_space<hbm>> -> memref<10000x128xf32, #tpu.memory_space<hbm>>
      %dma_wait3A_154 = arith.constant 0 : i32
      %dma_wait3A_155 = arith.constant 0 : i32
      %dma_wait3A_156 = tpu.memref_slice %dma_wait3A_153[%dma_wait3A_154, %dma_wait3A_155] : memref<10000x128xf32, #tpu.memory_space<hbm>> -> memref<10000x128xf32, #tpu.memory_space<hbm>>
      tpu.wait_indirect_dma semaphore(%arg12 : memref<!tpu.dma_semaphore, #tpu.memory_space<semaphore_mem>>) src(%dma_wait3A_156 : memref<10000x128xf32, #tpu.memory_space<hbm>>) dst(%arg9 : memref<128x128xf32, #tpu.memory_space<vmem>>)
      %add3A_157 = arith.constant 1 : i32
      %add3A_158 = arith.addi %mul3A_103, %add3A_157 : i32
      "tpu.region"() ({
        %run_scoped3A_159 = tpu.sem_alloc : memref<!tpu.dma_semaphore, #tpu.memory_space<semaphore_mem>>
        %dma_start3A_160 = arith.constant 0 : i32
        %dma_start3A_161 = tpu.memref_slice %arg7[%add3A_158, %dma_start3A_160] : memref<40x128xi32, #tpu.memory_space<vmem>> -> memref<1x128xi32, #tpu.memory_space<vmem>>
        %dma_start3A_162 = tpu.memref_squeeze %dma_start3A_161 : memref<1x128xi32, #tpu.memory_space<vmem>> -> memref<128xi32, #tpu.memory_space<vmem>>
        %dma_start3A_163 = arith.constant 0 : i32
        %dma_start3A_164 = arith.constant 0 : i32
        %dma_start3A_165 = tpu.memref_slice %arg10[%dma_start3A_163, %dma_start3A_164] : memref<10240x128xf32, #tpu.memory_space<vmem_shared>> -> memref<10240x128xf32, #tpu.memory_space<vmem_shared>>
        tpu.enqueue_indirect_dma source(%arg9 : memref<128x128xf32, #tpu.memory_space<vmem>>) target(%dma_start3A_165 : memref<10240x128xf32, #tpu.memory_space<vmem_shared>>) offsets(%dma_start3A_162 : memref<128xi32, #tpu.memory_space<vmem>>) semaphore(%run_scoped3A_159 : memref<!tpu.dma_semaphore, #tpu.memory_space<semaphore_mem>>) {add = true}
        %dma_wait3A_166 = arith.constant 0 : i32
        %dma_wait3A_167 = tpu.memref_slice %arg7[%add3A_158, %dma_wait3A_166] : memref<40x128xi32, #tpu.memory_space<vmem>> -> memref<1x128xi32, #tpu.memory_space<vmem>>
        %dma_wait3A_168 = tpu.memref_squeeze %dma_wait3A_167 : memref<1x128xi32, #tpu.memory_space<vmem>> -> memref<128xi32, #tpu.memory_space<vmem>>
        %dma_wait3A_169 = arith.constant 0 : i32
        %dma_wait3A_170 = arith.constant 0 : i32
        %dma_wait3A_171 = tpu.memref_slice %arg10[%dma_wait3A_169, %dma_wait3A_170] : memref<10240x128xf32, #tpu.memory_space<vmem_shared>> -> memref<10240x128xf32, #tpu.memory_space<vmem_shared>>
        tpu.wait_indirect_dma semaphore(%run_scoped3A_159 : memref<!tpu.dma_semaphore, #tpu.memory_space<semaphore_mem>>) src(%arg9 : memref<128x128xf32, #tpu.memory_space<vmem>>) dst(%dma_wait3A_171 : memref<10240x128xf32, #tpu.memory_space<vmem_shared>>)
        tpu.yield
      }) : () -> ()
    }
    %scan3A_93 = arith.constant 20 : i32
    %barrier3A_94 = arith.constant 0 : index
    tpu.barrier barrier_id(%barrier3A_94)
    %mul3A_95 = arith.constant 624 : i32
    %mul3A_96 = arith.muli %arg1, %mul3A_95 : i32
    %mul3A_97 = arith.constant 624 : i32
    %mul3A_98 = arith.muli %arg1, %mul3A_97 : i32
    "tpu.region"() ({
      %run_scoped3A_101 = tpu.sem_alloc : memref<!tpu.dma_semaphore, #tpu.memory_space<semaphore_mem>>
      %dma_start3A_102 = arith.constant 0 : i32
      %dma_start3A_103 = arith.constant 0 : i32
      %dma_start3A_104 = tpu.memref_slice %arg5[%arg0, %dma_start3A_102, %dma_start3A_103] : memref<2x10000x128xf32, #tpu.memory_space<hbm>> -> memref<1x10000x128xf32, #tpu.memory_space<hbm>>
      %dma_start3A_105 = tpu.memref_squeeze %dma_start3A_104 : memref<1x10000x128xf32, #tpu.memory_space<hbm>> -> memref<10000x128xf32, #tpu.memory_space<hbm>>
      %dma_start3A_106 = arith.constant 0 : i32
      %dma_start3A_107 = tpu.memref_slice %dma_start3A_105[%mul3A_98, %dma_start3A_106] : memref<10000x128xf32, #tpu.memory_space<hbm>> -> memref<624x128xf32, #tpu.memory_space<hbm>>
      %dma_start3A_108 = arith.constant 0 : i32
      %dma_start3A_109 = tpu.memref_slice %arg10[%mul3A_96, %dma_start3A_108] : memref<10240x128xf32, #tpu.memory_space<vmem_shared>> -> memref<624x128xf32, #tpu.memory_space<vmem_shared>>
      tpu.enqueue_dma source(%dma_start3A_109 : memref<624x128xf32, #tpu.memory_space<vmem_shared>>) target(%dma_start3A_107 : memref<624x128xf32, #tpu.memory_space<hbm>>) target_semaphore(%run_scoped3A_101 : memref<!tpu.dma_semaphore, #tpu.memory_space<semaphore_mem>>)
      %dma_wait3A = arith.constant 0 : i32
      %dma_wait3A_110 = arith.constant 0 : i32
      %dma_wait3A_111 = tpu.memref_slice %arg5[%arg0, %dma_wait3A, %dma_wait3A_110] : memref<2x10000x128xf32, #tpu.memory_space<hbm>> -> memref<1x10000x128xf32, #tpu.memory_space<hbm>>
      %dma_wait3A_112 = tpu.memref_squeeze %dma_wait3A_111 : memref<1x10000x128xf32, #tpu.memory_space<hbm>> -> memref<10000x128xf32, #tpu.memory_space<hbm>>
      %dma_wait3A_113 = arith.constant 0 : i32
      %dma_wait3A_114 = tpu.memref_slice %dma_wait3A_112[%mul3A_98, %dma_wait3A_113] : memref<10000x128xf32, #tpu.memory_space<hbm>> -> memref<624x128xf32, #tpu.memory_space<hbm>>
      %dma_wait3A_115 = arith.constant 0 : i32
      %dma_wait3A_116 = tpu.memref_slice %arg10[%mul3A_96, %dma_wait3A_115] : memref<10240x128xf32, #tpu.memory_space<vmem_shared>> -> memref<624x128xf32, #tpu.memory_space<vmem_shared>>
      tpu.wait_dma2 semaphore(%run_scoped3A_101 : memref<!tpu.dma_semaphore, #tpu.memory_space<semaphore_mem>>) src(%dma_wait3A_116 : memref<624x128xf32, #tpu.memory_space<vmem_shared>>) dst(%dma_wait3A_114 : memref<624x128xf32, #tpu.memory_space<hbm>>)
      tpu.yield
    }) : () -> ()
    %eq3A = arith.constant 15 : i32
    %eq3A_99 = arith.cmpi eq, %arg1, %eq3A : i32
    %convert_element_type3A = arith.extui %eq3A_99 : i1 to i32
    %cond3A = arith.constant 0 : i32
    %cond3A_100 = arith.cmpi ne, %convert_element_type3A, %cond3A : i32
    scf.if %cond3A_100 {
      "tpu.region"() ({
        %run_scoped3A_101 = tpu.sem_alloc : memref<!tpu.dma_semaphore, #tpu.memory_space<semaphore_mem>>
        %dma_start3A_102 = arith.constant 0 : i32
        %dma_start3A_103 = arith.constant 0 : i32
        %dma_start3A_104 = tpu.memref_slice %arg5[%arg0, %dma_start3A_102, %dma_start3A_103] : memref<2x10000x128xf32, #tpu.memory_space<hbm>> -> memref<1x10000x128xf32, #tpu.memory_space<hbm>>
        %dma_start3A_105 = tpu.memref_squeeze %dma_start3A_104 : memref<1x10000x128xf32, #tpu.memory_space<hbm>> -> memref<10000x128xf32, #tpu.memory_space<hbm>>
        %dma_start3A_106 = arith.constant 9984 : i32
        %dma_start3A_107 = arith.constant 0 : i32
        %dma_start3A_108 = tpu.memref_slice %dma_start3A_105[%dma_start3A_106, %dma_start3A_107] : memref<10000x128xf32, #tpu.memory_space<hbm>> -> memref<16x128xf32, #tpu.memory_space<hbm>>
        %dma_start3A_109 = arith.constant 9984 : i32
        %dma_start3A_110 = arith.constant 0 : i32
        %dma_start3A_111 = tpu.memref_slice %arg10[%dma_start3A_109, %dma_start3A_110] : memref<10240x128xf32, #tpu.memory_space<vmem_shared>> -> memref<16x128xf32, #tpu.memory_space<vmem_shared>>
        tpu.enqueue_dma source(%dma_start3A_111 : memref<16x128xf32, #tpu.memory_space<vmem_shared>>) target(%dma_start3A_108 : memref<16x128xf32, #tpu.memory_space<hbm>>) target_semaphore(%run_scoped3A_101 : memref<!tpu.dma_semaphore, #tpu.memory_space<semaphore_mem>>)
        %dma_wait3A = arith.constant 0 : i32
        %dma_wait3A_112 = arith.constant 0 : i32
        %dma_wait3A_113 = tpu.memref_slice %arg5[%arg0, %dma_wait3A, %dma_wait3A_112] : memref<2x10000x128xf32, #tpu.memory_space<hbm>> -> memref<1x10000x128xf32, #tpu.memory_space<hbm>>
        %dma_wait3A_114 = tpu.memref_squeeze %dma_wait3A_113 : memref<1x10000x128xf32, #tpu.memory_space<hbm>> -> memref<10000x128xf32, #tpu.memory_space<hbm>>
        %dma_wait3A_115 = arith.constant 9984 : i32
        %dma_wait3A_116 = arith.constant 0 : i32
        %dma_wait3A_117 = tpu.memref_slice %dma_wait3A_114[%dma_wait3A_115, %dma_wait3A_116] : memref<10000x128xf32, #tpu.memory_space<hbm>> -> memref<16x128xf32, #tpu.memory_space<hbm>>
        %dma_wait3A_118 = arith.constant 9984 : i32
        %dma_wait3A_119 = arith.constant 0 : i32
        %dma_wait3A_120 = tpu.memref_slice %arg10[%dma_wait3A_118, %dma_wait3A_119] : memref<10240x128xf32, #tpu.memory_space<vmem_shared>> -> memref<16x128xf32, #tpu.memory_space<vmem_shared>>
        tpu.wait_dma2 semaphore(%run_scoped3A_101 : memref<!tpu.dma_semaphore, #tpu.memory_space<semaphore_mem>>) src(%dma_wait3A_120 : memref<16x128xf32, #tpu.memory_space<vmem_shared>>) dst(%dma_wait3A_117 : memref<16x128xf32, #tpu.memory_space<hbm>>)
        tpu.yield
      }) : () -> ()
    } else {
    }
    return
  }
}

module attributes {stable_mosaic.version = 14 : i64} {
  func.func @_tc_mlp_body(%arg0: i32, %arg1: memref<2x1000x128xf32, #tpu.memory_space<vmem>>, %arg2: memref<2x1000x128xf32, #tpu.memory_space<vmem>>, %arg3: memref<256x256xf32, #tpu.memory_space<vmem>>, %arg4: memref<1x256xf32, #tpu.memory_space<vmem>>, %arg5: memref<256x256xf32, #tpu.memory_space<vmem>>, %arg6: memref<1x256xf32, #tpu.memory_space<vmem>>, %arg7: memref<1x1xf32, #tpu.memory_space<vmem>>, %arg8: memref<1000x256xf32, #tpu.memory_space<vmem>>, %arg9: memref<2x256xf32, #tpu.memory_space<vmem>>, %arg10: memref<2x256xf32, #tpu.memory_space<vmem>>) attributes {dimension_semantics = [#tpu.dimension_semantics<arbitrary>], iteration_bounds = array<i64: 10>, scalar_prefetch = 0 : i64, scratch_operands = 1 : i64, tpu.core_type = #tpu.core_type<tc>, window_params = [{transform_indices = @transform_0, window_bounds = array<i64: 2, 1000, 128>}, {transform_indices = @transform_1, window_bounds = array<i64: 2, 1000, 128>}, {pipeline_mode = #tpu.pipeline_mode<synchronous>, transform_indices = @transform_2, window_bounds = array<i64: 256, 256>}, {pipeline_mode = #tpu.pipeline_mode<synchronous>, transform_indices = @transform_3, window_bounds = array<i64: 1, 256>}, {pipeline_mode = #tpu.pipeline_mode<synchronous>, transform_indices = @transform_4, window_bounds = array<i64: 256, 256>}, {pipeline_mode = #tpu.pipeline_mode<synchronous>, transform_indices = @transform_5, window_bounds = array<i64: 1, 256>}, {pipeline_mode = #tpu.pipeline_mode<synchronous>, transform_indices = @transform_6, window_bounds = array<i64: 1, 1>}, {transform_indices = @transform_7, window_bounds = array<i64: 1000, 256>}, {pipeline_mode = #tpu.pipeline_mode<synchronous>, transform_indices = @transform_8, window_bounds = array<i64: 2, 256>}]} {
    %eq3A = arith.constant 0 : i32
    %eq3A_0 = arith.cmpi eq, %arg0, %eq3A : i32
    %convert_element_type3A = arith.extui %eq3A_0 : i1 to i32
    %cond3A = arith.constant 0 : i32
    %cond3A_1 = arith.cmpi ne, %convert_element_type3A, %cond3A : i32
    scf.if %cond3A_1 {
      %broadcast_in_dim3A_87 = arith.constant 0.000000e+00 : f32
      %broadcast_in_dim3A_88 = vector.broadcast %broadcast_in_dim3A_87 : f32 to vector<2x256xf32>
      %swap3A_89 = arith.constant 0 : index
      %swap3A_90 = arith.constant 0 : index
      %swap3A_91 = vector.load %arg10[%swap3A_89, %swap3A_90] : memref<2x256xf32, #tpu.memory_space<vmem>>, vector<2x256xf32>
      tpu.vector_store %arg10[%swap3A_89, %swap3A_90], %broadcast_in_dim3A_88 {strides = array<i32>} : memref<2x256xf32, #tpu.memory_space<vmem>>, vector<2x256xf32>,
    } else {
    }
    %get3A = arith.constant 0 : index
    %get3A_2 = arith.constant 0 : index
    %get3A_3 = vector.load %arg7[%get3A, %get3A_2] : memref<1x1xf32, #tpu.memory_space<vmem>>, vector<1x1xf32>
    %get3A_4 = vector.extract %get3A_3[0, 0] : f32 from vector<1x1xf32>
    %add3A = arith.constant 1.000000e+00 : f32
    %add3A_5 = arith.addf %add3A, %get3A_4 : f32
    %get3A_6 = arith.constant 0 : index
    %get3A_7 = arith.constant 0 : index
    %get3A_8 = arith.constant 0 : index
    %get3A_9 = vector.load %arg1[%get3A_6, %get3A_7, %get3A_8] : memref<2x1000x128xf32, #tpu.memory_space<vmem>>, vector<1x1000x128xf32>
    %get3A_10 = vector.shape_cast %get3A_9 : vector<1x1000x128xf32> to vector<1000x128xf32>
    %mul3A = vector.broadcast %add3A_5 : f32 to vector<1000x128xf32>
    %mul3A_11 = arith.mulf %mul3A, %get3A_10 : vector<1000x128xf32>
    %get3A_12 = arith.constant 0 : index
    %get3A_13 = arith.constant 0 : index
    %get3A_14 = arith.constant 0 : index
    %get3A_15 = vector.load %arg2[%get3A_12, %get3A_13, %get3A_14] : memref<2x1000x128xf32, #tpu.memory_space<vmem>>, vector<1x1000x128xf32>
    %get3A_16 = vector.shape_cast %get3A_15 : vector<1x1000x128xf32> to vector<1000x128xf32>
    %add3A_17 = arith.addf %mul3A_11, %get3A_16 : vector<1000x128xf32>
    %get3A_18 = arith.constant 1 : index
    %get3A_19 = arith.constant 0 : index
    %get3A_20 = arith.constant 0 : index
    %get3A_21 = vector.load %arg1[%get3A_18, %get3A_19, %get3A_20] : memref<2x1000x128xf32, #tpu.memory_space<vmem>>, vector<1x1000x128xf32>
    %get3A_22 = vector.shape_cast %get3A_21 : vector<1x1000x128xf32> to vector<1000x128xf32>
    %mul3A_23 = vector.broadcast %add3A_5 : f32 to vector<1000x128xf32>
    %mul3A_24 = arith.mulf %mul3A_23, %get3A_22 : vector<1000x128xf32>
    %get3A_25 = arith.constant 1 : index
    %get3A_26 = arith.constant 0 : index
    %get3A_27 = arith.constant 0 : index
    %get3A_28 = vector.load %arg2[%get3A_25, %get3A_26, %get3A_27] : memref<2x1000x128xf32, #tpu.memory_space<vmem>>, vector<1x1000x128xf32>
    %get3A_29 = vector.shape_cast %get3A_28 : vector<1x1000x128xf32> to vector<1000x128xf32>
    %add3A_30 = arith.addf %mul3A_24, %get3A_29 : vector<1000x128xf32>
    %get3A_31 = arith.constant 0 : index
    %get3A_32 = arith.constant 0 : index
    %get3A_33 = vector.load %arg3[%get3A_31, %get3A_32] : memref<256x256xf32, #tpu.memory_space<vmem>>, vector<128x256xf32>
    %dot_general3A = arith.constant dense<0.000000e+00> : vector<1000x256xf32>
    %dot_general3A_34 = tpu.matmul %add3A_17, %get3A_33, %dot_general3A {dimension_numbers = #tpu.dot_dimension_numbers<[1], [0], [0], [1], [0, 0, 1, 1], [], []>, transpose_lhs_hint = false} : vector<1000x128xf32>, vector<128x256xf32>, vector<1000x256xf32> -> vector<1000x256xf32>
    %get3A_35 = arith.constant 128 : index
    %get3A_36 = arith.constant 0 : index
    %get3A_37 = vector.load %arg3[%get3A_35, %get3A_36] : memref<256x256xf32, #tpu.memory_space<vmem>>, vector<128x256xf32>
    %dot_general3A_38 = arith.constant dense<0.000000e+00> : vector<1000x256xf32>
    %dot_general3A_39 = tpu.matmul %add3A_30, %get3A_37, %dot_general3A_38 {dimension_numbers = #tpu.dot_dimension_numbers<[1], [0], [0], [1], [0, 0, 1, 1], [], []>, transpose_lhs_hint = false} : vector<1000x128xf32>, vector<128x256xf32>, vector<1000x256xf32> -> vector<1000x256xf32>
    %add3A_40 = arith.addf %dot_general3A_34, %dot_general3A_39 : vector<1000x256xf32>
    %get3A_41 = arith.constant 0 : index
    %get3A_42 = arith.constant 0 : index
    %get3A_43 = vector.load %arg4[%get3A_41, %get3A_42] : memref<1x256xf32, #tpu.memory_space<vmem>>, vector<1x256xf32>
    %add3A_44 = vector.broadcast %get3A_43 : vector<1x256xf32> to vector<1000x256xf32>
    %add3A_45 = arith.addf %add3A_40, %add3A_44 : vector<1000x256xf32>
    %max3A = arith.constant 0.000000e+00 : f32
    %max3A_46 = vector.broadcast %max3A : f32 to vector<1000x256xf32>
    %max3A_47 = arith.maximumf %add3A_45, %max3A_46 : vector<1000x256xf32>
    %get3A_48 = arith.constant 0 : index
    %get3A_49 = arith.constant 0 : index
    %get3A_50 = vector.load %arg5[%get3A_48, %get3A_49] : memref<256x256xf32, #tpu.memory_space<vmem>>, vector<256x256xf32>
    %dot_general3A_51 = arith.constant dense<0.000000e+00> : vector<1000x256xf32>
    %dot_general3A_52 = tpu.matmul %max3A_47, %get3A_50, %dot_general3A_51 {dimension_numbers = #tpu.dot_dimension_numbers<[1], [0], [0], [1], [0, 0, 1, 1], [], []>, transpose_lhs_hint = false} : vector<1000x256xf32>, vector<256x256xf32>, vector<1000x256xf32> -> vector<1000x256xf32>
    %get3A_53 = arith.constant 0 : index
    %get3A_54 = arith.constant 0 : index
    %get3A_55 = vector.load %arg6[%get3A_53, %get3A_54] : memref<1x256xf32, #tpu.memory_space<vmem>>, vector<1x256xf32>
    %add3A_56 = vector.broadcast %get3A_55 : vector<1x256xf32> to vector<1000x256xf32>
    %add3A_57 = arith.addf %dot_general3A_52, %add3A_56 : vector<1000x256xf32>
    %max3A_58 = arith.constant 0.000000e+00 : f32
    %max3A_59 = vector.broadcast %max3A_58 : f32 to vector<1000x256xf32>
    %max3A_60 = arith.maximumf %add3A_57, %max3A_59 : vector<1000x256xf32>
    %swap3A = arith.constant 0 : index
    %swap3A_61 = arith.constant 0 : index
    %swap3A_62 = vector.load %arg8[%swap3A, %swap3A_61] : memref<1000x256xf32, #tpu.memory_space<vmem>>, vector<1000x256xf32>
    tpu.vector_store %arg8[%swap3A, %swap3A_61], %max3A_60 {strides = array<i32>} : memref<1000x256xf32, #tpu.memory_space<vmem>>, vector<1000x256xf32>,
    %get3A_63 = arith.constant 0 : index
    %get3A_64 = arith.constant 0 : index
    %get3A_65 = vector.load %arg10[%get3A_63, %get3A_64] : memref<2x256xf32, #tpu.memory_space<vmem>>, vector<1x256xf32>
    %reduce_sum3A = arith.constant dense<0.000000e+00> : vector<256xf32>
    %reduce_sum3A_66 = vector.multi_reduction <add>, %max3A_60, %reduce_sum3A [0] : vector<1000x256xf32> to vector<256xf32>
    %broadcast_in_dim3A = vector.shape_cast %reduce_sum3A_66 : vector<256xf32> to vector<1x256xf32>
    %add3A_67 = arith.addf %get3A_65, %broadcast_in_dim3A : vector<1x256xf32>
    %swap3A_68 = arith.constant 0 : index
    %swap3A_69 = arith.constant 0 : index
    %swap3A_70 = vector.load %arg10[%swap3A_68, %swap3A_69] : memref<2x256xf32, #tpu.memory_space<vmem>>, vector<1x256xf32>
    tpu.vector_store %arg10[%swap3A_68, %swap3A_69], %add3A_67 {strides = array<i32>} : memref<2x256xf32, #tpu.memory_space<vmem>>, vector<1x256xf32>,
    %get3A_71 = arith.constant 1 : index
    %get3A_72 = arith.constant 0 : index
    %get3A_73 = vector.load %arg10[%get3A_71, %get3A_72] : memref<2x256xf32, #tpu.memory_space<vmem>>, vector<1x256xf32>
    %mul3A_74 = arith.mulf %max3A_60, %max3A_60 : vector<1000x256xf32>
    %reduce_sum3A_75 = arith.constant dense<0.000000e+00> : vector<256xf32>
    %reduce_sum3A_76 = vector.multi_reduction <add>, %mul3A_74, %reduce_sum3A_75 [0] : vector<1000x256xf32> to vector<256xf32>
    %broadcast_in_dim3A_77 = vector.shape_cast %reduce_sum3A_76 : vector<256xf32> to vector<1x256xf32>
    %add3A_78 = arith.addf %get3A_73, %broadcast_in_dim3A_77 : vector<1x256xf32>
    %swap3A_79 = arith.constant 1 : index
    %swap3A_80 = arith.constant 0 : index
    %swap3A_81 = vector.load %arg10[%swap3A_79, %swap3A_80] : memref<2x256xf32, #tpu.memory_space<vmem>>, vector<1x256xf32>
    tpu.vector_store %arg10[%swap3A_79, %swap3A_80], %add3A_78 {strides = array<i32>} : memref<2x256xf32, #tpu.memory_space<vmem>>, vector<1x256xf32>,
    %eq3A_82 = arith.constant 9 : i32
    %eq3A_83 = arith.cmpi eq, %arg0, %eq3A_82 : i32
    %convert_element_type3A_84 = arith.extui %eq3A_83 : i1 to i32
    %cond3A_85 = arith.constant 0 : i32
    %cond3A_86 = arith.cmpi ne, %convert_element_type3A_84, %cond3A_85 : i32
    scf.if %cond3A_86 {
      %get3A_87 = arith.constant 0 : index
      %get3A_88 = arith.constant 0 : index
      %get3A_89 = vector.load %arg10[%get3A_87, %get3A_88] : memref<2x256xf32, #tpu.memory_space<vmem>>, vector<2x256xf32>
      %swap3A_90 = arith.constant 0 : index
      %swap3A_91 = arith.constant 0 : index
      %swap3A_92 = vector.load %arg9[%swap3A_90, %swap3A_91] : memref<2x256xf32, #tpu.memory_space<vmem>>, vector<2x256xf32>
      tpu.vector_store %arg9[%swap3A_90, %swap3A_91], %get3A_89 {strides = array<i32>} : memref<2x256xf32, #tpu.memory_space<vmem>>, vector<2x256xf32>,
    } else {
    }
    return
  }
  func.func @transform_0(%arg0: i32) -> (i32, i32, i32) {
    %c0_i32 = arith.constant 0 : i32
    %c0_i32_0 = arith.constant 0 : i32
    %c0_i32_1 = arith.constant 0 : i32
    return %c0_i32, %arg0, %c0_i32_0 : i32, i32, i32
  }
  func.func @transform_1(%arg0: i32) -> (i32, i32, i32) {
    %c0_i32 = arith.constant 0 : i32
    %c0_i32_0 = arith.constant 0 : i32
    %c0_i32_1 = arith.constant 0 : i32
    return %c0_i32, %arg0, %c0_i32_0 : i32, i32, i32
  }
  func.func @transform_2(%arg0: i32) -> (i32, i32) {
    %c0_i32 = arith.constant 0 : i32
    %c0_i32_0 = arith.constant 0 : i32
    %c0_i32_1 = arith.constant 0 : i32
    return %c0_i32, %c0_i32_0 : i32, i32
  }
  func.func @transform_3(%arg0: i32) -> (i32, i32) {
    %c0_i32 = arith.constant 0 : i32
    %c0_i32_0 = arith.constant 0 : i32
    %c0_i32_1 = arith.constant 0 : i32
    return %c0_i32, %c0_i32_0 : i32, i32
  }
  func.func @transform_4(%arg0: i32) -> (i32, i32) {
    %c0_i32 = arith.constant 0 : i32
    %c0_i32_0 = arith.constant 0 : i32
    %c0_i32_1 = arith.constant 0 : i32
    return %c0_i32, %c0_i32_0 : i32, i32
  }
  func.func @transform_5(%arg0: i32) -> (i32, i32) {
    %c0_i32 = arith.constant 0 : i32
    %c0_i32_0 = arith.constant 0 : i32
    %c0_i32_1 = arith.constant 0 : i32
    return %c0_i32, %c0_i32_0 : i32, i32
  }
  func.func @transform_6(%arg0: i32) -> (i32, i32) {
    %c0_i32 = arith.constant 0 : i32
    %c0_i32_0 = arith.constant 0 : i32
    %c0_i32_1 = arith.constant 0 : i32
    return %c0_i32, %c0_i32_0 : i32, i32
  }
  func.func @transform_7(%arg0: i32) -> (i32, i32) {
    %c0_i32 = arith.constant 0 : i32
    %c0_i32_0 = arith.constant 0 : i32
    return %arg0, %c0_i32 : i32, i32
  }
  func.func @transform_8(%arg0: i32) -> (i32, i32) {
    %c0_i32 = arith.constant 0 : i32
    %c0_i32_0 = arith.constant 0 : i32
    %c0_i32_1 = arith.constant 0 : i32
    return %c0_i32, %c0_i32_0 : i32, i32
  }
}

module attributes {stable_mosaic.version = 14 : i64} {
  func.func @_tc_bn_body(%arg0: i32, %arg1: memref<1000x256xf32, #tpu.memory_space<vmem>>, %arg2: memref<2x256xf32, #tpu.memory_space<vmem>>, %arg3: memref<1x256xf32, #tpu.memory_space<vmem>>, %arg4: memref<1x256xf32, #tpu.memory_space<vmem>>, %arg5: memref<2x1000x128xf32, #tpu.memory_space<vmem>>) attributes {dimension_semantics = [#tpu.dimension_semantics<arbitrary>], iteration_bounds = array<i64: 10>, scalar_prefetch = 0 : i64, scratch_operands = 0 : i64, tpu.core_type = #tpu.core_type<tc>, window_params = [{transform_indices = @transform_0, window_bounds = array<i64: 1000, 256>}, {pipeline_mode = #tpu.pipeline_mode<synchronous>, transform_indices = @transform_1, window_bounds = array<i64: 2, 256>}, {pipeline_mode = #tpu.pipeline_mode<synchronous>, transform_indices = @transform_2, window_bounds = array<i64: 1, 256>}, {pipeline_mode = #tpu.pipeline_mode<synchronous>, transform_indices = @transform_3, window_bounds = array<i64: 1, 256>}, {transform_indices = @transform_4, window_bounds = array<i64: 2, 1000, 128>}]} {
    %get3A = arith.constant 0 : index
    %get3A_0 = arith.constant 0 : index
    %get3A_1 = vector.load %arg2[%get3A, %get3A_0] : memref<2x256xf32, #tpu.memory_space<vmem>>, vector<1x256xf32>
    %mul3A = arith.constant 9.99999974E-5 : f32
    %mul3A_2 = vector.broadcast %mul3A : f32 to vector<1x256xf32>
    %mul3A_3 = arith.mulf %get3A_1, %mul3A_2 : vector<1x256xf32>
    %get3A_4 = arith.constant 1 : index
    %get3A_5 = arith.constant 0 : index
    %get3A_6 = vector.load %arg2[%get3A_4, %get3A_5] : memref<2x256xf32, #tpu.memory_space<vmem>>, vector<1x256xf32>
    %mul3A_7 = arith.constant 9.99999974E-5 : f32
    %mul3A_8 = vector.broadcast %mul3A_7 : f32 to vector<1x256xf32>
    %mul3A_9 = arith.mulf %get3A_6, %mul3A_8 : vector<1x256xf32>
    %mul3A_10 = arith.mulf %mul3A_3, %mul3A_3 : vector<1x256xf32>
    %sub3A = arith.subf %mul3A_9, %mul3A_10 : vector<1x256xf32>
    %add3A = arith.constant 9.99999974E-6 : f32
    %add3A_11 = vector.broadcast %add3A : f32 to vector<1x256xf32>
    %add3A_12 = arith.addf %sub3A, %add3A_11 : vector<1x256xf32>
    %rsqrt3A = math.rsqrt %add3A_12 : vector<1x256xf32>
    %get3A_13 = arith.constant 0 : index
    %get3A_14 = arith.constant 0 : index
    %get3A_15 = vector.load %arg3[%get3A_13, %get3A_14] : memref<1x256xf32, #tpu.memory_space<vmem>>, vector<1x256xf32>
    %mul3A_16 = arith.mulf %rsqrt3A, %get3A_15 : vector<1x256xf32>
    %get3A_17 = arith.constant 0 : index
    %get3A_18 = arith.constant 0 : index
    %get3A_19 = vector.load %arg1[%get3A_17, %get3A_18] : memref<1000x256xf32, #tpu.memory_space<vmem>>, vector<1000x256xf32>
    %sub3A_20 = vector.broadcast %mul3A_3 : vector<1x256xf32> to vector<1000x256xf32>
    %sub3A_21 = arith.subf %get3A_19, %sub3A_20 : vector<1000x256xf32>
    %mul3A_22 = vector.broadcast %mul3A_16 : vector<1x256xf32> to vector<1000x256xf32>
    %mul3A_23 = arith.mulf %sub3A_21, %mul3A_22 : vector<1000x256xf32>
    %get3A_24 = arith.constant 0 : index
    %get3A_25 = arith.constant 0 : index
    %get3A_26 = vector.load %arg4[%get3A_24, %get3A_25] : memref<1x256xf32, #tpu.memory_space<vmem>>, vector<1x256xf32>
    %add3A_27 = vector.broadcast %get3A_26 : vector<1x256xf32> to vector<1000x256xf32>
    %add3A_28 = arith.addf %mul3A_23, %add3A_27 : vector<1000x256xf32>
    %slice3A = vector.extract_strided_slice %add3A_28 {offsets = [0, 0], sizes = [1000, 128], strides = [1, 1]} : vector<1000x256xf32> to vector<1000x128xf32>
    %swap3A = arith.constant 0 : index
    %swap3A_29 = arith.constant 0 : index
    %swap3A_30 = arith.constant 0 : index
    %swap3A_31 = vector.load %arg5[%swap3A, %swap3A_29, %swap3A_30] : memref<2x1000x128xf32, #tpu.memory_space<vmem>>, vector<1x1000x128xf32>
    %swap3A_32 = vector.shape_cast %swap3A_31 : vector<1x1000x128xf32> to vector<1000x128xf32>
    %swap3A_33 = vector.shape_cast %slice3A : vector<1000x128xf32> to vector<1x1000x128xf32>
    tpu.vector_store %arg5[%swap3A, %swap3A_29, %swap3A_30], %swap3A_33 {strides = array<i32>} : memref<2x1000x128xf32, #tpu.memory_space<vmem>>, vector<1x1000x128xf32>,
    %slice3A_34 = vector.extract_strided_slice %add3A_28 {offsets = [0, 128], sizes = [1000, 128], strides = [1, 1]} : vector<1000x256xf32> to vector<1000x128xf32>
    %swap3A_35 = arith.constant 1 : index
    %swap3A_36 = arith.constant 0 : index
    %swap3A_37 = arith.constant 0 : index
    %swap3A_38 = vector.load %arg5[%swap3A_35, %swap3A_36, %swap3A_37] : memref<2x1000x128xf32, #tpu.memory_space<vmem>>, vector<1x1000x128xf32>
    %swap3A_39 = vector.shape_cast %swap3A_38 : vector<1x1000x128xf32> to vector<1000x128xf32>
    %swap3A_40 = vector.shape_cast %slice3A_34 : vector<1000x128xf32> to vector<1x1000x128xf32>
    tpu.vector_store %arg5[%swap3A_35, %swap3A_36, %swap3A_37], %swap3A_40 {strides = array<i32>} : memref<2x1000x128xf32, #tpu.memory_space<vmem>>, vector<1x1000x128xf32>,
    return
  }
  func.func @transform_0(%arg0: i32) -> (i32, i32) {
    %c0_i32 = arith.constant 0 : i32
    %c0_i32_0 = arith.constant 0 : i32
    return %arg0, %c0_i32 : i32, i32
  }
  func.func @transform_1(%arg0: i32) -> (i32, i32) {
    %c0_i32 = arith.constant 0 : i32
    %c0_i32_0 = arith.constant 0 : i32
    %c0_i32_1 = arith.constant 0 : i32
    return %c0_i32, %c0_i32_0 : i32, i32
  }
  func.func @transform_2(%arg0: i32) -> (i32, i32) {
    %c0_i32 = arith.constant 0 : i32
    %c0_i32_0 = arith.constant 0 : i32
    %c0_i32_1 = arith.constant 0 : i32
    return %c0_i32, %c0_i32_0 : i32, i32
  }
  func.func @transform_3(%arg0: i32) -> (i32, i32) {
    %c0_i32 = arith.constant 0 : i32
    %c0_i32_0 = arith.constant 0 : i32
    %c0_i32_1 = arith.constant 0 : i32
    return %c0_i32, %c0_i32_0 : i32, i32
  }
  func.func @transform_4(%arg0: i32) -> (i32, i32, i32) {
    %c0_i32 = arith.constant 0 : i32
    %c0_i32_0 = arith.constant 0 : i32
    %c0_i32_1 = arith.constant 0 : i32
    return %c0_i32, %arg0, %c0_i32_0 : i32, i32, i32
  }
}

module attributes {stable_mosaic.version = 14 : i64} {
  func.func @_tc_mlp_body(%arg0: i32, %arg1: memref<2x1000x128xf32, #tpu.memory_space<vmem>>, %arg2: memref<2x1000x128xf32, #tpu.memory_space<vmem>>, %arg3: memref<256x256xf32, #tpu.memory_space<vmem>>, %arg4: memref<1x256xf32, #tpu.memory_space<vmem>>, %arg5: memref<256x256xf32, #tpu.memory_space<vmem>>, %arg6: memref<1x256xf32, #tpu.memory_space<vmem>>, %arg7: memref<1x1xf32, #tpu.memory_space<vmem>>, %arg8: memref<1000x256xf32, #tpu.memory_space<vmem>>, %arg9: memref<2x256xf32, #tpu.memory_space<vmem>>, %arg10: memref<2x256xf32, #tpu.memory_space<vmem>>) attributes {dimension_semantics = [#tpu.dimension_semantics<arbitrary>], iteration_bounds = array<i64: 10>, scalar_prefetch = 0 : i64, scratch_operands = 1 : i64, tpu.core_type = #tpu.core_type<tc>, window_params = [{transform_indices = @transform_0, window_bounds = array<i64: 2, 1000, 128>}, {transform_indices = @transform_1, window_bounds = array<i64: 2, 1000, 128>}, {pipeline_mode = #tpu.pipeline_mode<synchronous>, transform_indices = @transform_2, window_bounds = array<i64: 256, 256>}, {pipeline_mode = #tpu.pipeline_mode<synchronous>, transform_indices = @transform_3, window_bounds = array<i64: 1, 256>}, {pipeline_mode = #tpu.pipeline_mode<synchronous>, transform_indices = @transform_4, window_bounds = array<i64: 256, 256>}, {pipeline_mode = #tpu.pipeline_mode<synchronous>, transform_indices = @transform_5, window_bounds = array<i64: 1, 256>}, {pipeline_mode = #tpu.pipeline_mode<synchronous>, transform_indices = @transform_6, window_bounds = array<i64: 1, 1>}, {transform_indices = @transform_7, window_bounds = array<i64: 1000, 256>}, {pipeline_mode = #tpu.pipeline_mode<synchronous>, transform_indices = @transform_8, window_bounds = array<i64: 2, 256>}]} {
    %eq3A = arith.constant 0 : i32
    %eq3A_0 = arith.cmpi eq, %arg0, %eq3A : i32
    %convert_element_type3A = arith.extui %eq3A_0 : i1 to i32
    %cond3A = arith.constant 0 : i32
    %cond3A_1 = arith.cmpi ne, %convert_element_type3A, %cond3A : i32
    scf.if %cond3A_1 {
      %broadcast_in_dim3A_87 = arith.constant 0.000000e+00 : f32
      %broadcast_in_dim3A_88 = vector.broadcast %broadcast_in_dim3A_87 : f32 to vector<2x256xf32>
      %swap3A_89 = arith.constant 0 : index
      %swap3A_90 = arith.constant 0 : index
      %swap3A_91 = vector.load %arg10[%swap3A_89, %swap3A_90] : memref<2x256xf32, #tpu.memory_space<vmem>>, vector<2x256xf32>
      tpu.vector_store %arg10[%swap3A_89, %swap3A_90], %broadcast_in_dim3A_88 {strides = array<i32>} : memref<2x256xf32, #tpu.memory_space<vmem>>, vector<2x256xf32>,
    } else {
    }
    %get3A = arith.constant 0 : index
    %get3A_2 = arith.constant 0 : index
    %get3A_3 = vector.load %arg7[%get3A, %get3A_2] : memref<1x1xf32, #tpu.memory_space<vmem>>, vector<1x1xf32>
    %get3A_4 = vector.extract %get3A_3[0, 0] : f32 from vector<1x1xf32>
    %add3A = arith.constant 1.000000e+00 : f32
    %add3A_5 = arith.addf %add3A, %get3A_4 : f32
    %get3A_6 = arith.constant 0 : index
    %get3A_7 = arith.constant 0 : index
    %get3A_8 = arith.constant 0 : index
    %get3A_9 = vector.load %arg1[%get3A_6, %get3A_7, %get3A_8] : memref<2x1000x128xf32, #tpu.memory_space<vmem>>, vector<1x1000x128xf32>
    %get3A_10 = vector.shape_cast %get3A_9 : vector<1x1000x128xf32> to vector<1000x128xf32>
    %mul3A = vector.broadcast %add3A_5 : f32 to vector<1000x128xf32>
    %mul3A_11 = arith.mulf %mul3A, %get3A_10 : vector<1000x128xf32>
    %get3A_12 = arith.constant 0 : index
    %get3A_13 = arith.constant 0 : index
    %get3A_14 = arith.constant 0 : index
    %get3A_15 = vector.load %arg2[%get3A_12, %get3A_13, %get3A_14] : memref<2x1000x128xf32, #tpu.memory_space<vmem>>, vector<1x1000x128xf32>
    %get3A_16 = vector.shape_cast %get3A_15 : vector<1x1000x128xf32> to vector<1000x128xf32>
    %add3A_17 = arith.addf %mul3A_11, %get3A_16 : vector<1000x128xf32>
    %get3A_18 = arith.constant 1 : index
    %get3A_19 = arith.constant 0 : index
    %get3A_20 = arith.constant 0 : index
    %get3A_21 = vector.load %arg1[%get3A_18, %get3A_19, %get3A_20] : memref<2x1000x128xf32, #tpu.memory_space<vmem>>, vector<1x1000x128xf32>
    %get3A_22 = vector.shape_cast %get3A_21 : vector<1x1000x128xf32> to vector<1000x128xf32>
    %mul3A_23 = vector.broadcast %add3A_5 : f32 to vector<1000x128xf32>
    %mul3A_24 = arith.mulf %mul3A_23, %get3A_22 : vector<1000x128xf32>
    %get3A_25 = arith.constant 1 : index
    %get3A_26 = arith.constant 0 : index
    %get3A_27 = arith.constant 0 : index
    %get3A_28 = vector.load %arg2[%get3A_25, %get3A_26, %get3A_27] : memref<2x1000x128xf32, #tpu.memory_space<vmem>>, vector<1x1000x128xf32>
    %get3A_29 = vector.shape_cast %get3A_28 : vector<1x1000x128xf32> to vector<1000x128xf32>
    %add3A_30 = arith.addf %mul3A_24, %get3A_29 : vector<1000x128xf32>
    %get3A_31 = arith.constant 0 : index
    %get3A_32 = arith.constant 0 : index
    %get3A_33 = vector.load %arg3[%get3A_31, %get3A_32] : memref<256x256xf32, #tpu.memory_space<vmem>>, vector<128x256xf32>
    %dot_general3A = arith.constant dense<0.000000e+00> : vector<1000x256xf32>
    %dot_general3A_34 = tpu.matmul %add3A_17, %get3A_33, %dot_general3A {dimension_numbers = #tpu.dot_dimension_numbers<[1], [0], [0], [1], [0, 0, 1, 1], [], []>, transpose_lhs_hint = false} : vector<1000x128xf32>, vector<128x256xf32>, vector<1000x256xf32> -> vector<1000x256xf32>
    %get3A_35 = arith.constant 128 : index
    %get3A_36 = arith.constant 0 : index
    %get3A_37 = vector.load %arg3[%get3A_35, %get3A_36] : memref<256x256xf32, #tpu.memory_space<vmem>>, vector<128x256xf32>
    %dot_general3A_38 = arith.constant dense<0.000000e+00> : vector<1000x256xf32>
    %dot_general3A_39 = tpu.matmul %add3A_30, %get3A_37, %dot_general3A_38 {dimension_numbers = #tpu.dot_dimension_numbers<[1], [0], [0], [1], [0, 0, 1, 1], [], []>, transpose_lhs_hint = false} : vector<1000x128xf32>, vector<128x256xf32>, vector<1000x256xf32> -> vector<1000x256xf32>
    %add3A_40 = arith.addf %dot_general3A_34, %dot_general3A_39 : vector<1000x256xf32>
    %get3A_41 = arith.constant 0 : index
    %get3A_42 = arith.constant 0 : index
    %get3A_43 = vector.load %arg4[%get3A_41, %get3A_42] : memref<1x256xf32, #tpu.memory_space<vmem>>, vector<1x256xf32>
    %add3A_44 = vector.broadcast %get3A_43 : vector<1x256xf32> to vector<1000x256xf32>
    %add3A_45 = arith.addf %add3A_40, %add3A_44 : vector<1000x256xf32>
    %max3A = arith.constant 0.000000e+00 : f32
    %max3A_46 = vector.broadcast %max3A : f32 to vector<1000x256xf32>
    %max3A_47 = arith.maximumf %add3A_45, %max3A_46 : vector<1000x256xf32>
    %get3A_48 = arith.constant 0 : index
    %get3A_49 = arith.constant 0 : index
    %get3A_50 = vector.load %arg5[%get3A_48, %get3A_49] : memref<256x256xf32, #tpu.memory_space<vmem>>, vector<256x256xf32>
    %dot_general3A_51 = arith.constant dense<0.000000e+00> : vector<1000x256xf32>
    %dot_general3A_52 = tpu.matmul %max3A_47, %get3A_50, %dot_general3A_51 {dimension_numbers = #tpu.dot_dimension_numbers<[1], [0], [0], [1], [0, 0, 1, 1], [], []>, transpose_lhs_hint = false} : vector<1000x256xf32>, vector<256x256xf32>, vector<1000x256xf32> -> vector<1000x256xf32>
    %get3A_53 = arith.constant 0 : index
    %get3A_54 = arith.constant 0 : index
    %get3A_55 = vector.load %arg6[%get3A_53, %get3A_54] : memref<1x256xf32, #tpu.memory_space<vmem>>, vector<1x256xf32>
    %add3A_56 = vector.broadcast %get3A_55 : vector<1x256xf32> to vector<1000x256xf32>
    %add3A_57 = arith.addf %dot_general3A_52, %add3A_56 : vector<1000x256xf32>
    %max3A_58 = arith.constant 0.000000e+00 : f32
    %max3A_59 = vector.broadcast %max3A_58 : f32 to vector<1000x256xf32>
    %max3A_60 = arith.maximumf %add3A_57, %max3A_59 : vector<1000x256xf32>
    %swap3A = arith.constant 0 : index
    %swap3A_61 = arith.constant 0 : index
    %swap3A_62 = vector.load %arg8[%swap3A, %swap3A_61] : memref<1000x256xf32, #tpu.memory_space<vmem>>, vector<1000x256xf32>
    tpu.vector_store %arg8[%swap3A, %swap3A_61], %max3A_60 {strides = array<i32>} : memref<1000x256xf32, #tpu.memory_space<vmem>>, vector<1000x256xf32>,
    %get3A_63 = arith.constant 0 : index
    %get3A_64 = arith.constant 0 : index
    %get3A_65 = vector.load %arg10[%get3A_63, %get3A_64] : memref<2x256xf32, #tpu.memory_space<vmem>>, vector<1x256xf32>
    %reduce_sum3A = arith.constant dense<0.000000e+00> : vector<256xf32>
    %reduce_sum3A_66 = vector.multi_reduction <add>, %max3A_60, %reduce_sum3A [0] : vector<1000x256xf32> to vector<256xf32>
    %broadcast_in_dim3A = vector.shape_cast %reduce_sum3A_66 : vector<256xf32> to vector<1x256xf32>
    %add3A_67 = arith.addf %get3A_65, %broadcast_in_dim3A : vector<1x256xf32>
    %swap3A_68 = arith.constant 0 : index
    %swap3A_69 = arith.constant 0 : index
    %swap3A_70 = vector.load %arg10[%swap3A_68, %swap3A_69] : memref<2x256xf32, #tpu.memory_space<vmem>>, vector<1x256xf32>
    tpu.vector_store %arg10[%swap3A_68, %swap3A_69], %add3A_67 {strides = array<i32>} : memref<2x256xf32, #tpu.memory_space<vmem>>, vector<1x256xf32>,
    %get3A_71 = arith.constant 1 : index
    %get3A_72 = arith.constant 0 : index
    %get3A_73 = vector.load %arg10[%get3A_71, %get3A_72] : memref<2x256xf32, #tpu.memory_space<vmem>>, vector<1x256xf32>
    %mul3A_74 = arith.mulf %max3A_60, %max3A_60 : vector<1000x256xf32>
    %reduce_sum3A_75 = arith.constant dense<0.000000e+00> : vector<256xf32>
    %reduce_sum3A_76 = vector.multi_reduction <add>, %mul3A_74, %reduce_sum3A_75 [0] : vector<1000x256xf32> to vector<256xf32>
    %broadcast_in_dim3A_77 = vector.shape_cast %reduce_sum3A_76 : vector<256xf32> to vector<1x256xf32>
    %add3A_78 = arith.addf %get3A_73, %broadcast_in_dim3A_77 : vector<1x256xf32>
    %swap3A_79 = arith.constant 1 : index
    %swap3A_80 = arith.constant 0 : index
    %swap3A_81 = vector.load %arg10[%swap3A_79, %swap3A_80] : memref<2x256xf32, #tpu.memory_space<vmem>>, vector<1x256xf32>
    tpu.vector_store %arg10[%swap3A_79, %swap3A_80], %add3A_78 {strides = array<i32>} : memref<2x256xf32, #tpu.memory_space<vmem>>, vector<1x256xf32>,
    %eq3A_82 = arith.constant 9 : i32
    %eq3A_83 = arith.cmpi eq, %arg0, %eq3A_82 : i32
    %convert_element_type3A_84 = arith.extui %eq3A_83 : i1 to i32
    %cond3A_85 = arith.constant 0 : i32
    %cond3A_86 = arith.cmpi ne, %convert_element_type3A_84, %cond3A_85 : i32
    scf.if %cond3A_86 {
      %get3A_87 = arith.constant 0 : index
      %get3A_88 = arith.constant 0 : index
      %get3A_89 = vector.load %arg10[%get3A_87, %get3A_88] : memref<2x256xf32, #tpu.memory_space<vmem>>, vector<2x256xf32>
      %swap3A_90 = arith.constant 0 : index
      %swap3A_91 = arith.constant 0 : index
      %swap3A_92 = vector.load %arg9[%swap3A_90, %swap3A_91] : memref<2x256xf32, #tpu.memory_space<vmem>>, vector<2x256xf32>
      tpu.vector_store %arg9[%swap3A_90, %swap3A_91], %get3A_89 {strides = array<i32>} : memref<2x256xf32, #tpu.memory_space<vmem>>, vector<2x256xf32>,
    } else {
    }
    return
  }
  func.func @transform_0(%arg0: i32) -> (i32, i32, i32) {
    %c0_i32 = arith.constant 0 : i32
    %c0_i32_0 = arith.constant 0 : i32
    %c0_i32_1 = arith.constant 0 : i32
    return %c0_i32, %arg0, %c0_i32_0 : i32, i32, i32
  }
  func.func @transform_1(%arg0: i32) -> (i32, i32, i32) {
    %c0_i32 = arith.constant 0 : i32
    %c0_i32_0 = arith.constant 0 : i32
    %c0_i32_1 = arith.constant 0 : i32
    return %c0_i32, %arg0, %c0_i32_0 : i32, i32, i32
  }
  func.func @transform_2(%arg0: i32) -> (i32, i32) {
    %c0_i32 = arith.constant 0 : i32
    %c0_i32_0 = arith.constant 0 : i32
    %c0_i32_1 = arith.constant 0 : i32
    return %c0_i32, %c0_i32_0 : i32, i32
  }
  func.func @transform_3(%arg0: i32) -> (i32, i32) {
    %c0_i32 = arith.constant 0 : i32
    %c0_i32_0 = arith.constant 0 : i32
    %c0_i32_1 = arith.constant 0 : i32
    return %c0_i32, %c0_i32_0 : i32, i32
  }
  func.func @transform_4(%arg0: i32) -> (i32, i32) {
    %c0_i32 = arith.constant 0 : i32
    %c0_i32_0 = arith.constant 0 : i32
    %c0_i32_1 = arith.constant 0 : i32
    return %c0_i32, %c0_i32_0 : i32, i32
  }
  func.func @transform_5(%arg0: i32) -> (i32, i32) {
    %c0_i32 = arith.constant 0 : i32
    %c0_i32_0 = arith.constant 0 : i32
    %c0_i32_1 = arith.constant 0 : i32
    return %c0_i32, %c0_i32_0 : i32, i32
  }
  func.func @transform_6(%arg0: i32) -> (i32, i32) {
    %c0_i32 = arith.constant 0 : i32
    %c0_i32_0 = arith.constant 0 : i32
    %c0_i32_1 = arith.constant 0 : i32
    return %c0_i32, %c0_i32_0 : i32, i32
  }
  func.func @transform_7(%arg0: i32) -> (i32, i32) {
    %c0_i32 = arith.constant 0 : i32
    %c0_i32_0 = arith.constant 0 : i32
    return %arg0, %c0_i32 : i32, i32
  }
  func.func @transform_8(%arg0: i32) -> (i32, i32) {
    %c0_i32 = arith.constant 0 : i32
    %c0_i32_0 = arith.constant 0 : i32
    %c0_i32_1 = arith.constant 0 : i32
    return %c0_i32, %c0_i32_0 : i32, i32
  }
}

module attributes {stable_mosaic.version = 14 : i64} {
  func.func @_tc_head_body(%arg0: i32, %arg1: memref<1000x256xf32, #tpu.memory_space<vmem>>, %arg2: memref<2x256xf32, #tpu.memory_space<vmem>>, %arg3: memref<1x256xf32, #tpu.memory_space<vmem>>, %arg4: memref<1x256xf32, #tpu.memory_space<vmem>>, %arg5: memref<1x1x1000xi32, #tpu.memory_space<vmem>>, %arg6: memref<256x256xf32, #tpu.memory_space<vmem>>, %arg7: memref<1x256xf32, #tpu.memory_space<vmem>>, %arg8: memref<256x64xf32, #tpu.memory_space<vmem>>, %arg9: memref<1x64xf32, #tpu.memory_space<vmem>>, %arg10: memref<128x64xf32, #tpu.memory_space<vmem>>, %arg11: memref<128x256xf32, #tpu.memory_space<vmem>>, %arg12: memref<128x8xf32, #tpu.memory_space<vmem>>) attributes {dimension_semantics = [#tpu.dimension_semantics<arbitrary>], iteration_bounds = array<i64: 10>, scalar_prefetch = 0 : i64, scratch_operands = 2 : i64, tpu.core_type = #tpu.core_type<tc>, window_params = [{transform_indices = @transform_0, window_bounds = array<i64: 1000, 256>}, {pipeline_mode = #tpu.pipeline_mode<synchronous>, transform_indices = @transform_1, window_bounds = array<i64: 2, 256>}, {pipeline_mode = #tpu.pipeline_mode<synchronous>, transform_indices = @transform_2, window_bounds = array<i64: 1, 256>}, {pipeline_mode = #tpu.pipeline_mode<synchronous>, transform_indices = @transform_3, window_bounds = array<i64: 1, 256>}, {transform_indices = @transform_4, window_bounds = array<i64: 1, 1, 1000>}, {pipeline_mode = #tpu.pipeline_mode<synchronous>, transform_indices = @transform_5, window_bounds = array<i64: 256, 256>}, {pipeline_mode = #tpu.pipeline_mode<synchronous>, transform_indices = @transform_6, window_bounds = array<i64: 1, 256>}, {pipeline_mode = #tpu.pipeline_mode<synchronous>, transform_indices = @transform_7, window_bounds = array<i64: 256, 64>}, {pipeline_mode = #tpu.pipeline_mode<synchronous>, transform_indices = @transform_8, window_bounds = array<i64: 1, 64>}, {pipeline_mode = #tpu.pipeline_mode<synchronous>, transform_indices = @transform_9, window_bounds = array<i64: 128, 64>}]} {
    %eq3A = arith.constant 0 : i32
    %eq3A_0 = arith.cmpi eq, %arg0, %eq3A : i32
    %convert_element_type3A = arith.extui %eq3A_0 : i1 to i32
    %cond3A = arith.constant 0 : i32
    %cond3A_1 = arith.cmpi ne, %convert_element_type3A, %cond3A : i32
    scf.if %cond3A_1 {
      %broadcast_in_dim3A_63 = arith.constant 0.000000e+00 : f32
      %broadcast_in_dim3A_64 = vector.broadcast %broadcast_in_dim3A_63 : f32 to vector<128x256xf32>
      %swap3A_65 = arith.constant 0 : index
      %swap3A_66 = arith.constant 0 : index
      %swap3A_67 = vector.load %arg11[%swap3A_65, %swap3A_66] : memref<128x256xf32, #tpu.memory_space<vmem>>, vector<128x256xf32>
      tpu.vector_store %arg11[%swap3A_65, %swap3A_66], %broadcast_in_dim3A_64 {strides = array<i32>} : memref<128x256xf32, #tpu.memory_space<vmem>>, vector<128x256xf32>,
      %broadcast_in_dim3A_68 = arith.constant 0.000000e+00 : f32
      %broadcast_in_dim3A_69 = vector.broadcast %broadcast_in_dim3A_68 : f32 to vector<128x8xf32>
      %swap3A_70 = arith.constant 0 : index
      %swap3A_71 = arith.constant 0 : index
      %swap3A_72 = vector.load %arg12[%swap3A_70, %swap3A_71] : memref<128x8xf32, #tpu.memory_space<vmem>>, vector<128x8xf32>
      tpu.vector_store %arg12[%swap3A_70, %swap3A_71], %broadcast_in_dim3A_69 {strides = array<i32>} : memref<128x8xf32, #tpu.memory_space<vmem>>, vector<128x8xf32>,
    } else {
    }
    %get3A = arith.constant 0 : index
    %get3A_2 = arith.constant 0 : index
    %get3A_3 = vector.load %arg2[%get3A, %get3A_2] : memref<2x256xf32, #tpu.memory_space<vmem>>, vector<1x256xf32>
    %mul3A = arith.constant 9.99999974E-5 : f32
    %mul3A_4 = vector.broadcast %mul3A : f32 to vector<1x256xf32>
    %mul3A_5 = arith.mulf %get3A_3, %mul3A_4 : vector<1x256xf32>
    %get3A_6 = arith.constant 1 : index
    %get3A_7 = arith.constant 0 : index
    %get3A_8 = vector.load %arg2[%get3A_6, %get3A_7] : memref<2x256xf32, #tpu.memory_space<vmem>>, vector<1x256xf32>
    %mul3A_9 = arith.constant 9.99999974E-5 : f32
    %mul3A_10 = vector.broadcast %mul3A_9 : f32 to vector<1x256xf32>
    %mul3A_11 = arith.mulf %get3A_8, %mul3A_10 : vector<1x256xf32>
    %mul3A_12 = arith.mulf %mul3A_5, %mul3A_5 : vector<1x256xf32>
    %sub3A = arith.subf %mul3A_11, %mul3A_12 : vector<1x256xf32>
    %add3A = arith.constant 9.99999974E-6 : f32
    %add3A_13 = vector.broadcast %add3A : f32 to vector<1x256xf32>
    %add3A_14 = arith.addf %sub3A, %add3A_13 : vector<1x256xf32>
    %rsqrt3A = math.rsqrt %add3A_14 : vector<1x256xf32>
    %get3A_15 = arith.constant 0 : index
    %get3A_16 = arith.constant 0 : index
    %get3A_17 = vector.load %arg3[%get3A_15, %get3A_16] : memref<1x256xf32, #tpu.memory_space<vmem>>, vector<1x256xf32>
    %mul3A_18 = arith.mulf %rsqrt3A, %get3A_17 : vector<1x256xf32>
    %get3A_19 = arith.constant 0 : index
    %get3A_20 = arith.constant 0 : index
    %get3A_21 = vector.load %arg1[%get3A_19, %get3A_20] : memref<1000x256xf32, #tpu.memory_space<vmem>>, vector<1000x256xf32>
    %sub3A_22 = vector.broadcast %mul3A_5 : vector<1x256xf32> to vector<1000x256xf32>
    %sub3A_23 = arith.subf %get3A_21, %sub3A_22 : vector<1000x256xf32>
    %mul3A_24 = vector.broadcast %mul3A_18 : vector<1x256xf32> to vector<1000x256xf32>
    %mul3A_25 = arith.mulf %sub3A_23, %mul3A_24 : vector<1000x256xf32>
    %get3A_26 = arith.constant 0 : index
    %get3A_27 = arith.constant 0 : index
    %get3A_28 = vector.load %arg4[%get3A_26, %get3A_27] : memref<1x256xf32, #tpu.memory_space<vmem>>, vector<1x256xf32>
    %add3A_29 = vector.broadcast %get3A_28 : vector<1x256xf32> to vector<1000x256xf32>
    %add3A_30 = arith.addf %mul3A_25, %add3A_29 : vector<1000x256xf32>
    %get3A_31 = arith.constant 0 : index
    %get3A_32 = arith.constant 0 : index
    %get3A_33 = arith.constant 0 : index
    %get3A_34 = vector.load %arg5[%get3A_31, %get3A_32, %get3A_33] : memref<1x1x1000xi32, #tpu.memory_space<vmem>>, vector<1x1x1000xi32>
    %get3A_35 = vector.shape_cast %get3A_34 : vector<1x1x1000xi32> to vector<1000xi32>
    %broadcast_in_dim3A = vector.shape_cast %get3A_35 : vector<1000xi32> to vector<1000x1xi32>
    %iota3A = tpu.iota {dimensions = array<i32: 1>} : vector<1000x128xi32>
    %eq3A_36 = vector.broadcast %broadcast_in_dim3A : vector<1000x1xi32> to vector<1000x128xi32>
    %eq3A_37 = arith.cmpi eq, %eq3A_36, %iota3A : vector<1000x128xi32>
    %convert_element_type3A_38 = arith.extui %eq3A_37 : vector<1000x128xi1> to vector<1000x128xi32>
    %convert_element_type3A_39 = arith.sitofp %convert_element_type3A_38 : vector<1000x128xi32> to vector<1000x128xf32>
    %get3A_40 = arith.constant 0 : index
    %get3A_41 = arith.constant 0 : index
    %get3A_42 = vector.load %arg11[%get3A_40, %get3A_41] : memref<128x256xf32, #tpu.memory_space<vmem>>, vector<128x256xf32>
    %dot_general3A = arith.constant dense<0.000000e+00> : vector<128x256xf32>
    %dot_general3A_43 = tpu.matmul %convert_element_type3A_39, %add3A_30, %dot_general3A {dimension_numbers = #tpu.dot_dimension_numbers<[0], [0], [1], [1], [0, 1, 1, 1], [], []>, transpose_lhs_hint = false} : vector<1000x128xf32>, vector<1000x256xf32>, vector<128x256xf32> -> vector<128x256xf32>
    %add3A_44 = arith.addf %get3A_42, %dot_general3A_43 : vector<128x256xf32>
    %swap3A = arith.constant 0 : index
    %swap3A_45 = arith.constant 0 : index
    %swap3A_46 = vector.load %arg11[%swap3A, %swap3A_45] : memref<128x256xf32, #tpu.memory_space<vmem>>, vector<128x256xf32>
    tpu.vector_store %arg11[%swap3A, %swap3A_45], %add3A_44 {strides = array<i32>} : memref<128x256xf32, #tpu.memory_space<vmem>>, vector<128x256xf32>,
    %get3A_47 = arith.constant 0 : index
    %get3A_48 = arith.constant 0 : index
    %get3A_49 = vector.load %arg12[%get3A_47, %get3A_48] : memref<128x8xf32, #tpu.memory_space<vmem>>, vector<128x8xf32>
    %broadcast_in_dim3A_50 = arith.constant 1.000000e+00 : f32
    %broadcast_in_dim3A_51 = vector.broadcast %broadcast_in_dim3A_50 : f32 to vector<1000x8xf32>
    %dot_general3A_52 = arith.constant dense<0.000000e+00> : vector<128x8xf32>
    %dot_general3A_53 = tpu.matmul %convert_element_type3A_39, %broadcast_in_dim3A_51, %dot_general3A_52 {dimension_numbers = #tpu.dot_dimension_numbers<[0], [0], [1], [1], [0, 1, 1, 1], [], []>, transpose_lhs_hint = false} : vector<1000x128xf32>, vector<1000x8xf32>, vector<128x8xf32> -> vector<128x8xf32>
    %add3A_54 = arith.addf %get3A_49, %dot_general3A_53 : vector<128x8xf32>
    %swap3A_55 = arith.constant 0 : index
    %swap3A_56 = arith.constant 0 : index
    %swap3A_57 = vector.load %arg12[%swap3A_55, %swap3A_56] : memref<128x8xf32, #tpu.memory_space<vmem>>, vector<128x8xf32>
    tpu.vector_store %arg12[%swap3A_55, %swap3A_56], %add3A_54 {strides = array<i32>} : memref<128x8xf32, #tpu.memory_space<vmem>>, vector<128x8xf32>,
    %eq3A_58 = arith.constant 9 : i32
    %eq3A_59 = arith.cmpi eq, %arg0, %eq3A_58 : i32
    %convert_element_type3A_60 = arith.extui %eq3A_59 : i1 to i32
    %cond3A_61 = arith.constant 0 : i32
    %cond3A_62 = arith.cmpi ne, %convert_element_type3A_60, %cond3A_61 : i32
    scf.if %cond3A_62 {
      %get3A_63 = arith.constant 0 : index
      %get3A_64 = arith.constant 0 : index
      %get3A_65 = vector.load %arg12[%get3A_63, %get3A_64] : memref<128x8xf32, #tpu.memory_space<vmem>>, vector<128x1xf32>
      %max3A = arith.constant 1.000000e+00 : f32
      %max3A_66 = vector.broadcast %max3A : f32 to vector<128x1xf32>
      %max3A_67 = arith.maximumf %get3A_65, %max3A_66 : vector<128x1xf32>
      %get3A_68 = arith.constant 0 : index
      %get3A_69 = arith.constant 0 : index
      %get3A_70 = vector.load %arg11[%get3A_68, %get3A_69] : memref<128x256xf32, #tpu.memory_space<vmem>>, vector<128x256xf32>
      %div3A = vector.broadcast %max3A_67 : vector<128x1xf32> to vector<128x256xf32>
      %div3A_71 = arith.divf %get3A_70, %div3A : vector<128x256xf32>
      %get3A_72 = arith.constant 0 : index
      %get3A_73 = arith.constant 0 : index
      %get3A_74 = vector.load %arg6[%get3A_72, %get3A_73] : memref<256x256xf32, #tpu.memory_space<vmem>>, vector<256x256xf32>
      %dot_general3A_75 = arith.constant dense<0.000000e+00> : vector<128x256xf32>
      %dot_general3A_76 = tpu.matmul %div3A_71, %get3A_74, %dot_general3A_75 {dimension_numbers = #tpu.dot_dimension_numbers<[1], [0], [0], [1], [0, 0, 1, 1], [], []>, transpose_lhs_hint = false} : vector<128x256xf32>, vector<256x256xf32>, vector<128x256xf32> -> vector<128x256xf32>
      %get3A_77 = arith.constant 0 : index
      %get3A_78 = arith.constant 0 : index
      %get3A_79 = vector.load %arg7[%get3A_77, %get3A_78] : memref<1x256xf32, #tpu.memory_space<vmem>>, vector<1x256xf32>
      %add3A_80 = vector.broadcast %get3A_79 : vector<1x256xf32> to vector<128x256xf32>
      %add3A_81 = arith.addf %dot_general3A_76, %add3A_80 : vector<128x256xf32>
      %max3A_82 = arith.constant 0.000000e+00 : f32
      %max3A_83 = vector.broadcast %max3A_82 : f32 to vector<128x256xf32>
      %max3A_84 = arith.maximumf %add3A_81, %max3A_83 : vector<128x256xf32>
      %get3A_85 = arith.constant 0 : index
      %get3A_86 = arith.constant 0 : index
      %get3A_87 = vector.load %arg8[%get3A_85, %get3A_86] : memref<256x64xf32, #tpu.memory_space<vmem>>, vector<256x64xf32>
      %dot_general3A_88 = arith.constant dense<0.000000e+00> : vector<128x64xf32>
      %dot_general3A_89 = tpu.matmul %max3A_84, %get3A_87, %dot_general3A_88 {dimension_numbers = #tpu.dot_dimension_numbers<[1], [0], [0], [1], [0, 0, 1, 1], [], []>, transpose_lhs_hint = false} : vector<128x256xf32>, vector<256x64xf32>, vector<128x64xf32> -> vector<128x64xf32>
      %get3A_90 = arith.constant 0 : index
      %get3A_91 = arith.constant 0 : index
      %get3A_92 = vector.load %arg9[%get3A_90, %get3A_91] : memref<1x64xf32, #tpu.memory_space<vmem>>, vector<1x64xf32>
      %add3A_93 = vector.broadcast %get3A_92 : vector<1x64xf32> to vector<128x64xf32>
      %add3A_94 = arith.addf %dot_general3A_89, %add3A_93 : vector<128x64xf32>
      %reduce_max3A = arith.constant dense<0xFF800000> : vector<128xf32>
      %reduce_max3A_95 = vector.multi_reduction <maximumf>, %add3A_94, %reduce_max3A [1] : vector<128x64xf32> to vector<128xf32>
      %broadcast_in_dim3A_96 = vector.shape_cast %reduce_max3A_95 : vector<128xf32> to vector<128x1xf32>
      %sub3A_97 = vector.broadcast %broadcast_in_dim3A_96 : vector<128x1xf32> to vector<128x64xf32>
      %sub3A_98 = arith.subf %add3A_94, %sub3A_97 : vector<128x64xf32>
      %exp3A = math.exp %sub3A_98 : vector<128x64xf32>
      %reduce_sum3A = arith.constant dense<0.000000e+00> : vector<128xf32>
      %reduce_sum3A_99 = vector.multi_reduction <add>, %exp3A, %reduce_sum3A [1] : vector<128x64xf32> to vector<128xf32>
      %broadcast_in_dim3A_100 = vector.shape_cast %reduce_sum3A_99 : vector<128xf32> to vector<128x1xf32>
      %log3A = math.log %broadcast_in_dim3A_100 : vector<128x1xf32>
      %add3A_101 = arith.addf %log3A, %broadcast_in_dim3A_96 : vector<128x1xf32>
      %sub3A_102 = vector.broadcast %add3A_101 : vector<128x1xf32> to vector<128x64xf32>
      %sub3A_103 = arith.subf %add3A_94, %sub3A_102 : vector<128x64xf32>
      %swap3A_104 = arith.constant 0 : index
      %swap3A_105 = arith.constant 0 : index
      %swap3A_106 = vector.load %arg10[%swap3A_104, %swap3A_105] : memref<128x64xf32, #tpu.memory_space<vmem>>, vector<128x64xf32>
      tpu.vector_store %arg10[%swap3A_104, %swap3A_105], %sub3A_103 {strides = array<i32>} : memref<128x64xf32, #tpu.memory_space<vmem>>, vector<128x64xf32>,
    } else {
    }
    return
  }
  func.func @transform_0(%arg0: i32) -> (i32, i32) {
    %c0_i32 = arith.constant 0 : i32
    %c0_i32_0 = arith.constant 0 : i32
    return %arg0, %c0_i32 : i32, i32
  }
  func.func @transform_1(%arg0: i32) -> (i32, i32) {
    %c0_i32 = arith.constant 0 : i32
    %c0_i32_0 = arith.constant 0 : i32
    %c0_i32_1 = arith.constant 0 : i32
    return %c0_i32, %c0_i32_0 : i32, i32
  }
  func.func @transform_2(%arg0: i32) -> (i32, i32) {
    %c0_i32 = arith.constant 0 : i32
    %c0_i32_0 = arith.constant 0 : i32
    %c0_i32_1 = arith.constant 0 : i32
    return %c0_i32, %c0_i32_0 : i32, i32
  }
  func.func @transform_3(%arg0: i32) -> (i32, i32) {
    %c0_i32 = arith.constant 0 : i32
    %c0_i32_0 = arith.constant 0 : i32
    %c0_i32_1 = arith.constant 0 : i32
    return %c0_i32, %c0_i32_0 : i32, i32
  }
  func.func @transform_4(%arg0: i32) -> (i32, i32, i32) {
    %c0_i32 = arith.constant 0 : i32
    %c0_i32_0 = arith.constant 0 : i32
    %c0_i32_1 = arith.constant 0 : i32
    return %arg0, %c0_i32, %c0_i32_0 : i32, i32, i32
  }
  func.func @transform_5(%arg0: i32) -> (i32, i32) {
    %c0_i32 = arith.constant 0 : i32
    %c0_i32_0 = arith.constant 0 : i32
    %c0_i32_1 = arith.constant 0 : i32
    return %c0_i32, %c0_i32_0 : i32, i32
  }
  func.func @transform_6(%arg0: i32) -> (i32, i32) {
    %c0_i32 = arith.constant 0 : i32
    %c0_i32_0 = arith.constant 0 : i32
    %c0_i32_1 = arith.constant 0 : i32
    return %c0_i32, %c0_i32_0 : i32, i32
  }
  func.func @transform_7(%arg0: i32) -> (i32, i32) {
    %c0_i32 = arith.constant 0 : i32
    %c0_i32_0 = arith.constant 0 : i32
    %c0_i32_1 = arith.constant 0 : i32
    return %c0_i32, %c0_i32_0 : i32, i32
  }
  func.func @transform_8(%arg0: i32) -> (i32, i32) {
    %c0_i32 = arith.constant 0 : i32
    %c0_i32_0 = arith.constant 0 : i32
    %c0_i32_1 = arith.constant 0 : i32
    return %c0_i32, %c0_i32_0 : i32, i32
  }
  func.func @transform_9(%arg0: i32) -> (i32, i32) {
    %c0_i32 = arith.constant 0 : i32
    %c0_i32_0 = arith.constant 0 : i32
    %c0_i32_1 = arith.constant 0 : i32
    return %c0_i32, %c0_i32_0 : i32, i32
  }
}

</mosaic_0001>

<sc_bundles>
// kernel: kernel.11.cloned.1.call-start
scs
__scs_entry_jumppad:
0x0: {  	(pc) =	sbr.rel $0x88, $3  }
0x1: {  	(tag) =	ssettag $0x0;
	lr =	simm.s32 $0x1  }
0x2: {  	[smem:$0x3F93] =	sst lr;
	_ =	strace $0xD0000000  }
0x3: {  	_ = 	snop  }
0x4: {  	_ = 	snop  }
0x5: {  	_ = 	snop  }
0x6: {  	_ = 	snop  }
0x7: {  	_ = 	snop  }
__scs_overlays_trampoline_lowered:
0x8: {  	[smem:$0x3FA2] =	sst s0  }
0x9: {  	[smem:$0x3FA3] =	sst s1  }
0xa: {  	[smem:$0x3FA4] =	sst s2  }
0xb: {  	[smem:$0x3FA5] =	sst s3  }
0xc: {  	[smem:$0x3FA6] =	sst s4  }
0xd: {  	[smem:$0x3FA7] =	sst s5  }
0xe: {  	[smem:$0x3FA8] =	sst s6  }
0xf: {  	[smem:$0x3FA9] =	sst s7  }
0x10: {  	[smem:$0x3FAA] =	sst s8  }
0x11: {  	[smem:$0x3FAB] =	sst s9;
	s0 =	simm.s32 @!p0 $0x0  }
0x12: {  	s1 =	sld [smem:$0x3F91];
	s0 =	simm.s32 @p0 $0x1  }
0x13: {  	[smem:$0x3FAC] =	sst s0;
	s0 =	simm.s32 @!p1 $0x0  }
0x14: {  	s2 =	sld [smem:$0x3F90];
	s0 =	simm.s32 @p1 $0x1  }
0x15: {  	[smem:$0x3FAD] =	sst s0;
	s0 =	simm.s32 @!p2 $0x0  }
0x16: {  	s3 =	sld [smem:$0x3FDB];
	s0 =	simm.s32 @p2 $0x1  }
0x17: {  	s4 =	simm.s32 $0x1BF5;
	[smem:$0x3FAF] =	sst s0  }
0x18: {  	s0 =	sld [smem:$0x3F92];
	_ =	swait.ge [sflag:s4], $0x0  }
0x19: {  	s7 =	sld [smem:$0x3F93]  }
0x1a: {  	s8 =	sadd.s32 $0xFFFFE003, lr  }
0x1b: {  	s9 =	sadd.s32 $0xFFFFFEF7, lr;
	s5 =	simm.s32 $0xFFFFFFFF;
	p2 =	slt.u32 s8, $0xFFFFF086  }
0x1c: {  	p1 =	slt.u32 s9, $0xF7A;
	s5 =	simm.s32 @!p2 $0x0  }
0x1d: {  	s5 =	simm.s32 @p1 $0x1;
	p0 =	seq.s32 s7, s2  }
0x1e: {  	s7 =	smul.u32 @!p0 $0xF7A, s2;
	p2 =	seq.s32 @!p0 s5, $0x0  }
0x1f: {  	s9 =	smul.u32 $0xF7A, s1;
	s8 =	simm.s32 @!p0 $0x1BF5;
	p2 =	por !p2, p0  }
0x20: {  	[sflag:s8] =	ssyncset.s32 @!p0 $0xFFFFF086;
	s6 =	sadd.s32 @!p0 s3, s7;
	s7 =	simm.s32 @!p0 $0x108  }
0x21: {  	s3 =	sadd.s32 s3, s9;
	s6 =	sadd.s32 @!p0 $0x88, s6;
	s7 =	simm.s32 @p2 $0x1082  }
0x22: {  	[simem:s7], [sflag:s8] =	dma.local @!p0 [hbm:s6], $0xF7A  }
0x23: {  	s9 =	sor.u32 $0xD0000000, s2;
	s6 =	simm.s32 $0x108;
	_ =	swait.ge @!p0 [sflag:s8], $0x0  }
0x24: {  	s3 =	sadd.s32 $0x88, s3;
	s6 =	simm.s32 @!p1 $0x1082;
	[sflag:s4] =	ssyncset.s32 $0xFFFFF086  }
0x25: {  	[simem:s6], [sflag:s4] =	dma.local [hbm:s3], $0xF7A  }
0x26: {  	[smem:$0x3F93] =	sst s1;
	(tag) =	ssettag s2;
	_ =	strace s9  }
0x27: {  	s1 =	sld [smem:$0x3FA3]  }
0x28: {  	s2 =	sld [smem:$0x3FA4]  }
0x29: {  	s4 =	sld [smem:$0x3FA6]  }
0x2a: {  	p0 =	seq.s32 s5, $0x0;
	s5 =	sld [smem:$0x3FA7]  }
0x2b: {  	s6 =	sld [smem:$0x3FA8]  }
0x2c: {  	s7 =	sld [smem:$0x3FA9]  }
0x2d: {  	s3 =	simm.s32 $0x108;
	s8 =	sld [smem:$0x3FAA]  }
0x2e: {  	s3 =	simm.s32 @!p0 $0x1082;
	s9 =	sld [smem:$0x3FAB]  }
0x2f: {  	lr =	sadd.s32 s0, s3;
	s0 =	sld [smem:$0x3FA2]  }
0x30: {  	s3 =	sld [smem:$0x3FA5]  }
0x31: {  	[smem:$0x3FAE] =	sst s10  }
0x32: {  	s10 =	sld [smem:$0x3FAC];
	_ =	sdelay $0x3  }
0x33: {  	p0 =	seq.s32 s10, $0x1;
	s10 =	sld [smem:$0x3FAE];
	_ =	sdelay $0x3  }
0x34: {  	[smem:$0x3FAE] =	sst s10  }
0x35: {  	s10 =	sld [smem:$0x3FAD];
	_ =	sdelay $0x3  }
0x36: {  	p1 =	seq.s32 s10, $0x1;
	s10 =	sld [smem:$0x3FAE];
	_ =	sdelay $0x3  }
0x37: {  	[smem:$0x3FAE] =	sst s10  }
0x38: {  	s10 =	sld [smem:$0x3FAF]  }
0x39: {  	_ = 	snop;
	(pc) =	sbr.ind lr, $3  }
0x3a: {  	_ = 	snop  }
0x3b: {  	_ = 	snop  }
0x3c: {  	p2 =	seq.s32 s10, $0x1;
	s10 =	sld [smem:$0x3FAE]  }
0x3d: {  	_ =	shalt  }
0x3e: {  	_ =	shalt  }
0x3f: {  	_ =	shalt  }
0x40: {  	_ =	shalt  }
0x41: {  	_ =	shalt  }
0x42: {  	_ =	shalt  }
0x43: {  	_ =	shalt  }
0x44: {  	_ =	shalt  }
0x45: {  	_ =	shalt  }
0x46: {  	_ =	shalt  }
0x47: {  	_ =	shalt  }
0x48: {  	_ =	shalt  }
0x49: {  	_ =	shalt  }
0x4a: {  	_ =	shalt  }
0x4b: {  	_ =	shalt  }
0x4c: {  	_ =	shalt  }
0x4d: {  	_ =	shalt  }
0x4e: {  	_ =	shalt  }
0x4f: {  	_ =	shalt  }
0x50: {  	_ =	shalt  }
0x51: {  	_ =	shalt  }
0x52: {  	_ =	shalt  }
0x53: {  	_ =	shalt  }
0x54: {  	_ =	shalt  }
0x55: {  	_ =	shalt  }
0x56: {  	_ =	shalt  }
0x57: {  	_ =	shalt  }
0x58: {  	_ =	shalt  }
0x59: {  	_ =	shalt  }
0x5a: {  	_ =	shalt  }
0x5b: {  	_ =	shalt  }
0x5c: {  	_ =	shalt  }
0x5d: {  	_ =	shalt  }
0x5e: {  	_ =	shalt  }
0x5f: {  	_ =	shalt  }
0x60: {  	_ =	shalt  }
0x61: {  	_ =	shalt  }
0x62: {  	_ =	shalt  }
0x63: {  	_ =	shalt  }
0x64: {  	_ =	shalt  }
0x65: {  	_ =	shalt  }
0x66: {  	_ =	shalt  }
0x67: {  	_ =	shalt  }
0x68: {  	_ =	shalt  }
0x69: {  	_ =	shalt  }
0x6a: {  	_ =	shalt  }
0x6b: {  	_ =	shalt  }
0x6c: {  	_ =	shalt  }
0x6d: {  	_ =	shalt  }
0x6e: {  	_ =	shalt  }
0x6f: {  	_ =	shalt  }
0x70: {  	_ =	shalt  }
0x71: {  	_ =	shalt  }
0x72: {  	_ =	shalt  }
0x73: {  	_ =	shalt  }
0x74: {  	_ =	shalt  }
0x75: {  	_ =	shalt  }
0x76: {  	_ =	shalt  }
0x77: {  	_ =	shalt  }
0x78: {  	_ =	shalt  }
0x79: {  	_ =	shalt  }
0x7a: {  	_ =	shalt  }
0x7b: {  	_ =	shalt  }
0x7c: {  	_ =	shalt  }
0x7d: {  	_ =	shalt  }
0x7e: {  	_ =	shalt  }
0x7f: {  	_ =	shalt  }
0x80: {  	_ =	shalt  }
0x81: {  	_ =	shalt  }
0x82: {  	_ =	shalt  }
0x83: {  	_ =	shalt  }
0x84: {  	_ =	shalt  }
0x85: {  	_ =	shalt  }
0x86: {  	_ =	shalt  }
0x87: {  	_ =	shalt  }
.Lfunc_end0:
.L_simem_size_0:
called_computation_lowered:
.L_overlay_start_0:
0x88: {  	s2 =	sld [smem:$0x3FD9]  }
0x89: {  	s3 =	sld [smem:$0x3FFE];
	_ =	sdelay $0x1  }
0x8a: {  	s1 =	srdreg.scid  }
0x8b: {  	s0 =	sand.u32 $0x1, s1  }
0x8c: {  	s16 =	sshll.u32 s0, $0xA;
	s2 =	sadd.s32 s3, s2  }
0x8d: {  	s2 =	sadd.s32 s2, s16  }
0x8e: {  	[smem:$0x3FBA] =	sst s2  }
0x8f: {  	_ = 	snop  }
0x90: {  	(tm) =	ssettm $0x1  }
0x91: {  	s17 =	sld [smem:$0x3FFB];
	_ =	sdelay $0x3  }
0x92: {  	_ =	strace s17  }
0x93: {  	s2 =	sld [smem:$0x3FFC];
	_ =	sdelay $0x3  }
0x94: {  	_ =	strace s2  }
0x95: {  	s2 =	sld [smem:$0x3FFD];
	_ =	sdelay $0x3  }
0x96: {  	_ =	strace s2  }
0x97: {  	_ =	strace $0x8FFFFFFF  }
0x98: {  	s18 =	sld [smem:$0x3FDB];
	_ =	sdelay $0x1  }
0x99: {  	s19 =	simm.s32 $_scs_section_size  }
0x9a: {  	s4 =	simm.s32 $_size__tile_overlayer_lowered;
	s5 =	simm.s32 $_tile_overlayer_lowered  }
0x9b: {  	s22 =	simm.s32 $0x1BFF;
	s21 =	sshll.u32 s5, $0x1;
	s2 =	sadd.s32 s19, s18  }
0x9c: {  	s6 =	simm.s32 $0x0;
	s20 =	sshll.u32 s4, $0x1;
	s4 =	sadd.s32 s21, s2  }
0x9d: {  	[timem:s6], [sflag:s22] =	dma.local [hbm:s4], s20  }
0x9e: {  	_ =	swait.ge [sflag:s22], s20  }
0x9f: {  	s3 =	ssub.s32 $0x0, s20;
	[sflag:s22] =	ssyncset.done $0x0  }
0xa0: {  	[sflag:s22] =	ssyncadd.s32 s3;
	_ =	sdelay $0x1  }
0xa1: {  	s23 =	simm.s32 $0x1B8B  }
0xa2: {  	_ =	swait.ge [sflag:s23], $0x1  }
0xa3: {  	[sflag:s23] =	ssyncset.done $0x0  }
0xa4: {  	s25 =	simm.s32 $0x1B8E;
	s24 =	sld [smem:$0x3FFE];
	[sflag:s23] =	ssyncadd.s32 $0xFFFFFFFF  }
0xa5: {  	s26 =	simm.s32 $execute0_lowered;
	[smem:$0x3FD2] =	sst s25  }
0xa6: {  	s4 =	sshll.u32 s26, $0x1;
	_ =	strace $0x80000046;
	[dreg:$0x1] =	wrdreg $0xFFFFFFFF  }
0xa7: {  	s28 =	simm.s32 $_size_execute0_lowered;
	s2 =	sadd.s32 s2, s4;
	[dreg:$0x0] =	wrdreg $0x0  }
0xa8: {  	s4 =	sshll.u32 s28, $0x1;
	[dreg:$0x2] =	wrdreg s2  }
0xa9: {  	[dreg:$0x3] =	wrdreg s4  }
0xaa: {  	[dreg:$0x4] =	wrdreg $0xC0  }
0xab: {  	_ =	task [dreg:s6], $0x5FFFF  }
0xac: {  	[dreg:$0x1] =	wrdreg $0xFFFFFFFF  }
0xad: {  	[dreg:$0x0] =	wrdreg $0x60  }
0xae: {  	[dreg:$0x2] =	wrdreg s24  }
0xaf: {  	[dreg:$0x3] =	wrdreg $0xA8000  }
0xb0: {  	[dreg:$0x4] =	wrdreg $0x9  }
0xb1: {  	_ =	task.clear_ibuf [dreg:s6], $0x5FFFF;
	_ =	strace $0x90000046  }
0xb2: {  	s29 =	simm.s32 $0x9;
	_ =	strace $0x80000048  }
0xb3: {  	_ =	swait.ge [sflag:s29], $0x1  }
0xb4: {  	[sflag:s29] =	ssyncadd.s32 $0xFFFFFFFF  }
0xb5: {  	_ =	strace $0x90000048  }
0xb6: {  	_ =	sfence  }
0xb7: {  	s30 =	sld [smem:$0x0];
	_ =	sdelay $0x2  }
0xb8: {  	s31 =	sshll.u32 s1, $0xD;
	s1 =	sshrl.u32 s1, $0x2  }
0xb9: {  	s3 =	sand.u32 $0x4000, s31;
	s1 =	sadd.s32 s1, s30  }
0xba: {  	s0 =	sor.u32 s3, s0;
	s1 =	sshll.u32 s1, $0x11  }
0xbb: {  	s0 =	sor.u32 s1, s0  }
0xbc: {  	s0 =	sadd.s32 $0x8F2B, s0  }
0xbd: {  	[sflag:s0] =	ssyncadd.remote.s32 $0x1  }
0xbe: {  	_ =	sfence.sel $0xFFFF  }
0xbf: {  	[dreg:$0x0] =	wrdreg $0xFFFFFFFF;
	(pc) =	sbr.abs _section_cstart, $3  }
0xc0: {  	[dreg:$0x1] =	wrdreg $0xFFFFFFFF  }
0xc1: {  	_ =	task.clear_ibuf [dreg:s6], $0x2FFFF;
	_ =	strace $0x9FFFFFFF  }
0xc2: {  	(tm) =	ssettm $0x7FFFFFFF  }
0xc3: {  	_ =	shalt  }
tec
execute0_lowered:
.L_overlay_start_1:
0x0: {  	(tag) =	ssettag $0x1  }
0x1: {  	s0 =	rddreg [dreg:$0x0]  }
0x2: {  	s1 =	rddreg [dreg:$0x1];
	s2 =	simm.s32 $0x0  }
0x3: {  	s3 =	srdreg.scid;
	s7 =	stileid.u32;
	s16 =	simm.s32 $0x2800  }
0x4: {  	s17 =	simm.s32 $0x3;
	s28 =	simm.s32 $0x80;
	s5 =	smul.u32 $0x50000, s7  }
0x5: {  	s29 =	simm.s32 $0x2;
	s30 =	simm.s32 $0x1380;
	s19 =	smul.u32 $0x2800, s7  }
0x6: {  	s31 =	simm.s32 $0x13C0;
	[smem:$0x7FF] =	sst s2;
	s14 =	smul.u32 $0x4E000, s7  }
0x7: {  	s3 =	sand.u32 $0x1, s3;
	s6 =	sadd.s32 $0x52000, s0;
	s26 =	smul.u32 $0x2700, s7  }
0x8: {  	s13 =	sadd.s32 $0x57000, s0;
	s4 =	smul.u32 $0x27100, s3;
	s3 =	ssub.s32 $0x2, s3  }
0x9: {  	p0 =	sne.s32 s7, $0xF;
	_ =	strace $0x80000047;
	s18 =	sshrl.u32 s3, $0x1  }
0xa: {  	s5 =	sshrl.u32 s5, $0x2;
	s24 =	sshrl.u32 s14, $0x2;
	s0 =	sadd.s32 s4, s0  }
0xb: {  	s3 =	ssub.s32 s3, s18;
	s4 =	sadd.s32 s5, s1;
	s5 =	sshrl.u32 s19, $0x3  }
0xc: {  	s25 =	sadd.s32 s24, s1;
	s18 =	simm.s32 $0x1400;
	s19 =	simm.s32 $0x40  }
0xd: {  	s8 =	sadd.s32 $0x4000, s4;
	s20 =	sadd.s32 $0x8000, s4;
	s21 =	sadd.s32 $0xC000, s4  }
0xe: {  	s22 =	sadd.s32 $0x10000, s4;
	s23 =	sadd.s32 s6, s5;
	[dreg:$0x3] =	wrdreg s8  }
0xf: {  	s10 =	sadd.s32 s13, s5;
	s5 =	sadd.s32 $0x280, s5;
	[dreg:$0x4] =	wrdreg s20  }
0x10: {  	s11 =	sadd.s32 $0x3E00, s0;
	s14 =	sadd.s32 $0x5C000, s0;
	[dreg:$0x5] =	wrdreg s21  }
0x11: {  	s15 =	smax.u32 s3, $0x1;
	s24 =	sshrl.u32 s25, $0x3;
	[dreg:$0x6] =	wrdreg s22  }
0x12: {  	s0 =	simm.s32 $0x2700;
	s3 =	simm.s32 $0x2780;
	[dreg:$0x7] =	wrdreg s23  }
0x13: {  	s12 =	sadd.s32 s6, s5;
	s13 =	sadd.s32 s13, s5;
	s6 =	sadd.s32 $0x138000, s1  }
0x14: {  	s20 =	simm.s32 $0x4800;
	s21 =	simm.s32 $0x6800;
	s22 =	simm.s32 $0x8800  }
0x15: {  	v0 =	vimm.f32 $0.0e+00;
	s23 =	sadd.s32 s26, s14;
	s26 =	simm.s32 $0x1;
	s25 =	sshrl.u32 @!p0 s6, $0x3  }
.LBB2_1:
0x16: {  	s5 =	simm.s32 $0x0;
	s6 =	simm.s32 $0x200  }
.LBB2_2:
0x17: {  	p1 =	sne.s32 s6, $0xFE00;
	[tilespmem:s5+$0x2870] =	vst v0  }
0x18: {  	[tilespmem:s5+$0x2800] =	vst v0  }
0x19: {  	[tilespmem:s5+$0x2810] =	vst v0  }
.Ltmp0:
0x1a: {  	[tilespmem:s5+$0x2820] =	vst v0;
	(pc) =	sbr.rel @p1 .LBB2_2-.Ltmp0, $4  }
0x1b: {  	[tilespmem:s5+$0x2830] =	vst v0  }
0x1c: {  	[tilespmem:s5+$0x2840] =	vst v0  }
0x1d: {  	[tilespmem:s5+$0x2850] =	vst v0  }
0x1e: {  	[tilespmem:s5+$0x2860] =	vst v0;
	s5 =	sshra.s32 s6, $0x2;
	s6 =	sadd.s32 $0x200, s6  }
0x1f: {  	[tilespmem:s5+$0x2870] =	vst v0  }
0x20: {  	[tilespmem:s5+$0x2800] =	vst v0  }
0x21: {  	[tilespmem:s5+$0x2810] =	vst v0  }
0x22: {  	[tilespmem:s5+$0x2820] =	vst v0  }
0x23: {  	[tilespmem:s5+$0x2830] =	vst v0  }
0x24: {  	[tilespmem:s5+$0x2840] =	vst v0  }
0x25: {  	[tilespmem:s5+$0x2850] =	vst v0  }
0x26: {  	[tilespmem:s5+$0x2860] =	vst v0  }
0x27: {  	[spmem:s4] =	stream.linear.scatter [tilespmem:s16], [sflag:$0x3], $0x4000, $0x38;
	[tilespmem:$0x1E800] =	vst v63  }
0x28: {  	_ =	swait.ge [sflag:s17], $0x4000  }
0x29: {  	[sflag:s17] =	ssyncset.done $0x0  }
0x2a: {  	s7 =	rddreg [dreg:$0x3];
	[sflag:s17] =	ssyncadd.s32 $0xFFFFC000  }
0x2b: {  	[spmem:s7] =	stream.linear.scatter [tilespmem:s16], [sflag:$0x3], $0x4000, $0x38;
	[tilespmem:$0x1E800] =	vst v63  }
0x2c: {  	_ =	swait.ge [sflag:s17], $0x4000  }
0x2d: {  	[sflag:s17] =	ssyncset.done $0x0  }
0x2e: {  	s8 =	rddreg [dreg:$0x4];
	[sflag:s17] =	ssyncadd.s32 $0xFFFFC000  }
0x2f: {  	[spmem:s8] =	stream.linear.scatter [tilespmem:s16], [sflag:$0x3], $0x4000, $0x38;
	[tilespmem:$0x1E800] =	vst v63  }
0x30: {  	_ =	swait.ge [sflag:s17], $0x4000  }
0x31: {  	[sflag:s17] =	ssyncset.done $0x0  }
0x32: {  	s9 =	rddreg [dreg:$0x5];
	[sflag:s17] =	ssyncadd.s32 $0xFFFFC000  }
0x33: {  	[spmem:s9] =	stream.linear.scatter [tilespmem:s16], [sflag:$0x3], $0x4000, $0x38;
	[tilespmem:$0x1E800] =	vst v63  }
0x34: {  	_ =	swait.ge [sflag:s17], $0x4000  }
0x35: {  	[sflag:s17] =	ssyncset.done $0x0  }
0x36: {  	s6 =	rddreg [dreg:$0x6];
	[sflag:s17] =	ssyncadd.s32 $0xFFFFC000  }
0x37: {  	[spmem:s6] =	stream.linear.scatter [tilespmem:s16], [sflag:$0x3], $0x4000, $0x38;
	[tilespmem:$0x1E800] =	vst v63  }
0x38: {  	_ =	swait.ge [sflag:s17], $0x4000  }
0x39: {  	[sflag:s17] =	ssyncset.done $0x0  }
0x3a: {  	[sflag:s17] =	ssyncadd.s32 $0xFFFFC000  }
0x3b: {  	[bflag:$0x0] =	sbarrier.arrive $0xFFFF  }
0x3c: {  	s7 =	simm.s32 $0x0;
	s6 =	rddreg [dreg:$0x7]  }
0x3d: {  	[tilespmem:s7], [sflag:$0x3] =	stream.linear.gather [hbm4b:s6+s7], $0x1400, $0x38;
	[tilespmem:$0x1E800] =	vst v63  }
0x3e: {  	_ =	swait.ge [sflag:s17], $0x1400  }
0x3f: {  	[sflag:s17] =	ssyncset.done $0x0  }
0x40: {  	[sflag:s17] =	ssyncadd.s32 $0xFFFFEC00  }
0x41: {  	[tilespmem:s18], [sflag:$0x3] =	stream.linear.gather [hbm4b:s10+s7], $0x1400, $0x38;
	[tilespmem:$0x1E800] =	vst v63  }
0x42: {  	_ =	swait.ge [sflag:s17], $0x1400  }
0x43: {  	[sflag:s17] =	ssyncset.done $0x0  }
0x44: {  	[sflag:s17] =	ssyncadd.s32 $0xFFFFEC00  }
0x45: {  	[tilespmem:s16], [sflag:$0x1] =	stream.indirect.gather [hbm4b:s11+s19], $0x80, s7, s19, $0xb8;
	[tilespmem:$0x1E800] =	vst v63  }
0x46: {  	_ = 	snop  }
0x47: {  	[tilespmem:s20], [sflag:$0x1] =	stream.indirect.gather [hbm4b:s11+s19], $0x80, s19, s19, $0xb8;
	[tilespmem:$0x1E800] =	vst v63  }
0x48: {  	s8 =	simm.s32 $0x80  }
0x49: {  	[tilespmem:s21], [sflag:$0x2] =	stream.indirect.gather [hbm4b:s11+s19], $0x80, s8, s19, $0xb8;
	[tilespmem:$0x1E800] =	vst v63  }
0x4a: {  	s9 =	simm.s32 $0xC0  }
0x4b: {  	[tilespmem:s22], [sflag:$0x2] =	stream.indirect.gather [hbm4b:s11+s19], $0x80, s9, s19, $0xb8;
	[tilespmem:$0x1E800] =	vst v63  }
0x4c: {  	_ =	swait.ge [sflag:s26], $0x4000  }
0x4d: {  	[sflag:s26] =	ssyncset.done $0x0  }
0x4e: {  	s6 =	simm.s32 $0x1400;
	[sflag:s26] =	ssyncadd.s32 $0xFFFFC000  }
0x4f: {  	[spmem:s1] =	stream.indirect.scatter.add.f32 [tilespmem:s16], [sflag:$0x3], $0x80, s6, s28, $0xb8;
	[tilespmem:$0x1E800] =	vst v63  }
0x50: {  	_ =	swait.ge [sflag:s17], $0x4000  }
0x51: {  	[sflag:s17] =	ssyncset.done $0x0  }
0x52: {  	s7 =	simm.s32 $0x100;
	[sflag:s17] =	ssyncadd.s32 $0xFFFFC000  }
0x53: {  	[tilespmem:s16], [sflag:$0x1] =	stream.indirect.gather [hbm4b:s11+s19], $0x80, s7, s19, $0xb8;
	[tilespmem:$0x1E800] =	vst v63  }
0x54: {  	s8 =	simm.s32 $0x140  }
0x55: {  	[tilespmem:s20], [sflag:$0x1] =	stream.indirect.gather [hbm4b:s11+s19], $0x80, s8, s19, $0xb8;
	[tilespmem:$0x1E800] =	vst v63  }
0x56: {  	_ =	swait.ge [sflag:s29], $0x4000  }
0x57: {  	[sflag:s29] =	ssyncset.done $0x0  }
0x58: {  	s9 =	simm.s32 $0x1480;
	[sflag:s29] =	ssyncadd.s32 $0xFFFFC000  }
0x59: {  	[spmem:s1] =	stream.indirect.scatter.add.f32 [tilespmem:s21], [sflag:$0x3], $0x80, s9, s28, $0xb8;
	[tilespmem:$0x1E800] =	vst v63  }
0x5a: {  	_ =	swait.ge [sflag:s17], $0x4000  }
0x5b: {  	s5 =	simm.s32 $0x100;
	s6 =	simm.s32 $0x800;
	[sflag:s17] =	ssyncset.done $0x0  }
.LBB2_4:
0x5c: {  	s7 =	sadd.s32 $0x80, s5  }
0x5d: {  	[sflag:s17] =	ssyncadd.s32 $0xFFFFC000;
	s8 =	smov.u32 s6;
	s9 =	sadd.s32 $0x400, s6  }
0x5e: {  	[tilespmem:s21], [sflag:$0x2] =	stream.indirect.gather [hbm4b:s11+s19], $0x80, s7, s19, $0xb8;
	[tilespmem:$0x1E800] =	vst v63  }
0x5f: {  	p1 =	sne.s32 s6, $0x4800;
	s6 =	sadd.s32 $0xC0, s5  }
0x60: {  	[tilespmem:s22], [sflag:$0x2] =	stream.indirect.gather [hbm4b:s11+s19], $0x80, s6, s19, $0xb8;
	[tilespmem:$0x1E800] =	vst v63  }
0x61: {  	_ =	swait.ge [sflag:s26], $0x4000  }
0x62: {  	[sflag:s26] =	ssyncset.done $0x0  }
0x63: {  	s6 =	sadd.s32 $0x1400, s5;
	[sflag:s26] =	ssyncadd.s32 $0xFFFFC000  }
0x64: {  	[spmem:s1] =	stream.indirect.scatter.add.f32 [tilespmem:s16], [sflag:$0x3], $0x80, s6, s28, $0xb8;
	[tilespmem:$0x1E800] =	vst v63  }
0x65: {  	_ =	swait.ge [sflag:s17], $0x4000  }
0x66: {  	[sflag:s17] =	ssyncset.done $0x0  }
0x67: {  	s6 =	sadd.s32 $0x100, s5;
	[sflag:s17] =	ssyncadd.s32 $0xFFFFC000  }
0x68: {  	[tilespmem:s16], [sflag:$0x1] =	stream.indirect.gather [hbm4b:s11+s19], $0x80, s6, s19, $0xb8;
	[tilespmem:$0x1E800] =	vst v63  }
0x69: {  	s6 =	sadd.s32 $0x140, s5  }
0x6a: {  	[tilespmem:s20], [sflag:$0x1] =	stream.indirect.gather [hbm4b:s11+s19], $0x80, s6, s19, $0xb8;
	[tilespmem:$0x1E800] =	vst v63  }
0x6b: {  	_ =	swait.ge [sflag:s29], $0x4000  }
.Ltmp1:
0x6c: {  	[sflag:s29] =	ssyncset.done $0x0;
	(pc) =	sbr.rel @p1 .LBB2_4-.Ltmp1, $4  }
0x6d: {  	s5 =	sadd.s32 $0x1480, s5;
	[sflag:s29] =	ssyncadd.s32 $0xFFFFC000  }
0x6e: {  	[spmem:s1] =	stream.indirect.scatter.add.f32 [tilespmem:s21], [sflag:$0x3], $0x80, s5, s28, $0xb8;
	[tilespmem:$0x1E800] =	vst v63  }
0x6f: {  	_ =	swait.ge [sflag:s17], $0x4000  }
0x70: {  	s6 =	smov.u32 s9;
	s5 =	sshra.s32 s8, $0x2;
	[sflag:s17] =	ssyncset.done $0x0  }
0x71: {  	s6 =	sadd.s32 $0x80, s5;
	[sflag:s17] =	ssyncadd.s32 $0xFFFFC000  }
0x72: {  	[tilespmem:s21], [sflag:$0x2] =	stream.indirect.gather [hbm4b:s11+s19], $0x80, s6, s19, $0xb8;
	[tilespmem:$0x1E800] =	vst v63  }
0x73: {  	s9 =	sadd.s32 $0xC0, s5  }
0x74: {  	[tilespmem:s22], [sflag:$0x2] =	stream.indirect.gather [hbm4b:s11+s19], $0x80, s9, s19, $0xb8;
	[tilespmem:$0x1E800] =	vst v63  }
0x75: {  	_ =	swait.ge [sflag:s26], $0x4000  }
0x76: {  	[sflag:s26] =	ssyncset.done $0x0  }
0x77: {  	s7 =	sadd.s32 $0x1400, s5;
	[sflag:s26] =	ssyncadd.s32 $0xFFFFC000  }
0x78: {  	[spmem:s1] =	stream.indirect.scatter.add.f32 [tilespmem:s16], [sflag:$0x3], $0x80, s7, s28, $0xb8;
	[tilespmem:$0x1E800] =	vst v63  }
0x79: {  	_ =	swait.ge [sflag:s17], $0x4000  }
0x7a: {  	[sflag:s17] =	ssyncset.done $0x0  }
0x7b: {  	s8 =	sadd.s32 $0x100, s5;
	[sflag:s17] =	ssyncadd.s32 $0xFFFFC000  }
0x7c: {  	[tilespmem:s16], [sflag:$0x1] =	stream.indirect.gather [hbm4b:s11+s19], $0x80, s8, s19, $0xb8;
	[tilespmem:$0x1E800] =	vst v63  }
0x7d: {  	s9 =	sadd.s32 $0x140, s5  }
0x7e: {  	[tilespmem:s20], [sflag:$0x1] =	stream.indirect.gather [hbm4b:s11+s19], $0x80, s9, s19, $0xb8;
	[tilespmem:$0x1E800] =	vst v63  }
0x7f: {  	_ =	swait.ge [sflag:s29], $0x4000  }
0x80: {  	[sflag:s29] =	ssyncset.done $0x0  }
0x81: {  	s6 =	sadd.s32 $0x1480, s5;
	[sflag:s29] =	ssyncadd.s32 $0xFFFFC000  }
0x82: {  	[spmem:s1] =	stream.indirect.scatter.add.f32 [tilespmem:s21], [sflag:$0x3], $0x80, s6, s28, $0xb8;
	[tilespmem:$0x1E800] =	vst v63  }
0x83: {  	_ =	swait.ge [sflag:s17], $0x4000  }
0x84: {  	[sflag:s17] =	ssyncset.done $0x0  }
0x85: {  	[sflag:s17] =	ssyncadd.s32 $0xFFFFC000  }
0x86: {  	[tilespmem:s21], [sflag:$0x2] =	stream.indirect.gather [hbm4b:s11+s19], $0x80, s30, s19, $0xb8;
	[tilespmem:$0x1E800] =	vst v63  }
0x87: {  	_ = 	snop  }
0x88: {  	[tilespmem:s22], [sflag:$0x2] =	stream.indirect.gather [hbm4b:s11+s19], $0x80, s31, s19, $0xb8;
	[tilespmem:$0x1E800] =	vst v63  }
0x89: {  	_ =	swait.ge [sflag:s26], $0x4000  }
0x8a: {  	[sflag:s26] =	ssyncset.done $0x0  }
0x8b: {  	[sflag:s26] =	ssyncadd.s32 $0xFFFFC000  }
0x8c: {  	[spmem:s1] =	stream.indirect.scatter.add.f32 [tilespmem:s16], [sflag:$0x3], $0x80, s0, s28, $0xb8;
	[tilespmem:$0x1E800] =	vst v63  }
0x8d: {  	_ =	swait.ge [sflag:s17], $0x4000  }
0x8e: {  	[sflag:s17] =	ssyncset.done $0x0  }
0x8f: {  	[sflag:s17] =	ssyncadd.s32 $0xFFFFC000  }
0x90: {  	_ =	swait.ge [sflag:s29], $0x4000  }
0x91: {  	[sflag:s29] =	ssyncset.done $0x0  }
0x92: {  	[sflag:s29] =	ssyncadd.s32 $0xFFFFC000  }
0x93: {  	[spmem:s1] =	stream.indirect.scatter.add.f32 [tilespmem:s21], [sflag:$0x3], $0x80, s3, s28, $0xb8;
	[tilespmem:$0x1E800] =	vst v63  }
0x94: {  	_ =	swait.ge [sflag:s17], $0x4000  }
0x95: {  	[sflag:s17] =	ssyncset.done $0x0  }
0x96: {  	s7 =	simm.s32 $0x0;
	[sflag:s17] =	ssyncadd.s32 $0xFFFFC000  }
0x97: {  	[tilespmem:s7], [sflag:$0x3] =	stream.linear.gather [hbm4b:s12+s7], $0x1400, $0x38;
	[tilespmem:$0x1E800] =	vst v63  }
0x98: {  	_ =	swait.ge [sflag:s17], $0x1400  }
0x99: {  	[sflag:s17] =	ssyncset.done $0x0  }
0x9a: {  	[sflag:s17] =	ssyncadd.s32 $0xFFFFEC00  }
0x9b: {  	[tilespmem:s18], [sflag:$0x3] =	stream.linear.gather [hbm4b:s13+s7], $0x1400, $0x38;
	[tilespmem:$0x1E800] =	vst v63  }
0x9c: {  	_ =	swait.ge [sflag:s17], $0x1400  }
0x9d: {  	[sflag:s17] =	ssyncset.done $0x0  }
0x9e: {  	[sflag:s17] =	ssyncadd.s32 $0xFFFFEC00  }
0x9f: {  	[tilespmem:s16], [sflag:$0x1] =	stream.indirect.gather [hbm4b:s11+s19], $0x80, s7, s19, $0xb8;
	[tilespmem:$0x1E800] =	vst v63  }
0xa0: {  	_ = 	snop  }
0xa1: {  	[tilespmem:s20], [sflag:$0x1] =	stream.indirect.gather [hbm4b:s11+s19], $0x80, s19, s19, $0xb8;
	[tilespmem:$0x1E800] =	vst v63  }
0xa2: {  	s8 =	simm.s32 $0x80  }
0xa3: {  	[tilespmem:s21], [sflag:$0x2] =	stream.indirect.gather [hbm4b:s11+s19], $0x80, s8, s19, $0xb8;
	[tilespmem:$0x1E800] =	vst v63  }
0xa4: {  	s9 =	simm.s32 $0xC0  }
0xa5: {  	[tilespmem:s22], [sflag:$0x2] =	stream.indirect.gather [hbm4b:s11+s19], $0x80, s9, s19, $0xb8;
	[tilespmem:$0x1E800] =	vst v63  }
0xa6: {  	_ =	swait.ge [sflag:s26], $0x4000  }
0xa7: {  	[sflag:s26] =	ssyncset.done $0x0  }
0xa8: {  	s6 =	simm.s32 $0x1400;
	[sflag:s26] =	ssyncadd.s32 $0xFFFFC000  }
0xa9: {  	[spmem:s1] =	stream.indirect.scatter.add.f32 [tilespmem:s16], [sflag:$0x3], $0x80, s6, s28, $0xb8;
	[tilespmem:$0x1E800] =	vst v63  }
0xaa: {  	_ =	swait.ge [sflag:s17], $0x4000  }
0xab: {  	[sflag:s17] =	ssyncset.done $0x0  }
0xac: {  	s7 =	simm.s32 $0x100;
	[sflag:s17] =	ssyncadd.s32 $0xFFFFC000  }
0xad: {  	[tilespmem:s16], [sflag:$0x1] =	stream.indirect.gather [hbm4b:s11+s19], $0x80, s7, s19, $0xb8;
	[tilespmem:$0x1E800] =	vst v63  }
0xae: {  	s8 =	simm.s32 $0x140  }
0xaf: {  	[tilespmem:s20], [sflag:$0x1] =	stream.indirect.gather [hbm4b:s11+s19], $0x80, s8, s19, $0xb8;
	[tilespmem:$0x1E800] =	vst v63  }
0xb0: {  	_ =	swait.ge [sflag:s29], $0x4000  }
0xb1: {  	[sflag:s29] =	ssyncset.done $0x0  }
0xb2: {  	s9 =	simm.s32 $0x1480;
	[sflag:s29] =	ssyncadd.s32 $0xFFFFC000  }
0xb3: {  	[spmem:s1] =	stream.indirect.scatter.add.f32 [tilespmem:s21], [sflag:$0x3], $0x80, s9, s28, $0xb8;
	[tilespmem:$0x1E800] =	vst v63  }
0xb4: {  	_ =	swait.ge [sflag:s17], $0x4000  }
0xb5: {  	s5 =	simm.s32 $0x100;
	s6 =	simm.s32 $0x800;
	[sflag:s17] =	ssyncset.done $0x0  }
.LBB2_6:
0xb6: {  	s7 =	sadd.s32 $0x80, s5  }
0xb7: {  	[sflag:s17] =	ssyncadd.s32 $0xFFFFC000;
	s8 =	smov.u32 s6;
	s9 =	sadd.s32 $0x400, s6  }
0xb8: {  	[tilespmem:s21], [sflag:$0x2] =	stream.indirect.gather [hbm4b:s11+s19], $0x80, s7, s19, $0xb8;
	[tilespmem:$0x1E800] =	vst v63  }
0xb9: {  	p1 =	sne.s32 s6, $0x4800;
	s6 =	sadd.s32 $0xC0, s5  }
0xba: {  	[tilespmem:s22], [sflag:$0x2] =	stream.indirect.gather [hbm4b:s11+s19], $0x80, s6, s19, $0xb8;
	[tilespmem:$0x1E800] =	vst v63  }
0xbb: {  	_ =	swait.ge [sflag:s26], $0x4000  }
0xbc: {  	[sflag:s26] =	ssyncset.done $0x0  }
0xbd: {  	s6 =	sadd.s32 $0x1400, s5;
	[sflag:s26] =	ssyncadd.s32 $0xFFFFC000  }
0xbe: {  	[spmem:s1] =	stream.indirect.scatter.add.f32 [tilespmem:s16], [sflag:$0x3], $0x80, s6, s28, $0xb8;
	[tilespmem:$0x1E800] =	vst v63  }
0xbf: {  	_ =	swait.ge [sflag:s17], $0x4000  }
0xc0: {  	[sflag:s17] =	ssyncset.done $0x0  }
0xc1: {  	s6 =	sadd.s32 $0x100, s5;
	[sflag:s17] =	ssyncadd.s32 $0xFFFFC000  }
0xc2: {  	[tilespmem:s16], [sflag:$0x1] =	stream.indirect.gather [hbm4b:s11+s19], $0x80, s6, s19, $0xb8;
	[tilespmem:$0x1E800] =	vst v63  }
0xc3: {  	s6 =	sadd.s32 $0x140, s5  }
0xc4: {  	[tilespmem:s20], [sflag:$0x1] =	stream.indirect.gather [hbm4b:s11+s19], $0x80, s6, s19, $0xb8;
	[tilespmem:$0x1E800] =	vst v63  }
0xc5: {  	_ =	swait.ge [sflag:s29], $0x4000  }
.Ltmp2:
0xc6: {  	[sflag:s29] =	ssyncset.done $0x0;
	(pc) =	sbr.rel @p1 .LBB2_6-.Ltmp2, $4  }
0xc7: {  	s5 =	sadd.s32 $0x1480, s5;
	[sflag:s29] =	ssyncadd.s32 $0xFFFFC000  }
0xc8: {  	[spmem:s1] =	stream.indirect.scatter.add.f32 [tilespmem:s21], [sflag:$0x3], $0x80, s5, s28, $0xb8;
	[tilespmem:$0x1E800] =	vst v63  }
0xc9: {  	_ =	swait.ge [sflag:s17], $0x4000  }
0xca: {  	s6 =	smov.u32 s9;
	s5 =	sshra.s32 s8, $0x2;
	[sflag:s17] =	ssyncset.done $0x0  }
0xcb: {  	s6 =	sadd.s32 $0x80, s5;
	[sflag:s17] =	ssyncadd.s32 $0xFFFFC000  }
0xcc: {  	[tilespmem:s21], [sflag:$0x2] =	stream.indirect.gather [hbm4b:s11+s19], $0x80, s6, s19, $0xb8;
	[tilespmem:$0x1E800] =	vst v63  }
0xcd: {  	s7 =	sadd.s32 $0xC0, s5  }
0xce: {  	[tilespmem:s22], [sflag:$0x2] =	stream.indirect.gather [hbm4b:s11+s19], $0x80, s7, s19, $0xb8;
	[tilespmem:$0x1E800] =	vst v63  }
0xcf: {  	_ =	swait.ge [sflag:s26], $0x4000  }
0xd0: {  	[sflag:s26] =	ssyncset.done $0x0  }
0xd1: {  	s8 =	sadd.s32 $0x1400, s5;
	[sflag:s26] =	ssyncadd.s32 $0xFFFFC000  }
0xd2: {  	[spmem:s1] =	stream.indirect.scatter.add.f32 [tilespmem:s16], [sflag:$0x3], $0x80, s8, s28, $0xb8;
	[tilespmem:$0x1E800] =	vst v63  }
0xd3: {  	_ =	swait.ge [sflag:s17], $0x4000  }
0xd4: {  	[sflag:s17] =	ssyncset.done $0x0  }
0xd5: {  	s9 =	sadd.s32 $0x100, s5;
	[sflag:s17] =	ssyncadd.s32 $0xFFFFC000  }
0xd6: {  	[tilespmem:s16], [sflag:$0x1] =	stream.indirect.gather [hbm4b:s11+s19], $0x80, s9, s19, $0xb8;
	[tilespmem:$0x1E800] =	vst v63  }
0xd7: {  	s7 =	sadd.s32 $0x140, s5  }
0xd8: {  	[tilespmem:s20], [sflag:$0x1] =	stream.indirect.gather [hbm4b:s11+s19], $0x80, s7, s19, $0xb8;
	[tilespmem:$0x1E800] =	vst v63  }
0xd9: {  	_ =	swait.ge [sflag:s29], $0x4000  }
0xda: {  	[sflag:s29] =	ssyncset.done $0x0  }
0xdb: {  	s8 =	sadd.s32 $0x1480, s5;
	[sflag:s29] =	ssyncadd.s32 $0xFFFFC000  }
0xdc: {  	[spmem:s1] =	stream.indirect.scatter.add.f32 [tilespmem:s21], [sflag:$0x3], $0x80, s8, s28, $0xb8;
	[tilespmem:$0x1E800] =	vst v63  }
0xdd: {  	_ =	swait.ge [sflag:s17], $0x4000  }
0xde: {  	[sflag:s17] =	ssyncset.done $0x0  }
0xdf: {  	[sflag:s17] =	ssyncadd.s32 $0xFFFFC000  }
0xe0: {  	[tilespmem:s21], [sflag:$0x2] =	stream.indirect.gather [hbm4b:s11+s19], $0x80, s30, s19, $0xb8;
	[tilespmem:$0x1E800] =	vst v63  }
0xe1: {  	_ = 	snop  }
0xe2: {  	[tilespmem:s22], [sflag:$0x2] =	stream.indirect.gather [hbm4b:s11+s19], $0x80, s31, s19, $0xb8;
	[tilespmem:$0x1E800] =	vst v63  }
0xe3: {  	_ =	swait.ge [sflag:s26], $0x4000  }
0xe4: {  	[sflag:s26] =	ssyncset.done $0x0  }
0xe5: {  	[sflag:s26] =	ssyncadd.s32 $0xFFFFC000  }
0xe6: {  	[spmem:s1] =	stream.indirect.scatter.add.f32 [tilespmem:s16], [sflag:$0x3], $0x80, s0, s28, $0xb8;
	[tilespmem:$0x1E800] =	vst v63  }
0xe7: {  	_ =	swait.ge [sflag:s17], $0x4000  }
0xe8: {  	[sflag:s17] =	ssyncset.done $0x0  }
0xe9: {  	[sflag:s17] =	ssyncadd.s32 $0xFFFFC000  }
0xea: {  	_ =	swait.ge [sflag:s29], $0x4000  }
0xeb: {  	[sflag:s29] =	ssyncset.done $0x0  }
0xec: {  	[sflag:s29] =	ssyncadd.s32 $0xFFFFC000  }
0xed: {  	[spmem:s1] =	stream.indirect.scatter.add.f32 [tilespmem:s21], [sflag:$0x3], $0x80, s3, s28, $0xb8;
	[tilespmem:$0x1E800] =	vst v63  }
0xee: {  	_ =	swait.ge [sflag:s17], $0x4000  }
0xef: {  	s9 =	stileid.u32;
	[sflag:s17] =	ssyncset.done $0x0  }
0xf0: {  	s5 =	sshll.u32 s9, $0x6;
	[sflag:s17] =	ssyncadd.s32 $0xFFFFC000  }
0xf1: {  	s5 =	sor.u32 $0x1C03, s5;
	[bflag:$0x0] =	sbarrier.arrive $0xFFFF  }
0xf2: {  	[hbm:s23], [sflag:s5] =	dma.local [spmem:s24], $0x2700  }
0xf3: {  	_ =	swait.ge [sflag:s17], $0x2700  }
0xf4: {  	s2 =	sadd.s32 $0x1, s2;
	[sflag:s17] =	ssyncset.done $0x0  }
0xf5: {  	s6 =	sadd.s32 @!p0 $0x27000, s14;
	p1 =	sne.s32 s2, s15;
	[sflag:s17] =	ssyncadd.s32 $0xFFFFD900  }
0xf6: {  	[hbm:s6], [sflag:s5] =	dma.local @!p0 [spmem:s25], $0x100  }
.Ltmp3:
0xf7: {  	_ = 	snop;
	(pc) =	sbr.rel @p1 .LBB2_1-.Ltmp3, $4  }
0xf8: {  	s5 =	simm.s32 @!p0 $0x3  }
0xf9: {  	_ =	swait.ge @!p0 [sflag:s5], $0x100  }
0xfa: {  	[sflag:s5] =	ssyncset.done @!p0 $0x0  }
0xfb: {  	[sflag:s5] =	ssyncadd.s32 @!p0 $0xFFFFFF00  }
0xfc: {  	_ =	sfence.sel $0x180000  }
0xfd: {  	[bflag:$0x0] =	sbarrier.arrive $0xFFFF  }
0xfe: {  	_ =	strace $0x90000047  }
0xff: {  	s0 =	stileid.u32;
	[bflag:$0x2] =	sbarrier.arrive $0xFFFF  }
0x100: {  	p0 =	sne.s32 s0, $0x0;
	s0 =	rddreg [dreg:$0x2]  }
0x101: {  	s0 =	sadd.s32 @!p0 $0x100000, s0  }
0x102: {  	[sflag:s0] =	ssyncadd.tile.s32 @!p0 $0x1;
	_ =	shalt  }
.Lfunc_end2:
_tile_overlayer_lowered:
.L_overlay_start_2:
0x103: {  	(tag) =	ssettag $0x2  }
0x104: {  	s0 =	rddreg [dreg:$0x0];
	s2 =	stileid.u32  }
0x105: {  	s1 =	rddreg [dreg:$0x1];
	p0 =	sne.s32 s2, $0x0  }
0x106: {  	s3 =	rddreg [dreg:$0x2];
	[bflag:$0x3] =	sbarrier.arrive $0xFFFF;
	s2 =	simm.s32 @!p0 $0x1C03  }
0x107: {  	[timem:s3], [sflag:s2] =	dma.local @!p0 [hbm:s0], s1  }
0x108: {  	s0 =	simm.s32 @!p0 $0x3  }
0x109: {  	_ =	swait.ge @!p0 [sflag:s0], s1  }
0x10a: {  	s1 =	ssub.s32 @!p0 $0x0, s1;
	[sflag:s0] =	ssyncset.done @!p0 $0x0  }
0x10b: {  	[sflag:s0] =	ssyncadd.s32 @!p0 s1  }
0x10c: {  	[bflag:$0x3] =	sbarrier.arrive $0xFFFF  }
0x10d: {  	_ =	shalt  }

// kernel: kernel.14.cloned.1.call-start
scs
__scs_entry_jumppad:
0x0: {  	(pc) =	sbr.rel $0x88, $3  }
0x1: {  	(tag) =	ssettag $0x0;
	lr =	simm.s32 $0x1  }
0x2: {  	[smem:$0x3F93] =	sst lr;
	_ =	strace $0xD0000000  }
0x3: {  	_ = 	snop  }
0x4: {  	_ = 	snop  }
0x5: {  	_ = 	snop  }
0x6: {  	_ = 	snop  }
0x7: {  	_ = 	snop  }
__scs_overlays_trampoline_lowered:
0x8: {  	[smem:$0x3FA2] =	sst s0  }
0x9: {  	[smem:$0x3FA3] =	sst s1  }
0xa: {  	[smem:$0x3FA4] =	sst s2  }
0xb: {  	[smem:$0x3FA5] =	sst s3  }
0xc: {  	[smem:$0x3FA6] =	sst s4  }
0xd: {  	[smem:$0x3FA7] =	sst s5  }
0xe: {  	[smem:$0x3FA8] =	sst s6  }
0xf: {  	[smem:$0x3FA9] =	sst s7  }
0x10: {  	[smem:$0x3FAA] =	sst s8  }
0x11: {  	[smem:$0x3FAB] =	sst s9;
	s0 =	simm.s32 @!p0 $0x0  }
0x12: {  	s1 =	sld [smem:$0x3F91];
	s0 =	simm.s32 @p0 $0x1  }
0x13: {  	[smem:$0x3FAC] =	sst s0;
	s0 =	simm.s32 @!p1 $0x0  }
0x14: {  	s2 =	sld [smem:$0x3F90];
	s0 =	simm.s32 @p1 $0x1  }
0x15: {  	[smem:$0x3FAD] =	sst s0;
	s0 =	simm.s32 @!p2 $0x0  }
0x16: {  	s3 =	sld [smem:$0x3FDB];
	s0 =	simm.s32 @p2 $0x1  }
0x17: {  	s4 =	simm.s32 $0x1BF5;
	[smem:$0x3FAF] =	sst s0  }
0x18: {  	s0 =	sld [smem:$0x3F92];
	_ =	swait.ge [sflag:s4], $0x0  }
0x19: {  	s7 =	sld [smem:$0x3F93]  }
0x1a: {  	s8 =	sadd.s32 $0xFFFFE003, lr  }
0x1b: {  	s9 =	sadd.s32 $0xFFFFFEF7, lr;
	s5 =	simm.s32 $0xFFFFFFFF;
	p2 =	slt.u32 s8, $0xFFFFF086  }
0x1c: {  	p1 =	slt.u32 s9, $0xF7A;
	s5 =	simm.s32 @!p2 $0x0  }
0x1d: {  	s5 =	simm.s32 @p1 $0x1;
	p0 =	seq.s32 s7, s2  }
0x1e: {  	s7 =	smul.u32 @!p0 $0xF7A, s2;
	p2 =	seq.s32 @!p0 s5, $0x0  }
0x1f: {  	s9 =	smul.u32 $0xF7A, s1;
	s8 =	simm.s32 @!p0 $0x1BF5;
	p2 =	por !p2, p0  }
0x20: {  	[sflag:s8] =	ssyncset.s32 @!p0 $0xFFFFF086;
	s6 =	sadd.s32 @!p0 s3, s7;
	s7 =	simm.s32 @!p0 $0x108  }
0x21: {  	s3 =	sadd.s32 s3, s9;
	s6 =	sadd.s32 @!p0 $0x88, s6;
	s7 =	simm.s32 @p2 $0x1082  }
0x22: {  	[simem:s7], [sflag:s8] =	dma.local @!p0 [hbm:s6], $0xF7A  }
0x23: {  	s9 =	sor.u32 $0xD0000000, s2;
	s6 =	simm.s32 $0x108;
	_ =	swait.ge @!p0 [sflag:s8], $0x0  }
0x24: {  	s3 =	sadd.s32 $0x88, s3;
	s6 =	simm.s32 @!p1 $0x1082;
	[sflag:s4] =	ssyncset.s32 $0xFFFFF086  }
0x25: {  	[simem:s6], [sflag:s4] =	dma.local [hbm:s3], $0xF7A  }
0x26: {  	[smem:$0x3F93] =	sst s1;
	(tag) =	ssettag s2;
	_ =	strace s9  }
0x27: {  	s1 =	sld [smem:$0x3FA3]  }
0x28: {  	s2 =	sld [smem:$0x3FA4]  }
0x29: {  	s4 =	sld [smem:$0x3FA6]  }
0x2a: {  	p0 =	seq.s32 s5, $0x0;
	s5 =	sld [smem:$0x3FA7]  }
0x2b: {  	s6 =	sld [smem:$0x3FA8]  }
0x2c: {  	s7 =	sld [smem:$0x3FA9]  }
0x2d: {  	s3 =	simm.s32 $0x108;
	s8 =	sld [smem:$0x3FAA]  }
0x2e: {  	s3 =	simm.s32 @!p0 $0x1082;
	s9 =	sld [smem:$0x3FAB]  }
0x2f: {  	lr =	sadd.s32 s0, s3;
	s0 =	sld [smem:$0x3FA2]  }
0x30: {  	s3 =	sld [smem:$0x3FA5]  }
0x31: {  	[smem:$0x3FAE] =	sst s10  }
0x32: {  	s10 =	sld [smem:$0x3FAC];
	_ =	sdelay $0x3  }
0x33: {  	p0 =	seq.s32 s10, $0x1;
	s10 =	sld [smem:$0x3FAE];
	_ =	sdelay $0x3  }
0x34: {  	[smem:$0x3FAE] =	sst s10  }
0x35: {  	s10 =	sld [smem:$0x3FAD];
	_ =	sdelay $0x3  }
0x36: {  	p1 =	seq.s32 s10, $0x1;
	s10 =	sld [smem:$0x3FAE];
	_ =	sdelay $0x3  }
0x37: {  	[smem:$0x3FAE] =	sst s10  }
0x38: {  	s10 =	sld [smem:$0x3FAF]  }
0x39: {  	_ = 	snop;
	(pc) =	sbr.ind lr, $3  }
0x3a: {  	_ = 	snop  }
0x3b: {  	_ = 	snop  }
0x3c: {  	p2 =	seq.s32 s10, $0x1;
	s10 =	sld [smem:$0x3FAE]  }
0x3d: {  	_ =	shalt  }
0x3e: {  	_ =	shalt  }
0x3f: {  	_ =	shalt  }
0x40: {  	_ =	shalt  }
0x41: {  	_ =	shalt  }
0x42: {  	_ =	shalt  }
0x43: {  	_ =	shalt  }
0x44: {  	_ =	shalt  }
0x45: {  	_ =	shalt  }
0x46: {  	_ =	shalt  }
0x47: {  	_ =	shalt  }
0x48: {  	_ =	shalt  }
0x49: {  	_ =	shalt  }
0x4a: {  	_ =	shalt  }
0x4b: {  	_ =	shalt  }
0x4c: {  	_ =	shalt  }
0x4d: {  	_ =	shalt  }
0x4e: {  	_ =	shalt  }
0x4f: {  	_ =	shalt  }
0x50: {  	_ =	shalt  }
0x51: {  	_ =	shalt  }
0x52: {  	_ =	shalt  }
0x53: {  	_ =	shalt  }
0x54: {  	_ =	shalt  }
0x55: {  	_ =	shalt  }
0x56: {  	_ =	shalt  }
0x57: {  	_ =	shalt  }
0x58: {  	_ =	shalt  }
0x59: {  	_ =	shalt  }
0x5a: {  	_ =	shalt  }
0x5b: {  	_ =	shalt  }
0x5c: {  	_ =	shalt  }
0x5d: {  	_ =	shalt  }
0x5e: {  	_ =	shalt  }
0x5f: {  	_ =	shalt  }
0x60: {  	_ =	shalt  }
0x61: {  	_ =	shalt  }
0x62: {  	_ =	shalt  }
0x63: {  	_ =	shalt  }
0x64: {  	_ =	shalt  }
0x65: {  	_ =	shalt  }
0x66: {  	_ =	shalt  }
0x67: {  	_ =	shalt  }
0x68: {  	_ =	shalt  }
0x69: {  	_ =	shalt  }
0x6a: {  	_ =	shalt  }
0x6b: {  	_ =	shalt  }
0x6c: {  	_ =	shalt  }
0x6d: {  	_ =	shalt  }
0x6e: {  	_ =	shalt  }
0x6f: {  	_ =	shalt  }
0x70: {  	_ =	shalt  }
0x71: {  	_ =	shalt  }
0x72: {  	_ =	shalt  }
0x73: {  	_ =	shalt  }
0x74: {  	_ =	shalt  }
0x75: {  	_ =	shalt  }
0x76: {  	_ =	shalt  }
0x77: {  	_ =	shalt  }
0x78: {  	_ =	shalt  }
0x79: {  	_ =	shalt  }
0x7a: {  	_ =	shalt  }
0x7b: {  	_ =	shalt  }
0x7c: {  	_ =	shalt  }
0x7d: {  	_ =	shalt  }
0x7e: {  	_ =	shalt  }
0x7f: {  	_ =	shalt  }
0x80: {  	_ =	shalt  }
0x81: {  	_ =	shalt  }
0x82: {  	_ =	shalt  }
0x83: {  	_ =	shalt  }
0x84: {  	_ =	shalt  }
0x85: {  	_ =	shalt  }
0x86: {  	_ =	shalt  }
0x87: {  	_ =	shalt  }
.Lfunc_end0:
.L_simem_size_0:
called_computation.1_lowered:
.L_overlay_start_0:
0x88: {  	s2 =	sld [smem:$0x3FD9]  }
0x89: {  	s3 =	sld [smem:$0x3FFE];
	_ =	sdelay $0x1  }
0x8a: {  	s1 =	srdreg.scid  }
0x8b: {  	s0 =	sand.u32 $0x1, s1  }
0x8c: {  	s16 =	sshll.u32 s0, $0xA;
	s2 =	sadd.s32 s3, s2  }
0x8d: {  	s2 =	sadd.s32 s2, s16  }
0x8e: {  	[smem:$0x3FBA] =	sst s2  }
0x8f: {  	_ = 	snop  }
0x90: {  	(tm) =	ssettm $0x1  }
0x91: {  	s17 =	sld [smem:$0x3FFB];
	_ =	sdelay $0x3  }
0x92: {  	_ =	strace s17  }
0x93: {  	s2 =	sld [smem:$0x3FFC];
	_ =	sdelay $0x3  }
0x94: {  	_ =	strace s2  }
0x95: {  	s2 =	sld [smem:$0x3FFD];
	_ =	sdelay $0x3  }
0x96: {  	_ =	strace s2  }
0x97: {  	_ =	strace $0x8FFFFFFF  }
0x98: {  	s18 =	sld [smem:$0x3FDB];
	_ =	sdelay $0x1  }
0x99: {  	s19 =	simm.s32 $_scs_section_size  }
0x9a: {  	s4 =	simm.s32 $_size__tile_overlayer_lowered;
	s5 =	simm.s32 $_tile_overlayer_lowered  }
0x9b: {  	s22 =	simm.s32 $0x1BFF;
	s21 =	sshll.u32 s5, $0x1;
	s2 =	sadd.s32 s19, s18  }
0x9c: {  	s6 =	simm.s32 $0x0;
	s20 =	sshll.u32 s4, $0x1;
	s4 =	sadd.s32 s21, s2  }
0x9d: {  	[timem:s6], [sflag:s22] =	dma.local [hbm:s4], s20  }
0x9e: {  	_ =	swait.ge [sflag:s22], s20  }
0x9f: {  	s3 =	ssub.s32 $0x0, s20;
	[sflag:s22] =	ssyncset.done $0x0  }
0xa0: {  	[sflag:s22] =	ssyncadd.s32 s3;
	_ =	sdelay $0x1  }
0xa1: {  	s23 =	simm.s32 $0x1B8B  }
0xa2: {  	_ =	swait.ge [sflag:s23], $0x1  }
0xa3: {  	[sflag:s23] =	ssyncset.done $0x0  }
0xa4: {  	s25 =	simm.s32 $0x1B8E;
	s24 =	sld [smem:$0x3FFE];
	[sflag:s23] =	ssyncadd.s32 $0xFFFFFFFF  }
0xa5: {  	s26 =	simm.s32 $execute0_lowered;
	[smem:$0x3FD2] =	sst s25  }
0xa6: {  	s4 =	sshll.u32 s26, $0x1;
	_ =	strace $0x80000049;
	[dreg:$0x1] =	wrdreg $0xFFFFFFFF  }
0xa7: {  	s28 =	simm.s32 $_size_execute0_lowered;
	s2 =	sadd.s32 s2, s4;
	[dreg:$0x0] =	wrdreg $0x0  }
0xa8: {  	s4 =	sshll.u32 s28, $0x1;
	[dreg:$0x2] =	wrdreg s2  }
0xa9: {  	[dreg:$0x3] =	wrdreg s4  }
0xaa: {  	[dreg:$0x4] =	wrdreg $0xC0  }
0xab: {  	_ =	task [dreg:s6], $0x5FFFF  }
0xac: {  	[dreg:$0x1] =	wrdreg $0xFFFFFFFF  }
0xad: {  	[dreg:$0x0] =	wrdreg $0x60  }
0xae: {  	[dreg:$0x2] =	wrdreg s24  }
0xaf: {  	[dreg:$0x3] =	wrdreg $0xA8000  }
0xb0: {  	[dreg:$0x4] =	wrdreg $0x9  }
0xb1: {  	_ =	task.clear_ibuf [dreg:s6], $0x5FFFF;
	_ =	strace $0x90000049  }
0xb2: {  	s29 =	simm.s32 $0x9;
	_ =	strace $0x8000004B  }
0xb3: {  	_ =	swait.ge [sflag:s29], $0x1  }
0xb4: {  	[sflag:s29] =	ssyncadd.s32 $0xFFFFFFFF  }
0xb5: {  	_ =	strace $0x9000004B  }
0xb6: {  	_ =	sfence  }
0xb7: {  	s30 =	sld [smem:$0x0];
	_ =	sdelay $0x2  }
0xb8: {  	s31 =	sshll.u32 s1, $0xD;
	s1 =	sshrl.u32 s1, $0x2  }
0xb9: {  	s3 =	sand.u32 $0x4000, s31;
	s1 =	sadd.s32 s1, s30  }
0xba: {  	s0 =	sor.u32 s3, s0;
	s1 =	sshll.u32 s1, $0x11  }
0xbb: {  	s0 =	sor.u32 s1, s0  }
0xbc: {  	s0 =	sadd.s32 $0x8F2B, s0  }
0xbd: {  	[sflag:s0] =	ssyncadd.remote.s32 $0x1  }
0xbe: {  	_ =	sfence.sel $0xFFFF  }
0xbf: {  	[dreg:$0x0] =	wrdreg $0xFFFFFFFF;
	(pc) =	sbr.abs _section_cstart, $3  }
0xc0: {  	[dreg:$0x1] =	wrdreg $0xFFFFFFFF  }
0xc1: {  	_ =	task.clear_ibuf [dreg:s6], $0x2FFFF;
	_ =	strace $0x9FFFFFFF  }
0xc2: {  	(tm) =	ssettm $0x7FFFFFFF  }
0xc3: {  	_ =	shalt  }
tec
execute0_lowered:
.L_overlay_start_1:
0x0: {  	(tag) =	ssettag $0x1  }
0x1: {  	s0 =	rddreg [dreg:$0x0]  }
0x2: {  	s1 =	rddreg [dreg:$0x1];
	s2 =	simm.s32 $0x0  }
0x3: {  	s3 =	srdreg.scid;
	s7 =	stileid.u32;
	s16 =	simm.s32 $0x2800  }
0x4: {  	s17 =	simm.s32 $0x3;
	s28 =	simm.s32 $0x80;
	s5 =	smul.u32 $0x50000, s7  }
0x5: {  	s29 =	simm.s32 $0x2;
	s30 =	simm.s32 $0x1380;
	s19 =	smul.u32 $0x2800, s7  }
0x6: {  	s31 =	simm.s32 $0x13C0;
	[smem:$0x7FF] =	sst s2;
	s14 =	smul.u32 $0x4E000, s7  }
0x7: {  	s3 =	sand.u32 $0x1, s3;
	s6 =	sadd.s32 $0x52000, s0;
	s26 =	smul.u32 $0x2700, s7  }
0x8: {  	s13 =	sadd.s32 $0x57000, s0;
	s4 =	smul.u32 $0x27100, s3;
	s3 =	ssub.s32 $0x2, s3  }
0x9: {  	p0 =	sne.s32 s7, $0xF;
	_ =	strace $0x8000004A;
	s18 =	sshrl.u32 s3, $0x1  }
0xa: {  	s5 =	sshrl.u32 s5, $0x2;
	s24 =	sshrl.u32 s14, $0x2;
	s0 =	sadd.s32 s4, s0  }
0xb: {  	s3 =	ssub.s32 s3, s18;
	s4 =	sadd.s32 s5, s1;
	s5 =	sshrl.u32 s19, $0x3  }
0xc: {  	s25 =	sadd.s32 s24, s1;
	s18 =	simm.s32 $0x1400;
	s19 =	simm.s32 $0x40  }
0xd: {  	s8 =	sadd.s32 $0x4000, s4;
	s20 =	sadd.s32 $0x8000, s4;
	s21 =	sadd.s32 $0xC000, s4  }
0xe: {  	s22 =	sadd.s32 $0x10000, s4;
	s23 =	sadd.s32 s6, s5;
	[dreg:$0x3] =	wrdreg s8  }
0xf: {  	s10 =	sadd.s32 s13, s5;
	s5 =	sadd.s32 $0x280, s5;
	[dreg:$0x4] =	wrdreg s20  }
0x10: {  	s11 =	sadd.s32 $0x3E00, s0;
	s14 =	sadd.s32 $0x5C000, s0;
	[dreg:$0x5] =	wrdreg s21  }
0x11: {  	s15 =	smax.u32 s3, $0x1;
	s24 =	sshrl.u32 s25, $0x3;
	[dreg:$0x6] =	wrdreg s22  }
0x12: {  	s0 =	simm.s32 $0x2700;
	s3 =	simm.s32 $0x2780;
	[dreg:$0x7] =	wrdreg s23  }
0x13: {  	s12 =	sadd.s32 s6, s5;
	s13 =	sadd.s32 s13, s5;
	s6 =	sadd.s32 $0x138000, s1  }
0x14: {  	s20 =	simm.s32 $0x4800;
	s21 =	simm.s32 $0x6800;
	s22 =	simm.s32 $0x8800  }
0x15: {  	v0 =	vimm.f32 $0.0e+00;
	s23 =	sadd.s32 s26, s14;
	s26 =	simm.s32 $0x1;
	s25 =	sshrl.u32 @!p0 s6, $0x3  }
.LBB2_1:
0x16: {  	s5 =	simm.s32 $0x0;
	s6 =	simm.s32 $0x200  }
.LBB2_2:
0x17: {  	p1 =	sne.s32 s6, $0xFE00;
	[tilespmem:s5+$0x2870] =	vst v0  }
0x18: {  	[tilespmem:s5+$0x2800] =	vst v0  }
0x19: {  	[tilespmem:s5+$0x2810] =	vst v0  }
.Ltmp0:
0x1a: {  	[tilespmem:s5+$0x2820] =	vst v0;
	(pc) =	sbr.rel @p1 .LBB2_2-.Ltmp0, $4  }
0x1b: {  	[tilespmem:s5+$0x2830] =	vst v0  }
0x1c: {  	[tilespmem:s5+$0x2840] =	vst v0  }
0x1d: {  	[tilespmem:s5+$0x2850] =	vst v0  }
0x1e: {  	[tilespmem:s5+$0x2860] =	vst v0;
	s5 =	sshra.s32 s6, $0x2;
	s6 =	sadd.s32 $0x200, s6  }
0x1f: {  	[tilespmem:s5+$0x2870] =	vst v0  }
0x20: {  	[tilespmem:s5+$0x2800] =	vst v0  }
0x21: {  	[tilespmem:s5+$0x2810] =	vst v0  }
0x22: {  	[tilespmem:s5+$0x2820] =	vst v0  }
0x23: {  	[tilespmem:s5+$0x2830] =	vst v0  }
0x24: {  	[tilespmem:s5+$0x2840] =	vst v0  }
0x25: {  	[tilespmem:s5+$0x2850] =	vst v0  }
0x26: {  	[tilespmem:s5+$0x2860] =	vst v0  }
0x27: {  	[spmem:s4] =	stream.linear.scatter [tilespmem:s16], [sflag:$0x3], $0x4000, $0x38;
	[tilespmem:$0x1E800] =	vst v63  }
0x28: {  	_ =	swait.ge [sflag:s17], $0x4000  }
0x29: {  	[sflag:s17] =	ssyncset.done $0x0  }
0x2a: {  	s7 =	rddreg [dreg:$0x3];
	[sflag:s17] =	ssyncadd.s32 $0xFFFFC000  }
0x2b: {  	[spmem:s7] =	stream.linear.scatter [tilespmem:s16], [sflag:$0x3], $0x4000, $0x38;
	[tilespmem:$0x1E800] =	vst v63  }
0x2c: {  	_ =	swait.ge [sflag:s17], $0x4000  }
0x2d: {  	[sflag:s17] =	ssyncset.done $0x0  }
0x2e: {  	s8 =	rddreg [dreg:$0x4];
	[sflag:s17] =	ssyncadd.s32 $0xFFFFC000  }
0x2f: {  	[spmem:s8] =	stream.linear.scatter [tilespmem:s16], [sflag:$0x3], $0x4000, $0x38;
	[tilespmem:$0x1E800] =	vst v63  }
0x30: {  	_ =	swait.ge [sflag:s17], $0x4000  }
0x31: {  	[sflag:s17] =	ssyncset.done $0x0  }
0x32: {  	s9 =	rddreg [dreg:$0x5];
	[sflag:s17] =	ssyncadd.s32 $0xFFFFC000  }
0x33: {  	[spmem:s9] =	stream.linear.scatter [tilespmem:s16], [sflag:$0x3], $0x4000, $0x38;
	[tilespmem:$0x1E800] =	vst v63  }
0x34: {  	_ =	swait.ge [sflag:s17], $0x4000  }
0x35: {  	[sflag:s17] =	ssyncset.done $0x0  }
0x36: {  	s6 =	rddreg [dreg:$0x6];
	[sflag:s17] =	ssyncadd.s32 $0xFFFFC000  }
0x37: {  	[spmem:s6] =	stream.linear.scatter [tilespmem:s16], [sflag:$0x3], $0x4000, $0x38;
	[tilespmem:$0x1E800] =	vst v63  }
0x38: {  	_ =	swait.ge [sflag:s17], $0x4000  }
0x39: {  	[sflag:s17] =	ssyncset.done $0x0  }
0x3a: {  	[sflag:s17] =	ssyncadd.s32 $0xFFFFC000  }
0x3b: {  	[bflag:$0x0] =	sbarrier.arrive $0xFFFF  }
0x3c: {  	s7 =	simm.s32 $0x0;
	s6 =	rddreg [dreg:$0x7]  }
0x3d: {  	[tilespmem:s7], [sflag:$0x3] =	stream.linear.gather [hbm4b:s6+s7], $0x1400, $0x38;
	[tilespmem:$0x1E800] =	vst v63  }
0x3e: {  	_ =	swait.ge [sflag:s17], $0x1400  }
0x3f: {  	[sflag:s17] =	ssyncset.done $0x0  }
0x40: {  	[sflag:s17] =	ssyncadd.s32 $0xFFFFEC00  }
0x41: {  	[tilespmem:s18], [sflag:$0x3] =	stream.linear.gather [hbm4b:s10+s7], $0x1400, $0x38;
	[tilespmem:$0x1E800] =	vst v63  }
0x42: {  	_ =	swait.ge [sflag:s17], $0x1400  }
0x43: {  	[sflag:s17] =	ssyncset.done $0x0  }
0x44: {  	[sflag:s17] =	ssyncadd.s32 $0xFFFFEC00  }
0x45: {  	[tilespmem:s16], [sflag:$0x1] =	stream.indirect.gather [hbm4b:s11+s19], $0x80, s7, s19, $0xb8;
	[tilespmem:$0x1E800] =	vst v63  }
0x46: {  	_ = 	snop  }
0x47: {  	[tilespmem:s20], [sflag:$0x1] =	stream.indirect.gather [hbm4b:s11+s19], $0x80, s19, s19, $0xb8;
	[tilespmem:$0x1E800] =	vst v63  }
0x48: {  	s8 =	simm.s32 $0x80  }
0x49: {  	[tilespmem:s21], [sflag:$0x2] =	stream.indirect.gather [hbm4b:s11+s19], $0x80, s8, s19, $0xb8;
	[tilespmem:$0x1E800] =	vst v63  }
0x4a: {  	s9 =	simm.s32 $0xC0  }
0x4b: {  	[tilespmem:s22], [sflag:$0x2] =	stream.indirect.gather [hbm4b:s11+s19], $0x80, s9, s19, $0xb8;
	[tilespmem:$0x1E800] =	vst v63  }
0x4c: {  	_ =	swait.ge [sflag:s26], $0x4000  }
0x4d: {  	[sflag:s26] =	ssyncset.done $0x0  }
0x4e: {  	s6 =	simm.s32 $0x1400;
	[sflag:s26] =	ssyncadd.s32 $0xFFFFC000  }
0x4f: {  	[spmem:s1] =	stream.indirect.scatter.add.f32 [tilespmem:s16], [sflag:$0x3], $0x80, s6, s28, $0xb8;
	[tilespmem:$0x1E800] =	vst v63  }
0x50: {  	_ =	swait.ge [sflag:s17], $0x4000  }
0x51: {  	[sflag:s17] =	ssyncset.done $0x0  }
0x52: {  	s7 =	simm.s32 $0x100;
	[sflag:s17] =	ssyncadd.s32 $0xFFFFC000  }
0x53: {  	[tilespmem:s16], [sflag:$0x1] =	stream.indirect.gather [hbm4b:s11+s19], $0x80, s7, s19, $0xb8;
	[tilespmem:$0x1E800] =	vst v63  }
0x54: {  	s8 =	simm.s32 $0x140  }
0x55: {  	[tilespmem:s20], [sflag:$0x1] =	stream.indirect.gather [hbm4b:s11+s19], $0x80, s8, s19, $0xb8;
	[tilespmem:$0x1E800] =	vst v63  }
0x56: {  	_ =	swait.ge [sflag:s29], $0x4000  }
0x57: {  	[sflag:s29] =	ssyncset.done $0x0  }
0x58: {  	s9 =	simm.s32 $0x1480;
	[sflag:s29] =	ssyncadd.s32 $0xFFFFC000  }
0x59: {  	[spmem:s1] =	stream.indirect.scatter.add.f32 [tilespmem:s21], [sflag:$0x3], $0x80, s9, s28, $0xb8;
	[tilespmem:$0x1E800] =	vst v63  }
0x5a: {  	_ =	swait.ge [sflag:s17], $0x4000  }
0x5b: {  	s5 =	simm.s32 $0x100;
	s6 =	simm.s32 $0x800;
	[sflag:s17] =	ssyncset.done $0x0  }
.LBB2_4:
0x5c: {  	s7 =	sadd.s32 $0x80, s5  }
0x5d: {  	[sflag:s17] =	ssyncadd.s32 $0xFFFFC000;
	s8 =	smov.u32 s6;
	s9 =	sadd.s32 $0x400, s6  }
0x5e: {  	[tilespmem:s21], [sflag:$0x2] =	stream.indirect.gather [hbm4b:s11+s19], $0x80, s7, s19, $0xb8;
	[tilespmem:$0x1E800] =	vst v63  }
0x5f: {  	p1 =	sne.s32 s6, $0x4800;
	s6 =	sadd.s32 $0xC0, s5  }
0x60: {  	[tilespmem:s22], [sflag:$0x2] =	stream.indirect.gather [hbm4b:s11+s19], $0x80, s6, s19, $0xb8;
	[tilespmem:$0x1E800] =	vst v63  }
0x61: {  	_ =	swait.ge [sflag:s26], $0x4000  }
0x62: {  	[sflag:s26] =	ssyncset.done $0x0  }
0x63: {  	s6 =	sadd.s32 $0x1400, s5;
	[sflag:s26] =	ssyncadd.s32 $0xFFFFC000  }
0x64: {  	[spmem:s1] =	stream.indirect.scatter.add.f32 [tilespmem:s16], [sflag:$0x3], $0x80, s6, s28, $0xb8;
	[tilespmem:$0x1E800] =	vst v63  }
0x65: {  	_ =	swait.ge [sflag:s17], $0x4000  }
0x66: {  	[sflag:s17] =	ssyncset.done $0x0  }
0x67: {  	s6 =	sadd.s32 $0x100, s5;
	[sflag:s17] =	ssyncadd.s32 $0xFFFFC000  }
0x68: {  	[tilespmem:s16], [sflag:$0x1] =	stream.indirect.gather [hbm4b:s11+s19], $0x80, s6, s19, $0xb8;
	[tilespmem:$0x1E800] =	vst v63  }
0x69: {  	s6 =	sadd.s32 $0x140, s5  }
0x6a: {  	[tilespmem:s20], [sflag:$0x1] =	stream.indirect.gather [hbm4b:s11+s19], $0x80, s6, s19, $0xb8;
	[tilespmem:$0x1E800] =	vst v63  }
0x6b: {  	_ =	swait.ge [sflag:s29], $0x4000  }
.Ltmp1:
0x6c: {  	[sflag:s29] =	ssyncset.done $0x0;
	(pc) =	sbr.rel @p1 .LBB2_4-.Ltmp1, $4  }
0x6d: {  	s5 =	sadd.s32 $0x1480, s5;
	[sflag:s29] =	ssyncadd.s32 $0xFFFFC000  }
0x6e: {  	[spmem:s1] =	stream.indirect.scatter.add.f32 [tilespmem:s21], [sflag:$0x3], $0x80, s5, s28, $0xb8;
	[tilespmem:$0x1E800] =	vst v63  }
0x6f: {  	_ =	swait.ge [sflag:s17], $0x4000  }
0x70: {  	s6 =	smov.u32 s9;
	s5 =	sshra.s32 s8, $0x2;
	[sflag:s17] =	ssyncset.done $0x0  }
0x71: {  	s6 =	sadd.s32 $0x80, s5;
	[sflag:s17] =	ssyncadd.s32 $0xFFFFC000  }
0x72: {  	[tilespmem:s21], [sflag:$0x2] =	stream.indirect.gather [hbm4b:s11+s19], $0x80, s6, s19, $0xb8;
	[tilespmem:$0x1E800] =	vst v63  }
0x73: {  	s9 =	sadd.s32 $0xC0, s5  }
0x74: {  	[tilespmem:s22], [sflag:$0x2] =	stream.indirect.gather [hbm4b:s11+s19], $0x80, s9, s19, $0xb8;
	[tilespmem:$0x1E800] =	vst v63  }
0x75: {  	_ =	swait.ge [sflag:s26], $0x4000  }
0x76: {  	[sflag:s26] =	ssyncset.done $0x0  }
0x77: {  	s7 =	sadd.s32 $0x1400, s5;
	[sflag:s26] =	ssyncadd.s32 $0xFFFFC000  }
0x78: {  	[spmem:s1] =	stream.indirect.scatter.add.f32 [tilespmem:s16], [sflag:$0x3], $0x80, s7, s28, $0xb8;
	[tilespmem:$0x1E800] =	vst v63  }
0x79: {  	_ =	swait.ge [sflag:s17], $0x4000  }
0x7a: {  	[sflag:s17] =	ssyncset.done $0x0  }
0x7b: {  	s8 =	sadd.s32 $0x100, s5;
	[sflag:s17] =	ssyncadd.s32 $0xFFFFC000  }
0x7c: {  	[tilespmem:s16], [sflag:$0x1] =	stream.indirect.gather [hbm4b:s11+s19], $0x80, s8, s19, $0xb8;
	[tilespmem:$0x1E800] =	vst v63  }
0x7d: {  	s9 =	sadd.s32 $0x140, s5  }
0x7e: {  	[tilespmem:s20], [sflag:$0x1] =	stream.indirect.gather [hbm4b:s11+s19], $0x80, s9, s19, $0xb8;
	[tilespmem:$0x1E800] =	vst v63  }
0x7f: {  	_ =	swait.ge [sflag:s29], $0x4000  }
0x80: {  	[sflag:s29] =	ssyncset.done $0x0  }
0x81: {  	s6 =	sadd.s32 $0x1480, s5;
	[sflag:s29] =	ssyncadd.s32 $0xFFFFC000  }
0x82: {  	[spmem:s1] =	stream.indirect.scatter.add.f32 [tilespmem:s21], [sflag:$0x3], $0x80, s6, s28, $0xb8;
	[tilespmem:$0x1E800] =	vst v63  }
0x83: {  	_ =	swait.ge [sflag:s17], $0x4000  }
0x84: {  	[sflag:s17] =	ssyncset.done $0x0  }
0x85: {  	[sflag:s17] =	ssyncadd.s32 $0xFFFFC000  }
0x86: {  	[tilespmem:s21], [sflag:$0x2] =	stream.indirect.gather [hbm4b:s11+s19], $0x80, s30, s19, $0xb8;
	[tilespmem:$0x1E800] =	vst v63  }
0x87: {  	_ = 	snop  }
0x88: {  	[tilespmem:s22], [sflag:$0x2] =	stream.indirect.gather [hbm4b:s11+s19], $0x80, s31, s19, $0xb8;
	[tilespmem:$0x1E800] =	vst v63  }
0x89: {  	_ =	swait.ge [sflag:s26], $0x4000  }
0x8a: {  	[sflag:s26] =	ssyncset.done $0x0  }
0x8b: {  	[sflag:s26] =	ssyncadd.s32 $0xFFFFC000  }
0x8c: {  	[spmem:s1] =	stream.indirect.scatter.add.f32 [tilespmem:s16], [sflag:$0x3], $0x80, s0, s28, $0xb8;
	[tilespmem:$0x1E800] =	vst v63  }
0x8d: {  	_ =	swait.ge [sflag:s17], $0x4000  }
0x8e: {  	[sflag:s17] =	ssyncset.done $0x0  }
0x8f: {  	[sflag:s17] =	ssyncadd.s32 $0xFFFFC000  }
0x90: {  	_ =	swait.ge [sflag:s29], $0x4000  }
0x91: {  	[sflag:s29] =	ssyncset.done $0x0  }
0x92: {  	[sflag:s29] =	ssyncadd.s32 $0xFFFFC000  }
0x93: {  	[spmem:s1] =	stream.indirect.scatter.add.f32 [tilespmem:s21], [sflag:$0x3], $0x80, s3, s28, $0xb8;
	[tilespmem:$0x1E800] =	vst v63  }
0x94: {  	_ =	swait.ge [sflag:s17], $0x4000  }
0x95: {  	[sflag:s17] =	ssyncset.done $0x0  }
0x96: {  	s7 =	simm.s32 $0x0;
	[sflag:s17] =	ssyncadd.s32 $0xFFFFC000  }
0x97: {  	[tilespmem:s7], [sflag:$0x3] =	stream.linear.gather [hbm4b:s12+s7], $0x1400, $0x38;
	[tilespmem:$0x1E800] =	vst v63  }
0x98: {  	_ =	swait.ge [sflag:s17], $0x1400  }
0x99: {  	[sflag:s17] =	ssyncset.done $0x0  }
0x9a: {  	[sflag:s17] =	ssyncadd.s32 $0xFFFFEC00  }
0x9b: {  	[tilespmem:s18], [sflag:$0x3] =	stream.linear.gather [hbm4b:s13+s7], $0x1400, $0x38;
	[tilespmem:$0x1E800] =	vst v63  }
0x9c: {  	_ =	swait.ge [sflag:s17], $0x1400  }
0x9d: {  	[sflag:s17] =	ssyncset.done $0x0  }
0x9e: {  	[sflag:s17] =	ssyncadd.s32 $0xFFFFEC00  }
0x9f: {  	[tilespmem:s16], [sflag:$0x1] =	stream.indirect.gather [hbm4b:s11+s19], $0x80, s7, s19, $0xb8;
	[tilespmem:$0x1E800] =	vst v63  }
0xa0: {  	_ = 	snop  }
0xa1: {  	[tilespmem:s20], [sflag:$0x1] =	stream.indirect.gather [hbm4b:s11+s19], $0x80, s19, s19, $0xb8;
	[tilespmem:$0x1E800] =	vst v63  }
0xa2: {  	s8 =	simm.s32 $0x80  }
0xa3: {  	[tilespmem:s21], [sflag:$0x2] =	stream.indirect.gather [hbm4b:s11+s19], $0x80, s8, s19, $0xb8;
	[tilespmem:$0x1E800] =	vst v63  }
0xa4: {  	s9 =	simm.s32 $0xC0  }
0xa5: {  	[tilespmem:s22], [sflag:$0x2] =	stream.indirect.gather [hbm4b:s11+s19], $0x80, s9, s19, $0xb8;
	[tilespmem:$0x1E800] =	vst v63  }
0xa6: {  	_ =	swait.ge [sflag:s26], $0x4000  }
0xa7: {  	[sflag:s26] =	ssyncset.done $0x0  }
0xa8: {  	s6 =	simm.s32 $0x1400;
	[sflag:s26] =	ssyncadd.s32 $0xFFFFC000  }
0xa9: {  	[spmem:s1] =	stream.indirect.scatter.add.f32 [tilespmem:s16], [sflag:$0x3], $0x80, s6, s28, $0xb8;
	[tilespmem:$0x1E800] =	vst v63  }
0xaa: {  	_ =	swait.ge [sflag:s17], $0x4000  }
0xab: {  	[sflag:s17] =	ssyncset.done $0x0  }
0xac: {  	s7 =	simm.s32 $0x100;
	[sflag:s17] =	ssyncadd.s32 $0xFFFFC000  }
0xad: {  	[tilespmem:s16], [sflag:$0x1] =	stream.indirect.gather [hbm4b:s11+s19], $0x80, s7, s19, $0xb8;
	[tilespmem:$0x1E800] =	vst v63  }
0xae: {  	s8 =	simm.s32 $0x140  }
0xaf: {  	[tilespmem:s20], [sflag:$0x1] =	stream.indirect.gather [hbm4b:s11+s19], $0x80, s8, s19, $0xb8;
	[tilespmem:$0x1E800] =	vst v63  }
0xb0: {  	_ =	swait.ge [sflag:s29], $0x4000  }
0xb1: {  	[sflag:s29] =	ssyncset.done $0x0  }
0xb2: {  	s9 =	simm.s32 $0x1480;
	[sflag:s29] =	ssyncadd.s32 $0xFFFFC000  }
0xb3: {  	[spmem:s1] =	stream.indirect.scatter.add.f32 [tilespmem:s21], [sflag:$0x3], $0x80, s9, s28, $0xb8;
	[tilespmem:$0x1E800] =	vst v63  }
0xb4: {  	_ =	swait.ge [sflag:s17], $0x4000  }
0xb5: {  	s5 =	simm.s32 $0x100;
	s6 =	simm.s32 $0x800;
	[sflag:s17] =	ssyncset.done $0x0  }
.LBB2_6:
0xb6: {  	s7 =	sadd.s32 $0x80, s5  }
0xb7: {  	[sflag:s17] =	ssyncadd.s32 $0xFFFFC000;
	s8 =	smov.u32 s6;
	s9 =	sadd.s32 $0x400, s6  }
0xb8: {  	[tilespmem:s21], [sflag:$0x2] =	stream.indirect.gather [hbm4b:s11+s19], $0x80, s7, s19, $0xb8;
	[tilespmem:$0x1E800] =	vst v63  }
0xb9: {  	p1 =	sne.s32 s6, $0x4800;
	s6 =	sadd.s32 $0xC0, s5  }
0xba: {  	[tilespmem:s22], [sflag:$0x2] =	stream.indirect.gather [hbm4b:s11+s19], $0x80, s6, s19, $0xb8;
	[tilespmem:$0x1E800] =	vst v63  }
0xbb: {  	_ =	swait.ge [sflag:s26], $0x4000  }
0xbc: {  	[sflag:s26] =	ssyncset.done $0x0  }
0xbd: {  	s6 =	sadd.s32 $0x1400, s5;
	[sflag:s26] =	ssyncadd.s32 $0xFFFFC000  }
0xbe: {  	[spmem:s1] =	stream.indirect.scatter.add.f32 [tilespmem:s16], [sflag:$0x3], $0x80, s6, s28, $0xb8;
	[tilespmem:$0x1E800] =	vst v63  }
0xbf: {  	_ =	swait.ge [sflag:s17], $0x4000  }
0xc0: {  	[sflag:s17] =	ssyncset.done $0x0  }
0xc1: {  	s6 =	sadd.s32 $0x100, s5;
	[sflag:s17] =	ssyncadd.s32 $0xFFFFC000  }
0xc2: {  	[tilespmem:s16], [sflag:$0x1] =	stream.indirect.gather [hbm4b:s11+s19], $0x80, s6, s19, $0xb8;
	[tilespmem:$0x1E800] =	vst v63  }
0xc3: {  	s6 =	sadd.s32 $0x140, s5  }
0xc4: {  	[tilespmem:s20], [sflag:$0x1] =	stream.indirect.gather [hbm4b:s11+s19], $0x80, s6, s19, $0xb8;
	[tilespmem:$0x1E800] =	vst v63  }
0xc5: {  	_ =	swait.ge [sflag:s29], $0x4000  }
.Ltmp2:
0xc6: {  	[sflag:s29] =	ssyncset.done $0x0;
	(pc) =	sbr.rel @p1 .LBB2_6-.Ltmp2, $4  }
0xc7: {  	s5 =	sadd.s32 $0x1480, s5;
	[sflag:s29] =	ssyncadd.s32 $0xFFFFC000  }
0xc8: {  	[spmem:s1] =	stream.indirect.scatter.add.f32 [tilespmem:s21], [sflag:$0x3], $0x80, s5, s28, $0xb8;
	[tilespmem:$0x1E800] =	vst v63  }
0xc9: {  	_ =	swait.ge [sflag:s17], $0x4000  }
0xca: {  	s6 =	smov.u32 s9;
	s5 =	sshra.s32 s8, $0x2;
	[sflag:s17] =	ssyncset.done $0x0  }
0xcb: {  	s6 =	sadd.s32 $0x80, s5;
	[sflag:s17] =	ssyncadd.s32 $0xFFFFC000  }
0xcc: {  	[tilespmem:s21], [sflag:$0x2] =	stream.indirect.gather [hbm4b:s11+s19], $0x80, s6, s19, $0xb8;
	[tilespmem:$0x1E800] =	vst v63  }
0xcd: {  	s7 =	sadd.s32 $0xC0, s5  }
0xce: {  	[tilespmem:s22], [sflag:$0x2] =	stream.indirect.gather [hbm4b:s11+s19], $0x80, s7, s19, $0xb8;
	[tilespmem:$0x1E800] =	vst v63  }
0xcf: {  	_ =	swait.ge [sflag:s26], $0x4000  }
0xd0: {  	[sflag:s26] =	ssyncset.done $0x0  }
0xd1: {  	s8 =	sadd.s32 $0x1400, s5;
	[sflag:s26] =	ssyncadd.s32 $0xFFFFC000  }
0xd2: {  	[spmem:s1] =	stream.indirect.scatter.add.f32 [tilespmem:s16], [sflag:$0x3], $0x80, s8, s28, $0xb8;
	[tilespmem:$0x1E800] =	vst v63  }
0xd3: {  	_ =	swait.ge [sflag:s17], $0x4000  }
0xd4: {  	[sflag:s17] =	ssyncset.done $0x0  }
0xd5: {  	s9 =	sadd.s32 $0x100, s5;
	[sflag:s17] =	ssyncadd.s32 $0xFFFFC000  }
0xd6: {  	[tilespmem:s16], [sflag:$0x1] =	stream.indirect.gather [hbm4b:s11+s19], $0x80, s9, s19, $0xb8;
	[tilespmem:$0x1E800] =	vst v63  }
0xd7: {  	s7 =	sadd.s32 $0x140, s5  }
0xd8: {  	[tilespmem:s20], [sflag:$0x1] =	stream.indirect.gather [hbm4b:s11+s19], $0x80, s7, s19, $0xb8;
	[tilespmem:$0x1E800] =	vst v63  }
0xd9: {  	_ =	swait.ge [sflag:s29], $0x4000  }
0xda: {  	[sflag:s29] =	ssyncset.done $0x0  }
0xdb: {  	s8 =	sadd.s32 $0x1480, s5;
	[sflag:s29] =	ssyncadd.s32 $0xFFFFC000  }
0xdc: {  	[spmem:s1] =	stream.indirect.scatter.add.f32 [tilespmem:s21], [sflag:$0x3], $0x80, s8, s28, $0xb8;
	[tilespmem:$0x1E800] =	vst v63  }
0xdd: {  	_ =	swait.ge [sflag:s17], $0x4000  }
0xde: {  	[sflag:s17] =	ssyncset.done $0x0  }
0xdf: {  	[sflag:s17] =	ssyncadd.s32 $0xFFFFC000  }
0xe0: {  	[tilespmem:s21], [sflag:$0x2] =	stream.indirect.gather [hbm4b:s11+s19], $0x80, s30, s19, $0xb8;
	[tilespmem:$0x1E800] =	vst v63  }
0xe1: {  	_ = 	snop  }
0xe2: {  	[tilespmem:s22], [sflag:$0x2] =	stream.indirect.gather [hbm4b:s11+s19], $0x80, s31, s19, $0xb8;
	[tilespmem:$0x1E800] =	vst v63  }
0xe3: {  	_ =	swait.ge [sflag:s26], $0x4000  }
0xe4: {  	[sflag:s26] =	ssyncset.done $0x0  }
0xe5: {  	[sflag:s26] =	ssyncadd.s32 $0xFFFFC000  }
0xe6: {  	[spmem:s1] =	stream.indirect.scatter.add.f32 [tilespmem:s16], [sflag:$0x3], $0x80, s0, s28, $0xb8;
	[tilespmem:$0x1E800] =	vst v63  }
0xe7: {  	_ =	swait.ge [sflag:s17], $0x4000  }
0xe8: {  	[sflag:s17] =	ssyncset.done $0x0  }
0xe9: {  	[sflag:s17] =	ssyncadd.s32 $0xFFFFC000  }
0xea: {  	_ =	swait.ge [sflag:s29], $0x4000  }
0xeb: {  	[sflag:s29] =	ssyncset.done $0x0  }
0xec: {  	[sflag:s29] =	ssyncadd.s32 $0xFFFFC000  }
0xed: {  	[spmem:s1] =	stream.indirect.scatter.add.f32 [tilespmem:s21], [sflag:$0x3], $0x80, s3, s28, $0xb8;
	[tilespmem:$0x1E800] =	vst v63  }
0xee: {  	_ =	swait.ge [sflag:s17], $0x4000  }
0xef: {  	s9 =	stileid.u32;
	[sflag:s17] =	ssyncset.done $0x0  }
0xf0: {  	s5 =	sshll.u32 s9, $0x6;
	[sflag:s17] =	ssyncadd.s32 $0xFFFFC000  }
0xf1: {  	s5 =	sor.u32 $0x1C03, s5;
	[bflag:$0x0] =	sbarrier.arrive $0xFFFF  }
0xf2: {  	[hbm:s23], [sflag:s5] =	dma.local [spmem:s24], $0x2700  }
0xf3: {  	_ =	swait.ge [sflag:s17], $0x2700  }
0xf4: {  	s2 =	sadd.s32 $0x1, s2;
	[sflag:s17] =	ssyncset.done $0x0  }
0xf5: {  	s6 =	sadd.s32 @!p0 $0x27000, s14;
	p1 =	sne.s32 s2, s15;
	[sflag:s17] =	ssyncadd.s32 $0xFFFFD900  }
0xf6: {  	[hbm:s6], [sflag:s5] =	dma.local @!p0 [spmem:s25], $0x100  }
.Ltmp3:
0xf7: {  	_ = 	snop;
	(pc) =	sbr.rel @p1 .LBB2_1-.Ltmp3, $4  }
0xf8: {  	s5 =	simm.s32 @!p0 $0x3  }
0xf9: {  	_ =	swait.ge @!p0 [sflag:s5], $0x100  }
0xfa: {  	[sflag:s5] =	ssyncset.done @!p0 $0x0  }
0xfb: {  	[sflag:s5] =	ssyncadd.s32 @!p0 $0xFFFFFF00  }
0xfc: {  	_ =	sfence.sel $0x180000  }
0xfd: {  	[bflag:$0x0] =	sbarrier.arrive $0xFFFF  }
0xfe: {  	_ =	strace $0x9000004A  }
0xff: {  	s0 =	stileid.u32;
	[bflag:$0x2] =	sbarrier.arrive $0xFFFF  }
0x100: {  	p0 =	sne.s32 s0, $0x0;
	s0 =	rddreg [dreg:$0x2]  }
0x101: {  	s0 =	sadd.s32 @!p0 $0x100000, s0  }
0x102: {  	[sflag:s0] =	ssyncadd.tile.s32 @!p0 $0x1;
	_ =	shalt  }
.Lfunc_end2:
_tile_overlayer_lowered:
.L_overlay_start_2:
0x103: {  	(tag) =	ssettag $0x2  }
0x104: {  	s0 =	rddreg [dreg:$0x0];
	s2 =	stileid.u32  }
0x105: {  	s1 =	rddreg [dreg:$0x1];
	p0 =	sne.s32 s2, $0x0  }
0x106: {  	s3 =	rddreg [dreg:$0x2];
	[bflag:$0x3] =	sbarrier.arrive $0xFFFF;
	s2 =	simm.s32 @!p0 $0x1C03  }
0x107: {  	[timem:s3], [sflag:s2] =	dma.local @!p0 [hbm:s0], s1  }
0x108: {  	s0 =	simm.s32 @!p0 $0x3  }
0x109: {  	_ =	swait.ge @!p0 [sflag:s0], s1  }
0x10a: {  	s1 =	ssub.s32 @!p0 $0x0, s1;
	[sflag:s0] =	ssyncset.done @!p0 $0x0  }
0x10b: {  	[sflag:s0] =	ssyncadd.s32 @!p0 s1  }
0x10c: {  	[bflag:$0x3] =	sbarrier.arrive $0xFFFF  }
0x10d: {  	_ =	shalt  }

// kernel: kernel.17.cloned.1.call-start
scs
__scs_entry_jumppad:
0x0: {  	(pc) =	sbr.rel $0x88, $3  }
0x1: {  	(tag) =	ssettag $0x0;
	lr =	simm.s32 $0x1  }
0x2: {  	[smem:$0x3F93] =	sst lr;
	_ =	strace $0xD0000000  }
0x3: {  	_ = 	snop  }
0x4: {  	_ = 	snop  }
0x5: {  	_ = 	snop  }
0x6: {  	_ = 	snop  }
0x7: {  	_ = 	snop  }
__scs_overlays_trampoline_lowered:
0x8: {  	[smem:$0x3FA2] =	sst s0  }
0x9: {  	[smem:$0x3FA3] =	sst s1  }
0xa: {  	[smem:$0x3FA4] =	sst s2  }
0xb: {  	[smem:$0x3FA5] =	sst s3  }
0xc: {  	[smem:$0x3FA6] =	sst s4  }
0xd: {  	[smem:$0x3FA7] =	sst s5  }
0xe: {  	[smem:$0x3FA8] =	sst s6  }
0xf: {  	[smem:$0x3FA9] =	sst s7  }
0x10: {  	[smem:$0x3FAA] =	sst s8  }
0x11: {  	[smem:$0x3FAB] =	sst s9;
	s0 =	simm.s32 @!p0 $0x0  }
0x12: {  	s1 =	sld [smem:$0x3F91];
	s0 =	simm.s32 @p0 $0x1  }
0x13: {  	[smem:$0x3FAC] =	sst s0;
	s0 =	simm.s32 @!p1 $0x0  }
0x14: {  	s2 =	sld [smem:$0x3F90];
	s0 =	simm.s32 @p1 $0x1  }
0x15: {  	[smem:$0x3FAD] =	sst s0;
	s0 =	simm.s32 @!p2 $0x0  }
0x16: {  	s3 =	sld [smem:$0x3FDB];
	s0 =	simm.s32 @p2 $0x1  }
0x17: {  	s4 =	simm.s32 $0x1BF5;
	[smem:$0x3FAF] =	sst s0  }
0x18: {  	s0 =	sld [smem:$0x3F92];
	_ =	swait.ge [sflag:s4], $0x0  }
0x19: {  	s7 =	sld [smem:$0x3F93]  }
0x1a: {  	s8 =	sadd.s32 $0xFFFFE003, lr  }
0x1b: {  	s9 =	sadd.s32 $0xFFFFFEF7, lr;
	s5 =	simm.s32 $0xFFFFFFFF;
	p2 =	slt.u32 s8, $0xFFFFF086  }
0x1c: {  	p1 =	slt.u32 s9, $0xF7A;
	s5 =	simm.s32 @!p2 $0x0  }
0x1d: {  	s5 =	simm.s32 @p1 $0x1;
	p0 =	seq.s32 s7, s2  }
0x1e: {  	s7 =	smul.u32 @!p0 $0xF7A, s2;
	p2 =	seq.s32 @!p0 s5, $0x0  }
0x1f: {  	s9 =	smul.u32 $0xF7A, s1;
	s8 =	simm.s32 @!p0 $0x1BF5;
	p2 =	por !p2, p0  }
0x20: {  	[sflag:s8] =	ssyncset.s32 @!p0 $0xFFFFF086;
	s6 =	sadd.s32 @!p0 s3, s7;
	s7 =	simm.s32 @!p0 $0x108  }
0x21: {  	s3 =	sadd.s32 s3, s9;
	s6 =	sadd.s32 @!p0 $0x88, s6;
	s7 =	simm.s32 @p2 $0x1082  }
0x22: {  	[simem:s7], [sflag:s8] =	dma.local @!p0 [hbm:s6], $0xF7A  }
0x23: {  	s9 =	sor.u32 $0xD0000000, s2;
	s6 =	simm.s32 $0x108;
	_ =	swait.ge @!p0 [sflag:s8], $0x0  }
0x24: {  	s3 =	sadd.s32 $0x88, s3;
	s6 =	simm.s32 @!p1 $0x1082;
	[sflag:s4] =	ssyncset.s32 $0xFFFFF086  }
0x25: {  	[simem:s6], [sflag:s4] =	dma.local [hbm:s3], $0xF7A  }
0x26: {  	[smem:$0x3F93] =	sst s1;
	(tag) =	ssettag s2;
	_ =	strace s9  }
0x27: {  	s1 =	sld [smem:$0x3FA3]  }
0x28: {  	s2 =	sld [smem:$0x3FA4]  }
0x29: {  	s4 =	sld [smem:$0x3FA6]  }
0x2a: {  	p0 =	seq.s32 s5, $0x0;
	s5 =	sld [smem:$0x3FA7]  }
0x2b: {  	s6 =	sld [smem:$0x3FA8]  }
0x2c: {  	s7 =	sld [smem:$0x3FA9]  }
0x2d: {  	s3 =	simm.s32 $0x108;
	s8 =	sld [smem:$0x3FAA]  }
0x2e: {  	s3 =	simm.s32 @!p0 $0x1082;
	s9 =	sld [smem:$0x3FAB]  }
0x2f: {  	lr =	sadd.s32 s0, s3;
	s0 =	sld [smem:$0x3FA2]  }
0x30: {  	s3 =	sld [smem:$0x3FA5]  }
0x31: {  	[smem:$0x3FAE] =	sst s10  }
0x32: {  	s10 =	sld [smem:$0x3FAC];
	_ =	sdelay $0x3  }
0x33: {  	p0 =	seq.s32 s10, $0x1;
	s10 =	sld [smem:$0x3FAE];
	_ =	sdelay $0x3  }
0x34: {  	[smem:$0x3FAE] =	sst s10  }
0x35: {  	s10 =	sld [smem:$0x3FAD];
	_ =	sdelay $0x3  }
0x36: {  	p1 =	seq.s32 s10, $0x1;
	s10 =	sld [smem:$0x3FAE];
	_ =	sdelay $0x3  }
0x37: {  	[smem:$0x3FAE] =	sst s10  }
0x38: {  	s10 =	sld [smem:$0x3FAF]  }
0x39: {  	_ = 	snop;
	(pc) =	sbr.ind lr, $3  }
0x3a: {  	_ = 	snop  }
0x3b: {  	_ = 	snop  }
0x3c: {  	p2 =	seq.s32 s10, $0x1;
	s10 =	sld [smem:$0x3FAE]  }
0x3d: {  	_ =	shalt  }
0x3e: {  	_ =	shalt  }
0x3f: {  	_ =	shalt  }
0x40: {  	_ =	shalt  }
0x41: {  	_ =	shalt  }
0x42: {  	_ =	shalt  }
0x43: {  	_ =	shalt  }
0x44: {  	_ =	shalt  }
0x45: {  	_ =	shalt  }
0x46: {  	_ =	shalt  }
0x47: {  	_ =	shalt  }
0x48: {  	_ =	shalt  }
0x49: {  	_ =	shalt  }
0x4a: {  	_ =	shalt  }
0x4b: {  	_ =	shalt  }
0x4c: {  	_ =	shalt  }
0x4d: {  	_ =	shalt  }
0x4e: {  	_ =	shalt  }
0x4f: {  	_ =	shalt  }
0x50: {  	_ =	shalt  }
0x51: {  	_ =	shalt  }
0x52: {  	_ =	shalt  }
0x53: {  	_ =	shalt  }
0x54: {  	_ =	shalt  }
0x55: {  	_ =	shalt  }
0x56: {  	_ =	shalt  }
0x57: {  	_ =	shalt  }
0x58: {  	_ =	shalt  }
0x59: {  	_ =	shalt  }
0x5a: {  	_ =	shalt  }
0x5b: {  	_ =	shalt  }
0x5c: {  	_ =	shalt  }
0x5d: {  	_ =	shalt  }
0x5e: {  	_ =	shalt  }
0x5f: {  	_ =	shalt  }
0x60: {  	_ =	shalt  }
0x61: {  	_ =	shalt  }
0x62: {  	_ =	shalt  }
0x63: {  	_ =	shalt  }
0x64: {  	_ =	shalt  }
0x65: {  	_ =	shalt  }
0x66: {  	_ =	shalt  }
0x67: {  	_ =	shalt  }
0x68: {  	_ =	shalt  }
0x69: {  	_ =	shalt  }
0x6a: {  	_ =	shalt  }
0x6b: {  	_ =	shalt  }
0x6c: {  	_ =	shalt  }
0x6d: {  	_ =	shalt  }
0x6e: {  	_ =	shalt  }
0x6f: {  	_ =	shalt  }
0x70: {  	_ =	shalt  }
0x71: {  	_ =	shalt  }
0x72: {  	_ =	shalt  }
0x73: {  	_ =	shalt  }
0x74: {  	_ =	shalt  }
0x75: {  	_ =	shalt  }
0x76: {  	_ =	shalt  }
0x77: {  	_ =	shalt  }
0x78: {  	_ =	shalt  }
0x79: {  	_ =	shalt  }
0x7a: {  	_ =	shalt  }
0x7b: {  	_ =	shalt  }
0x7c: {  	_ =	shalt  }
0x7d: {  	_ =	shalt  }
0x7e: {  	_ =	shalt  }
0x7f: {  	_ =	shalt  }
0x80: {  	_ =	shalt  }
0x81: {  	_ =	shalt  }
0x82: {  	_ =	shalt  }
0x83: {  	_ =	shalt  }
0x84: {  	_ =	shalt  }
0x85: {  	_ =	shalt  }
0x86: {  	_ =	shalt  }
0x87: {  	_ =	shalt  }
.Lfunc_end0:
.L_simem_size_0:
called_computation.2_lowered:
.L_overlay_start_0:
0x88: {  	s2 =	sld [smem:$0x3FD9]  }
0x89: {  	s3 =	sld [smem:$0x3FFE];
	_ =	sdelay $0x1  }
0x8a: {  	s1 =	srdreg.scid  }
0x8b: {  	s0 =	sand.u32 $0x1, s1  }
0x8c: {  	s16 =	sshll.u32 s0, $0xA;
	s2 =	sadd.s32 s3, s2  }
0x8d: {  	s2 =	sadd.s32 s2, s16  }
0x8e: {  	[smem:$0x3FBA] =	sst s2  }
0x8f: {  	_ = 	snop  }
0x90: {  	(tm) =	ssettm $0x1  }
0x91: {  	s17 =	sld [smem:$0x3FFB];
	_ =	sdelay $0x3  }
0x92: {  	_ =	strace s17  }
0x93: {  	s2 =	sld [smem:$0x3FFC];
	_ =	sdelay $0x3  }
0x94: {  	_ =	strace s2  }
0x95: {  	s2 =	sld [smem:$0x3FFD];
	_ =	sdelay $0x3  }
0x96: {  	_ =	strace s2  }
0x97: {  	_ =	strace $0x8FFFFFFF  }
0x98: {  	s18 =	sld [smem:$0x3FDB];
	_ =	sdelay $0x1  }
0x99: {  	s19 =	simm.s32 $_scs_section_size  }
0x9a: {  	s4 =	simm.s32 $_size__tile_overlayer_lowered;
	s5 =	simm.s32 $_tile_overlayer_lowered  }
0x9b: {  	s22 =	simm.s32 $0x1BFF;
	s21 =	sshll.u32 s5, $0x1;
	s2 =	sadd.s32 s19, s18  }
0x9c: {  	s6 =	simm.s32 $0x0;
	s20 =	sshll.u32 s4, $0x1;
	s4 =	sadd.s32 s21, s2  }
0x9d: {  	[timem:s6], [sflag:s22] =	dma.local [hbm:s4], s20  }
0x9e: {  	_ =	swait.ge [sflag:s22], s20  }
0x9f: {  	s3 =	ssub.s32 $0x0, s20;
	[sflag:s22] =	ssyncset.done $0x0  }
0xa0: {  	[sflag:s22] =	ssyncadd.s32 s3;
	_ =	sdelay $0x1  }
0xa1: {  	s23 =	simm.s32 $0x1B8B  }
0xa2: {  	_ =	swait.ge [sflag:s23], $0x1  }
0xa3: {  	[sflag:s23] =	ssyncset.done $0x0  }
0xa4: {  	s25 =	simm.s32 $0x1B8E;
	s24 =	sld [smem:$0x3FFE];
	[sflag:s23] =	ssyncadd.s32 $0xFFFFFFFF  }
0xa5: {  	s26 =	simm.s32 $execute0_lowered;
	[smem:$0x3FD2] =	sst s25  }
0xa6: {  	s4 =	sshll.u32 s26, $0x1;
	_ =	strace $0x8000004C;
	[dreg:$0x1] =	wrdreg $0xFFFFFFFF  }
0xa7: {  	s28 =	simm.s32 $_size_execute0_lowered;
	s2 =	sadd.s32 s2, s4;
	[dreg:$0x0] =	wrdreg $0x0  }
0xa8: {  	s4 =	sshll.u32 s28, $0x1;
	[dreg:$0x2] =	wrdreg s2  }
0xa9: {  	[dreg:$0x3] =	wrdreg s4  }
0xaa: {  	[dreg:$0x4] =	wrdreg $0xC0  }
0xab: {  	_ =	task [dreg:s6], $0x5FFFF  }
0xac: {  	[dreg:$0x1] =	wrdreg $0xFFFFFFFF  }
0xad: {  	[dreg:$0x0] =	wrdreg $0x60  }
0xae: {  	[dreg:$0x2] =	wrdreg s24  }
0xaf: {  	[dreg:$0x3] =	wrdreg $0xA8000  }
0xb0: {  	[dreg:$0x4] =	wrdreg $0x9  }
0xb1: {  	_ =	task.clear_ibuf [dreg:s6], $0x5FFFF;
	_ =	strace $0x9000004C  }
0xb2: {  	s29 =	simm.s32 $0x9;
	_ =	strace $0x8000004E  }
0xb3: {  	_ =	swait.ge [sflag:s29], $0x1  }
0xb4: {  	[sflag:s29] =	ssyncadd.s32 $0xFFFFFFFF  }
0xb5: {  	_ =	strace $0x9000004E  }
0xb6: {  	_ =	sfence  }
0xb7: {  	s30 =	sld [smem:$0x0];
	_ =	sdelay $0x2  }
0xb8: {  	s31 =	sshll.u32 s1, $0xD;
	s1 =	sshrl.u32 s1, $0x2  }
0xb9: {  	s3 =	sand.u32 $0x4000, s31;
	s1 =	sadd.s32 s1, s30  }
0xba: {  	s0 =	sor.u32 s3, s0;
	s1 =	sshll.u32 s1, $0x11  }
0xbb: {  	s0 =	sor.u32 s1, s0  }
0xbc: {  	s0 =	sadd.s32 $0x8F2B, s0  }
0xbd: {  	[sflag:s0] =	ssyncadd.remote.s32 $0x1  }
0xbe: {  	_ =	sfence.sel $0xFFFF  }
0xbf: {  	[dreg:$0x0] =	wrdreg $0xFFFFFFFF;
	(pc) =	sbr.abs _section_cstart, $3  }
0xc0: {  	[dreg:$0x1] =	wrdreg $0xFFFFFFFF  }
0xc1: {  	_ =	task.clear_ibuf [dreg:s6], $0x2FFFF;
	_ =	strace $0x9FFFFFFF  }
0xc2: {  	(tm) =	ssettm $0x7FFFFFFF  }
0xc3: {  	_ =	shalt  }
tec
execute0_lowered:
.L_overlay_start_1:
0x0: {  	(tag) =	ssettag $0x1  }
0x1: {  	s0 =	rddreg [dreg:$0x0]  }
0x2: {  	s1 =	rddreg [dreg:$0x1];
	s2 =	simm.s32 $0x0  }
0x3: {  	s3 =	srdreg.scid;
	s7 =	stileid.u32;
	s16 =	simm.s32 $0x2800  }
0x4: {  	s17 =	simm.s32 $0x3;
	s28 =	simm.s32 $0x80;
	s5 =	smul.u32 $0x50000, s7  }
0x5: {  	s29 =	simm.s32 $0x2;
	s30 =	simm.s32 $0x1380;
	s19 =	smul.u32 $0x2800, s7  }
0x6: {  	s31 =	simm.s32 $0x13C0;
	[smem:$0x7FF] =	sst s2;
	s14 =	smul.u32 $0x4E000, s7  }
0x7: {  	s3 =	sand.u32 $0x1, s3;
	s6 =	sadd.s32 $0x52000, s0;
	s26 =	smul.u32 $0x2700, s7  }
0x8: {  	s13 =	sadd.s32 $0x57000, s0;
	s4 =	smul.u32 $0x27100, s3;
	s3 =	ssub.s32 $0x2, s3  }
0x9: {  	p0 =	sne.s32 s7, $0xF;
	_ =	strace $0x8000004D;
	s18 =	sshrl.u32 s3, $0x1  }
0xa: {  	s5 =	sshrl.u32 s5, $0x2;
	s24 =	sshrl.u32 s14, $0x2;
	s0 =	sadd.s32 s4, s0  }
0xb: {  	s3 =	ssub.s32 s3, s18;
	s4 =	sadd.s32 s5, s1;
	s5 =	sshrl.u32 s19, $0x3  }
0xc: {  	s25 =	sadd.s32 s24, s1;
	s18 =	simm.s32 $0x1400;
	s19 =	simm.s32 $0x40  }
0xd: {  	s8 =	sadd.s32 $0x4000, s4;
	s20 =	sadd.s32 $0x8000, s4;
	s21 =	sadd.s32 $0xC000, s4  }
0xe: {  	s22 =	sadd.s32 $0x10000, s4;
	s23 =	sadd.s32 s6, s5;
	[dreg:$0x3] =	wrdreg s8  }
0xf: {  	s10 =	sadd.s32 s13, s5;
	s5 =	sadd.s32 $0x280, s5;
	[dreg:$0x4] =	wrdreg s20  }
0x10: {  	s11 =	sadd.s32 $0x3E00, s0;
	s14 =	sadd.s32 $0x5C000, s0;
	[dreg:$0x5] =	wrdreg s21  }
0x11: {  	s15 =	smax.u32 s3, $0x1;
	s24 =	sshrl.u32 s25, $0x3;
	[dreg:$0x6] =	wrdreg s22  }
0x12: {  	s0 =	simm.s32 $0x2700;
	s3 =	simm.s32 $0x2780;
	[dreg:$0x7] =	wrdreg s23  }
0x13: {  	s12 =	sadd.s32 s6, s5;
	s13 =	sadd.s32 s13, s5;
	s6 =	sadd.s32 $0x138000, s1  }
0x14: {  	s20 =	simm.s32 $0x4800;
	s21 =	simm.s32 $0x6800;
	s22 =	simm.s32 $0x8800  }
0x15: {  	v0 =	vimm.f32 $0.0e+00;
	s23 =	sadd.s32 s26, s14;
	s26 =	simm.s32 $0x1;
	s25 =	sshrl.u32 @!p0 s6, $0x3  }
.LBB2_1:
0x16: {  	s5 =	simm.s32 $0x0;
	s6 =	simm.s32 $0x200  }
.LBB2_2:
0x17: {  	p1 =	sne.s32 s6, $0xFE00;
	[tilespmem:s5+$0x2870] =	vst v0  }
0x18: {  	[tilespmem:s5+$0x2800] =	vst v0  }
0x19: {  	[tilespmem:s5+$0x2810] =	vst v0  }
.Ltmp0:
0x1a: {  	[tilespmem:s5+$0x2820] =	vst v0;
	(pc) =	sbr.rel @p1 .LBB2_2-.Ltmp0, $4  }
0x1b: {  	[tilespmem:s5+$0x2830] =	vst v0  }
0x1c: {  	[tilespmem:s5+$0x2840] =	vst v0  }
0x1d: {  	[tilespmem:s5+$0x2850] =	vst v0  }
0x1e: {  	[tilespmem:s5+$0x2860] =	vst v0;
	s5 =	sshra.s32 s6, $0x2;
	s6 =	sadd.s32 $0x200, s6  }
0x1f: {  	[tilespmem:s5+$0x2870] =	vst v0  }
0x20: {  	[tilespmem:s5+$0x2800] =	vst v0  }
0x21: {  	[tilespmem:s5+$0x2810] =	vst v0  }
0x22: {  	[tilespmem:s5+$0x2820] =	vst v0  }
0x23: {  	[tilespmem:s5+$0x2830] =	vst v0  }
0x24: {  	[tilespmem:s5+$0x2840] =	vst v0  }
0x25: {  	[tilespmem:s5+$0x2850] =	vst v0  }
0x26: {  	[tilespmem:s5+$0x2860] =	vst v0  }
0x27: {  	[spmem:s4] =	stream.linear.scatter [tilespmem:s16], [sflag:$0x3], $0x4000, $0x38;
	[tilespmem:$0x1E800] =	vst v63  }
0x28: {  	_ =	swait.ge [sflag:s17], $0x4000  }
0x29: {  	[sflag:s17] =	ssyncset.done $0x0  }
0x2a: {  	s7 =	rddreg [dreg:$0x3];
	[sflag:s17] =	ssyncadd.s32 $0xFFFFC000  }
0x2b: {  	[spmem:s7] =	stream.linear.scatter [tilespmem:s16], [sflag:$0x3], $0x4000, $0x38;
	[tilespmem:$0x1E800] =	vst v63  }
0x2c: {  	_ =	swait.ge [sflag:s17], $0x4000  }
0x2d: {  	[sflag:s17] =	ssyncset.done $0x0  }
0x2e: {  	s8 =	rddreg [dreg:$0x4];
	[sflag:s17] =	ssyncadd.s32 $0xFFFFC000  }
0x2f: {  	[spmem:s8] =	stream.linear.scatter [tilespmem:s16], [sflag:$0x3], $0x4000, $0x38;
	[tilespmem:$0x1E800] =	vst v63  }
0x30: {  	_ =	swait.ge [sflag:s17], $0x4000  }
0x31: {  	[sflag:s17] =	ssyncset.done $0x0  }
0x32: {  	s9 =	rddreg [dreg:$0x5];
	[sflag:s17] =	ssyncadd.s32 $0xFFFFC000  }
0x33: {  	[spmem:s9] =	stream.linear.scatter [tilespmem:s16], [sflag:$0x3], $0x4000, $0x38;
	[tilespmem:$0x1E800] =	vst v63  }
0x34: {  	_ =	swait.ge [sflag:s17], $0x4000  }
0x35: {  	[sflag:s17] =	ssyncset.done $0x0  }
0x36: {  	s6 =	rddreg [dreg:$0x6];
	[sflag:s17] =	ssyncadd.s32 $0xFFFFC000  }
0x37: {  	[spmem:s6] =	stream.linear.scatter [tilespmem:s16], [sflag:$0x3], $0x4000, $0x38;
	[tilespmem:$0x1E800] =	vst v63  }
0x38: {  	_ =	swait.ge [sflag:s17], $0x4000  }
0x39: {  	[sflag:s17] =	ssyncset.done $0x0  }
0x3a: {  	[sflag:s17] =	ssyncadd.s32 $0xFFFFC000  }
0x3b: {  	[bflag:$0x0] =	sbarrier.arrive $0xFFFF  }
0x3c: {  	s7 =	simm.s32 $0x0;
	s6 =	rddreg [dreg:$0x7]  }
0x3d: {  	[tilespmem:s7], [sflag:$0x3] =	stream.linear.gather [hbm4b:s6+s7], $0x1400, $0x38;
	[tilespmem:$0x1E800] =	vst v63  }
0x3e: {  	_ =	swait.ge [sflag:s17], $0x1400  }
0x3f: {  	[sflag:s17] =	ssyncset.done $0x0  }
0x40: {  	[sflag:s17] =	ssyncadd.s32 $0xFFFFEC00  }
0x41: {  	[tilespmem:s18], [sflag:$0x3] =	stream.linear.gather [hbm4b:s10+s7], $0x1400, $0x38;
	[tilespmem:$0x1E800] =	vst v63  }
0x42: {  	_ =	swait.ge [sflag:s17], $0x1400  }
0x43: {  	[sflag:s17] =	ssyncset.done $0x0  }
0x44: {  	[sflag:s17] =	ssyncadd.s32 $0xFFFFEC00  }
0x45: {  	[tilespmem:s16], [sflag:$0x1] =	stream.indirect.gather [hbm4b:s11+s19], $0x80, s7, s19, $0xb8;
	[tilespmem:$0x1E800] =	vst v63  }
0x46: {  	_ = 	snop  }
0x47: {  	[tilespmem:s20], [sflag:$0x1] =	stream.indirect.gather [hbm4b:s11+s19], $0x80, s19, s19, $0xb8;
	[tilespmem:$0x1E800] =	vst v63  }
0x48: {  	s8 =	simm.s32 $0x80  }
0x49: {  	[tilespmem:s21], [sflag:$0x2] =	stream.indirect.gather [hbm4b:s11+s19], $0x80, s8, s19, $0xb8;
	[tilespmem:$0x1E800] =	vst v63  }
0x4a: {  	s9 =	simm.s32 $0xC0  }
0x4b: {  	[tilespmem:s22], [sflag:$0x2] =	stream.indirect.gather [hbm4b:s11+s19], $0x80, s9, s19, $0xb8;
	[tilespmem:$0x1E800] =	vst v63  }
0x4c: {  	_ =	swait.ge [sflag:s26], $0x4000  }
0x4d: {  	[sflag:s26] =	ssyncset.done $0x0  }
0x4e: {  	s6 =	simm.s32 $0x1400;
	[sflag:s26] =	ssyncadd.s32 $0xFFFFC000  }
0x4f: {  	[spmem:s1] =	stream.indirect.scatter.add.f32 [tilespmem:s16], [sflag:$0x3], $0x80, s6, s28, $0xb8;
	[tilespmem:$0x1E800] =	vst v63  }
0x50: {  	_ =	swait.ge [sflag:s17], $0x4000  }
0x51: {  	[sflag:s17] =	ssyncset.done $0x0  }
0x52: {  	s7 =	simm.s32 $0x100;
	[sflag:s17] =	ssyncadd.s32 $0xFFFFC000  }
0x53: {  	[tilespmem:s16], [sflag:$0x1] =	stream.indirect.gather [hbm4b:s11+s19], $0x80, s7, s19, $0xb8;
	[tilespmem:$0x1E800] =	vst v63  }
0x54: {  	s8 =	simm.s32 $0x140  }
0x55: {  	[tilespmem:s20], [sflag:$0x1] =	stream.indirect.gather [hbm4b:s11+s19], $0x80, s8, s19, $0xb8;
	[tilespmem:$0x1E800] =	vst v63  }
0x56: {  	_ =	swait.ge [sflag:s29], $0x4000  }
0x57: {  	[sflag:s29] =	ssyncset.done $0x0  }
0x58: {  	s9 =	simm.s32 $0x1480;
	[sflag:s29] =	ssyncadd.s32 $0xFFFFC000  }
0x59: {  	[spmem:s1] =	stream.indirect.scatter.add.f32 [tilespmem:s21], [sflag:$0x3], $0x80, s9, s28, $0xb8;
	[tilespmem:$0x1E800] =	vst v63  }
0x5a: {  	_ =	swait.ge [sflag:s17], $0x4000  }
0x5b: {  	s5 =	simm.s32 $0x100;
	s6 =	simm.s32 $0x800;
	[sflag:s17] =	ssyncset.done $0x0  }
.LBB2_4:
0x5c: {  	s7 =	sadd.s32 $0x80, s5  }
0x5d: {  	[sflag:s17] =	ssyncadd.s32 $0xFFFFC000;
	s8 =	smov.u32 s6;
	s9 =	sadd.s32 $0x400, s6  }
0x5e: {  	[tilespmem:s21], [sflag:$0x2] =	stream.indirect.gather [hbm4b:s11+s19], $0x80, s7, s19, $0xb8;
	[tilespmem:$0x1E800] =	vst v63  }
0x5f: {  	p1 =	sne.s32 s6, $0x4800;
	s6 =	sadd.s32 $0xC0, s5  }
0x60: {  	[tilespmem:s22], [sflag:$0x2] =	stream.indirect.gather [hbm4b:s11+s19], $0x80, s6, s19, $0xb8;
	[tilespmem:$0x1E800] =	vst v63  }
0x61: {  	_ =	swait.ge [sflag:s26], $0x4000  }
0x62: {  	[sflag:s26] =	ssyncset.done $0x0  }
0x63: {  	s6 =	sadd.s32 $0x1400, s5;
	[sflag:s26] =	ssyncadd.s32 $0xFFFFC000  }
0x64: {  	[spmem:s1] =	stream.indirect.scatter.add.f32 [tilespmem:s16], [sflag:$0x3], $0x80, s6, s28, $0xb8;
	[tilespmem:$0x1E800] =	vst v63  }
0x65: {  	_ =	swait.ge [sflag:s17], $0x4000  }
0x66: {  	[sflag:s17] =	ssyncset.done $0x0  }
0x67: {  	s6 =	sadd.s32 $0x100, s5;
	[sflag:s17] =	ssyncadd.s32 $0xFFFFC000  }
0x68: {  	[tilespmem:s16], [sflag:$0x1] =	stream.indirect.gather [hbm4b:s11+s19], $0x80, s6, s19, $0xb8;
	[tilespmem:$0x1E800] =	vst v63  }
0x69: {  	s6 =	sadd.s32 $0x140, s5  }
0x6a: {  	[tilespmem:s20], [sflag:$0x1] =	stream.indirect.gather [hbm4b:s11+s19], $0x80, s6, s19, $0xb8;
	[tilespmem:$0x1E800] =	vst v63  }
0x6b: {  	_ =	swait.ge [sflag:s29], $0x4000  }
.Ltmp1:
0x6c: {  	[sflag:s29] =	ssyncset.done $0x0;
	(pc) =	sbr.rel @p1 .LBB2_4-.Ltmp1, $4  }
0x6d: {  	s5 =	sadd.s32 $0x1480, s5;
	[sflag:s29] =	ssyncadd.s32 $0xFFFFC000  }
0x6e: {  	[spmem:s1] =	stream.indirect.scatter.add.f32 [tilespmem:s21], [sflag:$0x3], $0x80, s5, s28, $0xb8;
	[tilespmem:$0x1E800] =	vst v63  }
0x6f: {  	_ =	swait.ge [sflag:s17], $0x4000  }
0x70: {  	s6 =	smov.u32 s9;
	s5 =	sshra.s32 s8, $0x2;
	[sflag:s17] =	ssyncset.done $0x0  }
0x71: {  	s6 =	sadd.s32 $0x80, s5;
	[sflag:s17] =	ssyncadd.s32 $0xFFFFC000  }
0x72: {  	[tilespmem:s21], [sflag:$0x2] =	stream.indirect.gather [hbm4b:s11+s19], $0x80, s6, s19, $0xb8;
	[tilespmem:$0x1E800] =	vst v63  }
0x73: {  	s9 =	sadd.s32 $0xC0, s5  }
0x74: {  	[tilespmem:s22], [sflag:$0x2] =	stream.indirect.gather [hbm4b:s11+s19], $0x80, s9, s19, $0xb8;
	[tilespmem:$0x1E800] =	vst v63  }
0x75: {  	_ =	swait.ge [sflag:s26], $0x4000  }
0x76: {  	[sflag:s26] =	ssyncset.done $0x0  }
0x77: {  	s7 =	sadd.s32 $0x1400, s5;
	[sflag:s26] =	ssyncadd.s32 $0xFFFFC000  }
0x78: {  	[spmem:s1] =	stream.indirect.scatter.add.f32 [tilespmem:s16], [sflag:$0x3], $0x80, s7, s28, $0xb8;
	[tilespmem:$0x1E800] =	vst v63  }
0x79: {  	_ =	swait.ge [sflag:s17], $0x4000  }
0x7a: {  	[sflag:s17] =	ssyncset.done $0x0  }
0x7b: {  	s8 =	sadd.s32 $0x100, s5;
	[sflag:s17] =	ssyncadd.s32 $0xFFFFC000  }
0x7c: {  	[tilespmem:s16], [sflag:$0x1] =	stream.indirect.gather [hbm4b:s11+s19], $0x80, s8, s19, $0xb8;
	[tilespmem:$0x1E800] =	vst v63  }
0x7d: {  	s9 =	sadd.s32 $0x140, s5  }
0x7e: {  	[tilespmem:s20], [sflag:$0x1] =	stream.indirect.gather [hbm4b:s11+s19], $0x80, s9, s19, $0xb8;
	[tilespmem:$0x1E800] =	vst v63  }
0x7f: {  	_ =	swait.ge [sflag:s29], $0x4000  }
0x80: {  	[sflag:s29] =	ssyncset.done $0x0  }
0x81: {  	s6 =	sadd.s32 $0x1480, s5;
	[sflag:s29] =	ssyncadd.s32 $0xFFFFC000  }
0x82: {  	[spmem:s1] =	stream.indirect.scatter.add.f32 [tilespmem:s21], [sflag:$0x3], $0x80, s6, s28, $0xb8;
	[tilespmem:$0x1E800] =	vst v63  }
0x83: {  	_ =	swait.ge [sflag:s17], $0x4000  }
0x84: {  	[sflag:s17] =	ssyncset.done $0x0  }
0x85: {  	[sflag:s17] =	ssyncadd.s32 $0xFFFFC000  }
0x86: {  	[tilespmem:s21], [sflag:$0x2] =	stream.indirect.gather [hbm4b:s11+s19], $0x80, s30, s19, $0xb8;
	[tilespmem:$0x1E800] =	vst v63  }
0x87: {  	_ = 	snop  }
0x88: {  	[tilespmem:s22], [sflag:$0x2] =	stream.indirect.gather [hbm4b:s11+s19], $0x80, s31, s19, $0xb8;
	[tilespmem:$0x1E800] =	vst v63  }
0x89: {  	_ =	swait.ge [sflag:s26], $0x4000  }
0x8a: {  	[sflag:s26] =	ssyncset.done $0x0  }
0x8b: {  	[sflag:s26] =	ssyncadd.s32 $0xFFFFC000  }
0x8c: {  	[spmem:s1] =	stream.indirect.scatter.add.f32 [tilespmem:s16], [sflag:$0x3], $0x80, s0, s28, $0xb8;
	[tilespmem:$0x1E800] =	vst v63  }
0x8d: {  	_ =	swait.ge [sflag:s17], $0x4000  }
0x8e: {  	[sflag:s17] =	ssyncset.done $0x0  }
0x8f: {  	[sflag:s17] =	ssyncadd.s32 $0xFFFFC000  }
0x90: {  	_ =	swait.ge [sflag:s29], $0x4000  }
0x91: {  	[sflag:s29] =	ssyncset.done $0x0  }
0x92: {  	[sflag:s29] =	ssyncadd.s32 $0xFFFFC000  }
0x93: {  	[spmem:s1] =	stream.indirect.scatter.add.f32 [tilespmem:s21], [sflag:$0x3], $0x80, s3, s28, $0xb8;
	[tilespmem:$0x1E800] =	vst v63  }
0x94: {  	_ =	swait.ge [sflag:s17], $0x4000  }
0x95: {  	[sflag:s17] =	ssyncset.done $0x0  }
0x96: {  	s7 =	simm.s32 $0x0;
	[sflag:s17] =	ssyncadd.s32 $0xFFFFC000  }
0x97: {  	[tilespmem:s7], [sflag:$0x3] =	stream.linear.gather [hbm4b:s12+s7], $0x1400, $0x38;
	[tilespmem:$0x1E800] =	vst v63  }
0x98: {  	_ =	swait.ge [sflag:s17], $0x1400  }
0x99: {  	[sflag:s17] =	ssyncset.done $0x0  }
0x9a: {  	[sflag:s17] =	ssyncadd.s32 $0xFFFFEC00  }
0x9b: {  	[tilespmem:s18], [sflag:$0x3] =	stream.linear.gather [hbm4b:s13+s7], $0x1400, $0x38;
	[tilespmem:$0x1E800] =	vst v63  }
0x9c: {  	_ =	swait.ge [sflag:s17], $0x1400  }
0x9d: {  	[sflag:s17] =	ssyncset.done $0x0  }
0x9e: {  	[sflag:s17] =	ssyncadd.s32 $0xFFFFEC00  }
0x9f: {  	[tilespmem:s16], [sflag:$0x1] =	stream.indirect.gather [hbm4b:s11+s19], $0x80, s7, s19, $0xb8;
	[tilespmem:$0x1E800] =	vst v63  }
0xa0: {  	_ = 	snop  }
0xa1: {  	[tilespmem:s20], [sflag:$0x1] =	stream.indirect.gather [hbm4b:s11+s19], $0x80, s19, s19, $0xb8;
	[tilespmem:$0x1E800] =	vst v63  }
0xa2: {  	s8 =	simm.s32 $0x80  }
0xa3: {  	[tilespmem:s21], [sflag:$0x2] =	stream.indirect.gather [hbm4b:s11+s19], $0x80, s8, s19, $0xb8;
	[tilespmem:$0x1E800] =	vst v63  }
0xa4: {  	s9 =	simm.s32 $0xC0  }
0xa5: {  	[tilespmem:s22], [sflag:$0x2] =	stream.indirect.gather [hbm4b:s11+s19], $0x80, s9, s19, $0xb8;
	[tilespmem:$0x1E800] =	vst v63  }
0xa6: {  	_ =	swait.ge [sflag:s26], $0x4000  }
0xa7: {  	[sflag:s26] =	ssyncset.done $0x0  }
0xa8: {  	s6 =	simm.s32 $0x1400;
	[sflag:s26] =	ssyncadd.s32 $0xFFFFC000  }
0xa9: {  	[spmem:s1] =	stream.indirect.scatter.add.f32 [tilespmem:s16], [sflag:$0x3], $0x80, s6, s28, $0xb8;
	[tilespmem:$0x1E800] =	vst v63  }
0xaa: {  	_ =	swait.ge [sflag:s17], $0x4000  }
0xab: {  	[sflag:s17] =	ssyncset.done $0x0  }
0xac: {  	s7 =	simm.s32 $0x100;
	[sflag:s17] =	ssyncadd.s32 $0xFFFFC000  }
0xad: {  	[tilespmem:s16], [sflag:$0x1] =	stream.indirect.gather [hbm4b:s11+s19], $0x80, s7, s19, $0xb8;
	[tilespmem:$0x1E800] =	vst v63  }
0xae: {  	s8 =	simm.s32 $0x140  }
0xaf: {  	[tilespmem:s20], [sflag:$0x1] =	stream.indirect.gather [hbm4b:s11+s19], $0x80, s8, s19, $0xb8;
	[tilespmem:$0x1E800] =	vst v63  }
0xb0: {  	_ =	swait.ge [sflag:s29], $0x4000  }
0xb1: {  	[sflag:s29] =	ssyncset.done $0x0  }
0xb2: {  	s9 =	simm.s32 $0x1480;
	[sflag:s29] =	ssyncadd.s32 $0xFFFFC000  }
0xb3: {  	[spmem:s1] =	stream.indirect.scatter.add.f32 [tilespmem:s21], [sflag:$0x3], $0x80, s9, s28, $0xb8;
	[tilespmem:$0x1E800] =	vst v63  }
0xb4: {  	_ =	swait.ge [sflag:s17], $0x4000  }
0xb5: {  	s5 =	simm.s32 $0x100;
	s6 =	simm.s32 $0x800;
	[sflag:s17] =	ssyncset.done $0x0  }
.LBB2_6:
0xb6: {  	s7 =	sadd.s32 $0x80, s5  }
0xb7: {  	[sflag:s17] =	ssyncadd.s32 $0xFFFFC000;
	s8 =	smov.u32 s6;
	s9 =	sadd.s32 $0x400, s6  }
0xb8: {  	[tilespmem:s21], [sflag:$0x2] =	stream.indirect.gather [hbm4b:s11+s19], $0x80, s7, s19, $0xb8;
	[tilespmem:$0x1E800] =	vst v63  }
0xb9: {  	p1 =	sne.s32 s6, $0x4800;
	s6 =	sadd.s32 $0xC0, s5  }
0xba: {  	[tilespmem:s22], [sflag:$0x2] =	stream.indirect.gather [hbm4b:s11+s19], $0x80, s6, s19, $0xb8;
	[tilespmem:$0x1E800] =	vst v63  }
0xbb: {  	_ =	swait.ge [sflag:s26], $0x4000  }
0xbc: {  	[sflag:s26] =	ssyncset.done $0x0  }
0xbd: {  	s6 =	sadd.s32 $0x1400, s5;
	[sflag:s26] =	ssyncadd.s32 $0xFFFFC000  }
0xbe: {  	[spmem:s1] =	stream.indirect.scatter.add.f32 [tilespmem:s16], [sflag:$0x3], $0x80, s6, s28, $0xb8;
	[tilespmem:$0x1E800] =	vst v63  }
0xbf: {  	_ =	swait.ge [sflag:s17], $0x4000  }
0xc0: {  	[sflag:s17] =	ssyncset.done $0x0  }
0xc1: {  	s6 =	sadd.s32 $0x100, s5;
	[sflag:s17] =	ssyncadd.s32 $0xFFFFC000  }
0xc2: {  	[tilespmem:s16], [sflag:$0x1] =	stream.indirect.gather [hbm4b:s11+s19], $0x80, s6, s19, $0xb8;
	[tilespmem:$0x1E800] =	vst v63  }
0xc3: {  	s6 =	sadd.s32 $0x140, s5  }
0xc4: {  	[tilespmem:s20], [sflag:$0x1] =	stream.indirect.gather [hbm4b:s11+s19], $0x80, s6, s19, $0xb8;
	[tilespmem:$0x1E800] =	vst v63  }
0xc5: {  	_ =	swait.ge [sflag:s29], $0x4000  }
.Ltmp2:
0xc6: {  	[sflag:s29] =	ssyncset.done $0x0;
	(pc) =	sbr.rel @p1 .LBB2_6-.Ltmp2, $4  }
0xc7: {  	s5 =	sadd.s32 $0x1480, s5;
	[sflag:s29] =	ssyncadd.s32 $0xFFFFC000  }
0xc8: {  	[spmem:s1] =	stream.indirect.scatter.add.f32 [tilespmem:s21], [sflag:$0x3], $0x80, s5, s28, $0xb8;
	[tilespmem:$0x1E800] =	vst v63  }
0xc9: {  	_ =	swait.ge [sflag:s17], $0x4000  }
0xca: {  	s6 =	smov.u32 s9;
	s5 =	sshra.s32 s8, $0x2;
	[sflag:s17] =	ssyncset.done $0x0  }
0xcb: {  	s6 =	sadd.s32 $0x80, s5;
	[sflag:s17] =	ssyncadd.s32 $0xFFFFC000  }
0xcc: {  	[tilespmem:s21], [sflag:$0x2] =	stream.indirect.gather [hbm4b:s11+s19], $0x80, s6, s19, $0xb8;
	[tilespmem:$0x1E800] =	vst v63  }
0xcd: {  	s7 =	sadd.s32 $0xC0, s5  }
0xce: {  	[tilespmem:s22], [sflag:$0x2] =	stream.indirect.gather [hbm4b:s11+s19], $0x80, s7, s19, $0xb8;
	[tilespmem:$0x1E800] =	vst v63  }
0xcf: {  	_ =	swait.ge [sflag:s26], $0x4000  }
0xd0: {  	[sflag:s26] =	ssyncset.done $0x0  }
0xd1: {  	s8 =	sadd.s32 $0x1400, s5;
	[sflag:s26] =	ssyncadd.s32 $0xFFFFC000  }
0xd2: {  	[spmem:s1] =	stream.indirect.scatter.add.f32 [tilespmem:s16], [sflag:$0x3], $0x80, s8, s28, $0xb8;
	[tilespmem:$0x1E800] =	vst v63  }
0xd3: {  	_ =	swait.ge [sflag:s17], $0x4000  }
0xd4: {  	[sflag:s17] =	ssyncset.done $0x0  }
0xd5: {  	s9 =	sadd.s32 $0x100, s5;
	[sflag:s17] =	ssyncadd.s32 $0xFFFFC000  }
0xd6: {  	[tilespmem:s16], [sflag:$0x1] =	stream.indirect.gather [hbm4b:s11+s19], $0x80, s9, s19, $0xb8;
	[tilespmem:$0x1E800] =	vst v63  }
0xd7: {  	s7 =	sadd.s32 $0x140, s5  }
0xd8: {  	[tilespmem:s20], [sflag:$0x1] =	stream.indirect.gather [hbm4b:s11+s19], $0x80, s7, s19, $0xb8;
	[tilespmem:$0x1E800] =	vst v63  }
0xd9: {  	_ =	swait.ge [sflag:s29], $0x4000  }
0xda: {  	[sflag:s29] =	ssyncset.done $0x0  }
0xdb: {  	s8 =	sadd.s32 $0x1480, s5;
	[sflag:s29] =	ssyncadd.s32 $0xFFFFC000  }
0xdc: {  	[spmem:s1] =	stream.indirect.scatter.add.f32 [tilespmem:s21], [sflag:$0x3], $0x80, s8, s28, $0xb8;
	[tilespmem:$0x1E800] =	vst v63  }
0xdd: {  	_ =	swait.ge [sflag:s17], $0x4000  }
0xde: {  	[sflag:s17] =	ssyncset.done $0x0  }
0xdf: {  	[sflag:s17] =	ssyncadd.s32 $0xFFFFC000  }
0xe0: {  	[tilespmem:s21], [sflag:$0x2] =	stream.indirect.gather [hbm4b:s11+s19], $0x80, s30, s19, $0xb8;
	[tilespmem:$0x1E800] =	vst v63  }
0xe1: {  	_ = 	snop  }
0xe2: {  	[tilespmem:s22], [sflag:$0x2] =	stream.indirect.gather [hbm4b:s11+s19], $0x80, s31, s19, $0xb8;
	[tilespmem:$0x1E800] =	vst v63  }
0xe3: {  	_ =	swait.ge [sflag:s26], $0x4000  }
0xe4: {  	[sflag:s26] =	ssyncset.done $0x0  }
0xe5: {  	[sflag:s26] =	ssyncadd.s32 $0xFFFFC000  }
0xe6: {  	[spmem:s1] =	stream.indirect.scatter.add.f32 [tilespmem:s16], [sflag:$0x3], $0x80, s0, s28, $0xb8;
	[tilespmem:$0x1E800] =	vst v63  }
0xe7: {  	_ =	swait.ge [sflag:s17], $0x4000  }
0xe8: {  	[sflag:s17] =	ssyncset.done $0x0  }
0xe9: {  	[sflag:s17] =	ssyncadd.s32 $0xFFFFC000  }
0xea: {  	_ =	swait.ge [sflag:s29], $0x4000  }
0xeb: {  	[sflag:s29] =	ssyncset.done $0x0  }
0xec: {  	[sflag:s29] =	ssyncadd.s32 $0xFFFFC000  }
0xed: {  	[spmem:s1] =	stream.indirect.scatter.add.f32 [tilespmem:s21], [sflag:$0x3], $0x80, s3, s28, $0xb8;
	[tilespmem:$0x1E800] =	vst v63  }
0xee: {  	_ =	swait.ge [sflag:s17], $0x4000  }
0xef: {  	s9 =	stileid.u32;
	[sflag:s17] =	ssyncset.done $0x0  }
0xf0: {  	s5 =	sshll.u32 s9, $0x6;
	[sflag:s17] =	ssyncadd.s32 $0xFFFFC000  }
0xf1: {  	s5 =	sor.u32 $0x1C03, s5;
	[bflag:$0x0] =	sbarrier.arrive $0xFFFF  }
0xf2: {  	[hbm:s23], [sflag:s5] =	dma.local [spmem:s24], $0x2700  }
0xf3: {  	_ =	swait.ge [sflag:s17], $0x2700  }
0xf4: {  	s2 =	sadd.s32 $0x1, s2;
	[sflag:s17] =	ssyncset.done $0x0  }
0xf5: {  	s6 =	sadd.s32 @!p0 $0x27000, s14;
	p1 =	sne.s32 s2, s15;
	[sflag:s17] =	ssyncadd.s32 $0xFFFFD900  }
0xf6: {  	[hbm:s6], [sflag:s5] =	dma.local @!p0 [spmem:s25], $0x100  }
.Ltmp3:
0xf7: {  	_ = 	snop;
	(pc) =	sbr.rel @p1 .LBB2_1-.Ltmp3, $4  }
0xf8: {  	s5 =	simm.s32 @!p0 $0x3  }
0xf9: {  	_ =	swait.ge @!p0 [sflag:s5], $0x100  }
0xfa: {  	[sflag:s5] =	ssyncset.done @!p0 $0x0  }
0xfb: {  	[sflag:s5] =	ssyncadd.s32 @!p0 $0xFFFFFF00  }
0xfc: {  	_ =	sfence.sel $0x180000  }
0xfd: {  	[bflag:$0x0] =	sbarrier.arrive $0xFFFF  }
0xfe: {  	_ =	strace $0x9000004D  }
0xff: {  	s0 =	stileid.u32;
	[bflag:$0x2] =	sbarrier.arrive $0xFFFF  }
0x100: {  	p0 =	sne.s32 s0, $0x0;
	s0 =	rddreg [dreg:$0x2]  }
0x101: {  	s0 =	sadd.s32 @!p0 $0x100000, s0  }
0x102: {  	[sflag:s0] =	ssyncadd.tile.s32 @!p0 $0x1;
	_ =	shalt  }
.Lfunc_end2:
_tile_overlayer_lowered:
.L_overlay_start_2:
0x103: {  	(tag) =	ssettag $0x2  }
0x104: {  	s0 =	rddreg [dreg:$0x0];
	s2 =	stileid.u32  }
0x105: {  	s1 =	rddreg [dreg:$0x1];
	p0 =	sne.s32 s2, $0x0  }
0x106: {  	s3 =	rddreg [dreg:$0x2];
	[bflag:$0x3] =	sbarrier.arrive $0xFFFF;
	s2 =	simm.s32 @!p0 $0x1C03  }
0x107: {  	[timem:s3], [sflag:s2] =	dma.local @!p0 [hbm:s0], s1  }
0x108: {  	s0 =	simm.s32 @!p0 $0x3  }
0x109: {  	_ =	swait.ge @!p0 [sflag:s0], s1  }
0x10a: {  	s1 =	ssub.s32 @!p0 $0x0, s1;
	[sflag:s0] =	ssyncset.done @!p0 $0x0  }
0x10b: {  	[sflag:s0] =	ssyncadd.s32 @!p0 s1  }
0x10c: {  	[bflag:$0x3] =	sbarrier.arrive $0xFFFF  }
0x10d: {  	_ =	shalt  }

</sc_bundles>
